<compile_context>
chip_gen: v7x
topology: tpu7x:2x2x1
jax: 0.10.2.dev20260603
libtpu: 0.0.44.dev20260713+nightly
codegen_flags: <defaults>
</compile_context>

<pallas_src>
import functools

import jax
import jax.numpy as jnp
from jax import lax
from jax.experimental import pallas as pl
from jax.experimental.pallas import tpu as pltpu
from jax.experimental.pallas import tpu_sc as plsc

VOCAB = 100000
H = 64
B = 4096
L = 50
EPS = 1e-12

NC = 2
NS = 16
NW = NC * NS
ROWS_PER_W = B // NW
NBUF = 4


def _lane_total(v):
    lane15 = jnp.full((16,), 15, jnp.int32)
    return plsc.cumsum(v).at[lane15].get(mode="promise_in_bounds")


def _rsqrt(v):
    i = plsc.bitcast(v, jnp.int32)
    y = plsc.bitcast(jnp.int32(0x5F3759DF) - (i >> 1), jnp.float32)
    half = v * 0.5
    for _ in range(3):
        y = y * (1.5 - half * y * y)
    return y


def _reduce_row(buf, r, out_v, gvec, bvec):
    acc = [buf[0, pl.ds(k * 16, 16)] for k in range(4)]
    for l in range(1, L):
        for k in range(4):
            acc[k] = acc[k] + buf[l, pl.ds(k * 16, 16)]
    s = (acc[0] + acc[1]) + (acc[2] + acc[3])
    mean = _lane_total(s) * (1.0 / H)
    cent = [a - mean for a in acc]
    sq = ((cent[0] * cent[0] + cent[1] * cent[1])
          + (cent[2] * cent[2] + cent[3] * cent[3]))
    var = _lane_total(sq) * (1.0 / H)
    rstd = _rsqrt(var + EPS)
    for k in range(4):
        out_v[r, pl.ds(k * 16, 16)] = cent[k] * rstd * gvec[k] + bvec[k]


def _body(table_hbm, idx_hbm, gamma_hbm, beta_hbm, out_hbm,
          idx_v, b0, b1, b2, b3, out_v, gamma_v, beta_v,
          s0, s1, s2, s3):
    wid = lax.axis_index("s") * NC + lax.axis_index("c")
    bufs = (b0, b1, b2, b3)
    sems = (s0, s1, s2, s3)

    pltpu.sync_copy(idx_hbm.at[pl.ds(wid * ROWS_PER_W, ROWS_PER_W)], idx_v)
    pltpu.sync_copy(gamma_hbm, gamma_v)
    pltpu.sync_copy(beta_hbm, beta_v)
    gvec = [gamma_v[pl.ds(k * 16, 16)] for k in range(4)]
    bvec = [beta_v[pl.ds(k * 16, 16)] for k in range(4)]

    for b in range(NBUF):
        pltpu.async_copy(table_hbm.at[idx_v.at[b]], bufs[b], sems[b])

    @pl.loop(0, ROWS_PER_W // NBUF)
    def _grp(i):
        for b in range(NBUF):
            r = i * NBUF + b
            pltpu.make_async_copy(table_hbm.at[idx_v.at[r]],
                                  bufs[b], sems[b]).wait()
            _reduce_row(bufs[b], r, out_v, gvec, bvec)

            @pl.when(r + NBUF < ROWS_PER_W)
            def _prefetch():
                pltpu.async_copy(table_hbm.at[idx_v.at[r + NBUF]],
                                 bufs[b], sems[b])

    pltpu.sync_copy(out_v, out_hbm.at[pl.ds(wid * ROWS_PER_W, ROWS_PER_W)])


@functools.partial(jax.jit, static_argnames=())
def kernel(raw_features, dis_ids, table, gamma, beta):
    del dis_ids
    run = pl.kernel(
        _body,
        out_type=jax.ShapeDtypeStruct((B, H), jnp.float32),
        mesh=plsc.VectorSubcoreMesh(core_axis_name="c", subcore_axis_name="s"),
        scratch_types=(
            [pltpu.VMEM((ROWS_PER_W, L), jnp.int32)]
            + [pltpu.VMEM((L, H), jnp.float32)] * NBUF
            + [pltpu.VMEM((ROWS_PER_W, H), jnp.float32),
               pltpu.VMEM((H,), jnp.float32),
               pltpu.VMEM((H,), jnp.float32)]
            + [pltpu.SemaphoreType.DMA] * NBUF
        ),
        compiler_params=pltpu.CompilerParams(
            needs_layout_passes=False, use_tc_tiling_on_sc=False),
    )
    return run(table, raw_features, gamma, beta)

# --- scband reference (transcript-rebuilt; emitter-appended) ---
"""Pipeline reference for scband-bert-embeddings-38809324487088 (READ-ONLY COPY).

The authoritative reference and input builder live on the scoring server;
editing this copy changes nothing except your own understanding.
"""

import jax, jax.numpy as jnp
import numpy as np

VOCAB = 100000
H = 64
B = 4096
L = 50
EPS = 1e-12


def setup_inputs(seed: int = 0) -> dict:
    key = jax.random.key(seed)
    k1, k2, k3 = jax.random.split(key, 3)
    raw_features = jax.random.randint(k1, (B, L), 0, VOCAB, dtype=jnp.int64 if jax.config.jax_enable_x64 else jnp.int32).astype(jnp.int32)
    dis_ids = jax.random.normal(k2, (B, L), dtype=jnp.float32)
    table = jax.random.normal(k3, (VOCAB, H), dtype=jnp.float32) * 0.02
    table = table.at[0].set(0.0)  # padding_idx=0
    gamma = jnp.ones((H,), dtype=jnp.float32)
    beta = jnp.zeros((H,), dtype=jnp.float32)
    return {"raw_features": raw_features, "dis_ids": dis_ids, "table": table, "gamma": gamma, "beta": beta}


def reference(raw_features, dis_ids, table, gamma, beta):
    # raw_feature_embeds = Embedding(raw_features.int())
    emb = jnp.take(table, raw_features, axis=0)          # [B, L, H]
    # embeddings = emb + dis_ids.unsqueeze(-1)
    emb = emb + dis_ids[..., None]                        # [B, L, H]
    # embeddings = embeddings.sum(dim=-2)
    emb = jnp.sum(emb, axis=-2)                           # [B, H]
    # LayerNorm(embeddings.float()) -- dropout is identity in eval mode
    emb = emb.astype(jnp.float32)
    mean = jnp.mean(emb, axis=-1, keepdims=True)
    var = jnp.mean((emb - mean) ** 2, axis=-1, keepdims=True)
    out = (emb - mean) / jnp.sqrt(var + EPS) * gamma + beta
    return out

if __name__ == "__main__":
    import jax
    _d = setup_inputs()
    print(jax.jit(kernel)(*tuple(_d.values())))

</pallas_src>

<mosaic_0001>
#map = affine_map<(d0, d1) -> (0, 0)>
#map1 = affine_map<(d0, d1) -> (0)>
module attributes {stable_mosaic.version = 14 : i64} {
  func.func @_body(%arg0: i32, %arg1: i32, %arg2: memref<100000x64xf32, #tpu.memory_space<hbm>>, %arg3: memref<4096x50xi32, #tpu.memory_space<hbm>>, %arg4: memref<64xf32, #tpu.memory_space<hbm>>, %arg5: memref<64xf32, #tpu.memory_space<hbm>>, %arg6: memref<4096x64xf32, #tpu.memory_space<hbm>>, %arg7: memref<128x50xi32, #tpu.memory_space<vmem>>, %arg8: memref<50x64xf32, #tpu.memory_space<vmem>>, %arg9: memref<50x64xf32, #tpu.memory_space<vmem>>, %arg10: memref<50x64xf32, #tpu.memory_space<vmem>>, %arg11: memref<50x64xf32, #tpu.memory_space<vmem>>, %arg12: memref<128x64xf32, #tpu.memory_space<vmem>>, %arg13: memref<64xf32, #tpu.memory_space<vmem>>, %arg14: memref<64xf32, #tpu.memory_space<vmem>>, %arg15: memref<!tpu.dma_semaphore, #tpu.memory_space<semaphore_mem>>, %arg16: memref<!tpu.dma_semaphore, #tpu.memory_space<semaphore_mem>>, %arg17: memref<!tpu.dma_semaphore, #tpu.memory_space<semaphore_mem>>, %arg18: memref<!tpu.dma_semaphore, #tpu.memory_space<semaphore_mem>>) attributes {dimension_semantics = [#tpu.dimension_semantics<core_parallel>, #tpu.dimension_semantics<subcore_parallel>], iteration_bounds = array<i64: 2, 16>, scalar_prefetch = 0 : i64, scratch_operands = 12 : i64, tpu.core_type = #tpu.core_type<sc_vector_subcore>, window_params = [{transform_indices = #map}, {transform_indices = #map}, {transform_indices = #map1}, {transform_indices = #map1}, {transform_indices = #map}]} {
    %mul3A = arith.constant 2 : i32
    %mul3A_0 = arith.muli %arg1, %mul3A : i32
    %add3A = arith.addi %mul3A_0, %arg0 : i32
    %mul3A_1 = arith.constant 128 : i32
    %mul3A_2 = arith.muli %add3A, %mul3A_1 : i32
    "tpu.region"() ({
      %run_scoped3A = tpu.sem_alloc : memref<!tpu.dma_semaphore, #tpu.memory_space<semaphore_mem>>
      %dma_start3A_51 = arith.constant 0 : i32
      %dma_start3A_52 = tpu.memref_slice %arg3[%mul3A_2, %dma_start3A_51] : memref<4096x50xi32, #tpu.memory_space<hbm>> -> memref<128x50xi32, #tpu.memory_space<hbm>>
      %dma_start3A_53 = arith.constant 0 : i32
      %dma_start3A_54 = tpu.memref_slice %arg3[%mul3A_2, %dma_start3A_53] : memref<4096x50xi32, #tpu.memory_space<hbm>> -> memref<128x50xi32, #tpu.memory_space<hbm>>
      tpu.enqueue_dma source(%dma_start3A_54 : memref<128x50xi32, #tpu.memory_space<hbm>>) target(%arg7 : memref<128x50xi32, #tpu.memory_space<vmem>>) target_semaphore(%run_scoped3A : memref<!tpu.dma_semaphore, #tpu.memory_space<semaphore_mem>>)
      %dma_wait3A = arith.constant 0 : i32
      %dma_wait3A_55 = tpu.memref_slice %arg3[%mul3A_2, %dma_wait3A] : memref<4096x50xi32, #tpu.memory_space<hbm>> -> memref<128x50xi32, #tpu.memory_space<hbm>>
      %dma_wait3A_56 = arith.constant 0 : i32
      %dma_wait3A_57 = tpu.memref_slice %arg3[%mul3A_2, %dma_wait3A_56] : memref<4096x50xi32, #tpu.memory_space<hbm>> -> memref<128x50xi32, #tpu.memory_space<hbm>>
      tpu.wait_dma2 semaphore(%run_scoped3A : memref<!tpu.dma_semaphore, #tpu.memory_space<semaphore_mem>>) src(%dma_wait3A_57 : memref<128x50xi32, #tpu.memory_space<hbm>>) dst(%arg7 : memref<128x50xi32, #tpu.memory_space<vmem>>)
      tpu.yield
    }) : () -> ()
    "tpu.region"() ({
      %run_scoped3A = tpu.sem_alloc : memref<!tpu.dma_semaphore, #tpu.memory_space<semaphore_mem>>
      tpu.enqueue_dma source(%arg4 : memref<64xf32, #tpu.memory_space<hbm>>) target(%arg13 : memref<64xf32, #tpu.memory_space<vmem>>) target_semaphore(%run_scoped3A : memref<!tpu.dma_semaphore, #tpu.memory_space<semaphore_mem>>)
      tpu.wait_dma2 semaphore(%run_scoped3A : memref<!tpu.dma_semaphore, #tpu.memory_space<semaphore_mem>>) src(%arg4 : memref<64xf32, #tpu.memory_space<hbm>>) dst(%arg13 : memref<64xf32, #tpu.memory_space<vmem>>)
      tpu.yield
    }) : () -> ()
    "tpu.region"() ({
      %run_scoped3A = tpu.sem_alloc : memref<!tpu.dma_semaphore, #tpu.memory_space<semaphore_mem>>
      tpu.enqueue_dma source(%arg5 : memref<64xf32, #tpu.memory_space<hbm>>) target(%arg14 : memref<64xf32, #tpu.memory_space<vmem>>) target_semaphore(%run_scoped3A : memref<!tpu.dma_semaphore, #tpu.memory_space<semaphore_mem>>)
      tpu.wait_dma2 semaphore(%run_scoped3A : memref<!tpu.dma_semaphore, #tpu.memory_space<semaphore_mem>>) src(%arg5 : memref<64xf32, #tpu.memory_space<hbm>>) dst(%arg14 : memref<64xf32, #tpu.memory_space<vmem>>)
      tpu.yield
    }) : () -> ()
    %get3A = arith.constant 0 : index
    %get3A_3 = tpu.vector_load %arg13[%get3A] {strides = array<i32>} : memref<64xf32, #tpu.memory_space<vmem>>, vector<16xf32>,
    %get3A_4 = arith.constant 16 : index
    %get3A_5 = tpu.vector_load %arg13[%get3A_4] {strides = array<i32>} : memref<64xf32, #tpu.memory_space<vmem>>, vector<16xf32>,
    %get3A_6 = arith.constant 32 : index
    %get3A_7 = tpu.vector_load %arg13[%get3A_6] {strides = array<i32>} : memref<64xf32, #tpu.memory_space<vmem>>, vector<16xf32>,
    %get3A_8 = arith.constant 48 : index
    %get3A_9 = tpu.vector_load %arg13[%get3A_8] {strides = array<i32>} : memref<64xf32, #tpu.memory_space<vmem>>, vector<16xf32>,
    %get3A_10 = arith.constant 0 : index
    %get3A_11 = tpu.vector_load %arg14[%get3A_10] {strides = array<i32>} : memref<64xf32, #tpu.memory_space<vmem>>, vector<16xf32>,
    %get3A_12 = arith.constant 16 : index
    %get3A_13 = tpu.vector_load %arg14[%get3A_12] {strides = array<i32>} : memref<64xf32, #tpu.memory_space<vmem>>, vector<16xf32>,
    %get3A_14 = arith.constant 32 : index
    %get3A_15 = tpu.vector_load %arg14[%get3A_14] {strides = array<i32>} : memref<64xf32, #tpu.memory_space<vmem>>, vector<16xf32>,
    %get3A_16 = arith.constant 48 : index
    %get3A_17 = tpu.vector_load %arg14[%get3A_16] {strides = array<i32>} : memref<64xf32, #tpu.memory_space<vmem>>, vector<16xf32>,
    %dma_start3A = arith.constant 0 : i32
    %dma_start3A_18 = arith.constant 0 : i32
    %dma_start3A_19 = tpu.memref_slice %arg7[%dma_start3A, %dma_start3A_18] : memref<128x50xi32, #tpu.memory_space<vmem>> -> memref<1x50xi32, #tpu.memory_space<vmem>>
    %dma_start3A_20 = tpu.memref_squeeze %dma_start3A_19 : memref<1x50xi32, #tpu.memory_space<vmem>> -> memref<50xi32, #tpu.memory_space<vmem>>
    %dma_start3A_21 = arith.constant 0 : i32
    %dma_start3A_22 = arith.constant 0 : i32
    %dma_start3A_23 = tpu.memref_slice %arg2[%dma_start3A_21, %dma_start3A_22] : memref<100000x64xf32, #tpu.memory_space<hbm>> -> memref<100000x64xf32, #tpu.memory_space<hbm>>
    tpu.enqueue_indirect_dma source(%dma_start3A_23 : memref<100000x64xf32, #tpu.memory_space<hbm>>) target(%arg8 : memref<50x64xf32, #tpu.memory_space<vmem>>) offsets(%dma_start3A_20 : memref<50xi32, #tpu.memory_space<vmem>>) semaphore(%arg15 : memref<!tpu.dma_semaphore, #tpu.memory_space<semaphore_mem>>)
    %dma_start3A_24 = arith.constant 1 : i32
    %dma_start3A_25 = arith.constant 0 : i32
    %dma_start3A_26 = tpu.memref_slice %arg7[%dma_start3A_24, %dma_start3A_25] : memref<128x50xi32, #tpu.memory_space<vmem>> -> memref<1x50xi32, #tpu.memory_space<vmem>>
    %dma_start3A_27 = tpu.memref_squeeze %dma_start3A_26 : memref<1x50xi32, #tpu.memory_space<vmem>> -> memref<50xi32, #tpu.memory_space<vmem>>
    %dma_start3A_28 = arith.constant 0 : i32
    %dma_start3A_29 = arith.constant 0 : i32
    %dma_start3A_30 = tpu.memref_slice %arg2[%dma_start3A_28, %dma_start3A_29] : memref<100000x64xf32, #tpu.memory_space<hbm>> -> memref<100000x64xf32, #tpu.memory_space<hbm>>
    tpu.enqueue_indirect_dma source(%dma_start3A_30 : memref<100000x64xf32, #tpu.memory_space<hbm>>) target(%arg9 : memref<50x64xf32, #tpu.memory_space<vmem>>) offsets(%dma_start3A_27 : memref<50xi32, #tpu.memory_space<vmem>>) semaphore(%arg16 : memref<!tpu.dma_semaphore, #tpu.memory_space<semaphore_mem>>)
    %dma_start3A_31 = arith.constant 2 : i32
    %dma_start3A_32 = arith.constant 0 : i32
    %dma_start3A_33 = tpu.memref_slice %arg7[%dma_start3A_31, %dma_start3A_32] : memref<128x50xi32, #tpu.memory_space<vmem>> -> memref<1x50xi32, #tpu.memory_space<vmem>>
    %dma_start3A_34 = tpu.memref_squeeze %dma_start3A_33 : memref<1x50xi32, #tpu.memory_space<vmem>> -> memref<50xi32, #tpu.memory_space<vmem>>
    %dma_start3A_35 = arith.constant 0 : i32
    %dma_start3A_36 = arith.constant 0 : i32
    %dma_start3A_37 = tpu.memref_slice %arg2[%dma_start3A_35, %dma_start3A_36] : memref<100000x64xf32, #tpu.memory_space<hbm>> -> memref<100000x64xf32, #tpu.memory_space<hbm>>
    tpu.enqueue_indirect_dma source(%dma_start3A_37 : memref<100000x64xf32, #tpu.memory_space<hbm>>) target(%arg10 : memref<50x64xf32, #tpu.memory_space<vmem>>) offsets(%dma_start3A_34 : memref<50xi32, #tpu.memory_space<vmem>>) semaphore(%arg17 : memref<!tpu.dma_semaphore, #tpu.memory_space<semaphore_mem>>)
    %dma_start3A_38 = arith.constant 3 : i32
    %dma_start3A_39 = arith.constant 0 : i32
    %dma_start3A_40 = tpu.memref_slice %arg7[%dma_start3A_38, %dma_start3A_39] : memref<128x50xi32, #tpu.memory_space<vmem>> -> memref<1x50xi32, #tpu.memory_space<vmem>>
    %dma_start3A_41 = tpu.memref_squeeze %dma_start3A_40 : memref<1x50xi32, #tpu.memory_space<vmem>> -> memref<50xi32, #tpu.memory_space<vmem>>
    %dma_start3A_42 = arith.constant 0 : i32
    %dma_start3A_43 = arith.constant 0 : i32
    %dma_start3A_44 = tpu.memref_slice %arg2[%dma_start3A_42, %dma_start3A_43] : memref<100000x64xf32, #tpu.memory_space<hbm>> -> memref<100000x64xf32, #tpu.memory_space<hbm>>
    tpu.enqueue_indirect_dma source(%dma_start3A_44 : memref<100000x64xf32, #tpu.memory_space<hbm>>) target(%arg11 : memref<50x64xf32, #tpu.memory_space<vmem>>) offsets(%dma_start3A_41 : memref<50xi32, #tpu.memory_space<vmem>>) semaphore(%arg18 : memref<!tpu.dma_semaphore, #tpu.memory_space<semaphore_mem>>)
    %scan3A = arith.constant 0 : i32
    %scan3A_45 = arith.constant 32 : i32
    %scan3A_46 = arith.addi %scan3A, %scan3A_45 : i32
    %scan3A_47 = arith.constant 1 : i32
    scf.for %scan3A_51 = %scan3A to %scan3A_46 step %scan3A_47  : i32 {
      %mul3A_52 = arith.constant 1 : i32
      %mul3A_53 = arith.muli %scan3A_51, %mul3A_52 : i32
      %add3A_54 = arith.constant 0 : i32
      %add3A_55 = arith.addi %add3A_54, %mul3A_53 : i32
      %mul3A_56 = arith.constant 4 : i32
      %mul3A_57 = arith.muli %add3A_55, %mul3A_56 : i32
      %add3A_58 = arith.constant 0 : i32
      %add3A_59 = arith.addi %mul3A_57, %add3A_58 : i32
      %dma_wait3A = arith.constant 0 : i32
      %dma_wait3A_60 = tpu.memref_slice %arg7[%add3A_59, %dma_wait3A] : memref<128x50xi32, #tpu.memory_space<vmem>> -> memref<1x50xi32, #tpu.memory_space<vmem>>
      %dma_wait3A_61 = tpu.memref_squeeze %dma_wait3A_60 : memref<1x50xi32, #tpu.memory_space<vmem>> -> memref<50xi32, #tpu.memory_space<vmem>>
      %dma_wait3A_62 = arith.constant 0 : i32
      %dma_wait3A_63 = arith.constant 0 : i32
      %dma_wait3A_64 = tpu.memref_slice %arg2[%dma_wait3A_62, %dma_wait3A_63] : memref<100000x64xf32, #tpu.memory_space<hbm>> -> memref<100000x64xf32, #tpu.memory_space<hbm>>
      tpu.wait_indirect_dma semaphore(%arg15 : memref<!tpu.dma_semaphore, #tpu.memory_space<semaphore_mem>>) src(%dma_wait3A_64 : memref<100000x64xf32, #tpu.memory_space<hbm>>) dst(%arg8 : memref<50x64xf32, #tpu.memory_space<vmem>>)
      %get3A_65 = arith.constant 0 : i32
      %get3A_66 = arith.index_cast %get3A_65 : i32 to index
      %get3A_67 = arith.constant 0 : index
      %get3A_68 = tpu.vector_load %arg8[%get3A_66, %get3A_67] {strides = array<i32>} : memref<50x64xf32, #tpu.memory_space<vmem>>, vector<16xf32>,
      %get3A_69 = arith.constant 0 : i32
      %get3A_70 = arith.index_cast %get3A_69 : i32 to index
      %get3A_71 = arith.constant 16 : index
      %get3A_72 = tpu.vector_load %arg8[%get3A_70, %get3A_71] {strides = array<i32>} : memref<50x64xf32, #tpu.memory_space<vmem>>, vector<16xf32>,
      %get3A_73 = arith.constant 0 : i32
      %get3A_74 = arith.index_cast %get3A_73 : i32 to index
      %get3A_75 = arith.constant 32 : index
      %get3A_76 = tpu.vector_load %arg8[%get3A_74, %get3A_75] {strides = array<i32>} : memref<50x64xf32, #tpu.memory_space<vmem>>, vector<16xf32>,
      %get3A_77 = arith.constant 0 : i32
      %get3A_78 = arith.index_cast %get3A_77 : i32 to index
      %get3A_79 = arith.constant 48 : index
      %get3A_80 = tpu.vector_load %arg8[%get3A_78, %get3A_79] {strides = array<i32>} : memref<50x64xf32, #tpu.memory_space<vmem>>, vector<16xf32>,
      %get3A_81 = arith.constant 1 : i32
      %get3A_82 = arith.index_cast %get3A_81 : i32 to index
      %get3A_83 = arith.constant 0 : index
      %get3A_84 = tpu.vector_load %arg8[%get3A_82, %get3A_83] {strides = array<i32>} : memref<50x64xf32, #tpu.memory_space<vmem>>, vector<16xf32>,
      %add3A_85 = arith.addf %get3A_68, %get3A_84 : vector<16xf32>
      %get3A_86 = arith.constant 1 : i32
      %get3A_87 = arith.index_cast %get3A_86 : i32 to index
      %get3A_88 = arith.constant 16 : index
      %get3A_89 = tpu.vector_load %arg8[%get3A_87, %get3A_88] {strides = array<i32>} : memref<50x64xf32, #tpu.memory_space<vmem>>, vector<16xf32>,
      %add3A_90 = arith.addf %get3A_72, %get3A_89 : vector<16xf32>
      %get3A_91 = arith.constant 1 : i32
      %get3A_92 = arith.index_cast %get3A_91 : i32 to index
      %get3A_93 = arith.constant 32 : index
      %get3A_94 = tpu.vector_load %arg8[%get3A_92, %get3A_93] {strides = array<i32>} : memref<50x64xf32, #tpu.memory_space<vmem>>, vector<16xf32>,
      %add3A_95 = arith.addf %get3A_76, %get3A_94 : vector<16xf32>
      %get3A_96 = arith.constant 1 : i32
      %get3A_97 = arith.index_cast %get3A_96 : i32 to index
      %get3A_98 = arith.constant 48 : index
      %get3A_99 = tpu.vector_load %arg8[%get3A_97, %get3A_98] {strides = array<i32>} : memref<50x64xf32, #tpu.memory_space<vmem>>, vector<16xf32>,
      %add3A_100 = arith.addf %get3A_80, %get3A_99 : vector<16xf32>
      %get3A_101 = arith.constant 2 : i32
      %get3A_102 = arith.index_cast %get3A_101 : i32 to index
      %get3A_103 = arith.constant 0 : index
      %get3A_104 = tpu.vector_load %arg8[%get3A_102, %get3A_103] {strides = array<i32>} : memref<50x64xf32, #tpu.memory_space<vmem>>, vector<16xf32>,
      %add3A_105 = arith.addf %add3A_85, %get3A_104 : vector<16xf32>
      %get3A_106 = arith.constant 2 : i32
      %get3A_107 = arith.index_cast %get3A_106 : i32 to index
      %get3A_108 = arith.constant 16 : index
      %get3A_109 = tpu.vector_load %arg8[%get3A_107, %get3A_108] {strides = array<i32>} : memref<50x64xf32, #tpu.memory_space<vmem>>, vector<16xf32>,
      %add3A_110 = arith.addf %add3A_90, %get3A_109 : vector<16xf32>
      %get3A_111 = arith.constant 2 : i32
      %get3A_112 = arith.index_cast %get3A_111 : i32 to index
      %get3A_113 = arith.constant 32 : index
      %get3A_114 = tpu.vector_load %arg8[%get3A_112, %get3A_113] {strides = array<i32>} : memref<50x64xf32, #tpu.memory_space<vmem>>, vector<16xf32>,
      %add3A_115 = arith.addf %add3A_95, %get3A_114 : vector<16xf32>
      %get3A_116 = arith.constant 2 : i32
      %get3A_117 = arith.index_cast %get3A_116 : i32 to index
      %get3A_118 = arith.constant 48 : index
      %get3A_119 = tpu.vector_load %arg8[%get3A_117, %get3A_118] {strides = array<i32>} : memref<50x64xf32, #tpu.memory_space<vmem>>, vector<16xf32>,
      %add3A_120 = arith.addf %add3A_100, %get3A_119 : vector<16xf32>
      %get3A_121 = arith.constant 3 : i32
      %get3A_122 = arith.index_cast %get3A_121 : i32 to index
      %get3A_123 = arith.constant 0 : index
      %get3A_124 = tpu.vector_load %arg8[%get3A_122, %get3A_123] {strides = array<i32>} : memref<50x64xf32, #tpu.memory_space<vmem>>, vector<16xf32>,
      %add3A_125 = arith.addf %add3A_105, %get3A_124 : vector<16xf32>
      %get3A_126 = arith.constant 3 : i32
      %get3A_127 = arith.index_cast %get3A_126 : i32 to index
      %get3A_128 = arith.constant 16 : index
      %get3A_129 = tpu.vector_load %arg8[%get3A_127, %get3A_128] {strides = array<i32>} : memref<50x64xf32, #tpu.memory_space<vmem>>, vector<16xf32>,
      %add3A_130 = arith.addf %add3A_110, %get3A_129 : vector<16xf32>
      %get3A_131 = arith.constant 3 : i32
      %get3A_132 = arith.index_cast %get3A_131 : i32 to index
      %get3A_133 = arith.constant 32 : index
      %get3A_134 = tpu.vector_load %arg8[%get3A_132, %get3A_133] {strides = array<i32>} : memref<50x64xf32, #tpu.memory_space<vmem>>, vector<16xf32>,
      %add3A_135 = arith.addf %add3A_115, %get3A_134 : vector<16xf32>
      %get3A_136 = arith.constant 3 : i32
      %get3A_137 = arith.index_cast %get3A_136 : i32 to index
      %get3A_138 = arith.constant 48 : index
      %get3A_139 = tpu.vector_load %arg8[%get3A_137, %get3A_138] {strides = array<i32>} : memref<50x64xf32, #tpu.memory_space<vmem>>, vector<16xf32>,
      %add3A_140 = arith.addf %add3A_120, %get3A_139 : vector<16xf32>
      %get3A_141 = arith.constant 4 : i32
      %get3A_142 = arith.index_cast %get3A_141 : i32 to index
      %get3A_143 = arith.constant 0 : index
      %get3A_144 = tpu.vector_load %arg8[%get3A_142, %get3A_143] {strides = array<i32>} : memref<50x64xf32, #tpu.memory_space<vmem>>, vector<16xf32>,
      %add3A_145 = arith.addf %add3A_125, %get3A_144 : vector<16xf32>
      %get3A_146 = arith.constant 4 : i32
      %get3A_147 = arith.index_cast %get3A_146 : i32 to index
      %get3A_148 = arith.constant 16 : index
      %get3A_149 = tpu.vector_load %arg8[%get3A_147, %get3A_148] {strides = array<i32>} : memref<50x64xf32, #tpu.memory_space<vmem>>, vector<16xf32>,
      %add3A_150 = arith.addf %add3A_130, %get3A_149 : vector<16xf32>
      %get3A_151 = arith.constant 4 : i32
      %get3A_152 = arith.index_cast %get3A_151 : i32 to index
      %get3A_153 = arith.constant 32 : index
      %get3A_154 = tpu.vector_load %arg8[%get3A_152, %get3A_153] {strides = array<i32>} : memref<50x64xf32, #tpu.memory_space<vmem>>, vector<16xf32>,
      %add3A_155 = arith.addf %add3A_135, %get3A_154 : vector<16xf32>
      %get3A_156 = arith.constant 4 : i32
      %get3A_157 = arith.index_cast %get3A_156 : i32 to index
      %get3A_158 = arith.constant 48 : index
      %get3A_159 = tpu.vector_load %arg8[%get3A_157, %get3A_158] {strides = array<i32>} : memref<50x64xf32, #tpu.memory_space<vmem>>, vector<16xf32>,
      %add3A_160 = arith.addf %add3A_140, %get3A_159 : vector<16xf32>
      %get3A_161 = arith.constant 5 : i32
      %get3A_162 = arith.index_cast %get3A_161 : i32 to index
      %get3A_163 = arith.constant 0 : index
      %get3A_164 = tpu.vector_load %arg8[%get3A_162, %get3A_163] {strides = array<i32>} : memref<50x64xf32, #tpu.memory_space<vmem>>, vector<16xf32>,
      %add3A_165 = arith.addf %add3A_145, %get3A_164 : vector<16xf32>
      %get3A_166 = arith.constant 5 : i32
      %get3A_167 = arith.index_cast %get3A_166 : i32 to index
      %get3A_168 = arith.constant 16 : index
      %get3A_169 = tpu.vector_load %arg8[%get3A_167, %get3A_168] {strides = array<i32>} : memref<50x64xf32, #tpu.memory_space<vmem>>, vector<16xf32>,
      %add3A_170 = arith.addf %add3A_150, %get3A_169 : vector<16xf32>
      %get3A_171 = arith.constant 5 : i32
      %get3A_172 = arith.index_cast %get3A_171 : i32 to index
      %get3A_173 = arith.constant 32 : index
      %get3A_174 = tpu.vector_load %arg8[%get3A_172, %get3A_173] {strides = array<i32>} : memref<50x64xf32, #tpu.memory_space<vmem>>, vector<16xf32>,
      %add3A_175 = arith.addf %add3A_155, %get3A_174 : vector<16xf32>
      %get3A_176 = arith.constant 5 : i32
      %get3A_177 = arith.index_cast %get3A_176 : i32 to index
      %get3A_178 = arith.constant 48 : index
      %get3A_179 = tpu.vector_load %arg8[%get3A_177, %get3A_178] {strides = array<i32>} : memref<50x64xf32, #tpu.memory_space<vmem>>, vector<16xf32>,
      %add3A_180 = arith.addf %add3A_160, %get3A_179 : vector<16xf32>
      %get3A_181 = arith.constant 6 : i32
      %get3A_182 = arith.index_cast %get3A_181 : i32 to index
      %get3A_183 = arith.constant 0 : index
      %get3A_184 = tpu.vector_load %arg8[%get3A_182, %get3A_183] {strides = array<i32>} : memref<50x64xf32, #tpu.memory_space<vmem>>, vector<16xf32>,
      %add3A_185 = arith.addf %add3A_165, %get3A_184 : vector<16xf32>
      %get3A_186 = arith.constant 6 : i32
      %get3A_187 = arith.index_cast %get3A_186 : i32 to index
      %get3A_188 = arith.constant 16 : index
      %get3A_189 = tpu.vector_load %arg8[%get3A_187, %get3A_188] {strides = array<i32>} : memref<50x64xf32, #tpu.memory_space<vmem>>, vector<16xf32>,
      %add3A_190 = arith.addf %add3A_170, %get3A_189 : vector<16xf32>
      %get3A_191 = arith.constant 6 : i32
      %get3A_192 = arith.index_cast %get3A_191 : i32 to index
      %get3A_193 = arith.constant 32 : index
      %get3A_194 = tpu.vector_load %arg8[%get3A_192, %get3A_193] {strides = array<i32>} : memref<50x64xf32, #tpu.memory_space<vmem>>, vector<16xf32>,
      %add3A_195 = arith.addf %add3A_175, %get3A_194 : vector<16xf32>
      %get3A_196 = arith.constant 6 : i32
      %get3A_197 = arith.index_cast %get3A_196 : i32 to index
      %get3A_198 = arith.constant 48 : index
      %get3A_199 = tpu.vector_load %arg8[%get3A_197, %get3A_198] {strides = array<i32>} : memref<50x64xf32, #tpu.memory_space<vmem>>, vector<16xf32>,
      %add3A_200 = arith.addf %add3A_180, %get3A_199 : vector<16xf32>
      %get3A_201 = arith.constant 7 : i32
      %get3A_202 = arith.index_cast %get3A_201 : i32 to index
      %get3A_203 = arith.constant 0 : index
      %get3A_204 = tpu.vector_load %arg8[%get3A_202, %get3A_203] {strides = array<i32>} : memref<50x64xf32, #tpu.memory_space<vmem>>, vector<16xf32>,
      %add3A_205 = arith.addf %add3A_185, %get3A_204 : vector<16xf32>
      %get3A_206 = arith.constant 7 : i32
      %get3A_207 = arith.index_cast %get3A_206 : i32 to index
      %get3A_208 = arith.constant 16 : index
      %get3A_209 = tpu.vector_load %arg8[%get3A_207, %get3A_208] {strides = array<i32>} : memref<50x64xf32, #tpu.memory_space<vmem>>, vector<16xf32>,
      %add3A_210 = arith.addf %add3A_190, %get3A_209 : vector<16xf32>
      %get3A_211 = arith.constant 7 : i32
      %get3A_212 = arith.index_cast %get3A_211 : i32 to index
      %get3A_213 = arith.constant 32 : index
      %get3A_214 = tpu.vector_load %arg8[%get3A_212, %get3A_213] {strides = array<i32>} : memref<50x64xf32, #tpu.memory_space<vmem>>, vector<16xf32>,
      %add3A_215 = arith.addf %add3A_195, %get3A_214 : vector<16xf32>
      %get3A_216 = arith.constant 7 : i32
      %get3A_217 = arith.index_cast %get3A_216 : i32 to index
      %get3A_218 = arith.constant 48 : index
      %get3A_219 = tpu.vector_load %arg8[%get3A_217, %get3A_218] {strides = array<i32>} : memref<50x64xf32, #tpu.memory_space<vmem>>, vector<16xf32>,
      %add3A_220 = arith.addf %add3A_200, %get3A_219 : vector<16xf32>
      %get3A_221 = arith.constant 8 : i32
      %get3A_222 = arith.index_cast %get3A_221 : i32 to index
      %get3A_223 = arith.constant 0 : index
      %get3A_224 = tpu.vector_load %arg8[%get3A_222, %get3A_223] {strides = array<i32>} : memref<50x64xf32, #tpu.memory_space<vmem>>, vector<16xf32>,
      %add3A_225 = arith.addf %add3A_205, %get3A_224 : vector<16xf32>
      %get3A_226 = arith.constant 8 : i32
      %get3A_227 = arith.index_cast %get3A_226 : i32 to index
      %get3A_228 = arith.constant 16 : index
      %get3A_229 = tpu.vector_load %arg8[%get3A_227, %get3A_228] {strides = array<i32>} : memref<50x64xf32, #tpu.memory_space<vmem>>, vector<16xf32>,
      %add3A_230 = arith.addf %add3A_210, %get3A_229 : vector<16xf32>
      %get3A_231 = arith.constant 8 : i32
      %get3A_232 = arith.index_cast %get3A_231 : i32 to index
      %get3A_233 = arith.constant 32 : index
      %get3A_234 = tpu.vector_load %arg8[%get3A_232, %get3A_233] {strides = array<i32>} : memref<50x64xf32, #tpu.memory_space<vmem>>, vector<16xf32>,
      %add3A_235 = arith.addf %add3A_215, %get3A_234 : vector<16xf32>
      %get3A_236 = arith.constant 8 : i32
      %get3A_237 = arith.index_cast %get3A_236 : i32 to index
      %get3A_238 = arith.constant 48 : index
      %get3A_239 = tpu.vector_load %arg8[%get3A_237, %get3A_238] {strides = array<i32>} : memref<50x64xf32, #tpu.memory_space<vmem>>, vector<16xf32>,
      %add3A_240 = arith.addf %add3A_220, %get3A_239 : vector<16xf32>
      %get3A_241 = arith.constant 9 : i32
      %get3A_242 = arith.index_cast %get3A_241 : i32 to index
      %get3A_243 = arith.constant 0 : index
      %get3A_244 = tpu.vector_load %arg8[%get3A_242, %get3A_243] {strides = array<i32>} : memref<50x64xf32, #tpu.memory_space<vmem>>, vector<16xf32>,
      %add3A_245 = arith.addf %add3A_225, %get3A_244 : vector<16xf32>
      %get3A_246 = arith.constant 9 : i32
      %get3A_247 = arith.index_cast %get3A_246 : i32 to index
      %get3A_248 = arith.constant 16 : index
      %get3A_249 = tpu.vector_load %arg8[%get3A_247, %get3A_248] {strides = array<i32>} : memref<50x64xf32, #tpu.memory_space<vmem>>, vector<16xf32>,
      %add3A_250 = arith.addf %add3A_230, %get3A_249 : vector<16xf32>
      %get3A_251 = arith.constant 9 : i32
      %get3A_252 = arith.index_cast %get3A_251 : i32 to index
      %get3A_253 = arith.constant 32 : index
      %get3A_254 = tpu.vector_load %arg8[%get3A_252, %get3A_253] {strides = array<i32>} : memref<50x64xf32, #tpu.memory_space<vmem>>, vector<16xf32>,
      %add3A_255 = arith.addf %add3A_235, %get3A_254 : vector<16xf32>
      %get3A_256 = arith.constant 9 : i32
      %get3A_257 = arith.index_cast %get3A_256 : i32 to index
      %get3A_258 = arith.constant 48 : index
      %get3A_259 = tpu.vector_load %arg8[%get3A_257, %get3A_258] {strides = array<i32>} : memref<50x64xf32, #tpu.memory_space<vmem>>, vector<16xf32>,
      %add3A_260 = arith.addf %add3A_240, %get3A_259 : vector<16xf32>
      %get3A_261 = arith.constant 10 : i32
      %get3A_262 = arith.index_cast %get3A_261 : i32 to index
      %get3A_263 = arith.constant 0 : index
      %get3A_264 = tpu.vector_load %arg8[%get3A_262, %get3A_263] {strides = array<i32>} : memref<50x64xf32, #tpu.memory_space<vmem>>, vector<16xf32>,
      %add3A_265 = arith.addf %add3A_245, %get3A_264 : vector<16xf32>
      %get3A_266 = arith.constant 10 : i32
      %get3A_267 = arith.index_cast %get3A_266 : i32 to index
      %get3A_268 = arith.constant 16 : index
      %get3A_269 = tpu.vector_load %arg8[%get3A_267, %get3A_268] {strides = array<i32>} : memref<50x64xf32, #tpu.memory_space<vmem>>, vector<16xf32>,
      %add3A_270 = arith.addf %add3A_250, %get3A_269 : vector<16xf32>
      %get3A_271 = arith.constant 10 : i32
      %get3A_272 = arith.index_cast %get3A_271 : i32 to index
      %get3A_273 = arith.constant 32 : index
      %get3A_274 = tpu.vector_load %arg8[%get3A_272, %get3A_273] {strides = array<i32>} : memref<50x64xf32, #tpu.memory_space<vmem>>, vector<16xf32>,
      %add3A_275 = arith.addf %add3A_255, %get3A_274 : vector<16xf32>
      %get3A_276 = arith.constant 10 : i32
      %get3A_277 = arith.index_cast %get3A_276 : i32 to index
      %get3A_278 = arith.constant 48 : index
      %get3A_279 = tpu.vector_load %arg8[%get3A_277, %get3A_278] {strides = array<i32>} : memref<50x64xf32, #tpu.memory_space<vmem>>, vector<16xf32>,
      %add3A_280 = arith.addf %add3A_260, %get3A_279 : vector<16xf32>
      %get3A_281 = arith.constant 11 : i32
      %get3A_282 = arith.index_cast %get3A_281 : i32 to index
      %get3A_283 = arith.constant 0 : index
      %get3A_284 = tpu.vector_load %arg8[%get3A_282, %get3A_283] {strides = array<i32>} : memref<50x64xf32, #tpu.memory_space<vmem>>, vector<16xf32>,
      %add3A_285 = arith.addf %add3A_265, %get3A_284 : vector<16xf32>
      %get3A_286 = arith.constant 11 : i32
      %get3A_287 = arith.index_cast %get3A_286 : i32 to index
      %get3A_288 = arith.constant 16 : index
      %get3A_289 = tpu.vector_load %arg8[%get3A_287, %get3A_288] {strides = array<i32>} : memref<50x64xf32, #tpu.memory_space<vmem>>, vector<16xf32>,
      %add3A_290 = arith.addf %add3A_270, %get3A_289 : vector<16xf32>
      %get3A_291 = arith.constant 11 : i32
      %get3A_292 = arith.index_cast %get3A_291 : i32 to index
      %get3A_293 = arith.constant 32 : index
      %get3A_294 = tpu.vector_load %arg8[%get3A_292, %get3A_293] {strides = array<i32>} : memref<50x64xf32, #tpu.memory_space<vmem>>, vector<16xf32>,
      %add3A_295 = arith.addf %add3A_275, %get3A_294 : vector<16xf32>
      %get3A_296 = arith.constant 11 : i32
      %get3A_297 = arith.index_cast %get3A_296 : i32 to index
      %get3A_298 = arith.constant 48 : index
      %get3A_299 = tpu.vector_load %arg8[%get3A_297, %get3A_298] {strides = array<i32>} : memref<50x64xf32, #tpu.memory_space<vmem>>, vector<16xf32>,
      %add3A_300 = arith.addf %add3A_280, %get3A_299 : vector<16xf32>
      %get3A_301 = arith.constant 12 : i32
      %get3A_302 = arith.index_cast %get3A_301 : i32 to index
      %get3A_303 = arith.constant 0 : index
      %get3A_304 = tpu.vector_load %arg8[%get3A_302, %get3A_303] {strides = array<i32>} : memref<50x64xf32, #tpu.memory_space<vmem>>, vector<16xf32>,
      %add3A_305 = arith.addf %add3A_285, %get3A_304 : vector<16xf32>
      %get3A_306 = arith.constant 12 : i32
      %get3A_307 = arith.index_cast %get3A_306 : i32 to index
      %get3A_308 = arith.constant 16 : index
      %get3A_309 = tpu.vector_load %arg8[%get3A_307, %get3A_308] {strides = array<i32>} : memref<50x64xf32, #tpu.memory_space<vmem>>, vector<16xf32>,
      %add3A_310 = arith.addf %add3A_290, %get3A_309 : vector<16xf32>
      %get3A_311 = arith.constant 12 : i32
      %get3A_312 = arith.index_cast %get3A_311 : i32 to index
      %get3A_313 = arith.constant 32 : index
      %get3A_314 = tpu.vector_load %arg8[%get3A_312, %get3A_313] {strides = array<i32>} : memref<50x64xf32, #tpu.memory_space<vmem>>, vector<16xf32>,
      %add3A_315 = arith.addf %add3A_295, %get3A_314 : vector<16xf32>
      %get3A_316 = arith.constant 12 : i32
      %get3A_317 = arith.index_cast %get3A_316 : i32 to index
      %get3A_318 = arith.constant 48 : index
      %get3A_319 = tpu.vector_load %arg8[%get3A_317, %get3A_318] {strides = array<i32>} : memref<50x64xf32, #tpu.memory_space<vmem>>, vector<16xf32>,
      %add3A_320 = arith.addf %add3A_300, %get3A_319 : vector<16xf32>
      %get3A_321 = arith.constant 13 : i32
      %get3A_322 = arith.index_cast %get3A_321 : i32 to index
      %get3A_323 = arith.constant 0 : index
      %get3A_324 = tpu.vector_load %arg8[%get3A_322, %get3A_323] {strides = array<i32>} : memref<50x64xf32, #tpu.memory_space<vmem>>, vector<16xf32>,
      %add3A_325 = arith.addf %add3A_305, %get3A_324 : vector<16xf32>
      %get3A_326 = arith.constant 13 : i32
      %get3A_327 = arith.index_cast %get3A_326 : i32 to index
      %get3A_328 = arith.constant 16 : index
      %get3A_329 = tpu.vector_load %arg8[%get3A_327, %get3A_328] {strides = array<i32>} : memref<50x64xf32, #tpu.memory_space<vmem>>, vector<16xf32>,
      %add3A_330 = arith.addf %add3A_310, %get3A_329 : vector<16xf32>
      %get3A_331 = arith.constant 13 : i32
      %get3A_332 = arith.index_cast %get3A_331 : i32 to index
      %get3A_333 = arith.constant 32 : index
      %get3A_334 = tpu.vector_load %arg8[%get3A_332, %get3A_333] {strides = array<i32>} : memref<50x64xf32, #tpu.memory_space<vmem>>, vector<16xf32>,
      %add3A_335 = arith.addf %add3A_315, %get3A_334 : vector<16xf32>
      %get3A_336 = arith.constant 13 : i32
      %get3A_337 = arith.index_cast %get3A_336 : i32 to index
      %get3A_338 = arith.constant 48 : index
      %get3A_339 = tpu.vector_load %arg8[%get3A_337, %get3A_338] {strides = array<i32>} : memref<50x64xf32, #tpu.memory_space<vmem>>, vector<16xf32>,
      %add3A_340 = arith.addf %add3A_320, %get3A_339 : vector<16xf32>
      %get3A_341 = arith.constant 14 : i32
      %get3A_342 = arith.index_cast %get3A_341 : i32 to index
      %get3A_343 = arith.constant 0 : index
      %get3A_344 = tpu.vector_load %arg8[%get3A_342, %get3A_343] {strides = array<i32>} : memref<50x64xf32, #tpu.memory_space<vmem>>, vector<16xf32>,
      %add3A_345 = arith.addf %add3A_325, %get3A_344 : vector<16xf32>
      %get3A_346 = arith.constant 14 : i32
      %get3A_347 = arith.index_cast %get3A_346 : i32 to index
      %get3A_348 = arith.constant 16 : index
      %get3A_349 = tpu.vector_load %arg8[%get3A_347, %get3A_348] {strides = array<i32>} : memref<50x64xf32, #tpu.memory_space<vmem>>, vector<16xf32>,
      %add3A_350 = arith.addf %add3A_330, %get3A_349 : vector<16xf32>
      %get3A_351 = arith.constant 14 : i32
      %get3A_352 = arith.index_cast %get3A_351 : i32 to index
      %get3A_353 = arith.constant 32 : index
      %get3A_354 = tpu.vector_load %arg8[%get3A_352, %get3A_353] {strides = array<i32>} : memref<50x64xf32, #tpu.memory_space<vmem>>, vector<16xf32>,
      %add3A_355 = arith.addf %add3A_335, %get3A_354 : vector<16xf32>
      %get3A_356 = arith.constant 14 : i32
      %get3A_357 = arith.index_cast %get3A_356 : i32 to index
      %get3A_358 = arith.constant 48 : index
      %get3A_359 = tpu.vector_load %arg8[%get3A_357, %get3A_358] {strides = array<i32>} : memref<50x64xf32, #tpu.memory_space<vmem>>, vector<16xf32>,
      %add3A_360 = arith.addf %add3A_340, %get3A_359 : vector<16xf32>
      %get3A_361 = arith.constant 15 : i32
      %get3A_362 = arith.index_cast %get3A_361 : i32 to index
      %get3A_363 = arith.constant 0 : index
      %get3A_364 = tpu.vector_load %arg8[%get3A_362, %get3A_363] {strides = array<i32>} : memref<50x64xf32, #tpu.memory_space<vmem>>, vector<16xf32>,
      %add3A_365 = arith.addf %add3A_345, %get3A_364 : vector<16xf32>
      %get3A_366 = arith.constant 15 : i32
      %get3A_367 = arith.index_cast %get3A_366 : i32 to index
      %get3A_368 = arith.constant 16 : index
      %get3A_369 = tpu.vector_load %arg8[%get3A_367, %get3A_368] {strides = array<i32>} : memref<50x64xf32, #tpu.memory_space<vmem>>, vector<16xf32>,
      %add3A_370 = arith.addf %add3A_350, %get3A_369 : vector<16xf32>
      %get3A_371 = arith.constant 15 : i32
      %get3A_372 = arith.index_cast %get3A_371 : i32 to index
      %get3A_373 = arith.constant 32 : index
      %get3A_374 = tpu.vector_load %arg8[%get3A_372, %get3A_373] {strides = array<i32>} : memref<50x64xf32, #tpu.memory_space<vmem>>, vector<16xf32>,
      %add3A_375 = arith.addf %add3A_355, %get3A_374 : vector<16xf32>
      %get3A_376 = arith.constant 15 : i32
      %get3A_377 = arith.index_cast %get3A_376 : i32 to index
      %get3A_378 = arith.constant 48 : index
      %get3A_379 = tpu.vector_load %arg8[%get3A_377, %get3A_378] {strides = array<i32>} : memref<50x64xf32, #tpu.memory_space<vmem>>, vector<16xf32>,
      %add3A_380 = arith.addf %add3A_360, %get3A_379 : vector<16xf32>
      %get3A_381 = arith.constant 16 : i32
      %get3A_382 = arith.index_cast %get3A_381 : i32 to index
      %get3A_383 = arith.constant 0 : index
      %get3A_384 = tpu.vector_load %arg8[%get3A_382, %get3A_383] {strides = array<i32>} : memref<50x64xf32, #tpu.memory_space<vmem>>, vector<16xf32>,
      %add3A_385 = arith.addf %add3A_365, %get3A_384 : vector<16xf32>
      %get3A_386 = arith.constant 16 : i32
      %get3A_387 = arith.index_cast %get3A_386 : i32 to index
      %get3A_388 = arith.constant 16 : index
      %get3A_389 = tpu.vector_load %arg8[%get3A_387, %get3A_388] {strides = array<i32>} : memref<50x64xf32, #tpu.memory_space<vmem>>, vector<16xf32>,
      %add3A_390 = arith.addf %add3A_370, %get3A_389 : vector<16xf32>
      %get3A_391 = arith.constant 16 : i32
      %get3A_392 = arith.index_cast %get3A_391 : i32 to index
      %get3A_393 = arith.constant 32 : index
      %get3A_394 = tpu.vector_load %arg8[%get3A_392, %get3A_393] {strides = array<i32>} : memref<50x64xf32, #tpu.memory_space<vmem>>, vector<16xf32>,
      %add3A_395 = arith.addf %add3A_375, %get3A_394 : vector<16xf32>
      %get3A_396 = arith.constant 16 : i32
      %get3A_397 = arith.index_cast %get3A_396 : i32 to index
      %get3A_398 = arith.constant 48 : index
      %get3A_399 = tpu.vector_load %arg8[%get3A_397, %get3A_398] {strides = array<i32>} : memref<50x64xf32, #tpu.memory_space<vmem>>, vector<16xf32>,
      %add3A_400 = arith.addf %add3A_380, %get3A_399 : vector<16xf32>
      %get3A_401 = arith.constant 17 : i32
      %get3A_402 = arith.index_cast %get3A_401 : i32 to index
      %get3A_403 = arith.constant 0 : index
      %get3A_404 = tpu.vector_load %arg8[%get3A_402, %get3A_403] {strides = array<i32>} : memref<50x64xf32, #tpu.memory_space<vmem>>, vector<16xf32>,
      %add3A_405 = arith.addf %add3A_385, %get3A_404 : vector<16xf32>
      %get3A_406 = arith.constant 17 : i32
      %get3A_407 = arith.index_cast %get3A_406 : i32 to index
      %get3A_408 = arith.constant 16 : index
      %get3A_409 = tpu.vector_load %arg8[%get3A_407, %get3A_408] {strides = array<i32>} : memref<50x64xf32, #tpu.memory_space<vmem>>, vector<16xf32>,
      %add3A_410 = arith.addf %add3A_390, %get3A_409 : vector<16xf32>
      %get3A_411 = arith.constant 17 : i32
      %get3A_412 = arith.index_cast %get3A_411 : i32 to index
      %get3A_413 = arith.constant 32 : index
      %get3A_414 = tpu.vector_load %arg8[%get3A_412, %get3A_413] {strides = array<i32>} : memref<50x64xf32, #tpu.memory_space<vmem>>, vector<16xf32>,
      %add3A_415 = arith.addf %add3A_395, %get3A_414 : vector<16xf32>
      %get3A_416 = arith.constant 17 : i32
      %get3A_417 = arith.index_cast %get3A_416 : i32 to index
      %get3A_418 = arith.constant 48 : index
      %get3A_419 = tpu.vector_load %arg8[%get3A_417, %get3A_418] {strides = array<i32>} : memref<50x64xf32, #tpu.memory_space<vmem>>, vector<16xf32>,
      %add3A_420 = arith.addf %add3A_400, %get3A_419 : vector<16xf32>
      %get3A_421 = arith.constant 18 : i32
      %get3A_422 = arith.index_cast %get3A_421 : i32 to index
      %get3A_423 = arith.constant 0 : index
      %get3A_424 = tpu.vector_load %arg8[%get3A_422, %get3A_423] {strides = array<i32>} : memref<50x64xf32, #tpu.memory_space<vmem>>, vector<16xf32>,
      %add3A_425 = arith.addf %add3A_405, %get3A_424 : vector<16xf32>
      %get3A_426 = arith.constant 18 : i32
      %get3A_427 = arith.index_cast %get3A_426 : i32 to index
      %get3A_428 = arith.constant 16 : index
      %get3A_429 = tpu.vector_load %arg8[%get3A_427, %get3A_428] {strides = array<i32>} : memref<50x64xf32, #tpu.memory_space<vmem>>, vector<16xf32>,
      %add3A_430 = arith.addf %add3A_410, %get3A_429 : vector<16xf32>
      %get3A_431 = arith.constant 18 : i32
      %get3A_432 = arith.index_cast %get3A_431 : i32 to index
      %get3A_433 = arith.constant 32 : index
      %get3A_434 = tpu.vector_load %arg8[%get3A_432, %get3A_433] {strides = array<i32>} : memref<50x64xf32, #tpu.memory_space<vmem>>, vector<16xf32>,
      %add3A_435 = arith.addf %add3A_415, %get3A_434 : vector<16xf32>
      %get3A_436 = arith.constant 18 : i32
      %get3A_437 = arith.index_cast %get3A_436 : i32 to index
      %get3A_438 = arith.constant 48 : index
      %get3A_439 = tpu.vector_load %arg8[%get3A_437, %get3A_438] {strides = array<i32>} : memref<50x64xf32, #tpu.memory_space<vmem>>, vector<16xf32>,
      %add3A_440 = arith.addf %add3A_420, %get3A_439 : vector<16xf32>
      %get3A_441 = arith.constant 19 : i32
      %get3A_442 = arith.index_cast %get3A_441 : i32 to index
      %get3A_443 = arith.constant 0 : index
      %get3A_444 = tpu.vector_load %arg8[%get3A_442, %get3A_443] {strides = array<i32>} : memref<50x64xf32, #tpu.memory_space<vmem>>, vector<16xf32>,
      %add3A_445 = arith.addf %add3A_425, %get3A_444 : vector<16xf32>
      %get3A_446 = arith.constant 19 : i32
      %get3A_447 = arith.index_cast %get3A_446 : i32 to index
      %get3A_448 = arith.constant 16 : index
      %get3A_449 = tpu.vector_load %arg8[%get3A_447, %get3A_448] {strides = array<i32>} : memref<50x64xf32, #tpu.memory_space<vmem>>, vector<16xf32>,
      %add3A_450 = arith.addf %add3A_430, %get3A_449 : vector<16xf32>
      %get3A_451 = arith.constant 19 : i32
      %get3A_452 = arith.index_cast %get3A_451 : i32 to index
      %get3A_453 = arith.constant 32 : index
      %get3A_454 = tpu.vector_load %arg8[%get3A_452, %get3A_453] {strides = array<i32>} : memref<50x64xf32, #tpu.memory_space<vmem>>, vector<16xf32>,
      %add3A_455 = arith.addf %add3A_435, %get3A_454 : vector<16xf32>
      %get3A_456 = arith.constant 19 : i32
      %get3A_457 = arith.index_cast %get3A_456 : i32 to index
      %get3A_458 = arith.constant 48 : index
      %get3A_459 = tpu.vector_load %arg8[%get3A_457, %get3A_458] {strides = array<i32>} : memref<50x64xf32, #tpu.memory_space<vmem>>, vector<16xf32>,
      %add3A_460 = arith.addf %add3A_440, %get3A_459 : vector<16xf32>
      %get3A_461 = arith.constant 20 : i32
      %get3A_462 = arith.index_cast %get3A_461 : i32 to index
      %get3A_463 = arith.constant 0 : index
      %get3A_464 = tpu.vector_load %arg8[%get3A_462, %get3A_463] {strides = array<i32>} : memref<50x64xf32, #tpu.memory_space<vmem>>, vector<16xf32>,
      %add3A_465 = arith.addf %add3A_445, %get3A_464 : vector<16xf32>
      %get3A_466 = arith.constant 20 : i32
      %get3A_467 = arith.index_cast %get3A_466 : i32 to index
      %get3A_468 = arith.constant 16 : index
      %get3A_469 = tpu.vector_load %arg8[%get3A_467, %get3A_468] {strides = array<i32>} : memref<50x64xf32, #tpu.memory_space<vmem>>, vector<16xf32>,
      %add3A_470 = arith.addf %add3A_450, %get3A_469 : vector<16xf32>
      %get3A_471 = arith.constant 20 : i32
      %get3A_472 = arith.index_cast %get3A_471 : i32 to index
      %get3A_473 = arith.constant 32 : index
      %get3A_474 = tpu.vector_load %arg8[%get3A_472, %get3A_473] {strides = array<i32>} : memref<50x64xf32, #tpu.memory_space<vmem>>, vector<16xf32>,
      %add3A_475 = arith.addf %add3A_455, %get3A_474 : vector<16xf32>
      %get3A_476 = arith.constant 20 : i32
      %get3A_477 = arith.index_cast %get3A_476 : i32 to index
      %get3A_478 = arith.constant 48 : index
      %get3A_479 = tpu.vector_load %arg8[%get3A_477, %get3A_478] {strides = array<i32>} : memref<50x64xf32, #tpu.memory_space<vmem>>, vector<16xf32>,
      %add3A_480 = arith.addf %add3A_460, %get3A_479 : vector<16xf32>
      %get3A_481 = arith.constant 21 : i32
      %get3A_482 = arith.index_cast %get3A_481 : i32 to index
      %get3A_483 = arith.constant 0 : index
      %get3A_484 = tpu.vector_load %arg8[%get3A_482, %get3A_483] {strides = array<i32>} : memref<50x64xf32, #tpu.memory_space<vmem>>, vector<16xf32>,
      %add3A_485 = arith.addf %add3A_465, %get3A_484 : vector<16xf32>
      %get3A_486 = arith.constant 21 : i32
      %get3A_487 = arith.index_cast %get3A_486 : i32 to index
      %get3A_488 = arith.constant 16 : index
      %get3A_489 = tpu.vector_load %arg8[%get3A_487, %get3A_488] {strides = array<i32>} : memref<50x64xf32, #tpu.memory_space<vmem>>, vector<16xf32>,
      %add3A_490 = arith.addf %add3A_470, %get3A_489 : vector<16xf32>
      %get3A_491 = arith.constant 21 : i32
      %get3A_492 = arith.index_cast %get3A_491 : i32 to index
      %get3A_493 = arith.constant 32 : index
      %get3A_494 = tpu.vector_load %arg8[%get3A_492, %get3A_493] {strides = array<i32>} : memref<50x64xf32, #tpu.memory_space<vmem>>, vector<16xf32>,
      %add3A_495 = arith.addf %add3A_475, %get3A_494 : vector<16xf32>
      %get3A_496 = arith.constant 21 : i32
      %get3A_497 = arith.index_cast %get3A_496 : i32 to index
      %get3A_498 = arith.constant 48 : index
      %get3A_499 = tpu.vector_load %arg8[%get3A_497, %get3A_498] {strides = array<i32>} : memref<50x64xf32, #tpu.memory_space<vmem>>, vector<16xf32>,
      %add3A_500 = arith.addf %add3A_480, %get3A_499 : vector<16xf32>
      %get3A_501 = arith.constant 22 : i32
      %get3A_502 = arith.index_cast %get3A_501 : i32 to index
      %get3A_503 = arith.constant 0 : index
      %get3A_504 = tpu.vector_load %arg8[%get3A_502, %get3A_503] {strides = array<i32>} : memref<50x64xf32, #tpu.memory_space<vmem>>, vector<16xf32>,
      %add3A_505 = arith.addf %add3A_485, %get3A_504 : vector<16xf32>
      %get3A_506 = arith.constant 22 : i32
      %get3A_507 = arith.index_cast %get3A_506 : i32 to index
      %get3A_508 = arith.constant 16 : index
      %get3A_509 = tpu.vector_load %arg8[%get3A_507, %get3A_508] {strides = array<i32>} : memref<50x64xf32, #tpu.memory_space<vmem>>, vector<16xf32>,
      %add3A_510 = arith.addf %add3A_490, %get3A_509 : vector<16xf32>
      %get3A_511 = arith.constant 22 : i32
      %get3A_512 = arith.index_cast %get3A_511 : i32 to index
      %get3A_513 = arith.constant 32 : index
      %get3A_514 = tpu.vector_load %arg8[%get3A_512, %get3A_513] {strides = array<i32>} : memref<50x64xf32, #tpu.memory_space<vmem>>, vector<16xf32>,
      %add3A_515 = arith.addf %add3A_495, %get3A_514 : vector<16xf32>
      %get3A_516 = arith.constant 22 : i32
      %get3A_517 = arith.index_cast %get3A_516 : i32 to index
      %get3A_518 = arith.constant 48 : index
      %get3A_519 = tpu.vector_load %arg8[%get3A_517, %get3A_518] {strides = array<i32>} : memref<50x64xf32, #tpu.memory_space<vmem>>, vector<16xf32>,
      %add3A_520 = arith.addf %add3A_500, %get3A_519 : vector<16xf32>
      %get3A_521 = arith.constant 23 : i32
      %get3A_522 = arith.index_cast %get3A_521 : i32 to index
      %get3A_523 = arith.constant 0 : index
      %get3A_524 = tpu.vector_load %arg8[%get3A_522, %get3A_523] {strides = array<i32>} : memref<50x64xf32, #tpu.memory_space<vmem>>, vector<16xf32>,
      %add3A_525 = arith.addf %add3A_505, %get3A_524 : vector<16xf32>
      %get3A_526 = arith.constant 23 : i32
      %get3A_527 = arith.index_cast %get3A_526 : i32 to index
      %get3A_528 = arith.constant 16 : index
      %get3A_529 = tpu.vector_load %arg8[%get3A_527, %get3A_528] {strides = array<i32>} : memref<50x64xf32, #tpu.memory_space<vmem>>, vector<16xf32>,
      %add3A_530 = arith.addf %add3A_510, %get3A_529 : vector<16xf32>
      %get3A_531 = arith.constant 23 : i32
      %get3A_532 = arith.index_cast %get3A_531 : i32 to index
      %get3A_533 = arith.constant 32 : index
      %get3A_534 = tpu.vector_load %arg8[%get3A_532, %get3A_533] {strides = array<i32>} : memref<50x64xf32, #tpu.memory_space<vmem>>, vector<16xf32>,
      %add3A_535 = arith.addf %add3A_515, %get3A_534 : vector<16xf32>
      %get3A_536 = arith.constant 23 : i32
      %get3A_537 = arith.index_cast %get3A_536 : i32 to index
      %get3A_538 = arith.constant 48 : index
      %get3A_539 = tpu.vector_load %arg8[%get3A_537, %get3A_538] {strides = array<i32>} : memref<50x64xf32, #tpu.memory_space<vmem>>, vector<16xf32>,
      %add3A_540 = arith.addf %add3A_520, %get3A_539 : vector<16xf32>
      %get3A_541 = arith.constant 24 : i32
      %get3A_542 = arith.index_cast %get3A_541 : i32 to index
      %get3A_543 = arith.constant 0 : index
      %get3A_544 = tpu.vector_load %arg8[%get3A_542, %get3A_543] {strides = array<i32>} : memref<50x64xf32, #tpu.memory_space<vmem>>, vector<16xf32>,
      %add3A_545 = arith.addf %add3A_525, %get3A_544 : vector<16xf32>
      %get3A_546 = arith.constant 24 : i32
      %get3A_547 = arith.index_cast %get3A_546 : i32 to index
      %get3A_548 = arith.constant 16 : index
      %get3A_549 = tpu.vector_load %arg8[%get3A_547, %get3A_548] {strides = array<i32>} : memref<50x64xf32, #tpu.memory_space<vmem>>, vector<16xf32>,
      %add3A_550 = arith.addf %add3A_530, %get3A_549 : vector<16xf32>
      %get3A_551 = arith.constant 24 : i32
      %get3A_552 = arith.index_cast %get3A_551 : i32 to index
      %get3A_553 = arith.constant 32 : index
      %get3A_554 = tpu.vector_load %arg8[%get3A_552, %get3A_553] {strides = array<i32>} : memref<50x64xf32, #tpu.memory_space<vmem>>, vector<16xf32>,
      %add3A_555 = arith.addf %add3A_535, %get3A_554 : vector<16xf32>
      %get3A_556 = arith.constant 24 : i32
      %get3A_557 = arith.index_cast %get3A_556 : i32 to index
      %get3A_558 = arith.constant 48 : index
      %get3A_559 = tpu.vector_load %arg8[%get3A_557, %get3A_558] {strides = array<i32>} : memref<50x64xf32, #tpu.memory_space<vmem>>, vector<16xf32>,
      %add3A_560 = arith.addf %add3A_540, %get3A_559 : vector<16xf32>
      %get3A_561 = arith.constant 25 : i32
      %get3A_562 = arith.index_cast %get3A_561 : i32 to index
      %get3A_563 = arith.constant 0 : index
      %get3A_564 = tpu.vector_load %arg8[%get3A_562, %get3A_563] {strides = array<i32>} : memref<50x64xf32, #tpu.memory_space<vmem>>, vector<16xf32>,
      %add3A_565 = arith.addf %add3A_545, %get3A_564 : vector<16xf32>
      %get3A_566 = arith.constant 25 : i32
      %get3A_567 = arith.index_cast %get3A_566 : i32 to index
      %get3A_568 = arith.constant 16 : index
      %get3A_569 = tpu.vector_load %arg8[%get3A_567, %get3A_568] {strides = array<i32>} : memref<50x64xf32, #tpu.memory_space<vmem>>, vector<16xf32>,
      %add3A_570 = arith.addf %add3A_550, %get3A_569 : vector<16xf32>
      %get3A_571 = arith.constant 25 : i32
      %get3A_572 = arith.index_cast %get3A_571 : i32 to index
      %get3A_573 = arith.constant 32 : index
      %get3A_574 = tpu.vector_load %arg8[%get3A_572, %get3A_573] {strides = array<i32>} : memref<50x64xf32, #tpu.memory_space<vmem>>, vector<16xf32>,
      %add3A_575 = arith.addf %add3A_555, %get3A_574 : vector<16xf32>
      %get3A_576 = arith.constant 25 : i32
      %get3A_577 = arith.index_cast %get3A_576 : i32 to index
      %get3A_578 = arith.constant 48 : index
      %get3A_579 = tpu.vector_load %arg8[%get3A_577, %get3A_578] {strides = array<i32>} : memref<50x64xf32, #tpu.memory_space<vmem>>, vector<16xf32>,
      %add3A_580 = arith.addf %add3A_560, %get3A_579 : vector<16xf32>
      %get3A_581 = arith.constant 26 : i32
      %get3A_582 = arith.index_cast %get3A_581 : i32 to index
      %get3A_583 = arith.constant 0 : index
      %get3A_584 = tpu.vector_load %arg8[%get3A_582, %get3A_583] {strides = array<i32>} : memref<50x64xf32, #tpu.memory_space<vmem>>, vector<16xf32>,
      %add3A_585 = arith.addf %add3A_565, %get3A_584 : vector<16xf32>
      %get3A_586 = arith.constant 26 : i32
      %get3A_587 = arith.index_cast %get3A_586 : i32 to index
      %get3A_588 = arith.constant 16 : index
      %get3A_589 = tpu.vector_load %arg8[%get3A_587, %get3A_588] {strides = array<i32>} : memref<50x64xf32, #tpu.memory_space<vmem>>, vector<16xf32>,
      %add3A_590 = arith.addf %add3A_570, %get3A_589 : vector<16xf32>
      %get3A_591 = arith.constant 26 : i32
      %get3A_592 = arith.index_cast %get3A_591 : i32 to index
      %get3A_593 = arith.constant 32 : index
      %get3A_594 = tpu.vector_load %arg8[%get3A_592, %get3A_593] {strides = array<i32>} : memref<50x64xf32, #tpu.memory_space<vmem>>, vector<16xf32>,
      %add3A_595 = arith.addf %add3A_575, %get3A_594 : vector<16xf32>
      %get3A_596 = arith.constant 26 : i32
      %get3A_597 = arith.index_cast %get3A_596 : i32 to index
      %get3A_598 = arith.constant 48 : index
      %get3A_599 = tpu.vector_load %arg8[%get3A_597, %get3A_598] {strides = array<i32>} : memref<50x64xf32, #tpu.memory_space<vmem>>, vector<16xf32>,
      %add3A_600 = arith.addf %add3A_580, %get3A_599 : vector<16xf32>
      %get3A_601 = arith.constant 27 : i32
      %get3A_602 = arith.index_cast %get3A_601 : i32 to index
      %get3A_603 = arith.constant 0 : index
      %get3A_604 = tpu.vector_load %arg8[%get3A_602, %get3A_603] {strides = array<i32>} : memref<50x64xf32, #tpu.memory_space<vmem>>, vector<16xf32>,
      %add3A_605 = arith.addf %add3A_585, %get3A_604 : vector<16xf32>
      %get3A_606 = arith.constant 27 : i32
      %get3A_607 = arith.index_cast %get3A_606 : i32 to index
      %get3A_608 = arith.constant 16 : index
      %get3A_609 = tpu.vector_load %arg8[%get3A_607, %get3A_608] {strides = array<i32>} : memref<50x64xf32, #tpu.memory_space<vmem>>, vector<16xf32>,
      %add3A_610 = arith.addf %add3A_590, %get3A_609 : vector<16xf32>
      %get3A_611 = arith.constant 27 : i32
      %get3A_612 = arith.index_cast %get3A_611 : i32 to index
      %get3A_613 = arith.constant 32 : index
      %get3A_614 = tpu.vector_load %arg8[%get3A_612, %get3A_613] {strides = array<i32>} : memref<50x64xf32, #tpu.memory_space<vmem>>, vector<16xf32>,
      %add3A_615 = arith.addf %add3A_595, %get3A_614 : vector<16xf32>
      %get3A_616 = arith.constant 27 : i32
      %get3A_617 = arith.index_cast %get3A_616 : i32 to index
      %get3A_618 = arith.constant 48 : index
      %get3A_619 = tpu.vector_load %arg8[%get3A_617, %get3A_618] {strides = array<i32>} : memref<50x64xf32, #tpu.memory_space<vmem>>, vector<16xf32>,
      %add3A_620 = arith.addf %add3A_600, %get3A_619 : vector<16xf32>
      %get3A_621 = arith.constant 28 : i32
      %get3A_622 = arith.index_cast %get3A_621 : i32 to index
      %get3A_623 = arith.constant 0 : index
      %get3A_624 = tpu.vector_load %arg8[%get3A_622, %get3A_623] {strides = array<i32>} : memref<50x64xf32, #tpu.memory_space<vmem>>, vector<16xf32>,
      %add3A_625 = arith.addf %add3A_605, %get3A_624 : vector<16xf32>
      %get3A_626 = arith.constant 28 : i32
      %get3A_627 = arith.index_cast %get3A_626 : i32 to index
      %get3A_628 = arith.constant 16 : index
      %get3A_629 = tpu.vector_load %arg8[%get3A_627, %get3A_628] {strides = array<i32>} : memref<50x64xf32, #tpu.memory_space<vmem>>, vector<16xf32>,
      %add3A_630 = arith.addf %add3A_610, %get3A_629 : vector<16xf32>
      %get3A_631 = arith.constant 28 : i32
      %get3A_632 = arith.index_cast %get3A_631 : i32 to index
      %get3A_633 = arith.constant 32 : index
      %get3A_634 = tpu.vector_load %arg8[%get3A_632, %get3A_633] {strides = array<i32>} : memref<50x64xf32, #tpu.memory_space<vmem>>, vector<16xf32>,
      %add3A_635 = arith.addf %add3A_615, %get3A_634 : vector<16xf32>
      %get3A_636 = arith.constant 28 : i32
      %get3A_637 = arith.index_cast %get3A_636 : i32 to index
      %get3A_638 = arith.constant 48 : index
      %get3A_639 = tpu.vector_load %arg8[%get3A_637, %get3A_638] {strides = array<i32>} : memref<50x64xf32, #tpu.memory_space<vmem>>, vector<16xf32>,
      %add3A_640 = arith.addf %add3A_620, %get3A_639 : vector<16xf32>
      %get3A_641 = arith.constant 29 : i32
      %get3A_642 = arith.index_cast %get3A_641 : i32 to index
      %get3A_643 = arith.constant 0 : index
      %get3A_644 = tpu.vector_load %arg8[%get3A_642, %get3A_643] {strides = array<i32>} : memref<50x64xf32, #tpu.memory_space<vmem>>, vector<16xf32>,
      %add3A_645 = arith.addf %add3A_625, %get3A_644 : vector<16xf32>
      %get3A_646 = arith.constant 29 : i32
      %get3A_647 = arith.index_cast %get3A_646 : i32 to index
      %get3A_648 = arith.constant 16 : index
      %get3A_649 = tpu.vector_load %arg8[%get3A_647, %get3A_648] {strides = array<i32>} : memref<50x64xf32, #tpu.memory_space<vmem>>, vector<16xf32>,
      %add3A_650 = arith.addf %add3A_630, %get3A_649 : vector<16xf32>
      %get3A_651 = arith.constant 29 : i32
      %get3A_652 = arith.index_cast %get3A_651 : i32 to index
      %get3A_653 = arith.constant 32 : index
      %get3A_654 = tpu.vector_load %arg8[%get3A_652, %get3A_653] {strides = array<i32>} : memref<50x64xf32, #tpu.memory_space<vmem>>, vector<16xf32>,
      %add3A_655 = arith.addf %add3A_635, %get3A_654 : vector<16xf32>
      %get3A_656 = arith.constant 29 : i32
      %get3A_657 = arith.index_cast %get3A_656 : i32 to index
      %get3A_658 = arith.constant 48 : index
      %get3A_659 = tpu.vector_load %arg8[%get3A_657, %get3A_658] {strides = array<i32>} : memref<50x64xf32, #tpu.memory_space<vmem>>, vector<16xf32>,
      %add3A_660 = arith.addf %add3A_640, %get3A_659 : vector<16xf32>
      %get3A_661 = arith.constant 30 : i32
      %get3A_662 = arith.index_cast %get3A_661 : i32 to index
      %get3A_663 = arith.constant 0 : index
      %get3A_664 = tpu.vector_load %arg8[%get3A_662, %get3A_663] {strides = array<i32>} : memref<50x64xf32, #tpu.memory_space<vmem>>, vector<16xf32>,
      %add3A_665 = arith.addf %add3A_645, %get3A_664 : vector<16xf32>
      %get3A_666 = arith.constant 30 : i32
      %get3A_667 = arith.index_cast %get3A_666 : i32 to index
      %get3A_668 = arith.constant 16 : index
      %get3A_669 = tpu.vector_load %arg8[%get3A_667, %get3A_668] {strides = array<i32>} : memref<50x64xf32, #tpu.memory_space<vmem>>, vector<16xf32>,
      %add3A_670 = arith.addf %add3A_650, %get3A_669 : vector<16xf32>
      %get3A_671 = arith.constant 30 : i32
      %get3A_672 = arith.index_cast %get3A_671 : i32 to index
      %get3A_673 = arith.constant 32 : index
      %get3A_674 = tpu.vector_load %arg8[%get3A_672, %get3A_673] {strides = array<i32>} : memref<50x64xf32, #tpu.memory_space<vmem>>, vector<16xf32>,
      %add3A_675 = arith.addf %add3A_655, %get3A_674 : vector<16xf32>
      %get3A_676 = arith.constant 30 : i32
      %get3A_677 = arith.index_cast %get3A_676 : i32 to index
      %get3A_678 = arith.constant 48 : index
      %get3A_679 = tpu.vector_load %arg8[%get3A_677, %get3A_678] {strides = array<i32>} : memref<50x64xf32, #tpu.memory_space<vmem>>, vector<16xf32>,
      %add3A_680 = arith.addf %add3A_660, %get3A_679 : vector<16xf32>
      %get3A_681 = arith.constant 31 : i32
      %get3A_682 = arith.index_cast %get3A_681 : i32 to index
      %get3A_683 = arith.constant 0 : index
      %get3A_684 = tpu.vector_load %arg8[%get3A_682, %get3A_683] {strides = array<i32>} : memref<50x64xf32, #tpu.memory_space<vmem>>, vector<16xf32>,
      %add3A_685 = arith.addf %add3A_665, %get3A_684 : vector<16xf32>
      %get3A_686 = arith.constant 31 : i32
      %get3A_687 = arith.index_cast %get3A_686 : i32 to index
      %get3A_688 = arith.constant 16 : index
      %get3A_689 = tpu.vector_load %arg8[%get3A_687, %get3A_688] {strides = array<i32>} : memref<50x64xf32, #tpu.memory_space<vmem>>, vector<16xf32>,
      %add3A_690 = arith.addf %add3A_670, %get3A_689 : vector<16xf32>
      %get3A_691 = arith.constant 31 : i32
      %get3A_692 = arith.index_cast %get3A_691 : i32 to index
      %get3A_693 = arith.constant 32 : index
      %get3A_694 = tpu.vector_load %arg8[%get3A_692, %get3A_693] {strides = array<i32>} : memref<50x64xf32, #tpu.memory_space<vmem>>, vector<16xf32>,
      %add3A_695 = arith.addf %add3A_675, %get3A_694 : vector<16xf32>
      %get3A_696 = arith.constant 31 : i32
      %get3A_697 = arith.index_cast %get3A_696 : i32 to index
      %get3A_698 = arith.constant 48 : index
      %get3A_699 = tpu.vector_load %arg8[%get3A_697, %get3A_698] {strides = array<i32>} : memref<50x64xf32, #tpu.memory_space<vmem>>, vector<16xf32>,
      %add3A_700 = arith.addf %add3A_680, %get3A_699 : vector<16xf32>
      %get3A_701 = arith.constant 32 : i32
      %get3A_702 = arith.index_cast %get3A_701 : i32 to index
      %get3A_703 = arith.constant 0 : index
      %get3A_704 = tpu.vector_load %arg8[%get3A_702, %get3A_703] {strides = array<i32>} : memref<50x64xf32, #tpu.memory_space<vmem>>, vector<16xf32>,
      %add3A_705 = arith.addf %add3A_685, %get3A_704 : vector<16xf32>
      %get3A_706 = arith.constant 32 : i32
      %get3A_707 = arith.index_cast %get3A_706 : i32 to index
      %get3A_708 = arith.constant 16 : index
      %get3A_709 = tpu.vector_load %arg8[%get3A_707, %get3A_708] {strides = array<i32>} : memref<50x64xf32, #tpu.memory_space<vmem>>, vector<16xf32>,
      %add3A_710 = arith.addf %add3A_690, %get3A_709 : vector<16xf32>
      %get3A_711 = arith.constant 32 : i32
      %get3A_712 = arith.index_cast %get3A_711 : i32 to index
      %get3A_713 = arith.constant 32 : index
      %get3A_714 = tpu.vector_load %arg8[%get3A_712, %get3A_713] {strides = array<i32>} : memref<50x64xf32, #tpu.memory_space<vmem>>, vector<16xf32>,
      %add3A_715 = arith.addf %add3A_695, %get3A_714 : vector<16xf32>
      %get3A_716 = arith.constant 32 : i32
      %get3A_717 = arith.index_cast %get3A_716 : i32 to index
      %get3A_718 = arith.constant 48 : index
      %get3A_719 = tpu.vector_load %arg8[%get3A_717, %get3A_718] {strides = array<i32>} : memref<50x64xf32, #tpu.memory_space<vmem>>, vector<16xf32>,
      %add3A_720 = arith.addf %add3A_700, %get3A_719 : vector<16xf32>
      %get3A_721 = arith.constant 33 : i32
      %get3A_722 = arith.index_cast %get3A_721 : i32 to index
      %get3A_723 = arith.constant 0 : index
      %get3A_724 = tpu.vector_load %arg8[%get3A_722, %get3A_723] {strides = array<i32>} : memref<50x64xf32, #tpu.memory_space<vmem>>, vector<16xf32>,
      %add3A_725 = arith.addf %add3A_705, %get3A_724 : vector<16xf32>
      %get3A_726 = arith.constant 33 : i32
      %get3A_727 = arith.index_cast %get3A_726 : i32 to index
      %get3A_728 = arith.constant 16 : index
      %get3A_729 = tpu.vector_load %arg8[%get3A_727, %get3A_728] {strides = array<i32>} : memref<50x64xf32, #tpu.memory_space<vmem>>, vector<16xf32>,
      %add3A_730 = arith.addf %add3A_710, %get3A_729 : vector<16xf32>
      %get3A_731 = arith.constant 33 : i32
      %get3A_732 = arith.index_cast %get3A_731 : i32 to index
      %get3A_733 = arith.constant 32 : index
      %get3A_734 = tpu.vector_load %arg8[%get3A_732, %get3A_733] {strides = array<i32>} : memref<50x64xf32, #tpu.memory_space<vmem>>, vector<16xf32>,
      %add3A_735 = arith.addf %add3A_715, %get3A_734 : vector<16xf32>
      %get3A_736 = arith.constant 33 : i32
      %get3A_737 = arith.index_cast %get3A_736 : i32 to index
      %get3A_738 = arith.constant 48 : index
      %get3A_739 = tpu.vector_load %arg8[%get3A_737, %get3A_738] {strides = array<i32>} : memref<50x64xf32, #tpu.memory_space<vmem>>, vector<16xf32>,
      %add3A_740 = arith.addf %add3A_720, %get3A_739 : vector<16xf32>
      %get3A_741 = arith.constant 34 : i32
      %get3A_742 = arith.index_cast %get3A_741 : i32 to index
      %get3A_743 = arith.constant 0 : index
      %get3A_744 = tpu.vector_load %arg8[%get3A_742, %get3A_743] {strides = array<i32>} : memref<50x64xf32, #tpu.memory_space<vmem>>, vector<16xf32>,
      %add3A_745 = arith.addf %add3A_725, %get3A_744 : vector<16xf32>
      %get3A_746 = arith.constant 34 : i32
      %get3A_747 = arith.index_cast %get3A_746 : i32 to index
      %get3A_748 = arith.constant 16 : index
      %get3A_749 = tpu.vector_load %arg8[%get3A_747, %get3A_748] {strides = array<i32>} : memref<50x64xf32, #tpu.memory_space<vmem>>, vector<16xf32>,
      %add3A_750 = arith.addf %add3A_730, %get3A_749 : vector<16xf32>
      %get3A_751 = arith.constant 34 : i32
      %get3A_752 = arith.index_cast %get3A_751 : i32 to index
      %get3A_753 = arith.constant 32 : index
      %get3A_754 = tpu.vector_load %arg8[%get3A_752, %get3A_753] {strides = array<i32>} : memref<50x64xf32, #tpu.memory_space<vmem>>, vector<16xf32>,
      %add3A_755 = arith.addf %add3A_735, %get3A_754 : vector<16xf32>
      %get3A_756 = arith.constant 34 : i32
      %get3A_757 = arith.index_cast %get3A_756 : i32 to index
      %get3A_758 = arith.constant 48 : index
      %get3A_759 = tpu.vector_load %arg8[%get3A_757, %get3A_758] {strides = array<i32>} : memref<50x64xf32, #tpu.memory_space<vmem>>, vector<16xf32>,
      %add3A_760 = arith.addf %add3A_740, %get3A_759 : vector<16xf32>
      %get3A_761 = arith.constant 35 : i32
      %get3A_762 = arith.index_cast %get3A_761 : i32 to index
      %get3A_763 = arith.constant 0 : index
      %get3A_764 = tpu.vector_load %arg8[%get3A_762, %get3A_763] {strides = array<i32>} : memref<50x64xf32, #tpu.memory_space<vmem>>, vector<16xf32>,
      %add3A_765 = arith.addf %add3A_745, %get3A_764 : vector<16xf32>
      %get3A_766 = arith.constant 35 : i32
      %get3A_767 = arith.index_cast %get3A_766 : i32 to index
      %get3A_768 = arith.constant 16 : index
      %get3A_769 = tpu.vector_load %arg8[%get3A_767, %get3A_768] {strides = array<i32>} : memref<50x64xf32, #tpu.memory_space<vmem>>, vector<16xf32>,
      %add3A_770 = arith.addf %add3A_750, %get3A_769 : vector<16xf32>
      %get3A_771 = arith.constant 35 : i32
      %get3A_772 = arith.index_cast %get3A_771 : i32 to index
      %get3A_773 = arith.constant 32 : index
      %get3A_774 = tpu.vector_load %arg8[%get3A_772, %get3A_773] {strides = array<i32>} : memref<50x64xf32, #tpu.memory_space<vmem>>, vector<16xf32>,
      %add3A_775 = arith.addf %add3A_755, %get3A_774 : vector<16xf32>
      %get3A_776 = arith.constant 35 : i32
      %get3A_777 = arith.index_cast %get3A_776 : i32 to index
      %get3A_778 = arith.constant 48 : index
      %get3A_779 = tpu.vector_load %arg8[%get3A_777, %get3A_778] {strides = array<i32>} : memref<50x64xf32, #tpu.memory_space<vmem>>, vector<16xf32>,
      %add3A_780 = arith.addf %add3A_760, %get3A_779 : vector<16xf32>
      %get3A_781 = arith.constant 36 : i32
      %get3A_782 = arith.index_cast %get3A_781 : i32 to index
      %get3A_783 = arith.constant 0 : index
      %get3A_784 = tpu.vector_load %arg8[%get3A_782, %get3A_783] {strides = array<i32>} : memref<50x64xf32, #tpu.memory_space<vmem>>, vector<16xf32>,
      %add3A_785 = arith.addf %add3A_765, %get3A_784 : vector<16xf32>
      %get3A_786 = arith.constant 36 : i32
      %get3A_787 = arith.index_cast %get3A_786 : i32 to index
      %get3A_788 = arith.constant 16 : index
      %get3A_789 = tpu.vector_load %arg8[%get3A_787, %get3A_788] {strides = array<i32>} : memref<50x64xf32, #tpu.memory_space<vmem>>, vector<16xf32>,
      %add3A_790 = arith.addf %add3A_770, %get3A_789 : vector<16xf32>
      %get3A_791 = arith.constant 36 : i32
      %get3A_792 = arith.index_cast %get3A_791 : i32 to index
      %get3A_793 = arith.constant 32 : index
      %get3A_794 = tpu.vector_load %arg8[%get3A_792, %get3A_793] {strides = array<i32>} : memref<50x64xf32, #tpu.memory_space<vmem>>, vector<16xf32>,
      %add3A_795 = arith.addf %add3A_775, %get3A_794 : vector<16xf32>
      %get3A_796 = arith.constant 36 : i32
      %get3A_797 = arith.index_cast %get3A_796 : i32 to index
      %get3A_798 = arith.constant 48 : index
      %get3A_799 = tpu.vector_load %arg8[%get3A_797, %get3A_798] {strides = array<i32>} : memref<50x64xf32, #tpu.memory_space<vmem>>, vector<16xf32>,
      %add3A_800 = arith.addf %add3A_780, %get3A_799 : vector<16xf32>
      %get3A_801 = arith.constant 37 : i32
      %get3A_802 = arith.index_cast %get3A_801 : i32 to index
      %get3A_803 = arith.constant 0 : index
      %get3A_804 = tpu.vector_load %arg8[%get3A_802, %get3A_803] {strides = array<i32>} : memref<50x64xf32, #tpu.memory_space<vmem>>, vector<16xf32>,
      %add3A_805 = arith.addf %add3A_785, %get3A_804 : vector<16xf32>
      %get3A_806 = arith.constant 37 : i32
      %get3A_807 = arith.index_cast %get3A_806 : i32 to index
      %get3A_808 = arith.constant 16 : index
      %get3A_809 = tpu.vector_load %arg8[%get3A_807, %get3A_808] {strides = array<i32>} : memref<50x64xf32, #tpu.memory_space<vmem>>, vector<16xf32>,
      %add3A_810 = arith.addf %add3A_790, %get3A_809 : vector<16xf32>
      %get3A_811 = arith.constant 37 : i32
      %get3A_812 = arith.index_cast %get3A_811 : i32 to index
      %get3A_813 = arith.constant 32 : index
      %get3A_814 = tpu.vector_load %arg8[%get3A_812, %get3A_813] {strides = array<i32>} : memref<50x64xf32, #tpu.memory_space<vmem>>, vector<16xf32>,
      %add3A_815 = arith.addf %add3A_795, %get3A_814 : vector<16xf32>
      %get3A_816 = arith.constant 37 : i32
      %get3A_817 = arith.index_cast %get3A_816 : i32 to index
      %get3A_818 = arith.constant 48 : index
      %get3A_819 = tpu.vector_load %arg8[%get3A_817, %get3A_818] {strides = array<i32>} : memref<50x64xf32, #tpu.memory_space<vmem>>, vector<16xf32>,
      %add3A_820 = arith.addf %add3A_800, %get3A_819 : vector<16xf32>
      %get3A_821 = arith.constant 38 : i32
      %get3A_822 = arith.index_cast %get3A_821 : i32 to index
      %get3A_823 = arith.constant 0 : index
      %get3A_824 = tpu.vector_load %arg8[%get3A_822, %get3A_823] {strides = array<i32>} : memref<50x64xf32, #tpu.memory_space<vmem>>, vector<16xf32>,
      %add3A_825 = arith.addf %add3A_805, %get3A_824 : vector<16xf32>
      %get3A_826 = arith.constant 38 : i32
      %get3A_827 = arith.index_cast %get3A_826 : i32 to index
      %get3A_828 = arith.constant 16 : index
      %get3A_829 = tpu.vector_load %arg8[%get3A_827, %get3A_828] {strides = array<i32>} : memref<50x64xf32, #tpu.memory_space<vmem>>, vector<16xf32>,
      %add3A_830 = arith.addf %add3A_810, %get3A_829 : vector<16xf32>
      %get3A_831 = arith.constant 38 : i32
      %get3A_832 = arith.index_cast %get3A_831 : i32 to index
      %get3A_833 = arith.constant 32 : index
      %get3A_834 = tpu.vector_load %arg8[%get3A_832, %get3A_833] {strides = array<i32>} : memref<50x64xf32, #tpu.memory_space<vmem>>, vector<16xf32>,
      %add3A_835 = arith.addf %add3A_815, %get3A_834 : vector<16xf32>
      %get3A_836 = arith.constant 38 : i32
      %get3A_837 = arith.index_cast %get3A_836 : i32 to index
      %get3A_838 = arith.constant 48 : index
      %get3A_839 = tpu.vector_load %arg8[%get3A_837, %get3A_838] {strides = array<i32>} : memref<50x64xf32, #tpu.memory_space<vmem>>, vector<16xf32>,
      %add3A_840 = arith.addf %add3A_820, %get3A_839 : vector<16xf32>
      %get3A_841 = arith.constant 39 : i32
      %get3A_842 = arith.index_cast %get3A_841 : i32 to index
      %get3A_843 = arith.constant 0 : index
      %get3A_844 = tpu.vector_load %arg8[%get3A_842, %get3A_843] {strides = array<i32>} : memref<50x64xf32, #tpu.memory_space<vmem>>, vector<16xf32>,
      %add3A_845 = arith.addf %add3A_825, %get3A_844 : vector<16xf32>
      %get3A_846 = arith.constant 39 : i32
      %get3A_847 = arith.index_cast %get3A_846 : i32 to index
      %get3A_848 = arith.constant 16 : index
      %get3A_849 = tpu.vector_load %arg8[%get3A_847, %get3A_848] {strides = array<i32>} : memref<50x64xf32, #tpu.memory_space<vmem>>, vector<16xf32>,
      %add3A_850 = arith.addf %add3A_830, %get3A_849 : vector<16xf32>
      %get3A_851 = arith.constant 39 : i32
      %get3A_852 = arith.index_cast %get3A_851 : i32 to index
      %get3A_853 = arith.constant 32 : index
      %get3A_854 = tpu.vector_load %arg8[%get3A_852, %get3A_853] {strides = array<i32>} : memref<50x64xf32, #tpu.memory_space<vmem>>, vector<16xf32>,
      %add3A_855 = arith.addf %add3A_835, %get3A_854 : vector<16xf32>
      %get3A_856 = arith.constant 39 : i32
      %get3A_857 = arith.index_cast %get3A_856 : i32 to index
      %get3A_858 = arith.constant 48 : index
      %get3A_859 = tpu.vector_load %arg8[%get3A_857, %get3A_858] {strides = array<i32>} : memref<50x64xf32, #tpu.memory_space<vmem>>, vector<16xf32>,
      %add3A_860 = arith.addf %add3A_840, %get3A_859 : vector<16xf32>
      %get3A_861 = arith.constant 40 : i32
      %get3A_862 = arith.index_cast %get3A_861 : i32 to index
      %get3A_863 = arith.constant 0 : index
      %get3A_864 = tpu.vector_load %arg8[%get3A_862, %get3A_863] {strides = array<i32>} : memref<50x64xf32, #tpu.memory_space<vmem>>, vector<16xf32>,
      %add3A_865 = arith.addf %add3A_845, %get3A_864 : vector<16xf32>
      %get3A_866 = arith.constant 40 : i32
      %get3A_867 = arith.index_cast %get3A_866 : i32 to index
      %get3A_868 = arith.constant 16 : index
      %get3A_869 = tpu.vector_load %arg8[%get3A_867, %get3A_868] {strides = array<i32>} : memref<50x64xf32, #tpu.memory_space<vmem>>, vector<16xf32>,
      %add3A_870 = arith.addf %add3A_850, %get3A_869 : vector<16xf32>
      %get3A_871 = arith.constant 40 : i32
      %get3A_872 = arith.index_cast %get3A_871 : i32 to index
      %get3A_873 = arith.constant 32 : index
      %get3A_874 = tpu.vector_load %arg8[%get3A_872, %get3A_873] {strides = array<i32>} : memref<50x64xf32, #tpu.memory_space<vmem>>, vector<16xf32>,
      %add3A_875 = arith.addf %add3A_855, %get3A_874 : vector<16xf32>
      %get3A_876 = arith.constant 40 : i32
      %get3A_877 = arith.index_cast %get3A_876 : i32 to index
      %get3A_878 = arith.constant 48 : index
      %get3A_879 = tpu.vector_load %arg8[%get3A_877, %get3A_878] {strides = array<i32>} : memref<50x64xf32, #tpu.memory_space<vmem>>, vector<16xf32>,
      %add3A_880 = arith.addf %add3A_860, %get3A_879 : vector<16xf32>
      %get3A_881 = arith.constant 41 : i32
      %get3A_882 = arith.index_cast %get3A_881 : i32 to index
      %get3A_883 = arith.constant 0 : index
      %get3A_884 = tpu.vector_load %arg8[%get3A_882, %get3A_883] {strides = array<i32>} : memref<50x64xf32, #tpu.memory_space<vmem>>, vector<16xf32>,
      %add3A_885 = arith.addf %add3A_865, %get3A_884 : vector<16xf32>
      %get3A_886 = arith.constant 41 : i32
      %get3A_887 = arith.index_cast %get3A_886 : i32 to index
      %get3A_888 = arith.constant 16 : index
      %get3A_889 = tpu.vector_load %arg8[%get3A_887, %get3A_888] {strides = array<i32>} : memref<50x64xf32, #tpu.memory_space<vmem>>, vector<16xf32>,
      %add3A_890 = arith.addf %add3A_870, %get3A_889 : vector<16xf32>
      %get3A_891 = arith.constant 41 : i32
      %get3A_892 = arith.index_cast %get3A_891 : i32 to index
      %get3A_893 = arith.constant 32 : index
      %get3A_894 = tpu.vector_load %arg8[%get3A_892, %get3A_893] {strides = array<i32>} : memref<50x64xf32, #tpu.memory_space<vmem>>, vector<16xf32>,
      %add3A_895 = arith.addf %add3A_875, %get3A_894 : vector<16xf32>
      %get3A_896 = arith.constant 41 : i32
      %get3A_897 = arith.index_cast %get3A_896 : i32 to index
      %get3A_898 = arith.constant 48 : index
      %get3A_899 = tpu.vector_load %arg8[%get3A_897, %get3A_898] {strides = array<i32>} : memref<50x64xf32, #tpu.memory_space<vmem>>, vector<16xf32>,
      %add3A_900 = arith.addf %add3A_880, %get3A_899 : vector<16xf32>
      %get3A_901 = arith.constant 42 : i32
      %get3A_902 = arith.index_cast %get3A_901 : i32 to index
      %get3A_903 = arith.constant 0 : index
      %get3A_904 = tpu.vector_load %arg8[%get3A_902, %get3A_903] {strides = array<i32>} : memref<50x64xf32, #tpu.memory_space<vmem>>, vector<16xf32>,
      %add3A_905 = arith.addf %add3A_885, %get3A_904 : vector<16xf32>
      %get3A_906 = arith.constant 42 : i32
      %get3A_907 = arith.index_cast %get3A_906 : i32 to index
      %get3A_908 = arith.constant 16 : index
      %get3A_909 = tpu.vector_load %arg8[%get3A_907, %get3A_908] {strides = array<i32>} : memref<50x64xf32, #tpu.memory_space<vmem>>, vector<16xf32>,
      %add3A_910 = arith.addf %add3A_890, %get3A_909 : vector<16xf32>
      %get3A_911 = arith.constant 42 : i32
      %get3A_912 = arith.index_cast %get3A_911 : i32 to index
      %get3A_913 = arith.constant 32 : index
      %get3A_914 = tpu.vector_load %arg8[%get3A_912, %get3A_913] {strides = array<i32>} : memref<50x64xf32, #tpu.memory_space<vmem>>, vector<16xf32>,
      %add3A_915 = arith.addf %add3A_895, %get3A_914 : vector<16xf32>
      %get3A_916 = arith.constant 42 : i32
      %get3A_917 = arith.index_cast %get3A_916 : i32 to index
      %get3A_918 = arith.constant 48 : index
      %get3A_919 = tpu.vector_load %arg8[%get3A_917, %get3A_918] {strides = array<i32>} : memref<50x64xf32, #tpu.memory_space<vmem>>, vector<16xf32>,
      %add3A_920 = arith.addf %add3A_900, %get3A_919 : vector<16xf32>
      %get3A_921 = arith.constant 43 : i32
      %get3A_922 = arith.index_cast %get3A_921 : i32 to index
      %get3A_923 = arith.constant 0 : index
      %get3A_924 = tpu.vector_load %arg8[%get3A_922, %get3A_923] {strides = array<i32>} : memref<50x64xf32, #tpu.memory_space<vmem>>, vector<16xf32>,
      %add3A_925 = arith.addf %add3A_905, %get3A_924 : vector<16xf32>
      %get3A_926 = arith.constant 43 : i32
      %get3A_927 = arith.index_cast %get3A_926 : i32 to index
      %get3A_928 = arith.constant 16 : index
      %get3A_929 = tpu.vector_load %arg8[%get3A_927, %get3A_928] {strides = array<i32>} : memref<50x64xf32, #tpu.memory_space<vmem>>, vector<16xf32>,
      %add3A_930 = arith.addf %add3A_910, %get3A_929 : vector<16xf32>
      %get3A_931 = arith.constant 43 : i32
      %get3A_932 = arith.index_cast %get3A_931 : i32 to index
      %get3A_933 = arith.constant 32 : index
      %get3A_934 = tpu.vector_load %arg8[%get3A_932, %get3A_933] {strides = array<i32>} : memref<50x64xf32, #tpu.memory_space<vmem>>, vector<16xf32>,
      %add3A_935 = arith.addf %add3A_915, %get3A_934 : vector<16xf32>
      %get3A_936 = arith.constant 43 : i32
      %get3A_937 = arith.index_cast %get3A_936 : i32 to index
      %get3A_938 = arith.constant 48 : index
      %get3A_939 = tpu.vector_load %arg8[%get3A_937, %get3A_938] {strides = array<i32>} : memref<50x64xf32, #tpu.memory_space<vmem>>, vector<16xf32>,
      %add3A_940 = arith.addf %add3A_920, %get3A_939 : vector<16xf32>
      %get3A_941 = arith.constant 44 : i32
      %get3A_942 = arith.index_cast %get3A_941 : i32 to index
      %get3A_943 = arith.constant 0 : index
      %get3A_944 = tpu.vector_load %arg8[%get3A_942, %get3A_943] {strides = array<i32>} : memref<50x64xf32, #tpu.memory_space<vmem>>, vector<16xf32>,
      %add3A_945 = arith.addf %add3A_925, %get3A_944 : vector<16xf32>
      %get3A_946 = arith.constant 44 : i32
      %get3A_947 = arith.index_cast %get3A_946 : i32 to index
      %get3A_948 = arith.constant 16 : index
      %get3A_949 = tpu.vector_load %arg8[%get3A_947, %get3A_948] {strides = array<i32>} : memref<50x64xf32, #tpu.memory_space<vmem>>, vector<16xf32>,
      %add3A_950 = arith.addf %add3A_930, %get3A_949 : vector<16xf32>
      %get3A_951 = arith.constant 44 : i32
      %get3A_952 = arith.index_cast %get3A_951 : i32 to index
      %get3A_953 = arith.constant 32 : index
      %get3A_954 = tpu.vector_load %arg8[%get3A_952, %get3A_953] {strides = array<i32>} : memref<50x64xf32, #tpu.memory_space<vmem>>, vector<16xf32>,
      %add3A_955 = arith.addf %add3A_935, %get3A_954 : vector<16xf32>
      %get3A_956 = arith.constant 44 : i32
      %get3A_957 = arith.index_cast %get3A_956 : i32 to index
      %get3A_958 = arith.constant 48 : index
      %get3A_959 = tpu.vector_load %arg8[%get3A_957, %get3A_958] {strides = array<i32>} : memref<50x64xf32, #tpu.memory_space<vmem>>, vector<16xf32>,
      %add3A_960 = arith.addf %add3A_940, %get3A_959 : vector<16xf32>
      %get3A_961 = arith.constant 45 : i32
      %get3A_962 = arith.index_cast %get3A_961 : i32 to index
      %get3A_963 = arith.constant 0 : index
      %get3A_964 = tpu.vector_load %arg8[%get3A_962, %get3A_963] {strides = array<i32>} : memref<50x64xf32, #tpu.memory_space<vmem>>, vector<16xf32>,
      %add3A_965 = arith.addf %add3A_945, %get3A_964 : vector<16xf32>
      %get3A_966 = arith.constant 45 : i32
      %get3A_967 = arith.index_cast %get3A_966 : i32 to index
      %get3A_968 = arith.constant 16 : index
      %get3A_969 = tpu.vector_load %arg8[%get3A_967, %get3A_968] {strides = array<i32>} : memref<50x64xf32, #tpu.memory_space<vmem>>, vector<16xf32>,
      %add3A_970 = arith.addf %add3A_950, %get3A_969 : vector<16xf32>
      %get3A_971 = arith.constant 45 : i32
      %get3A_972 = arith.index_cast %get3A_971 : i32 to index
      %get3A_973 = arith.constant 32 : index
      %get3A_974 = tpu.vector_load %arg8[%get3A_972, %get3A_973] {strides = array<i32>} : memref<50x64xf32, #tpu.memory_space<vmem>>, vector<16xf32>,
      %add3A_975 = arith.addf %add3A_955, %get3A_974 : vector<16xf32>
      %get3A_976 = arith.constant 45 : i32
      %get3A_977 = arith.index_cast %get3A_976 : i32 to index
      %get3A_978 = arith.constant 48 : index
      %get3A_979 = tpu.vector_load %arg8[%get3A_977, %get3A_978] {strides = array<i32>} : memref<50x64xf32, #tpu.memory_space<vmem>>, vector<16xf32>,
      %add3A_980 = arith.addf %add3A_960, %get3A_979 : vector<16xf32>
      %get3A_981 = arith.constant 46 : i32
      %get3A_982 = arith.index_cast %get3A_981 : i32 to index
      %get3A_983 = arith.constant 0 : index
      %get3A_984 = tpu.vector_load %arg8[%get3A_982, %get3A_983] {strides = array<i32>} : memref<50x64xf32, #tpu.memory_space<vmem>>, vector<16xf32>,
      %add3A_985 = arith.addf %add3A_965, %get3A_984 : vector<16xf32>
      %get3A_986 = arith.constant 46 : i32
      %get3A_987 = arith.index_cast %get3A_986 : i32 to index
      %get3A_988 = arith.constant 16 : index
      %get3A_989 = tpu.vector_load %arg8[%get3A_987, %get3A_988] {strides = array<i32>} : memref<50x64xf32, #tpu.memory_space<vmem>>, vector<16xf32>,
      %add3A_990 = arith.addf %add3A_970, %get3A_989 : vector<16xf32>
      %get3A_991 = arith.constant 46 : i32
      %get3A_992 = arith.index_cast %get3A_991 : i32 to index
      %get3A_993 = arith.constant 32 : index
      %get3A_994 = tpu.vector_load %arg8[%get3A_992, %get3A_993] {strides = array<i32>} : memref<50x64xf32, #tpu.memory_space<vmem>>, vector<16xf32>,
      %add3A_995 = arith.addf %add3A_975, %get3A_994 : vector<16xf32>
      %get3A_996 = arith.constant 46 : i32
      %get3A_997 = arith.index_cast %get3A_996 : i32 to index
      %get3A_998 = arith.constant 48 : index
      %get3A_999 = tpu.vector_load %arg8[%get3A_997, %get3A_998] {strides = array<i32>} : memref<50x64xf32, #tpu.memory_space<vmem>>, vector<16xf32>,
      %add3A_1000 = arith.addf %add3A_980, %get3A_999 : vector<16xf32>
      %get3A_1001 = arith.constant 47 : i32
      %get3A_1002 = arith.index_cast %get3A_1001 : i32 to index
      %get3A_1003 = arith.constant 0 : index
      %get3A_1004 = tpu.vector_load %arg8[%get3A_1002, %get3A_1003] {strides = array<i32>} : memref<50x64xf32, #tpu.memory_space<vmem>>, vector<16xf32>,
      %add3A_1005 = arith.addf %add3A_985, %get3A_1004 : vector<16xf32>
      %get3A_1006 = arith.constant 47 : i32
      %get3A_1007 = arith.index_cast %get3A_1006 : i32 to index
      %get3A_1008 = arith.constant 16 : index
      %get3A_1009 = tpu.vector_load %arg8[%get3A_1007, %get3A_1008] {strides = array<i32>} : memref<50x64xf32, #tpu.memory_space<vmem>>, vector<16xf32>,
      %add3A_1010 = arith.addf %add3A_990, %get3A_1009 : vector<16xf32>
      %get3A_1011 = arith.constant 47 : i32
      %get3A_1012 = arith.index_cast %get3A_1011 : i32 to index
      %get3A_1013 = arith.constant 32 : index
      %get3A_1014 = tpu.vector_load %arg8[%get3A_1012, %get3A_1013] {strides = array<i32>} : memref<50x64xf32, #tpu.memory_space<vmem>>, vector<16xf32>,
      %add3A_1015 = arith.addf %add3A_995, %get3A_1014 : vector<16xf32>
      %get3A_1016 = arith.constant 47 : i32
      %get3A_1017 = arith.index_cast %get3A_1016 : i32 to index
      %get3A_1018 = arith.constant 48 : index
      %get3A_1019 = tpu.vector_load %arg8[%get3A_1017, %get3A_1018] {strides = array<i32>} : memref<50x64xf32, #tpu.memory_space<vmem>>, vector<16xf32>,
      %add3A_1020 = arith.addf %add3A_1000, %get3A_1019 : vector<16xf32>
      %get3A_1021 = arith.constant 48 : i32
      %get3A_1022 = arith.index_cast %get3A_1021 : i32 to index
      %get3A_1023 = arith.constant 0 : index
      %get3A_1024 = tpu.vector_load %arg8[%get3A_1022, %get3A_1023] {strides = array<i32>} : memref<50x64xf32, #tpu.memory_space<vmem>>, vector<16xf32>,
      %add3A_1025 = arith.addf %add3A_1005, %get3A_1024 : vector<16xf32>
      %get3A_1026 = arith.constant 48 : i32
      %get3A_1027 = arith.index_cast %get3A_1026 : i32 to index
      %get3A_1028 = arith.constant 16 : index
      %get3A_1029 = tpu.vector_load %arg8[%get3A_1027, %get3A_1028] {strides = array<i32>} : memref<50x64xf32, #tpu.memory_space<vmem>>, vector<16xf32>,
      %add3A_1030 = arith.addf %add3A_1010, %get3A_1029 : vector<16xf32>
      %get3A_1031 = arith.constant 48 : i32
      %get3A_1032 = arith.index_cast %get3A_1031 : i32 to index
      %get3A_1033 = arith.constant 32 : index
      %get3A_1034 = tpu.vector_load %arg8[%get3A_1032, %get3A_1033] {strides = array<i32>} : memref<50x64xf32, #tpu.memory_space<vmem>>, vector<16xf32>,
      %add3A_1035 = arith.addf %add3A_1015, %get3A_1034 : vector<16xf32>
      %get3A_1036 = arith.constant 48 : i32
      %get3A_1037 = arith.index_cast %get3A_1036 : i32 to index
      %get3A_1038 = arith.constant 48 : index
      %get3A_1039 = tpu.vector_load %arg8[%get3A_1037, %get3A_1038] {strides = array<i32>} : memref<50x64xf32, #tpu.memory_space<vmem>>, vector<16xf32>,
      %add3A_1040 = arith.addf %add3A_1020, %get3A_1039 : vector<16xf32>
      %get3A_1041 = arith.constant 49 : i32
      %get3A_1042 = arith.index_cast %get3A_1041 : i32 to index
      %get3A_1043 = arith.constant 0 : index
      %get3A_1044 = tpu.vector_load %arg8[%get3A_1042, %get3A_1043] {strides = array<i32>} : memref<50x64xf32, #tpu.memory_space<vmem>>, vector<16xf32>,
      %add3A_1045 = arith.addf %add3A_1025, %get3A_1044 : vector<16xf32>
      %get3A_1046 = arith.constant 49 : i32
      %get3A_1047 = arith.index_cast %get3A_1046 : i32 to index
      %get3A_1048 = arith.constant 16 : index
      %get3A_1049 = tpu.vector_load %arg8[%get3A_1047, %get3A_1048] {strides = array<i32>} : memref<50x64xf32, #tpu.memory_space<vmem>>, vector<16xf32>,
      %add3A_1050 = arith.addf %add3A_1030, %get3A_1049 : vector<16xf32>
      %get3A_1051 = arith.constant 49 : i32
      %get3A_1052 = arith.index_cast %get3A_1051 : i32 to index
      %get3A_1053 = arith.constant 32 : index
      %get3A_1054 = tpu.vector_load %arg8[%get3A_1052, %get3A_1053] {strides = array<i32>} : memref<50x64xf32, #tpu.memory_space<vmem>>, vector<16xf32>,
      %add3A_1055 = arith.addf %add3A_1035, %get3A_1054 : vector<16xf32>
      %get3A_1056 = arith.constant 49 : i32
      %get3A_1057 = arith.index_cast %get3A_1056 : i32 to index
      %get3A_1058 = arith.constant 48 : index
      %get3A_1059 = tpu.vector_load %arg8[%get3A_1057, %get3A_1058] {strides = array<i32>} : memref<50x64xf32, #tpu.memory_space<vmem>>, vector<16xf32>,
      %add3A_1060 = arith.addf %add3A_1040, %get3A_1059 : vector<16xf32>
      %add3A_1061 = arith.addf %add3A_1045, %add3A_1050 : vector<16xf32>
      %add3A_1062 = arith.addf %add3A_1055, %add3A_1060 : vector<16xf32>
      %add3A_1063 = arith.addf %add3A_1061, %add3A_1062 : vector<16xf32>
      %broadcast_in_dim3A = arith.constant 15 : i32
      %broadcast_in_dim3A_1064 = vector.broadcast %broadcast_in_dim3A : i32 to vector<16xi32>
      %broadcast_in_dim3A_1065 = arith.constant true
      %broadcast_in_dim3A_1066 = vector.broadcast %broadcast_in_dim3A_1065 : i1 to vector<16xi1>
      %masked_cumsum3A = tpu.scan <sum>, %add3A_1063 masked %broadcast_in_dim3A_1066 : vector<16xf32>, vector<16xi1> -> vector<16xf32>
      %lt3A = arith.constant 0 : i32
      %lt3A_1067 = vector.broadcast %lt3A : i32 to vector<16xi32>
      %lt3A_1068 = arith.cmpi slt, %broadcast_in_dim3A_1064, %lt3A_1067 : vector<16xi32>
      %add3A_1069 = arith.constant 16 : i32
      %add3A_1070 = vector.broadcast %add3A_1069 : i32 to vector<16xi32>
      %add3A_1071 = arith.addi %broadcast_in_dim3A_1064, %add3A_1070 : vector<16xi32>
      %select_n3A = arith.select %lt3A_1068, %add3A_1071, %broadcast_in_dim3A_1064 : vector<16xi1>, vector<16xi32>
      %broadcast_in_dim3A_1072 = vector.shape_cast %select_n3A : vector<16xi32> to vector<16x1xi32>
      %gather3A = vector.shape_cast %broadcast_in_dim3A_1072 : vector<16x1xi32> to vector<16xi32>
      %gather3A_1073 = tpu.dynamic_gather %masked_cumsum3A[%gather3A] in [0] : vector<16xf32>, vector<16xi32> -> vector<16xf32>
      %mul3A_1074 = arith.constant 1.562500e-02 : f32
      %mul3A_1075 = vector.broadcast %mul3A_1074 : f32 to vector<16xf32>
      %mul3A_1076 = arith.mulf %gather3A_1073, %mul3A_1075 : vector<16xf32>
      %sub3A = arith.subf %add3A_1045, %mul3A_1076 : vector<16xf32>
      %sub3A_1077 = arith.subf %add3A_1050, %mul3A_1076 : vector<16xf32>
      %sub3A_1078 = arith.subf %add3A_1055, %mul3A_1076 : vector<16xf32>
      %sub3A_1079 = arith.subf %add3A_1060, %mul3A_1076 : vector<16xf32>
      %mul3A_1080 = arith.mulf %sub3A, %sub3A : vector<16xf32>
      %mul3A_1081 = arith.mulf %sub3A_1077, %sub3A_1077 : vector<16xf32>
      %add3A_1082 = arith.addf %mul3A_1080, %mul3A_1081 : vector<16xf32>
      %mul3A_1083 = arith.mulf %sub3A_1078, %sub3A_1078 : vector<16xf32>
      %mul3A_1084 = arith.mulf %sub3A_1079, %sub3A_1079 : vector<16xf32>
      %add3A_1085 = arith.addf %mul3A_1083, %mul3A_1084 : vector<16xf32>
      %add3A_1086 = arith.addf %add3A_1082, %add3A_1085 : vector<16xf32>
      %broadcast_in_dim3A_1087 = arith.constant 15 : i32
      %broadcast_in_dim3A_1088 = vector.broadcast %broadcast_in_dim3A_1087 : i32 to vector<16xi32>
      %broadcast_in_dim3A_1089 = arith.constant true
      %broadcast_in_dim3A_1090 = vector.broadcast %broadcast_in_dim3A_1089 : i1 to vector<16xi1>
      %masked_cumsum3A_1091 = tpu.scan <sum>, %add3A_1086 masked %broadcast_in_dim3A_1090 : vector<16xf32>, vector<16xi1> -> vector<16xf32>
      %lt3A_1092 = arith.constant 0 : i32
      %lt3A_1093 = vector.broadcast %lt3A_1092 : i32 to vector<16xi32>
      %lt3A_1094 = arith.cmpi slt, %broadcast_in_dim3A_1088, %lt3A_1093 : vector<16xi32>
      %add3A_1095 = arith.constant 16 : i32
      %add3A_1096 = vector.broadcast %add3A_1095 : i32 to vector<16xi32>
      %add3A_1097 = arith.addi %broadcast_in_dim3A_1088, %add3A_1096 : vector<16xi32>
      %select_n3A_1098 = arith.select %lt3A_1094, %add3A_1097, %broadcast_in_dim3A_1088 : vector<16xi1>, vector<16xi32>
      %broadcast_in_dim3A_1099 = vector.shape_cast %select_n3A_1098 : vector<16xi32> to vector<16x1xi32>
      %gather3A_1100 = vector.shape_cast %broadcast_in_dim3A_1099 : vector<16x1xi32> to vector<16xi32>
      %gather3A_1101 = tpu.dynamic_gather %masked_cumsum3A_1091[%gather3A_1100] in [0] : vector<16xf32>, vector<16xi32> -> vector<16xf32>
      %mul3A_1102 = arith.constant 1.562500e-02 : f32
      %mul3A_1103 = vector.broadcast %mul3A_1102 : f32 to vector<16xf32>
      %mul3A_1104 = arith.mulf %gather3A_1101, %mul3A_1103 : vector<16xf32>
      %add3A_1105 = arith.constant 9.99999996E-13 : f32
      %add3A_1106 = vector.broadcast %add3A_1105 : f32 to vector<16xf32>
      %add3A_1107 = arith.addf %mul3A_1104, %add3A_1106 : vector<16xf32>
      %bitcast3A = vector.bitcast %add3A_1107 : vector<16xf32> to vector<16xi32>
      %shift_right_arithmetic3A = arith.constant 1 : i32
      %shift_right_arithmetic3A_1108 = vector.broadcast %shift_right_arithmetic3A : i32 to vector<16xi32>
      %shift_right_arithmetic3A_1109 = arith.shrsi %bitcast3A, %shift_right_arithmetic3A_1108 : vector<16xi32>
      %sub3A_1110 = arith.constant 1597463007 : i32
      %sub3A_1111 = vector.broadcast %sub3A_1110 : i32 to vector<16xi32>
      %sub3A_1112 = arith.subi %sub3A_1111, %shift_right_arithmetic3A_1109 : vector<16xi32>
      %bitcast3A_1113 = vector.bitcast %sub3A_1112 : vector<16xi32> to vector<16xf32>
      %mul3A_1114 = arith.constant 5.000000e-01 : f32
      %mul3A_1115 = vector.broadcast %mul3A_1114 : f32 to vector<16xf32>
      %mul3A_1116 = arith.mulf %add3A_1107, %mul3A_1115 : vector<16xf32>
      %mul3A_1117 = arith.mulf %mul3A_1116, %bitcast3A_1113 : vector<16xf32>
      %mul3A_1118 = arith.mulf %mul3A_1117, %bitcast3A_1113 : vector<16xf32>
      %sub3A_1119 = arith.constant 1.500000e+00 : f32
      %sub3A_1120 = vector.broadcast %sub3A_1119 : f32 to vector<16xf32>
      %sub3A_1121 = arith.subf %sub3A_1120, %mul3A_1118 : vector<16xf32>
      %mul3A_1122 = arith.mulf %bitcast3A_1113, %sub3A_1121 : vector<16xf32>
      %mul3A_1123 = arith.mulf %mul3A_1116, %mul3A_1122 : vector<16xf32>
      %mul3A_1124 = arith.mulf %mul3A_1123, %mul3A_1122 : vector<16xf32>
      %sub3A_1125 = arith.constant 1.500000e+00 : f32
      %sub3A_1126 = vector.broadcast %sub3A_1125 : f32 to vector<16xf32>
      %sub3A_1127 = arith.subf %sub3A_1126, %mul3A_1124 : vector<16xf32>
      %mul3A_1128 = arith.mulf %mul3A_1122, %sub3A_1127 : vector<16xf32>
      %mul3A_1129 = arith.mulf %mul3A_1116, %mul3A_1128 : vector<16xf32>
      %mul3A_1130 = arith.mulf %mul3A_1129, %mul3A_1128 : vector<16xf32>
      %sub3A_1131 = arith.constant 1.500000e+00 : f32
      %sub3A_1132 = vector.broadcast %sub3A_1131 : f32 to vector<16xf32>
      %sub3A_1133 = arith.subf %sub3A_1132, %mul3A_1130 : vector<16xf32>
      %mul3A_1134 = arith.mulf %mul3A_1128, %sub3A_1133 : vector<16xf32>
      %mul3A_1135 = arith.mulf %sub3A, %mul3A_1134 : vector<16xf32>
      %mul3A_1136 = arith.mulf %mul3A_1135, %get3A_3 : vector<16xf32>
      %add3A_1137 = arith.addf %mul3A_1136, %get3A_11 : vector<16xf32>
      %swap3A = arith.index_cast %add3A_59 : i32 to index
      %swap3A_1138 = arith.constant 0 : index
      %swap3A_1139 = tpu.vector_load %arg12[%swap3A, %swap3A_1138] {strides = array<i32>} : memref<128x64xf32, #tpu.memory_space<vmem>>, vector<16xf32>,
      tpu.vector_store %arg12[%swap3A, %swap3A_1138], %add3A_1137 {strides = array<i32>} : memref<128x64xf32, #tpu.memory_space<vmem>>, vector<16xf32>,
      %mul3A_1140 = arith.mulf %sub3A_1077, %mul3A_1134 : vector<16xf32>
      %mul3A_1141 = arith.mulf %mul3A_1140, %get3A_5 : vector<16xf32>
      %add3A_1142 = arith.addf %mul3A_1141, %get3A_13 : vector<16xf32>
      %swap3A_1143 = arith.index_cast %add3A_59 : i32 to index
      %swap3A_1144 = arith.constant 16 : index
      %swap3A_1145 = tpu.vector_load %arg12[%swap3A_1143, %swap3A_1144] {strides = array<i32>} : memref<128x64xf32, #tpu.memory_space<vmem>>, vector<16xf32>,
      tpu.vector_store %arg12[%swap3A_1143, %swap3A_1144], %add3A_1142 {strides = array<i32>} : memref<128x64xf32, #tpu.memory_space<vmem>>, vector<16xf32>,
      %mul3A_1146 = arith.mulf %sub3A_1078, %mul3A_1134 : vector<16xf32>
      %mul3A_1147 = arith.mulf %mul3A_1146, %get3A_7 : vector<16xf32>
      %add3A_1148 = arith.addf %mul3A_1147, %get3A_15 : vector<16xf32>
      %swap3A_1149 = arith.index_cast %add3A_59 : i32 to index
      %swap3A_1150 = arith.constant 32 : index
      %swap3A_1151 = tpu.vector_load %arg12[%swap3A_1149, %swap3A_1150] {strides = array<i32>} : memref<128x64xf32, #tpu.memory_space<vmem>>, vector<16xf32>,
      tpu.vector_store %arg12[%swap3A_1149, %swap3A_1150], %add3A_1148 {strides = array<i32>} : memref<128x64xf32, #tpu.memory_space<vmem>>, vector<16xf32>,
      %mul3A_1152 = arith.mulf %sub3A_1079, %mul3A_1134 : vector<16xf32>
      %mul3A_1153 = arith.mulf %mul3A_1152, %get3A_9 : vector<16xf32>
      %add3A_1154 = arith.addf %mul3A_1153, %get3A_17 : vector<16xf32>
      %swap3A_1155 = arith.index_cast %add3A_59 : i32 to index
      %swap3A_1156 = arith.constant 48 : index
      %swap3A_1157 = tpu.vector_load %arg12[%swap3A_1155, %swap3A_1156] {strides = array<i32>} : memref<128x64xf32, #tpu.memory_space<vmem>>, vector<16xf32>,
      tpu.vector_store %arg12[%swap3A_1155, %swap3A_1156], %add3A_1154 {strides = array<i32>} : memref<128x64xf32, #tpu.memory_space<vmem>>, vector<16xf32>,
      %add3A_1158 = arith.constant 4 : i32
      %add3A_1159 = arith.addi %add3A_59, %add3A_1158 : i32
      %lt3A_1160 = arith.constant 128 : i32
      %lt3A_1161 = arith.cmpi slt, %add3A_1159, %lt3A_1160 : i32
      %convert_element_type3A = arith.extui %lt3A_1161 : i1 to i32
      %cond3A = arith.constant 0 : i32
      %cond3A_1162 = arith.cmpi ne, %convert_element_type3A, %cond3A : i32
      scf.if %cond3A_1162 {
        %add3A_4520 = arith.constant 4 : i32
        %add3A_4521 = arith.addi %add3A_59, %add3A_4520 : i32
        %dma_start3A_4522 = arith.constant 0 : i32
        %dma_start3A_4523 = tpu.memref_slice %arg7[%add3A_4521, %dma_start3A_4522] : memref<128x50xi32, #tpu.memory_space<vmem>> -> memref<1x50xi32, #tpu.memory_space<vmem>>
        %dma_start3A_4524 = tpu.memref_squeeze %dma_start3A_4523 : memref<1x50xi32, #tpu.memory_space<vmem>> -> memref<50xi32, #tpu.memory_space<vmem>>
        %dma_start3A_4525 = arith.constant 0 : i32
        %dma_start3A_4526 = arith.constant 0 : i32
        %dma_start3A_4527 = tpu.memref_slice %arg2[%dma_start3A_4525, %dma_start3A_4526] : memref<100000x64xf32, #tpu.memory_space<hbm>> -> memref<100000x64xf32, #tpu.memory_space<hbm>>
        tpu.enqueue_indirect_dma source(%dma_start3A_4527 : memref<100000x64xf32, #tpu.memory_space<hbm>>) target(%arg8 : memref<50x64xf32, #tpu.memory_space<vmem>>) offsets(%dma_start3A_4524 : memref<50xi32, #tpu.memory_space<vmem>>) semaphore(%arg15 : memref<!tpu.dma_semaphore, #tpu.memory_space<semaphore_mem>>)
      } else {
      }
      %mul3A_1163 = arith.constant 4 : i32
      %mul3A_1164 = arith.muli %add3A_55, %mul3A_1163 : i32
      %add3A_1165 = arith.constant 1 : i32
      %add3A_1166 = arith.addi %mul3A_1164, %add3A_1165 : i32
      %dma_wait3A_1167 = arith.constant 0 : i32
      %dma_wait3A_1168 = tpu.memref_slice %arg7[%add3A_1166, %dma_wait3A_1167] : memref<128x50xi32, #tpu.memory_space<vmem>> -> memref<1x50xi32, #tpu.memory_space<vmem>>
      %dma_wait3A_1169 = tpu.memref_squeeze %dma_wait3A_1168 : memref<1x50xi32, #tpu.memory_space<vmem>> -> memref<50xi32, #tpu.memory_space<vmem>>
      %dma_wait3A_1170 = arith.constant 0 : i32
      %dma_wait3A_1171 = arith.constant 0 : i32
      %dma_wait3A_1172 = tpu.memref_slice %arg2[%dma_wait3A_1170, %dma_wait3A_1171] : memref<100000x64xf32, #tpu.memory_space<hbm>> -> memref<100000x64xf32, #tpu.memory_space<hbm>>
      tpu.wait_indirect_dma semaphore(%arg16 : memref<!tpu.dma_semaphore, #tpu.memory_space<semaphore_mem>>) src(%dma_wait3A_1172 : memref<100000x64xf32, #tpu.memory_space<hbm>>) dst(%arg9 : memref<50x64xf32, #tpu.memory_space<vmem>>)
      %get3A_1173 = arith.constant 0 : i32
      %get3A_1174 = arith.index_cast %get3A_1173 : i32 to index
      %get3A_1175 = arith.constant 0 : index
      %get3A_1176 = tpu.vector_load %arg9[%get3A_1174, %get3A_1175] {strides = array<i32>} : memref<50x64xf32, #tpu.memory_space<vmem>>, vector<16xf32>,
      %get3A_1177 = arith.constant 0 : i32
      %get3A_1178 = arith.index_cast %get3A_1177 : i32 to index
      %get3A_1179 = arith.constant 16 : index
      %get3A_1180 = tpu.vector_load %arg9[%get3A_1178, %get3A_1179] {strides = array<i32>} : memref<50x64xf32, #tpu.memory_space<vmem>>, vector<16xf32>,
      %get3A_1181 = arith.constant 0 : i32
      %get3A_1182 = arith.index_cast %get3A_1181 : i32 to index
      %get3A_1183 = arith.constant 32 : index
      %get3A_1184 = tpu.vector_load %arg9[%get3A_1182, %get3A_1183] {strides = array<i32>} : memref<50x64xf32, #tpu.memory_space<vmem>>, vector<16xf32>,
      %get3A_1185 = arith.constant 0 : i32
      %get3A_1186 = arith.index_cast %get3A_1185 : i32 to index
      %get3A_1187 = arith.constant 48 : index
      %get3A_1188 = tpu.vector_load %arg9[%get3A_1186, %get3A_1187] {strides = array<i32>} : memref<50x64xf32, #tpu.memory_space<vmem>>, vector<16xf32>,
      %get3A_1189 = arith.constant 1 : i32
      %get3A_1190 = arith.index_cast %get3A_1189 : i32 to index
      %get3A_1191 = arith.constant 0 : index
      %get3A_1192 = tpu.vector_load %arg9[%get3A_1190, %get3A_1191] {strides = array<i32>} : memref<50x64xf32, #tpu.memory_space<vmem>>, vector<16xf32>,
      %add3A_1193 = arith.addf %get3A_1176, %get3A_1192 : vector<16xf32>
      %get3A_1194 = arith.constant 1 : i32
      %get3A_1195 = arith.index_cast %get3A_1194 : i32 to index
      %get3A_1196 = arith.constant 16 : index
      %get3A_1197 = tpu.vector_load %arg9[%get3A_1195, %get3A_1196] {strides = array<i32>} : memref<50x64xf32, #tpu.memory_space<vmem>>, vector<16xf32>,
      %add3A_1198 = arith.addf %get3A_1180, %get3A_1197 : vector<16xf32>
      %get3A_1199 = arith.constant 1 : i32
      %get3A_1200 = arith.index_cast %get3A_1199 : i32 to index
      %get3A_1201 = arith.constant 32 : index
      %get3A_1202 = tpu.vector_load %arg9[%get3A_1200, %get3A_1201] {strides = array<i32>} : memref<50x64xf32, #tpu.memory_space<vmem>>, vector<16xf32>,
      %add3A_1203 = arith.addf %get3A_1184, %get3A_1202 : vector<16xf32>
      %get3A_1204 = arith.constant 1 : i32
      %get3A_1205 = arith.index_cast %get3A_1204 : i32 to index
      %get3A_1206 = arith.constant 48 : index
      %get3A_1207 = tpu.vector_load %arg9[%get3A_1205, %get3A_1206] {strides = array<i32>} : memref<50x64xf32, #tpu.memory_space<vmem>>, vector<16xf32>,
      %add3A_1208 = arith.addf %get3A_1188, %get3A_1207 : vector<16xf32>
      %get3A_1209 = arith.constant 2 : i32
      %get3A_1210 = arith.index_cast %get3A_1209 : i32 to index
      %get3A_1211 = arith.constant 0 : index
      %get3A_1212 = tpu.vector_load %arg9[%get3A_1210, %get3A_1211] {strides = array<i32>} : memref<50x64xf32, #tpu.memory_space<vmem>>, vector<16xf32>,
      %add3A_1213 = arith.addf %add3A_1193, %get3A_1212 : vector<16xf32>
      %get3A_1214 = arith.constant 2 : i32
      %get3A_1215 = arith.index_cast %get3A_1214 : i32 to index
      %get3A_1216 = arith.constant 16 : index
      %get3A_1217 = tpu.vector_load %arg9[%get3A_1215, %get3A_1216] {strides = array<i32>} : memref<50x64xf32, #tpu.memory_space<vmem>>, vector<16xf32>,
      %add3A_1218 = arith.addf %add3A_1198, %get3A_1217 : vector<16xf32>
      %get3A_1219 = arith.constant 2 : i32
      %get3A_1220 = arith.index_cast %get3A_1219 : i32 to index
      %get3A_1221 = arith.constant 32 : index
      %get3A_1222 = tpu.vector_load %arg9[%get3A_1220, %get3A_1221] {strides = array<i32>} : memref<50x64xf32, #tpu.memory_space<vmem>>, vector<16xf32>,
      %add3A_1223 = arith.addf %add3A_1203, %get3A_1222 : vector<16xf32>
      %get3A_1224 = arith.constant 2 : i32
      %get3A_1225 = arith.index_cast %get3A_1224 : i32 to index
      %get3A_1226 = arith.constant 48 : index
      %get3A_1227 = tpu.vector_load %arg9[%get3A_1225, %get3A_1226] {strides = array<i32>} : memref<50x64xf32, #tpu.memory_space<vmem>>, vector<16xf32>,
      %add3A_1228 = arith.addf %add3A_1208, %get3A_1227 : vector<16xf32>
      %get3A_1229 = arith.constant 3 : i32
      %get3A_1230 = arith.index_cast %get3A_1229 : i32 to index
      %get3A_1231 = arith.constant 0 : index
      %get3A_1232 = tpu.vector_load %arg9[%get3A_1230, %get3A_1231] {strides = array<i32>} : memref<50x64xf32, #tpu.memory_space<vmem>>, vector<16xf32>,
      %add3A_1233 = arith.addf %add3A_1213, %get3A_1232 : vector<16xf32>
      %get3A_1234 = arith.constant 3 : i32
      %get3A_1235 = arith.index_cast %get3A_1234 : i32 to index
      %get3A_1236 = arith.constant 16 : index
      %get3A_1237 = tpu.vector_load %arg9[%get3A_1235, %get3A_1236] {strides = array<i32>} : memref<50x64xf32, #tpu.memory_space<vmem>>, vector<16xf32>,
      %add3A_1238 = arith.addf %add3A_1218, %get3A_1237 : vector<16xf32>
      %get3A_1239 = arith.constant 3 : i32
      %get3A_1240 = arith.index_cast %get3A_1239 : i32 to index
      %get3A_1241 = arith.constant 32 : index
      %get3A_1242 = tpu.vector_load %arg9[%get3A_1240, %get3A_1241] {strides = array<i32>} : memref<50x64xf32, #tpu.memory_space<vmem>>, vector<16xf32>,
      %add3A_1243 = arith.addf %add3A_1223, %get3A_1242 : vector<16xf32>
      %get3A_1244 = arith.constant 3 : i32
      %get3A_1245 = arith.index_cast %get3A_1244 : i32 to index
      %get3A_1246 = arith.constant 48 : index
      %get3A_1247 = tpu.vector_load %arg9[%get3A_1245, %get3A_1246] {strides = array<i32>} : memref<50x64xf32, #tpu.memory_space<vmem>>, vector<16xf32>,
      %add3A_1248 = arith.addf %add3A_1228, %get3A_1247 : vector<16xf32>
      %get3A_1249 = arith.constant 4 : i32
      %get3A_1250 = arith.index_cast %get3A_1249 : i32 to index
      %get3A_1251 = arith.constant 0 : index
      %get3A_1252 = tpu.vector_load %arg9[%get3A_1250, %get3A_1251] {strides = array<i32>} : memref<50x64xf32, #tpu.memory_space<vmem>>, vector<16xf32>,
      %add3A_1253 = arith.addf %add3A_1233, %get3A_1252 : vector<16xf32>
      %get3A_1254 = arith.constant 4 : i32
      %get3A_1255 = arith.index_cast %get3A_1254 : i32 to index
      %get3A_1256 = arith.constant 16 : index
      %get3A_1257 = tpu.vector_load %arg9[%get3A_1255, %get3A_1256] {strides = array<i32>} : memref<50x64xf32, #tpu.memory_space<vmem>>, vector<16xf32>,
      %add3A_1258 = arith.addf %add3A_1238, %get3A_1257 : vector<16xf32>
      %get3A_1259 = arith.constant 4 : i32
      %get3A_1260 = arith.index_cast %get3A_1259 : i32 to index
      %get3A_1261 = arith.constant 32 : index
      %get3A_1262 = tpu.vector_load %arg9[%get3A_1260, %get3A_1261] {strides = array<i32>} : memref<50x64xf32, #tpu.memory_space<vmem>>, vector<16xf32>,
      %add3A_1263 = arith.addf %add3A_1243, %get3A_1262 : vector<16xf32>
      %get3A_1264 = arith.constant 4 : i32
      %get3A_1265 = arith.index_cast %get3A_1264 : i32 to index
      %get3A_1266 = arith.constant 48 : index
      %get3A_1267 = tpu.vector_load %arg9[%get3A_1265, %get3A_1266] {strides = array<i32>} : memref<50x64xf32, #tpu.memory_space<vmem>>, vector<16xf32>,
      %add3A_1268 = arith.addf %add3A_1248, %get3A_1267 : vector<16xf32>
      %get3A_1269 = arith.constant 5 : i32
      %get3A_1270 = arith.index_cast %get3A_1269 : i32 to index
      %get3A_1271 = arith.constant 0 : index
      %get3A_1272 = tpu.vector_load %arg9[%get3A_1270, %get3A_1271] {strides = array<i32>} : memref<50x64xf32, #tpu.memory_space<vmem>>, vector<16xf32>,
      %add3A_1273 = arith.addf %add3A_1253, %get3A_1272 : vector<16xf32>
      %get3A_1274 = arith.constant 5 : i32
      %get3A_1275 = arith.index_cast %get3A_1274 : i32 to index
      %get3A_1276 = arith.constant 16 : index
      %get3A_1277 = tpu.vector_load %arg9[%get3A_1275, %get3A_1276] {strides = array<i32>} : memref<50x64xf32, #tpu.memory_space<vmem>>, vector<16xf32>,
      %add3A_1278 = arith.addf %add3A_1258, %get3A_1277 : vector<16xf32>
      %get3A_1279 = arith.constant 5 : i32
      %get3A_1280 = arith.index_cast %get3A_1279 : i32 to index
      %get3A_1281 = arith.constant 32 : index
      %get3A_1282 = tpu.vector_load %arg9[%get3A_1280, %get3A_1281] {strides = array<i32>} : memref<50x64xf32, #tpu.memory_space<vmem>>, vector<16xf32>,
      %add3A_1283 = arith.addf %add3A_1263, %get3A_1282 : vector<16xf32>
      %get3A_1284 = arith.constant 5 : i32
      %get3A_1285 = arith.index_cast %get3A_1284 : i32 to index
      %get3A_1286 = arith.constant 48 : index
      %get3A_1287 = tpu.vector_load %arg9[%get3A_1285, %get3A_1286] {strides = array<i32>} : memref<50x64xf32, #tpu.memory_space<vmem>>, vector<16xf32>,
      %add3A_1288 = arith.addf %add3A_1268, %get3A_1287 : vector<16xf32>
      %get3A_1289 = arith.constant 6 : i32
      %get3A_1290 = arith.index_cast %get3A_1289 : i32 to index
      %get3A_1291 = arith.constant 0 : index
      %get3A_1292 = tpu.vector_load %arg9[%get3A_1290, %get3A_1291] {strides = array<i32>} : memref<50x64xf32, #tpu.memory_space<vmem>>, vector<16xf32>,
      %add3A_1293 = arith.addf %add3A_1273, %get3A_1292 : vector<16xf32>
      %get3A_1294 = arith.constant 6 : i32
      %get3A_1295 = arith.index_cast %get3A_1294 : i32 to index
      %get3A_1296 = arith.constant 16 : index
      %get3A_1297 = tpu.vector_load %arg9[%get3A_1295, %get3A_1296] {strides = array<i32>} : memref<50x64xf32, #tpu.memory_space<vmem>>, vector<16xf32>,
      %add3A_1298 = arith.addf %add3A_1278, %get3A_1297 : vector<16xf32>
      %get3A_1299 = arith.constant 6 : i32
      %get3A_1300 = arith.index_cast %get3A_1299 : i32 to index
      %get3A_1301 = arith.constant 32 : index
      %get3A_1302 = tpu.vector_load %arg9[%get3A_1300, %get3A_1301] {strides = array<i32>} : memref<50x64xf32, #tpu.memory_space<vmem>>, vector<16xf32>,
      %add3A_1303 = arith.addf %add3A_1283, %get3A_1302 : vector<16xf32>
      %get3A_1304 = arith.constant 6 : i32
      %get3A_1305 = arith.index_cast %get3A_1304 : i32 to index
      %get3A_1306 = arith.constant 48 : index
      %get3A_1307 = tpu.vector_load %arg9[%get3A_1305, %get3A_1306] {strides = array<i32>} : memref<50x64xf32, #tpu.memory_space<vmem>>, vector<16xf32>,
      %add3A_1308 = arith.addf %add3A_1288, %get3A_1307 : vector<16xf32>
      %get3A_1309 = arith.constant 7 : i32
      %get3A_1310 = arith.index_cast %get3A_1309 : i32 to index
      %get3A_1311 = arith.constant 0 : index
      %get3A_1312 = tpu.vector_load %arg9[%get3A_1310, %get3A_1311] {strides = array<i32>} : memref<50x64xf32, #tpu.memory_space<vmem>>, vector<16xf32>,
      %add3A_1313 = arith.addf %add3A_1293, %get3A_1312 : vector<16xf32>
      %get3A_1314 = arith.constant 7 : i32
      %get3A_1315 = arith.index_cast %get3A_1314 : i32 to index
      %get3A_1316 = arith.constant 16 : index
      %get3A_1317 = tpu.vector_load %arg9[%get3A_1315, %get3A_1316] {strides = array<i32>} : memref<50x64xf32, #tpu.memory_space<vmem>>, vector<16xf32>,
      %add3A_1318 = arith.addf %add3A_1298, %get3A_1317 : vector<16xf32>
      %get3A_1319 = arith.constant 7 : i32
      %get3A_1320 = arith.index_cast %get3A_1319 : i32 to index
      %get3A_1321 = arith.constant 32 : index
      %get3A_1322 = tpu.vector_load %arg9[%get3A_1320, %get3A_1321] {strides = array<i32>} : memref<50x64xf32, #tpu.memory_space<vmem>>, vector<16xf32>,
      %add3A_1323 = arith.addf %add3A_1303, %get3A_1322 : vector<16xf32>
      %get3A_1324 = arith.constant 7 : i32
      %get3A_1325 = arith.index_cast %get3A_1324 : i32 to index
      %get3A_1326 = arith.constant 48 : index
      %get3A_1327 = tpu.vector_load %arg9[%get3A_1325, %get3A_1326] {strides = array<i32>} : memref<50x64xf32, #tpu.memory_space<vmem>>, vector<16xf32>,
      %add3A_1328 = arith.addf %add3A_1308, %get3A_1327 : vector<16xf32>
      %get3A_1329 = arith.constant 8 : i32
      %get3A_1330 = arith.index_cast %get3A_1329 : i32 to index
      %get3A_1331 = arith.constant 0 : index
      %get3A_1332 = tpu.vector_load %arg9[%get3A_1330, %get3A_1331] {strides = array<i32>} : memref<50x64xf32, #tpu.memory_space<vmem>>, vector<16xf32>,
      %add3A_1333 = arith.addf %add3A_1313, %get3A_1332 : vector<16xf32>
      %get3A_1334 = arith.constant 8 : i32
      %get3A_1335 = arith.index_cast %get3A_1334 : i32 to index
      %get3A_1336 = arith.constant 16 : index
      %get3A_1337 = tpu.vector_load %arg9[%get3A_1335, %get3A_1336] {strides = array<i32>} : memref<50x64xf32, #tpu.memory_space<vmem>>, vector<16xf32>,
      %add3A_1338 = arith.addf %add3A_1318, %get3A_1337 : vector<16xf32>
      %get3A_1339 = arith.constant 8 : i32
      %get3A_1340 = arith.index_cast %get3A_1339 : i32 to index
      %get3A_1341 = arith.constant 32 : index
      %get3A_1342 = tpu.vector_load %arg9[%get3A_1340, %get3A_1341] {strides = array<i32>} : memref<50x64xf32, #tpu.memory_space<vmem>>, vector<16xf32>,
      %add3A_1343 = arith.addf %add3A_1323, %get3A_1342 : vector<16xf32>
      %get3A_1344 = arith.constant 8 : i32
      %get3A_1345 = arith.index_cast %get3A_1344 : i32 to index
      %get3A_1346 = arith.constant 48 : index
      %get3A_1347 = tpu.vector_load %arg9[%get3A_1345, %get3A_1346] {strides = array<i32>} : memref<50x64xf32, #tpu.memory_space<vmem>>, vector<16xf32>,
      %add3A_1348 = arith.addf %add3A_1328, %get3A_1347 : vector<16xf32>
      %get3A_1349 = arith.constant 9 : i32
      %get3A_1350 = arith.index_cast %get3A_1349 : i32 to index
      %get3A_1351 = arith.constant 0 : index
      %get3A_1352 = tpu.vector_load %arg9[%get3A_1350, %get3A_1351] {strides = array<i32>} : memref<50x64xf32, #tpu.memory_space<vmem>>, vector<16xf32>,
      %add3A_1353 = arith.addf %add3A_1333, %get3A_1352 : vector<16xf32>
      %get3A_1354 = arith.constant 9 : i32
      %get3A_1355 = arith.index_cast %get3A_1354 : i32 to index
      %get3A_1356 = arith.constant 16 : index
      %get3A_1357 = tpu.vector_load %arg9[%get3A_1355, %get3A_1356] {strides = array<i32>} : memref<50x64xf32, #tpu.memory_space<vmem>>, vector<16xf32>,
      %add3A_1358 = arith.addf %add3A_1338, %get3A_1357 : vector<16xf32>
      %get3A_1359 = arith.constant 9 : i32
      %get3A_1360 = arith.index_cast %get3A_1359 : i32 to index
      %get3A_1361 = arith.constant 32 : index
      %get3A_1362 = tpu.vector_load %arg9[%get3A_1360, %get3A_1361] {strides = array<i32>} : memref<50x64xf32, #tpu.memory_space<vmem>>, vector<16xf32>,
      %add3A_1363 = arith.addf %add3A_1343, %get3A_1362 : vector<16xf32>
      %get3A_1364 = arith.constant 9 : i32
      %get3A_1365 = arith.index_cast %get3A_1364 : i32 to index
      %get3A_1366 = arith.constant 48 : index
      %get3A_1367 = tpu.vector_load %arg9[%get3A_1365, %get3A_1366] {strides = array<i32>} : memref<50x64xf32, #tpu.memory_space<vmem>>, vector<16xf32>,
      %add3A_1368 = arith.addf %add3A_1348, %get3A_1367 : vector<16xf32>
      %get3A_1369 = arith.constant 10 : i32
      %get3A_1370 = arith.index_cast %get3A_1369 : i32 to index
      %get3A_1371 = arith.constant 0 : index
      %get3A_1372 = tpu.vector_load %arg9[%get3A_1370, %get3A_1371] {strides = array<i32>} : memref<50x64xf32, #tpu.memory_space<vmem>>, vector<16xf32>,
      %add3A_1373 = arith.addf %add3A_1353, %get3A_1372 : vector<16xf32>
      %get3A_1374 = arith.constant 10 : i32
      %get3A_1375 = arith.index_cast %get3A_1374 : i32 to index
      %get3A_1376 = arith.constant 16 : index
      %get3A_1377 = tpu.vector_load %arg9[%get3A_1375, %get3A_1376] {strides = array<i32>} : memref<50x64xf32, #tpu.memory_space<vmem>>, vector<16xf32>,
      %add3A_1378 = arith.addf %add3A_1358, %get3A_1377 : vector<16xf32>
      %get3A_1379 = arith.constant 10 : i32
      %get3A_1380 = arith.index_cast %get3A_1379 : i32 to index
      %get3A_1381 = arith.constant 32 : index
      %get3A_1382 = tpu.vector_load %arg9[%get3A_1380, %get3A_1381] {strides = array<i32>} : memref<50x64xf32, #tpu.memory_space<vmem>>, vector<16xf32>,
      %add3A_1383 = arith.addf %add3A_1363, %get3A_1382 : vector<16xf32>
      %get3A_1384 = arith.constant 10 : i32
      %get3A_1385 = arith.index_cast %get3A_1384 : i32 to index
      %get3A_1386 = arith.constant 48 : index
      %get3A_1387 = tpu.vector_load %arg9[%get3A_1385, %get3A_1386] {strides = array<i32>} : memref<50x64xf32, #tpu.memory_space<vmem>>, vector<16xf32>,
      %add3A_1388 = arith.addf %add3A_1368, %get3A_1387 : vector<16xf32>
      %get3A_1389 = arith.constant 11 : i32
      %get3A_1390 = arith.index_cast %get3A_1389 : i32 to index
      %get3A_1391 = arith.constant 0 : index
      %get3A_1392 = tpu.vector_load %arg9[%get3A_1390, %get3A_1391] {strides = array<i32>} : memref<50x64xf32, #tpu.memory_space<vmem>>, vector<16xf32>,
      %add3A_1393 = arith.addf %add3A_1373, %get3A_1392 : vector<16xf32>
      %get3A_1394 = arith.constant 11 : i32
      %get3A_1395 = arith.index_cast %get3A_1394 : i32 to index
      %get3A_1396 = arith.constant 16 : index
      %get3A_1397 = tpu.vector_load %arg9[%get3A_1395, %get3A_1396] {strides = array<i32>} : memref<50x64xf32, #tpu.memory_space<vmem>>, vector<16xf32>,
      %add3A_1398 = arith.addf %add3A_1378, %get3A_1397 : vector<16xf32>
      %get3A_1399 = arith.constant 11 : i32
      %get3A_1400 = arith.index_cast %get3A_1399 : i32 to index
      %get3A_1401 = arith.constant 32 : index
      %get3A_1402 = tpu.vector_load %arg9[%get3A_1400, %get3A_1401] {strides = array<i32>} : memref<50x64xf32, #tpu.memory_space<vmem>>, vector<16xf32>,
      %add3A_1403 = arith.addf %add3A_1383, %get3A_1402 : vector<16xf32>
      %get3A_1404 = arith.constant 11 : i32
      %get3A_1405 = arith.index_cast %get3A_1404 : i32 to index
      %get3A_1406 = arith.constant 48 : index
      %get3A_1407 = tpu.vector_load %arg9[%get3A_1405, %get3A_1406] {strides = array<i32>} : memref<50x64xf32, #tpu.memory_space<vmem>>, vector<16xf32>,
      %add3A_1408 = arith.addf %add3A_1388, %get3A_1407 : vector<16xf32>
      %get3A_1409 = arith.constant 12 : i32
      %get3A_1410 = arith.index_cast %get3A_1409 : i32 to index
      %get3A_1411 = arith.constant 0 : index
      %get3A_1412 = tpu.vector_load %arg9[%get3A_1410, %get3A_1411] {strides = array<i32>} : memref<50x64xf32, #tpu.memory_space<vmem>>, vector<16xf32>,
      %add3A_1413 = arith.addf %add3A_1393, %get3A_1412 : vector<16xf32>
      %get3A_1414 = arith.constant 12 : i32
      %get3A_1415 = arith.index_cast %get3A_1414 : i32 to index
      %get3A_1416 = arith.constant 16 : index
      %get3A_1417 = tpu.vector_load %arg9[%get3A_1415, %get3A_1416] {strides = array<i32>} : memref<50x64xf32, #tpu.memory_space<vmem>>, vector<16xf32>,
      %add3A_1418 = arith.addf %add3A_1398, %get3A_1417 : vector<16xf32>
      %get3A_1419 = arith.constant 12 : i32
      %get3A_1420 = arith.index_cast %get3A_1419 : i32 to index
      %get3A_1421 = arith.constant 32 : index
      %get3A_1422 = tpu.vector_load %arg9[%get3A_1420, %get3A_1421] {strides = array<i32>} : memref<50x64xf32, #tpu.memory_space<vmem>>, vector<16xf32>,
      %add3A_1423 = arith.addf %add3A_1403, %get3A_1422 : vector<16xf32>
      %get3A_1424 = arith.constant 12 : i32
      %get3A_1425 = arith.index_cast %get3A_1424 : i32 to index
      %get3A_1426 = arith.constant 48 : index
      %get3A_1427 = tpu.vector_load %arg9[%get3A_1425, %get3A_1426] {strides = array<i32>} : memref<50x64xf32, #tpu.memory_space<vmem>>, vector<16xf32>,
      %add3A_1428 = arith.addf %add3A_1408, %get3A_1427 : vector<16xf32>
      %get3A_1429 = arith.constant 13 : i32
      %get3A_1430 = arith.index_cast %get3A_1429 : i32 to index
      %get3A_1431 = arith.constant 0 : index
      %get3A_1432 = tpu.vector_load %arg9[%get3A_1430, %get3A_1431] {strides = array<i32>} : memref<50x64xf32, #tpu.memory_space<vmem>>, vector<16xf32>,
      %add3A_1433 = arith.addf %add3A_1413, %get3A_1432 : vector<16xf32>
      %get3A_1434 = arith.constant 13 : i32
      %get3A_1435 = arith.index_cast %get3A_1434 : i32 to index
      %get3A_1436 = arith.constant 16 : index
      %get3A_1437 = tpu.vector_load %arg9[%get3A_1435, %get3A_1436] {strides = array<i32>} : memref<50x64xf32, #tpu.memory_space<vmem>>, vector<16xf32>,
      %add3A_1438 = arith.addf %add3A_1418, %get3A_1437 : vector<16xf32>
      %get3A_1439 = arith.constant 13 : i32
      %get3A_1440 = arith.index_cast %get3A_1439 : i32 to index
      %get3A_1441 = arith.constant 32 : index
      %get3A_1442 = tpu.vector_load %arg9[%get3A_1440, %get3A_1441] {strides = array<i32>} : memref<50x64xf32, #tpu.memory_space<vmem>>, vector<16xf32>,
      %add3A_1443 = arith.addf %add3A_1423, %get3A_1442 : vector<16xf32>
      %get3A_1444 = arith.constant 13 : i32
      %get3A_1445 = arith.index_cast %get3A_1444 : i32 to index
      %get3A_1446 = arith.constant 48 : index
      %get3A_1447 = tpu.vector_load %arg9[%get3A_1445, %get3A_1446] {strides = array<i32>} : memref<50x64xf32, #tpu.memory_space<vmem>>, vector<16xf32>,
      %add3A_1448 = arith.addf %add3A_1428, %get3A_1447 : vector<16xf32>
      %get3A_1449 = arith.constant 14 : i32
      %get3A_1450 = arith.index_cast %get3A_1449 : i32 to index
      %get3A_1451 = arith.constant 0 : index
      %get3A_1452 = tpu.vector_load %arg9[%get3A_1450, %get3A_1451] {strides = array<i32>} : memref<50x64xf32, #tpu.memory_space<vmem>>, vector<16xf32>,
      %add3A_1453 = arith.addf %add3A_1433, %get3A_1452 : vector<16xf32>
      %get3A_1454 = arith.constant 14 : i32
      %get3A_1455 = arith.index_cast %get3A_1454 : i32 to index
      %get3A_1456 = arith.constant 16 : index
      %get3A_1457 = tpu.vector_load %arg9[%get3A_1455, %get3A_1456] {strides = array<i32>} : memref<50x64xf32, #tpu.memory_space<vmem>>, vector<16xf32>,
      %add3A_1458 = arith.addf %add3A_1438, %get3A_1457 : vector<16xf32>
      %get3A_1459 = arith.constant 14 : i32
      %get3A_1460 = arith.index_cast %get3A_1459 : i32 to index
      %get3A_1461 = arith.constant 32 : index
      %get3A_1462 = tpu.vector_load %arg9[%get3A_1460, %get3A_1461] {strides = array<i32>} : memref<50x64xf32, #tpu.memory_space<vmem>>, vector<16xf32>,
      %add3A_1463 = arith.addf %add3A_1443, %get3A_1462 : vector<16xf32>
      %get3A_1464 = arith.constant 14 : i32
      %get3A_1465 = arith.index_cast %get3A_1464 : i32 to index
      %get3A_1466 = arith.constant 48 : index
      %get3A_1467 = tpu.vector_load %arg9[%get3A_1465, %get3A_1466] {strides = array<i32>} : memref<50x64xf32, #tpu.memory_space<vmem>>, vector<16xf32>,
      %add3A_1468 = arith.addf %add3A_1448, %get3A_1467 : vector<16xf32>
      %get3A_1469 = arith.constant 15 : i32
      %get3A_1470 = arith.index_cast %get3A_1469 : i32 to index
      %get3A_1471 = arith.constant 0 : index
      %get3A_1472 = tpu.vector_load %arg9[%get3A_1470, %get3A_1471] {strides = array<i32>} : memref<50x64xf32, #tpu.memory_space<vmem>>, vector<16xf32>,
      %add3A_1473 = arith.addf %add3A_1453, %get3A_1472 : vector<16xf32>
      %get3A_1474 = arith.constant 15 : i32
      %get3A_1475 = arith.index_cast %get3A_1474 : i32 to index
      %get3A_1476 = arith.constant 16 : index
      %get3A_1477 = tpu.vector_load %arg9[%get3A_1475, %get3A_1476] {strides = array<i32>} : memref<50x64xf32, #tpu.memory_space<vmem>>, vector<16xf32>,
      %add3A_1478 = arith.addf %add3A_1458, %get3A_1477 : vector<16xf32>
      %get3A_1479 = arith.constant 15 : i32
      %get3A_1480 = arith.index_cast %get3A_1479 : i32 to index
      %get3A_1481 = arith.constant 32 : index
      %get3A_1482 = tpu.vector_load %arg9[%get3A_1480, %get3A_1481] {strides = array<i32>} : memref<50x64xf32, #tpu.memory_space<vmem>>, vector<16xf32>,
      %add3A_1483 = arith.addf %add3A_1463, %get3A_1482 : vector<16xf32>
      %get3A_1484 = arith.constant 15 : i32
      %get3A_1485 = arith.index_cast %get3A_1484 : i32 to index
      %get3A_1486 = arith.constant 48 : index
      %get3A_1487 = tpu.vector_load %arg9[%get3A_1485, %get3A_1486] {strides = array<i32>} : memref<50x64xf32, #tpu.memory_space<vmem>>, vector<16xf32>,
      %add3A_1488 = arith.addf %add3A_1468, %get3A_1487 : vector<16xf32>
      %get3A_1489 = arith.constant 16 : i32
      %get3A_1490 = arith.index_cast %get3A_1489 : i32 to index
      %get3A_1491 = arith.constant 0 : index
      %get3A_1492 = tpu.vector_load %arg9[%get3A_1490, %get3A_1491] {strides = array<i32>} : memref<50x64xf32, #tpu.memory_space<vmem>>, vector<16xf32>,
      %add3A_1493 = arith.addf %add3A_1473, %get3A_1492 : vector<16xf32>
      %get3A_1494 = arith.constant 16 : i32
      %get3A_1495 = arith.index_cast %get3A_1494 : i32 to index
      %get3A_1496 = arith.constant 16 : index
      %get3A_1497 = tpu.vector_load %arg9[%get3A_1495, %get3A_1496] {strides = array<i32>} : memref<50x64xf32, #tpu.memory_space<vmem>>, vector<16xf32>,
      %add3A_1498 = arith.addf %add3A_1478, %get3A_1497 : vector<16xf32>
      %get3A_1499 = arith.constant 16 : i32
      %get3A_1500 = arith.index_cast %get3A_1499 : i32 to index
      %get3A_1501 = arith.constant 32 : index
      %get3A_1502 = tpu.vector_load %arg9[%get3A_1500, %get3A_1501] {strides = array<i32>} : memref<50x64xf32, #tpu.memory_space<vmem>>, vector<16xf32>,
      %add3A_1503 = arith.addf %add3A_1483, %get3A_1502 : vector<16xf32>
      %get3A_1504 = arith.constant 16 : i32
      %get3A_1505 = arith.index_cast %get3A_1504 : i32 to index
      %get3A_1506 = arith.constant 48 : index
      %get3A_1507 = tpu.vector_load %arg9[%get3A_1505, %get3A_1506] {strides = array<i32>} : memref<50x64xf32, #tpu.memory_space<vmem>>, vector<16xf32>,
      %add3A_1508 = arith.addf %add3A_1488, %get3A_1507 : vector<16xf32>
      %get3A_1509 = arith.constant 17 : i32
      %get3A_1510 = arith.index_cast %get3A_1509 : i32 to index
      %get3A_1511 = arith.constant 0 : index
      %get3A_1512 = tpu.vector_load %arg9[%get3A_1510, %get3A_1511] {strides = array<i32>} : memref<50x64xf32, #tpu.memory_space<vmem>>, vector<16xf32>,
      %add3A_1513 = arith.addf %add3A_1493, %get3A_1512 : vector<16xf32>
      %get3A_1514 = arith.constant 17 : i32
      %get3A_1515 = arith.index_cast %get3A_1514 : i32 to index
      %get3A_1516 = arith.constant 16 : index
      %get3A_1517 = tpu.vector_load %arg9[%get3A_1515, %get3A_1516] {strides = array<i32>} : memref<50x64xf32, #tpu.memory_space<vmem>>, vector<16xf32>,
      %add3A_1518 = arith.addf %add3A_1498, %get3A_1517 : vector<16xf32>
      %get3A_1519 = arith.constant 17 : i32
      %get3A_1520 = arith.index_cast %get3A_1519 : i32 to index
      %get3A_1521 = arith.constant 32 : index
      %get3A_1522 = tpu.vector_load %arg9[%get3A_1520, %get3A_1521] {strides = array<i32>} : memref<50x64xf32, #tpu.memory_space<vmem>>, vector<16xf32>,
      %add3A_1523 = arith.addf %add3A_1503, %get3A_1522 : vector<16xf32>
      %get3A_1524 = arith.constant 17 : i32
      %get3A_1525 = arith.index_cast %get3A_1524 : i32 to index
      %get3A_1526 = arith.constant 48 : index
      %get3A_1527 = tpu.vector_load %arg9[%get3A_1525, %get3A_1526] {strides = array<i32>} : memref<50x64xf32, #tpu.memory_space<vmem>>, vector<16xf32>,
      %add3A_1528 = arith.addf %add3A_1508, %get3A_1527 : vector<16xf32>
      %get3A_1529 = arith.constant 18 : i32
      %get3A_1530 = arith.index_cast %get3A_1529 : i32 to index
      %get3A_1531 = arith.constant 0 : index
      %get3A_1532 = tpu.vector_load %arg9[%get3A_1530, %get3A_1531] {strides = array<i32>} : memref<50x64xf32, #tpu.memory_space<vmem>>, vector<16xf32>,
      %add3A_1533 = arith.addf %add3A_1513, %get3A_1532 : vector<16xf32>
      %get3A_1534 = arith.constant 18 : i32
      %get3A_1535 = arith.index_cast %get3A_1534 : i32 to index
      %get3A_1536 = arith.constant 16 : index
      %get3A_1537 = tpu.vector_load %arg9[%get3A_1535, %get3A_1536] {strides = array<i32>} : memref<50x64xf32, #tpu.memory_space<vmem>>, vector<16xf32>,
      %add3A_1538 = arith.addf %add3A_1518, %get3A_1537 : vector<16xf32>
      %get3A_1539 = arith.constant 18 : i32
      %get3A_1540 = arith.index_cast %get3A_1539 : i32 to index
      %get3A_1541 = arith.constant 32 : index
      %get3A_1542 = tpu.vector_load %arg9[%get3A_1540, %get3A_1541] {strides = array<i32>} : memref<50x64xf32, #tpu.memory_space<vmem>>, vector<16xf32>,
      %add3A_1543 = arith.addf %add3A_1523, %get3A_1542 : vector<16xf32>
      %get3A_1544 = arith.constant 18 : i32
      %get3A_1545 = arith.index_cast %get3A_1544 : i32 to index
      %get3A_1546 = arith.constant 48 : index
      %get3A_1547 = tpu.vector_load %arg9[%get3A_1545, %get3A_1546] {strides = array<i32>} : memref<50x64xf32, #tpu.memory_space<vmem>>, vector<16xf32>,
      %add3A_1548 = arith.addf %add3A_1528, %get3A_1547 : vector<16xf32>
      %get3A_1549 = arith.constant 19 : i32
      %get3A_1550 = arith.index_cast %get3A_1549 : i32 to index
      %get3A_1551 = arith.constant 0 : index
      %get3A_1552 = tpu.vector_load %arg9[%get3A_1550, %get3A_1551] {strides = array<i32>} : memref<50x64xf32, #tpu.memory_space<vmem>>, vector<16xf32>,
      %add3A_1553 = arith.addf %add3A_1533, %get3A_1552 : vector<16xf32>
      %get3A_1554 = arith.constant 19 : i32
      %get3A_1555 = arith.index_cast %get3A_1554 : i32 to index
      %get3A_1556 = arith.constant 16 : index
      %get3A_1557 = tpu.vector_load %arg9[%get3A_1555, %get3A_1556] {strides = array<i32>} : memref<50x64xf32, #tpu.memory_space<vmem>>, vector<16xf32>,
      %add3A_1558 = arith.addf %add3A_1538, %get3A_1557 : vector<16xf32>
      %get3A_1559 = arith.constant 19 : i32
      %get3A_1560 = arith.index_cast %get3A_1559 : i32 to index
      %get3A_1561 = arith.constant 32 : index
      %get3A_1562 = tpu.vector_load %arg9[%get3A_1560, %get3A_1561] {strides = array<i32>} : memref<50x64xf32, #tpu.memory_space<vmem>>, vector<16xf32>,
      %add3A_1563 = arith.addf %add3A_1543, %get3A_1562 : vector<16xf32>
      %get3A_1564 = arith.constant 19 : i32
      %get3A_1565 = arith.index_cast %get3A_1564 : i32 to index
      %get3A_1566 = arith.constant 48 : index
      %get3A_1567 = tpu.vector_load %arg9[%get3A_1565, %get3A_1566] {strides = array<i32>} : memref<50x64xf32, #tpu.memory_space<vmem>>, vector<16xf32>,
      %add3A_1568 = arith.addf %add3A_1548, %get3A_1567 : vector<16xf32>
      %get3A_1569 = arith.constant 20 : i32
      %get3A_1570 = arith.index_cast %get3A_1569 : i32 to index
      %get3A_1571 = arith.constant 0 : index
      %get3A_1572 = tpu.vector_load %arg9[%get3A_1570, %get3A_1571] {strides = array<i32>} : memref<50x64xf32, #tpu.memory_space<vmem>>, vector<16xf32>,
      %add3A_1573 = arith.addf %add3A_1553, %get3A_1572 : vector<16xf32>
      %get3A_1574 = arith.constant 20 : i32
      %get3A_1575 = arith.index_cast %get3A_1574 : i32 to index
      %get3A_1576 = arith.constant 16 : index
      %get3A_1577 = tpu.vector_load %arg9[%get3A_1575, %get3A_1576] {strides = array<i32>} : memref<50x64xf32, #tpu.memory_space<vmem>>, vector<16xf32>,
      %add3A_1578 = arith.addf %add3A_1558, %get3A_1577 : vector<16xf32>
      %get3A_1579 = arith.constant 20 : i32
      %get3A_1580 = arith.index_cast %get3A_1579 : i32 to index
      %get3A_1581 = arith.constant 32 : index
      %get3A_1582 = tpu.vector_load %arg9[%get3A_1580, %get3A_1581] {strides = array<i32>} : memref<50x64xf32, #tpu.memory_space<vmem>>, vector<16xf32>,
      %add3A_1583 = arith.addf %add3A_1563, %get3A_1582 : vector<16xf32>
      %get3A_1584 = arith.constant 20 : i32
      %get3A_1585 = arith.index_cast %get3A_1584 : i32 to index
      %get3A_1586 = arith.constant 48 : index
      %get3A_1587 = tpu.vector_load %arg9[%get3A_1585, %get3A_1586] {strides = array<i32>} : memref<50x64xf32, #tpu.memory_space<vmem>>, vector<16xf32>,
      %add3A_1588 = arith.addf %add3A_1568, %get3A_1587 : vector<16xf32>
      %get3A_1589 = arith.constant 21 : i32
      %get3A_1590 = arith.index_cast %get3A_1589 : i32 to index
      %get3A_1591 = arith.constant 0 : index
      %get3A_1592 = tpu.vector_load %arg9[%get3A_1590, %get3A_1591] {strides = array<i32>} : memref<50x64xf32, #tpu.memory_space<vmem>>, vector<16xf32>,
      %add3A_1593 = arith.addf %add3A_1573, %get3A_1592 : vector<16xf32>
      %get3A_1594 = arith.constant 21 : i32
      %get3A_1595 = arith.index_cast %get3A_1594 : i32 to index
      %get3A_1596 = arith.constant 16 : index
      %get3A_1597 = tpu.vector_load %arg9[%get3A_1595, %get3A_1596] {strides = array<i32>} : memref<50x64xf32, #tpu.memory_space<vmem>>, vector<16xf32>,
      %add3A_1598 = arith.addf %add3A_1578, %get3A_1597 : vector<16xf32>
      %get3A_1599 = arith.constant 21 : i32
      %get3A_1600 = arith.index_cast %get3A_1599 : i32 to index
      %get3A_1601 = arith.constant 32 : index
      %get3A_1602 = tpu.vector_load %arg9[%get3A_1600, %get3A_1601] {strides = array<i32>} : memref<50x64xf32, #tpu.memory_space<vmem>>, vector<16xf32>,
      %add3A_1603 = arith.addf %add3A_1583, %get3A_1602 : vector<16xf32>
      %get3A_1604 = arith.constant 21 : i32
      %get3A_1605 = arith.index_cast %get3A_1604 : i32 to index
      %get3A_1606 = arith.constant 48 : index
      %get3A_1607 = tpu.vector_load %arg9[%get3A_1605, %get3A_1606] {strides = array<i32>} : memref<50x64xf32, #tpu.memory_space<vmem>>, vector<16xf32>,
      %add3A_1608 = arith.addf %add3A_1588, %get3A_1607 : vector<16xf32>
      %get3A_1609 = arith.constant 22 : i32
      %get3A_1610 = arith.index_cast %get3A_1609 : i32 to index
      %get3A_1611 = arith.constant 0 : index
      %get3A_1612 = tpu.vector_load %arg9[%get3A_1610, %get3A_1611] {strides = array<i32>} : memref<50x64xf32, #tpu.memory_space<vmem>>, vector<16xf32>,
      %add3A_1613 = arith.addf %add3A_1593, %get3A_1612 : vector<16xf32>
      %get3A_1614 = arith.constant 22 : i32
      %get3A_1615 = arith.index_cast %get3A_1614 : i32 to index
      %get3A_1616 = arith.constant 16 : index
      %get3A_1617 = tpu.vector_load %arg9[%get3A_1615, %get3A_1616] {strides = array<i32>} : memref<50x64xf32, #tpu.memory_space<vmem>>, vector<16xf32>,
      %add3A_1618 = arith.addf %add3A_1598, %get3A_1617 : vector<16xf32>
      %get3A_1619 = arith.constant 22 : i32
      %get3A_1620 = arith.index_cast %get3A_1619 : i32 to index
      %get3A_1621 = arith.constant 32 : index
      %get3A_1622 = tpu.vector_load %arg9[%get3A_1620, %get3A_1621] {strides = array<i32>} : memref<50x64xf32, #tpu.memory_space<vmem>>, vector<16xf32>,
      %add3A_1623 = arith.addf %add3A_1603, %get3A_1622 : vector<16xf32>
      %get3A_1624 = arith.constant 22 : i32
      %get3A_1625 = arith.index_cast %get3A_1624 : i32 to index
      %get3A_1626 = arith.constant 48 : index
      %get3A_1627 = tpu.vector_load %arg9[%get3A_1625, %get3A_1626] {strides = array<i32>} : memref<50x64xf32, #tpu.memory_space<vmem>>, vector<16xf32>,
      %add3A_1628 = arith.addf %add3A_1608, %get3A_1627 : vector<16xf32>
      %get3A_1629 = arith.constant 23 : i32
      %get3A_1630 = arith.index_cast %get3A_1629 : i32 to index
      %get3A_1631 = arith.constant 0 : index
      %get3A_1632 = tpu.vector_load %arg9[%get3A_1630, %get3A_1631] {strides = array<i32>} : memref<50x64xf32, #tpu.memory_space<vmem>>, vector<16xf32>,
      %add3A_1633 = arith.addf %add3A_1613, %get3A_1632 : vector<16xf32>
      %get3A_1634 = arith.constant 23 : i32
      %get3A_1635 = arith.index_cast %get3A_1634 : i32 to index
      %get3A_1636 = arith.constant 16 : index
      %get3A_1637 = tpu.vector_load %arg9[%get3A_1635, %get3A_1636] {strides = array<i32>} : memref<50x64xf32, #tpu.memory_space<vmem>>, vector<16xf32>,
      %add3A_1638 = arith.addf %add3A_1618, %get3A_1637 : vector<16xf32>
      %get3A_1639 = arith.constant 23 : i32
      %get3A_1640 = arith.index_cast %get3A_1639 : i32 to index
      %get3A_1641 = arith.constant 32 : index
      %get3A_1642 = tpu.vector_load %arg9[%get3A_1640, %get3A_1641] {strides = array<i32>} : memref<50x64xf32, #tpu.memory_space<vmem>>, vector<16xf32>,
      %add3A_1643 = arith.addf %add3A_1623, %get3A_1642 : vector<16xf32>
      %get3A_1644 = arith.constant 23 : i32
      %get3A_1645 = arith.index_cast %get3A_1644 : i32 to index
      %get3A_1646 = arith.constant 48 : index
      %get3A_1647 = tpu.vector_load %arg9[%get3A_1645, %get3A_1646] {strides = array<i32>} : memref<50x64xf32, #tpu.memory_space<vmem>>, vector<16xf32>,
      %add3A_1648 = arith.addf %add3A_1628, %get3A_1647 : vector<16xf32>
      %get3A_1649 = arith.constant 24 : i32
      %get3A_1650 = arith.index_cast %get3A_1649 : i32 to index
      %get3A_1651 = arith.constant 0 : index
      %get3A_1652 = tpu.vector_load %arg9[%get3A_1650, %get3A_1651] {strides = array<i32>} : memref<50x64xf32, #tpu.memory_space<vmem>>, vector<16xf32>,
      %add3A_1653 = arith.addf %add3A_1633, %get3A_1652 : vector<16xf32>
      %get3A_1654 = arith.constant 24 : i32
      %get3A_1655 = arith.index_cast %get3A_1654 : i32 to index
      %get3A_1656 = arith.constant 16 : index
      %get3A_1657 = tpu.vector_load %arg9[%get3A_1655, %get3A_1656] {strides = array<i32>} : memref<50x64xf32, #tpu.memory_space<vmem>>, vector<16xf32>,
      %add3A_1658 = arith.addf %add3A_1638, %get3A_1657 : vector<16xf32>
      %get3A_1659 = arith.constant 24 : i32
      %get3A_1660 = arith.index_cast %get3A_1659 : i32 to index
      %get3A_1661 = arith.constant 32 : index
      %get3A_1662 = tpu.vector_load %arg9[%get3A_1660, %get3A_1661] {strides = array<i32>} : memref<50x64xf32, #tpu.memory_space<vmem>>, vector<16xf32>,
      %add3A_1663 = arith.addf %add3A_1643, %get3A_1662 : vector<16xf32>
      %get3A_1664 = arith.constant 24 : i32
      %get3A_1665 = arith.index_cast %get3A_1664 : i32 to index
      %get3A_1666 = arith.constant 48 : index
      %get3A_1667 = tpu.vector_load %arg9[%get3A_1665, %get3A_1666] {strides = array<i32>} : memref<50x64xf32, #tpu.memory_space<vmem>>, vector<16xf32>,
      %add3A_1668 = arith.addf %add3A_1648, %get3A_1667 : vector<16xf32>
      %get3A_1669 = arith.constant 25 : i32
      %get3A_1670 = arith.index_cast %get3A_1669 : i32 to index
      %get3A_1671 = arith.constant 0 : index
      %get3A_1672 = tpu.vector_load %arg9[%get3A_1670, %get3A_1671] {strides = array<i32>} : memref<50x64xf32, #tpu.memory_space<vmem>>, vector<16xf32>,
      %add3A_1673 = arith.addf %add3A_1653, %get3A_1672 : vector<16xf32>
      %get3A_1674 = arith.constant 25 : i32
      %get3A_1675 = arith.index_cast %get3A_1674 : i32 to index
      %get3A_1676 = arith.constant 16 : index
      %get3A_1677 = tpu.vector_load %arg9[%get3A_1675, %get3A_1676] {strides = array<i32>} : memref<50x64xf32, #tpu.memory_space<vmem>>, vector<16xf32>,
      %add3A_1678 = arith.addf %add3A_1658, %get3A_1677 : vector<16xf32>
      %get3A_1679 = arith.constant 25 : i32
      %get3A_1680 = arith.index_cast %get3A_1679 : i32 to index
      %get3A_1681 = arith.constant 32 : index
      %get3A_1682 = tpu.vector_load %arg9[%get3A_1680, %get3A_1681] {strides = array<i32>} : memref<50x64xf32, #tpu.memory_space<vmem>>, vector<16xf32>,
      %add3A_1683 = arith.addf %add3A_1663, %get3A_1682 : vector<16xf32>
      %get3A_1684 = arith.constant 25 : i32
      %get3A_1685 = arith.index_cast %get3A_1684 : i32 to index
      %get3A_1686 = arith.constant 48 : index
      %get3A_1687 = tpu.vector_load %arg9[%get3A_1685, %get3A_1686] {strides = array<i32>} : memref<50x64xf32, #tpu.memory_space<vmem>>, vector<16xf32>,
      %add3A_1688 = arith.addf %add3A_1668, %get3A_1687 : vector<16xf32>
      %get3A_1689 = arith.constant 26 : i32
      %get3A_1690 = arith.index_cast %get3A_1689 : i32 to index
      %get3A_1691 = arith.constant 0 : index
      %get3A_1692 = tpu.vector_load %arg9[%get3A_1690, %get3A_1691] {strides = array<i32>} : memref<50x64xf32, #tpu.memory_space<vmem>>, vector<16xf32>,
      %add3A_1693 = arith.addf %add3A_1673, %get3A_1692 : vector<16xf32>
      %get3A_1694 = arith.constant 26 : i32
      %get3A_1695 = arith.index_cast %get3A_1694 : i32 to index
      %get3A_1696 = arith.constant 16 : index
      %get3A_1697 = tpu.vector_load %arg9[%get3A_1695, %get3A_1696] {strides = array<i32>} : memref<50x64xf32, #tpu.memory_space<vmem>>, vector<16xf32>,
      %add3A_1698 = arith.addf %add3A_1678, %get3A_1697 : vector<16xf32>
      %get3A_1699 = arith.constant 26 : i32
      %get3A_1700 = arith.index_cast %get3A_1699 : i32 to index
      %get3A_1701 = arith.constant 32 : index
      %get3A_1702 = tpu.vector_load %arg9[%get3A_1700, %get3A_1701] {strides = array<i32>} : memref<50x64xf32, #tpu.memory_space<vmem>>, vector<16xf32>,
      %add3A_1703 = arith.addf %add3A_1683, %get3A_1702 : vector<16xf32>
      %get3A_1704 = arith.constant 26 : i32
      %get3A_1705 = arith.index_cast %get3A_1704 : i32 to index
      %get3A_1706 = arith.constant 48 : index
      %get3A_1707 = tpu.vector_load %arg9[%get3A_1705, %get3A_1706] {strides = array<i32>} : memref<50x64xf32, #tpu.memory_space<vmem>>, vector<16xf32>,
      %add3A_1708 = arith.addf %add3A_1688, %get3A_1707 : vector<16xf32>
      %get3A_1709 = arith.constant 27 : i32
      %get3A_1710 = arith.index_cast %get3A_1709 : i32 to index
      %get3A_1711 = arith.constant 0 : index
      %get3A_1712 = tpu.vector_load %arg9[%get3A_1710, %get3A_1711] {strides = array<i32>} : memref<50x64xf32, #tpu.memory_space<vmem>>, vector<16xf32>,
      %add3A_1713 = arith.addf %add3A_1693, %get3A_1712 : vector<16xf32>
      %get3A_1714 = arith.constant 27 : i32
      %get3A_1715 = arith.index_cast %get3A_1714 : i32 to index
      %get3A_1716 = arith.constant 16 : index
      %get3A_1717 = tpu.vector_load %arg9[%get3A_1715, %get3A_1716] {strides = array<i32>} : memref<50x64xf32, #tpu.memory_space<vmem>>, vector<16xf32>,
      %add3A_1718 = arith.addf %add3A_1698, %get3A_1717 : vector<16xf32>
      %get3A_1719 = arith.constant 27 : i32
      %get3A_1720 = arith.index_cast %get3A_1719 : i32 to index
      %get3A_1721 = arith.constant 32 : index
      %get3A_1722 = tpu.vector_load %arg9[%get3A_1720, %get3A_1721] {strides = array<i32>} : memref<50x64xf32, #tpu.memory_space<vmem>>, vector<16xf32>,
      %add3A_1723 = arith.addf %add3A_1703, %get3A_1722 : vector<16xf32>
      %get3A_1724 = arith.constant 27 : i32
      %get3A_1725 = arith.index_cast %get3A_1724 : i32 to index
      %get3A_1726 = arith.constant 48 : index
      %get3A_1727 = tpu.vector_load %arg9[%get3A_1725, %get3A_1726] {strides = array<i32>} : memref<50x64xf32, #tpu.memory_space<vmem>>, vector<16xf32>,
      %add3A_1728 = arith.addf %add3A_1708, %get3A_1727 : vector<16xf32>
      %get3A_1729 = arith.constant 28 : i32
      %get3A_1730 = arith.index_cast %get3A_1729 : i32 to index
      %get3A_1731 = arith.constant 0 : index
      %get3A_1732 = tpu.vector_load %arg9[%get3A_1730, %get3A_1731] {strides = array<i32>} : memref<50x64xf32, #tpu.memory_space<vmem>>, vector<16xf32>,
      %add3A_1733 = arith.addf %add3A_1713, %get3A_1732 : vector<16xf32>
      %get3A_1734 = arith.constant 28 : i32
      %get3A_1735 = arith.index_cast %get3A_1734 : i32 to index
      %get3A_1736 = arith.constant 16 : index
      %get3A_1737 = tpu.vector_load %arg9[%get3A_1735, %get3A_1736] {strides = array<i32>} : memref<50x64xf32, #tpu.memory_space<vmem>>, vector<16xf32>,
      %add3A_1738 = arith.addf %add3A_1718, %get3A_1737 : vector<16xf32>
      %get3A_1739 = arith.constant 28 : i32
      %get3A_1740 = arith.index_cast %get3A_1739 : i32 to index
      %get3A_1741 = arith.constant 32 : index
      %get3A_1742 = tpu.vector_load %arg9[%get3A_1740, %get3A_1741] {strides = array<i32>} : memref<50x64xf32, #tpu.memory_space<vmem>>, vector<16xf32>,
      %add3A_1743 = arith.addf %add3A_1723, %get3A_1742 : vector<16xf32>
      %get3A_1744 = arith.constant 28 : i32
      %get3A_1745 = arith.index_cast %get3A_1744 : i32 to index
      %get3A_1746 = arith.constant 48 : index
      %get3A_1747 = tpu.vector_load %arg9[%get3A_1745, %get3A_1746] {strides = array<i32>} : memref<50x64xf32, #tpu.memory_space<vmem>>, vector<16xf32>,
      %add3A_1748 = arith.addf %add3A_1728, %get3A_1747 : vector<16xf32>
      %get3A_1749 = arith.constant 29 : i32
      %get3A_1750 = arith.index_cast %get3A_1749 : i32 to index
      %get3A_1751 = arith.constant 0 : index
      %get3A_1752 = tpu.vector_load %arg9[%get3A_1750, %get3A_1751] {strides = array<i32>} : memref<50x64xf32, #tpu.memory_space<vmem>>, vector<16xf32>,
      %add3A_1753 = arith.addf %add3A_1733, %get3A_1752 : vector<16xf32>
      %get3A_1754 = arith.constant 29 : i32
      %get3A_1755 = arith.index_cast %get3A_1754 : i32 to index
      %get3A_1756 = arith.constant 16 : index
      %get3A_1757 = tpu.vector_load %arg9[%get3A_1755, %get3A_1756] {strides = array<i32>} : memref<50x64xf32, #tpu.memory_space<vmem>>, vector<16xf32>,
      %add3A_1758 = arith.addf %add3A_1738, %get3A_1757 : vector<16xf32>
      %get3A_1759 = arith.constant 29 : i32
      %get3A_1760 = arith.index_cast %get3A_1759 : i32 to index
      %get3A_1761 = arith.constant 32 : index
      %get3A_1762 = tpu.vector_load %arg9[%get3A_1760, %get3A_1761] {strides = array<i32>} : memref<50x64xf32, #tpu.memory_space<vmem>>, vector<16xf32>,
      %add3A_1763 = arith.addf %add3A_1743, %get3A_1762 : vector<16xf32>
      %get3A_1764 = arith.constant 29 : i32
      %get3A_1765 = arith.index_cast %get3A_1764 : i32 to index
      %get3A_1766 = arith.constant 48 : index
      %get3A_1767 = tpu.vector_load %arg9[%get3A_1765, %get3A_1766] {strides = array<i32>} : memref<50x64xf32, #tpu.memory_space<vmem>>, vector<16xf32>,
      %add3A_1768 = arith.addf %add3A_1748, %get3A_1767 : vector<16xf32>
      %get3A_1769 = arith.constant 30 : i32
      %get3A_1770 = arith.index_cast %get3A_1769 : i32 to index
      %get3A_1771 = arith.constant 0 : index
      %get3A_1772 = tpu.vector_load %arg9[%get3A_1770, %get3A_1771] {strides = array<i32>} : memref<50x64xf32, #tpu.memory_space<vmem>>, vector<16xf32>,
      %add3A_1773 = arith.addf %add3A_1753, %get3A_1772 : vector<16xf32>
      %get3A_1774 = arith.constant 30 : i32
      %get3A_1775 = arith.index_cast %get3A_1774 : i32 to index
      %get3A_1776 = arith.constant 16 : index
      %get3A_1777 = tpu.vector_load %arg9[%get3A_1775, %get3A_1776] {strides = array<i32>} : memref<50x64xf32, #tpu.memory_space<vmem>>, vector<16xf32>,
      %add3A_1778 = arith.addf %add3A_1758, %get3A_1777 : vector<16xf32>
      %get3A_1779 = arith.constant 30 : i32
      %get3A_1780 = arith.index_cast %get3A_1779 : i32 to index
      %get3A_1781 = arith.constant 32 : index
      %get3A_1782 = tpu.vector_load %arg9[%get3A_1780, %get3A_1781] {strides = array<i32>} : memref<50x64xf32, #tpu.memory_space<vmem>>, vector<16xf32>,
      %add3A_1783 = arith.addf %add3A_1763, %get3A_1782 : vector<16xf32>
      %get3A_1784 = arith.constant 30 : i32
      %get3A_1785 = arith.index_cast %get3A_1784 : i32 to index
      %get3A_1786 = arith.constant 48 : index
      %get3A_1787 = tpu.vector_load %arg9[%get3A_1785, %get3A_1786] {strides = array<i32>} : memref<50x64xf32, #tpu.memory_space<vmem>>, vector<16xf32>,
      %add3A_1788 = arith.addf %add3A_1768, %get3A_1787 : vector<16xf32>
      %get3A_1789 = arith.constant 31 : i32
      %get3A_1790 = arith.index_cast %get3A_1789 : i32 to index
      %get3A_1791 = arith.constant 0 : index
      %get3A_1792 = tpu.vector_load %arg9[%get3A_1790, %get3A_1791] {strides = array<i32>} : memref<50x64xf32, #tpu.memory_space<vmem>>, vector<16xf32>,
      %add3A_1793 = arith.addf %add3A_1773, %get3A_1792 : vector<16xf32>
      %get3A_1794 = arith.constant 31 : i32
      %get3A_1795 = arith.index_cast %get3A_1794 : i32 to index
      %get3A_1796 = arith.constant 16 : index
      %get3A_1797 = tpu.vector_load %arg9[%get3A_1795, %get3A_1796] {strides = array<i32>} : memref<50x64xf32, #tpu.memory_space<vmem>>, vector<16xf32>,
      %add3A_1798 = arith.addf %add3A_1778, %get3A_1797 : vector<16xf32>
      %get3A_1799 = arith.constant 31 : i32
      %get3A_1800 = arith.index_cast %get3A_1799 : i32 to index
      %get3A_1801 = arith.constant 32 : index
      %get3A_1802 = tpu.vector_load %arg9[%get3A_1800, %get3A_1801] {strides = array<i32>} : memref<50x64xf32, #tpu.memory_space<vmem>>, vector<16xf32>,
      %add3A_1803 = arith.addf %add3A_1783, %get3A_1802 : vector<16xf32>
      %get3A_1804 = arith.constant 31 : i32
      %get3A_1805 = arith.index_cast %get3A_1804 : i32 to index
      %get3A_1806 = arith.constant 48 : index
      %get3A_1807 = tpu.vector_load %arg9[%get3A_1805, %get3A_1806] {strides = array<i32>} : memref<50x64xf32, #tpu.memory_space<vmem>>, vector<16xf32>,
      %add3A_1808 = arith.addf %add3A_1788, %get3A_1807 : vector<16xf32>
      %get3A_1809 = arith.constant 32 : i32
      %get3A_1810 = arith.index_cast %get3A_1809 : i32 to index
      %get3A_1811 = arith.constant 0 : index
      %get3A_1812 = tpu.vector_load %arg9[%get3A_1810, %get3A_1811] {strides = array<i32>} : memref<50x64xf32, #tpu.memory_space<vmem>>, vector<16xf32>,
      %add3A_1813 = arith.addf %add3A_1793, %get3A_1812 : vector<16xf32>
      %get3A_1814 = arith.constant 32 : i32
      %get3A_1815 = arith.index_cast %get3A_1814 : i32 to index
      %get3A_1816 = arith.constant 16 : index
      %get3A_1817 = tpu.vector_load %arg9[%get3A_1815, %get3A_1816] {strides = array<i32>} : memref<50x64xf32, #tpu.memory_space<vmem>>, vector<16xf32>,
      %add3A_1818 = arith.addf %add3A_1798, %get3A_1817 : vector<16xf32>
      %get3A_1819 = arith.constant 32 : i32
      %get3A_1820 = arith.index_cast %get3A_1819 : i32 to index
      %get3A_1821 = arith.constant 32 : index
      %get3A_1822 = tpu.vector_load %arg9[%get3A_1820, %get3A_1821] {strides = array<i32>} : memref<50x64xf32, #tpu.memory_space<vmem>>, vector<16xf32>,
      %add3A_1823 = arith.addf %add3A_1803, %get3A_1822 : vector<16xf32>
      %get3A_1824 = arith.constant 32 : i32
      %get3A_1825 = arith.index_cast %get3A_1824 : i32 to index
      %get3A_1826 = arith.constant 48 : index
      %get3A_1827 = tpu.vector_load %arg9[%get3A_1825, %get3A_1826] {strides = array<i32>} : memref<50x64xf32, #tpu.memory_space<vmem>>, vector<16xf32>,
      %add3A_1828 = arith.addf %add3A_1808, %get3A_1827 : vector<16xf32>
      %get3A_1829 = arith.constant 33 : i32
      %get3A_1830 = arith.index_cast %get3A_1829 : i32 to index
      %get3A_1831 = arith.constant 0 : index
      %get3A_1832 = tpu.vector_load %arg9[%get3A_1830, %get3A_1831] {strides = array<i32>} : memref<50x64xf32, #tpu.memory_space<vmem>>, vector<16xf32>,
      %add3A_1833 = arith.addf %add3A_1813, %get3A_1832 : vector<16xf32>
      %get3A_1834 = arith.constant 33 : i32
      %get3A_1835 = arith.index_cast %get3A_1834 : i32 to index
      %get3A_1836 = arith.constant 16 : index
      %get3A_1837 = tpu.vector_load %arg9[%get3A_1835, %get3A_1836] {strides = array<i32>} : memref<50x64xf32, #tpu.memory_space<vmem>>, vector<16xf32>,
      %add3A_1838 = arith.addf %add3A_1818, %get3A_1837 : vector<16xf32>
      %get3A_1839 = arith.constant 33 : i32
      %get3A_1840 = arith.index_cast %get3A_1839 : i32 to index
      %get3A_1841 = arith.constant 32 : index
      %get3A_1842 = tpu.vector_load %arg9[%get3A_1840, %get3A_1841] {strides = array<i32>} : memref<50x64xf32, #tpu.memory_space<vmem>>, vector<16xf32>,
      %add3A_1843 = arith.addf %add3A_1823, %get3A_1842 : vector<16xf32>
      %get3A_1844 = arith.constant 33 : i32
      %get3A_1845 = arith.index_cast %get3A_1844 : i32 to index
      %get3A_1846 = arith.constant 48 : index
      %get3A_1847 = tpu.vector_load %arg9[%get3A_1845, %get3A_1846] {strides = array<i32>} : memref<50x64xf32, #tpu.memory_space<vmem>>, vector<16xf32>,
      %add3A_1848 = arith.addf %add3A_1828, %get3A_1847 : vector<16xf32>
      %get3A_1849 = arith.constant 34 : i32
      %get3A_1850 = arith.index_cast %get3A_1849 : i32 to index
      %get3A_1851 = arith.constant 0 : index
      %get3A_1852 = tpu.vector_load %arg9[%get3A_1850, %get3A_1851] {strides = array<i32>} : memref<50x64xf32, #tpu.memory_space<vmem>>, vector<16xf32>,
      %add3A_1853 = arith.addf %add3A_1833, %get3A_1852 : vector<16xf32>
      %get3A_1854 = arith.constant 34 : i32
      %get3A_1855 = arith.index_cast %get3A_1854 : i32 to index
      %get3A_1856 = arith.constant 16 : index
      %get3A_1857 = tpu.vector_load %arg9[%get3A_1855, %get3A_1856] {strides = array<i32>} : memref<50x64xf32, #tpu.memory_space<vmem>>, vector<16xf32>,
      %add3A_1858 = arith.addf %add3A_1838, %get3A_1857 : vector<16xf32>
      %get3A_1859 = arith.constant 34 : i32
      %get3A_1860 = arith.index_cast %get3A_1859 : i32 to index
      %get3A_1861 = arith.constant 32 : index
      %get3A_1862 = tpu.vector_load %arg9[%get3A_1860, %get3A_1861] {strides = array<i32>} : memref<50x64xf32, #tpu.memory_space<vmem>>, vector<16xf32>,
      %add3A_1863 = arith.addf %add3A_1843, %get3A_1862 : vector<16xf32>
      %get3A_1864 = arith.constant 34 : i32
      %get3A_1865 = arith.index_cast %get3A_1864 : i32 to index
      %get3A_1866 = arith.constant 48 : index
      %get3A_1867 = tpu.vector_load %arg9[%get3A_1865, %get3A_1866] {strides = array<i32>} : memref<50x64xf32, #tpu.memory_space<vmem>>, vector<16xf32>,
      %add3A_1868 = arith.addf %add3A_1848, %get3A_1867 : vector<16xf32>
      %get3A_1869 = arith.constant 35 : i32
      %get3A_1870 = arith.index_cast %get3A_1869 : i32 to index
      %get3A_1871 = arith.constant 0 : index
      %get3A_1872 = tpu.vector_load %arg9[%get3A_1870, %get3A_1871] {strides = array<i32>} : memref<50x64xf32, #tpu.memory_space<vmem>>, vector<16xf32>,
      %add3A_1873 = arith.addf %add3A_1853, %get3A_1872 : vector<16xf32>
      %get3A_1874 = arith.constant 35 : i32
      %get3A_1875 = arith.index_cast %get3A_1874 : i32 to index
      %get3A_1876 = arith.constant 16 : index
      %get3A_1877 = tpu.vector_load %arg9[%get3A_1875, %get3A_1876] {strides = array<i32>} : memref<50x64xf32, #tpu.memory_space<vmem>>, vector<16xf32>,
      %add3A_1878 = arith.addf %add3A_1858, %get3A_1877 : vector<16xf32>
      %get3A_1879 = arith.constant 35 : i32
      %get3A_1880 = arith.index_cast %get3A_1879 : i32 to index
      %get3A_1881 = arith.constant 32 : index
      %get3A_1882 = tpu.vector_load %arg9[%get3A_1880, %get3A_1881] {strides = array<i32>} : memref<50x64xf32, #tpu.memory_space<vmem>>, vector<16xf32>,
      %add3A_1883 = arith.addf %add3A_1863, %get3A_1882 : vector<16xf32>
      %get3A_1884 = arith.constant 35 : i32
      %get3A_1885 = arith.index_cast %get3A_1884 : i32 to index
      %get3A_1886 = arith.constant 48 : index
      %get3A_1887 = tpu.vector_load %arg9[%get3A_1885, %get3A_1886] {strides = array<i32>} : memref<50x64xf32, #tpu.memory_space<vmem>>, vector<16xf32>,
      %add3A_1888 = arith.addf %add3A_1868, %get3A_1887 : vector<16xf32>
      %get3A_1889 = arith.constant 36 : i32
      %get3A_1890 = arith.index_cast %get3A_1889 : i32 to index
      %get3A_1891 = arith.constant 0 : index
      %get3A_1892 = tpu.vector_load %arg9[%get3A_1890, %get3A_1891] {strides = array<i32>} : memref<50x64xf32, #tpu.memory_space<vmem>>, vector<16xf32>,
      %add3A_1893 = arith.addf %add3A_1873, %get3A_1892 : vector<16xf32>
      %get3A_1894 = arith.constant 36 : i32
      %get3A_1895 = arith.index_cast %get3A_1894 : i32 to index
      %get3A_1896 = arith.constant 16 : index
      %get3A_1897 = tpu.vector_load %arg9[%get3A_1895, %get3A_1896] {strides = array<i32>} : memref<50x64xf32, #tpu.memory_space<vmem>>, vector<16xf32>,
      %add3A_1898 = arith.addf %add3A_1878, %get3A_1897 : vector<16xf32>
      %get3A_1899 = arith.constant 36 : i32
      %get3A_1900 = arith.index_cast %get3A_1899 : i32 to index
      %get3A_1901 = arith.constant 32 : index
      %get3A_1902 = tpu.vector_load %arg9[%get3A_1900, %get3A_1901] {strides = array<i32>} : memref<50x64xf32, #tpu.memory_space<vmem>>, vector<16xf32>,
      %add3A_1903 = arith.addf %add3A_1883, %get3A_1902 : vector<16xf32>
      %get3A_1904 = arith.constant 36 : i32
      %get3A_1905 = arith.index_cast %get3A_1904 : i32 to index
      %get3A_1906 = arith.constant 48 : index
      %get3A_1907 = tpu.vector_load %arg9[%get3A_1905, %get3A_1906] {strides = array<i32>} : memref<50x64xf32, #tpu.memory_space<vmem>>, vector<16xf32>,
      %add3A_1908 = arith.addf %add3A_1888, %get3A_1907 : vector<16xf32>
      %get3A_1909 = arith.constant 37 : i32
      %get3A_1910 = arith.index_cast %get3A_1909 : i32 to index
      %get3A_1911 = arith.constant 0 : index
      %get3A_1912 = tpu.vector_load %arg9[%get3A_1910, %get3A_1911] {strides = array<i32>} : memref<50x64xf32, #tpu.memory_space<vmem>>, vector<16xf32>,
      %add3A_1913 = arith.addf %add3A_1893, %get3A_1912 : vector<16xf32>
      %get3A_1914 = arith.constant 37 : i32
      %get3A_1915 = arith.index_cast %get3A_1914 : i32 to index
      %get3A_1916 = arith.constant 16 : index
      %get3A_1917 = tpu.vector_load %arg9[%get3A_1915, %get3A_1916] {strides = array<i32>} : memref<50x64xf32, #tpu.memory_space<vmem>>, vector<16xf32>,
      %add3A_1918 = arith.addf %add3A_1898, %get3A_1917 : vector<16xf32>
      %get3A_1919 = arith.constant 37 : i32
      %get3A_1920 = arith.index_cast %get3A_1919 : i32 to index
      %get3A_1921 = arith.constant 32 : index
      %get3A_1922 = tpu.vector_load %arg9[%get3A_1920, %get3A_1921] {strides = array<i32>} : memref<50x64xf32, #tpu.memory_space<vmem>>, vector<16xf32>,
      %add3A_1923 = arith.addf %add3A_1903, %get3A_1922 : vector<16xf32>
      %get3A_1924 = arith.constant 37 : i32
      %get3A_1925 = arith.index_cast %get3A_1924 : i32 to index
      %get3A_1926 = arith.constant 48 : index
      %get3A_1927 = tpu.vector_load %arg9[%get3A_1925, %get3A_1926] {strides = array<i32>} : memref<50x64xf32, #tpu.memory_space<vmem>>, vector<16xf32>,
      %add3A_1928 = arith.addf %add3A_1908, %get3A_1927 : vector<16xf32>
      %get3A_1929 = arith.constant 38 : i32
      %get3A_1930 = arith.index_cast %get3A_1929 : i32 to index
      %get3A_1931 = arith.constant 0 : index
      %get3A_1932 = tpu.vector_load %arg9[%get3A_1930, %get3A_1931] {strides = array<i32>} : memref<50x64xf32, #tpu.memory_space<vmem>>, vector<16xf32>,
      %add3A_1933 = arith.addf %add3A_1913, %get3A_1932 : vector<16xf32>
      %get3A_1934 = arith.constant 38 : i32
      %get3A_1935 = arith.index_cast %get3A_1934 : i32 to index
      %get3A_1936 = arith.constant 16 : index
      %get3A_1937 = tpu.vector_load %arg9[%get3A_1935, %get3A_1936] {strides = array<i32>} : memref<50x64xf32, #tpu.memory_space<vmem>>, vector<16xf32>,
      %add3A_1938 = arith.addf %add3A_1918, %get3A_1937 : vector<16xf32>
      %get3A_1939 = arith.constant 38 : i32
      %get3A_1940 = arith.index_cast %get3A_1939 : i32 to index
      %get3A_1941 = arith.constant 32 : index
      %get3A_1942 = tpu.vector_load %arg9[%get3A_1940, %get3A_1941] {strides = array<i32>} : memref<50x64xf32, #tpu.memory_space<vmem>>, vector<16xf32>,
      %add3A_1943 = arith.addf %add3A_1923, %get3A_1942 : vector<16xf32>
      %get3A_1944 = arith.constant 38 : i32
      %get3A_1945 = arith.index_cast %get3A_1944 : i32 to index
      %get3A_1946 = arith.constant 48 : index
      %get3A_1947 = tpu.vector_load %arg9[%get3A_1945, %get3A_1946] {strides = array<i32>} : memref<50x64xf32, #tpu.memory_space<vmem>>, vector<16xf32>,
      %add3A_1948 = arith.addf %add3A_1928, %get3A_1947 : vector<16xf32>
      %get3A_1949 = arith.constant 39 : i32
      %get3A_1950 = arith.index_cast %get3A_1949 : i32 to index
      %get3A_1951 = arith.constant 0 : index
      %get3A_1952 = tpu.vector_load %arg9[%get3A_1950, %get3A_1951] {strides = array<i32>} : memref<50x64xf32, #tpu.memory_space<vmem>>, vector<16xf32>,
      %add3A_1953 = arith.addf %add3A_1933, %get3A_1952 : vector<16xf32>
      %get3A_1954 = arith.constant 39 : i32
      %get3A_1955 = arith.index_cast %get3A_1954 : i32 to index
      %get3A_1956 = arith.constant 16 : index
      %get3A_1957 = tpu.vector_load %arg9[%get3A_1955, %get3A_1956] {strides = array<i32>} : memref<50x64xf32, #tpu.memory_space<vmem>>, vector<16xf32>,
      %add3A_1958 = arith.addf %add3A_1938, %get3A_1957 : vector<16xf32>
      %get3A_1959 = arith.constant 39 : i32
      %get3A_1960 = arith.index_cast %get3A_1959 : i32 to index
      %get3A_1961 = arith.constant 32 : index
      %get3A_1962 = tpu.vector_load %arg9[%get3A_1960, %get3A_1961] {strides = array<i32>} : memref<50x64xf32, #tpu.memory_space<vmem>>, vector<16xf32>,
      %add3A_1963 = arith.addf %add3A_1943, %get3A_1962 : vector<16xf32>
      %get3A_1964 = arith.constant 39 : i32
      %get3A_1965 = arith.index_cast %get3A_1964 : i32 to index
      %get3A_1966 = arith.constant 48 : index
      %get3A_1967 = tpu.vector_load %arg9[%get3A_1965, %get3A_1966] {strides = array<i32>} : memref<50x64xf32, #tpu.memory_space<vmem>>, vector<16xf32>,
      %add3A_1968 = arith.addf %add3A_1948, %get3A_1967 : vector<16xf32>
      %get3A_1969 = arith.constant 40 : i32
      %get3A_1970 = arith.index_cast %get3A_1969 : i32 to index
      %get3A_1971 = arith.constant 0 : index
      %get3A_1972 = tpu.vector_load %arg9[%get3A_1970, %get3A_1971] {strides = array<i32>} : memref<50x64xf32, #tpu.memory_space<vmem>>, vector<16xf32>,
      %add3A_1973 = arith.addf %add3A_1953, %get3A_1972 : vector<16xf32>
      %get3A_1974 = arith.constant 40 : i32
      %get3A_1975 = arith.index_cast %get3A_1974 : i32 to index
      %get3A_1976 = arith.constant 16 : index
      %get3A_1977 = tpu.vector_load %arg9[%get3A_1975, %get3A_1976] {strides = array<i32>} : memref<50x64xf32, #tpu.memory_space<vmem>>, vector<16xf32>,
      %add3A_1978 = arith.addf %add3A_1958, %get3A_1977 : vector<16xf32>
      %get3A_1979 = arith.constant 40 : i32
      %get3A_1980 = arith.index_cast %get3A_1979 : i32 to index
      %get3A_1981 = arith.constant 32 : index
      %get3A_1982 = tpu.vector_load %arg9[%get3A_1980, %get3A_1981] {strides = array<i32>} : memref<50x64xf32, #tpu.memory_space<vmem>>, vector<16xf32>,
      %add3A_1983 = arith.addf %add3A_1963, %get3A_1982 : vector<16xf32>
      %get3A_1984 = arith.constant 40 : i32
      %get3A_1985 = arith.index_cast %get3A_1984 : i32 to index
      %get3A_1986 = arith.constant 48 : index
      %get3A_1987 = tpu.vector_load %arg9[%get3A_1985, %get3A_1986] {strides = array<i32>} : memref<50x64xf32, #tpu.memory_space<vmem>>, vector<16xf32>,
      %add3A_1988 = arith.addf %add3A_1968, %get3A_1987 : vector<16xf32>
      %get3A_1989 = arith.constant 41 : i32
      %get3A_1990 = arith.index_cast %get3A_1989 : i32 to index
      %get3A_1991 = arith.constant 0 : index
      %get3A_1992 = tpu.vector_load %arg9[%get3A_1990, %get3A_1991] {strides = array<i32>} : memref<50x64xf32, #tpu.memory_space<vmem>>, vector<16xf32>,
      %add3A_1993 = arith.addf %add3A_1973, %get3A_1992 : vector<16xf32>
      %get3A_1994 = arith.constant 41 : i32
      %get3A_1995 = arith.index_cast %get3A_1994 : i32 to index
      %get3A_1996 = arith.constant 16 : index
      %get3A_1997 = tpu.vector_load %arg9[%get3A_1995, %get3A_1996] {strides = array<i32>} : memref<50x64xf32, #tpu.memory_space<vmem>>, vector<16xf32>,
      %add3A_1998 = arith.addf %add3A_1978, %get3A_1997 : vector<16xf32>
      %get3A_1999 = arith.constant 41 : i32
      %get3A_2000 = arith.index_cast %get3A_1999 : i32 to index
      %get3A_2001 = arith.constant 32 : index
      %get3A_2002 = tpu.vector_load %arg9[%get3A_2000, %get3A_2001] {strides = array<i32>} : memref<50x64xf32, #tpu.memory_space<vmem>>, vector<16xf32>,
      %add3A_2003 = arith.addf %add3A_1983, %get3A_2002 : vector<16xf32>
      %get3A_2004 = arith.constant 41 : i32
      %get3A_2005 = arith.index_cast %get3A_2004 : i32 to index
      %get3A_2006 = arith.constant 48 : index
      %get3A_2007 = tpu.vector_load %arg9[%get3A_2005, %get3A_2006] {strides = array<i32>} : memref<50x64xf32, #tpu.memory_space<vmem>>, vector<16xf32>,
      %add3A_2008 = arith.addf %add3A_1988, %get3A_2007 : vector<16xf32>
      %get3A_2009 = arith.constant 42 : i32
      %get3A_2010 = arith.index_cast %get3A_2009 : i32 to index
      %get3A_2011 = arith.constant 0 : index
      %get3A_2012 = tpu.vector_load %arg9[%get3A_2010, %get3A_2011] {strides = array<i32>} : memref<50x64xf32, #tpu.memory_space<vmem>>, vector<16xf32>,
      %add3A_2013 = arith.addf %add3A_1993, %get3A_2012 : vector<16xf32>
      %get3A_2014 = arith.constant 42 : i32
      %get3A_2015 = arith.index_cast %get3A_2014 : i32 to index
      %get3A_2016 = arith.constant 16 : index
      %get3A_2017 = tpu.vector_load %arg9[%get3A_2015, %get3A_2016] {strides = array<i32>} : memref<50x64xf32, #tpu.memory_space<vmem>>, vector<16xf32>,
      %add3A_2018 = arith.addf %add3A_1998, %get3A_2017 : vector<16xf32>
      %get3A_2019 = arith.constant 42 : i32
      %get3A_2020 = arith.index_cast %get3A_2019 : i32 to index
      %get3A_2021 = arith.constant 32 : index
      %get3A_2022 = tpu.vector_load %arg9[%get3A_2020, %get3A_2021] {strides = array<i32>} : memref<50x64xf32, #tpu.memory_space<vmem>>, vector<16xf32>,
      %add3A_2023 = arith.addf %add3A_2003, %get3A_2022 : vector<16xf32>
      %get3A_2024 = arith.constant 42 : i32
      %get3A_2025 = arith.index_cast %get3A_2024 : i32 to index
      %get3A_2026 = arith.constant 48 : index
      %get3A_2027 = tpu.vector_load %arg9[%get3A_2025, %get3A_2026] {strides = array<i32>} : memref<50x64xf32, #tpu.memory_space<vmem>>, vector<16xf32>,
      %add3A_2028 = arith.addf %add3A_2008, %get3A_2027 : vector<16xf32>
      %get3A_2029 = arith.constant 43 : i32
      %get3A_2030 = arith.index_cast %get3A_2029 : i32 to index
      %get3A_2031 = arith.constant 0 : index
      %get3A_2032 = tpu.vector_load %arg9[%get3A_2030, %get3A_2031] {strides = array<i32>} : memref<50x64xf32, #tpu.memory_space<vmem>>, vector<16xf32>,
      %add3A_2033 = arith.addf %add3A_2013, %get3A_2032 : vector<16xf32>
      %get3A_2034 = arith.constant 43 : i32
      %get3A_2035 = arith.index_cast %get3A_2034 : i32 to index
      %get3A_2036 = arith.constant 16 : index
      %get3A_2037 = tpu.vector_load %arg9[%get3A_2035, %get3A_2036] {strides = array<i32>} : memref<50x64xf32, #tpu.memory_space<vmem>>, vector<16xf32>,
      %add3A_2038 = arith.addf %add3A_2018, %get3A_2037 : vector<16xf32>
      %get3A_2039 = arith.constant 43 : i32
      %get3A_2040 = arith.index_cast %get3A_2039 : i32 to index
      %get3A_2041 = arith.constant 32 : index
      %get3A_2042 = tpu.vector_load %arg9[%get3A_2040, %get3A_2041] {strides = array<i32>} : memref<50x64xf32, #tpu.memory_space<vmem>>, vector<16xf32>,
      %add3A_2043 = arith.addf %add3A_2023, %get3A_2042 : vector<16xf32>
      %get3A_2044 = arith.constant 43 : i32
      %get3A_2045 = arith.index_cast %get3A_2044 : i32 to index
      %get3A_2046 = arith.constant 48 : index
      %get3A_2047 = tpu.vector_load %arg9[%get3A_2045, %get3A_2046] {strides = array<i32>} : memref<50x64xf32, #tpu.memory_space<vmem>>, vector<16xf32>,
      %add3A_2048 = arith.addf %add3A_2028, %get3A_2047 : vector<16xf32>
      %get3A_2049 = arith.constant 44 : i32
      %get3A_2050 = arith.index_cast %get3A_2049 : i32 to index
      %get3A_2051 = arith.constant 0 : index
      %get3A_2052 = tpu.vector_load %arg9[%get3A_2050, %get3A_2051] {strides = array<i32>} : memref<50x64xf32, #tpu.memory_space<vmem>>, vector<16xf32>,
      %add3A_2053 = arith.addf %add3A_2033, %get3A_2052 : vector<16xf32>
      %get3A_2054 = arith.constant 44 : i32
      %get3A_2055 = arith.index_cast %get3A_2054 : i32 to index
      %get3A_2056 = arith.constant 16 : index
      %get3A_2057 = tpu.vector_load %arg9[%get3A_2055, %get3A_2056] {strides = array<i32>} : memref<50x64xf32, #tpu.memory_space<vmem>>, vector<16xf32>,
      %add3A_2058 = arith.addf %add3A_2038, %get3A_2057 : vector<16xf32>
      %get3A_2059 = arith.constant 44 : i32
      %get3A_2060 = arith.index_cast %get3A_2059 : i32 to index
      %get3A_2061 = arith.constant 32 : index
      %get3A_2062 = tpu.vector_load %arg9[%get3A_2060, %get3A_2061] {strides = array<i32>} : memref<50x64xf32, #tpu.memory_space<vmem>>, vector<16xf32>,
      %add3A_2063 = arith.addf %add3A_2043, %get3A_2062 : vector<16xf32>
      %get3A_2064 = arith.constant 44 : i32
      %get3A_2065 = arith.index_cast %get3A_2064 : i32 to index
      %get3A_2066 = arith.constant 48 : index
      %get3A_2067 = tpu.vector_load %arg9[%get3A_2065, %get3A_2066] {strides = array<i32>} : memref<50x64xf32, #tpu.memory_space<vmem>>, vector<16xf32>,
      %add3A_2068 = arith.addf %add3A_2048, %get3A_2067 : vector<16xf32>
      %get3A_2069 = arith.constant 45 : i32
      %get3A_2070 = arith.index_cast %get3A_2069 : i32 to index
      %get3A_2071 = arith.constant 0 : index
      %get3A_2072 = tpu.vector_load %arg9[%get3A_2070, %get3A_2071] {strides = array<i32>} : memref<50x64xf32, #tpu.memory_space<vmem>>, vector<16xf32>,
      %add3A_2073 = arith.addf %add3A_2053, %get3A_2072 : vector<16xf32>
      %get3A_2074 = arith.constant 45 : i32
      %get3A_2075 = arith.index_cast %get3A_2074 : i32 to index
      %get3A_2076 = arith.constant 16 : index
      %get3A_2077 = tpu.vector_load %arg9[%get3A_2075, %get3A_2076] {strides = array<i32>} : memref<50x64xf32, #tpu.memory_space<vmem>>, vector<16xf32>,
      %add3A_2078 = arith.addf %add3A_2058, %get3A_2077 : vector<16xf32>
      %get3A_2079 = arith.constant 45 : i32
      %get3A_2080 = arith.index_cast %get3A_2079 : i32 to index
      %get3A_2081 = arith.constant 32 : index
      %get3A_2082 = tpu.vector_load %arg9[%get3A_2080, %get3A_2081] {strides = array<i32>} : memref<50x64xf32, #tpu.memory_space<vmem>>, vector<16xf32>,
      %add3A_2083 = arith.addf %add3A_2063, %get3A_2082 : vector<16xf32>
      %get3A_2084 = arith.constant 45 : i32
      %get3A_2085 = arith.index_cast %get3A_2084 : i32 to index
      %get3A_2086 = arith.constant 48 : index
      %get3A_2087 = tpu.vector_load %arg9[%get3A_2085, %get3A_2086] {strides = array<i32>} : memref<50x64xf32, #tpu.memory_space<vmem>>, vector<16xf32>,
      %add3A_2088 = arith.addf %add3A_2068, %get3A_2087 : vector<16xf32>
      %get3A_2089 = arith.constant 46 : i32
      %get3A_2090 = arith.index_cast %get3A_2089 : i32 to index
      %get3A_2091 = arith.constant 0 : index
      %get3A_2092 = tpu.vector_load %arg9[%get3A_2090, %get3A_2091] {strides = array<i32>} : memref<50x64xf32, #tpu.memory_space<vmem>>, vector<16xf32>,
      %add3A_2093 = arith.addf %add3A_2073, %get3A_2092 : vector<16xf32>
      %get3A_2094 = arith.constant 46 : i32
      %get3A_2095 = arith.index_cast %get3A_2094 : i32 to index
      %get3A_2096 = arith.constant 16 : index
      %get3A_2097 = tpu.vector_load %arg9[%get3A_2095, %get3A_2096] {strides = array<i32>} : memref<50x64xf32, #tpu.memory_space<vmem>>, vector<16xf32>,
      %add3A_2098 = arith.addf %add3A_2078, %get3A_2097 : vector<16xf32>
      %get3A_2099 = arith.constant 46 : i32
      %get3A_2100 = arith.index_cast %get3A_2099 : i32 to index
      %get3A_2101 = arith.constant 32 : index
      %get3A_2102 = tpu.vector_load %arg9[%get3A_2100, %get3A_2101] {strides = array<i32>} : memref<50x64xf32, #tpu.memory_space<vmem>>, vector<16xf32>,
      %add3A_2103 = arith.addf %add3A_2083, %get3A_2102 : vector<16xf32>
      %get3A_2104 = arith.constant 46 : i32
      %get3A_2105 = arith.index_cast %get3A_2104 : i32 to index
      %get3A_2106 = arith.constant 48 : index
      %get3A_2107 = tpu.vector_load %arg9[%get3A_2105, %get3A_2106] {strides = array<i32>} : memref<50x64xf32, #tpu.memory_space<vmem>>, vector<16xf32>,
      %add3A_2108 = arith.addf %add3A_2088, %get3A_2107 : vector<16xf32>
      %get3A_2109 = arith.constant 47 : i32
      %get3A_2110 = arith.index_cast %get3A_2109 : i32 to index
      %get3A_2111 = arith.constant 0 : index
      %get3A_2112 = tpu.vector_load %arg9[%get3A_2110, %get3A_2111] {strides = array<i32>} : memref<50x64xf32, #tpu.memory_space<vmem>>, vector<16xf32>,
      %add3A_2113 = arith.addf %add3A_2093, %get3A_2112 : vector<16xf32>
      %get3A_2114 = arith.constant 47 : i32
      %get3A_2115 = arith.index_cast %get3A_2114 : i32 to index
      %get3A_2116 = arith.constant 16 : index
      %get3A_2117 = tpu.vector_load %arg9[%get3A_2115, %get3A_2116] {strides = array<i32>} : memref<50x64xf32, #tpu.memory_space<vmem>>, vector<16xf32>,
      %add3A_2118 = arith.addf %add3A_2098, %get3A_2117 : vector<16xf32>
      %get3A_2119 = arith.constant 47 : i32
      %get3A_2120 = arith.index_cast %get3A_2119 : i32 to index
      %get3A_2121 = arith.constant 32 : index
      %get3A_2122 = tpu.vector_load %arg9[%get3A_2120, %get3A_2121] {strides = array<i32>} : memref<50x64xf32, #tpu.memory_space<vmem>>, vector<16xf32>,
      %add3A_2123 = arith.addf %add3A_2103, %get3A_2122 : vector<16xf32>
      %get3A_2124 = arith.constant 47 : i32
      %get3A_2125 = arith.index_cast %get3A_2124 : i32 to index
      %get3A_2126 = arith.constant 48 : index
      %get3A_2127 = tpu.vector_load %arg9[%get3A_2125, %get3A_2126] {strides = array<i32>} : memref<50x64xf32, #tpu.memory_space<vmem>>, vector<16xf32>,
      %add3A_2128 = arith.addf %add3A_2108, %get3A_2127 : vector<16xf32>
      %get3A_2129 = arith.constant 48 : i32
      %get3A_2130 = arith.index_cast %get3A_2129 : i32 to index
      %get3A_2131 = arith.constant 0 : index
      %get3A_2132 = tpu.vector_load %arg9[%get3A_2130, %get3A_2131] {strides = array<i32>} : memref<50x64xf32, #tpu.memory_space<vmem>>, vector<16xf32>,
      %add3A_2133 = arith.addf %add3A_2113, %get3A_2132 : vector<16xf32>
      %get3A_2134 = arith.constant 48 : i32
      %get3A_2135 = arith.index_cast %get3A_2134 : i32 to index
      %get3A_2136 = arith.constant 16 : index
      %get3A_2137 = tpu.vector_load %arg9[%get3A_2135, %get3A_2136] {strides = array<i32>} : memref<50x64xf32, #tpu.memory_space<vmem>>, vector<16xf32>,
      %add3A_2138 = arith.addf %add3A_2118, %get3A_2137 : vector<16xf32>
      %get3A_2139 = arith.constant 48 : i32
      %get3A_2140 = arith.index_cast %get3A_2139 : i32 to index
      %get3A_2141 = arith.constant 32 : index
      %get3A_2142 = tpu.vector_load %arg9[%get3A_2140, %get3A_2141] {strides = array<i32>} : memref<50x64xf32, #tpu.memory_space<vmem>>, vector<16xf32>,
      %add3A_2143 = arith.addf %add3A_2123, %get3A_2142 : vector<16xf32>
      %get3A_2144 = arith.constant 48 : i32
      %get3A_2145 = arith.index_cast %get3A_2144 : i32 to index
      %get3A_2146 = arith.constant 48 : index
      %get3A_2147 = tpu.vector_load %arg9[%get3A_2145, %get3A_2146] {strides = array<i32>} : memref<50x64xf32, #tpu.memory_space<vmem>>, vector<16xf32>,
      %add3A_2148 = arith.addf %add3A_2128, %get3A_2147 : vector<16xf32>
      %get3A_2149 = arith.constant 49 : i32
      %get3A_2150 = arith.index_cast %get3A_2149 : i32 to index
      %get3A_2151 = arith.constant 0 : index
      %get3A_2152 = tpu.vector_load %arg9[%get3A_2150, %get3A_2151] {strides = array<i32>} : memref<50x64xf32, #tpu.memory_space<vmem>>, vector<16xf32>,
      %add3A_2153 = arith.addf %add3A_2133, %get3A_2152 : vector<16xf32>
      %get3A_2154 = arith.constant 49 : i32
      %get3A_2155 = arith.index_cast %get3A_2154 : i32 to index
      %get3A_2156 = arith.constant 16 : index
      %get3A_2157 = tpu.vector_load %arg9[%get3A_2155, %get3A_2156] {strides = array<i32>} : memref<50x64xf32, #tpu.memory_space<vmem>>, vector<16xf32>,
      %add3A_2158 = arith.addf %add3A_2138, %get3A_2157 : vector<16xf32>
      %get3A_2159 = arith.constant 49 : i32
      %get3A_2160 = arith.index_cast %get3A_2159 : i32 to index
      %get3A_2161 = arith.constant 32 : index
      %get3A_2162 = tpu.vector_load %arg9[%get3A_2160, %get3A_2161] {strides = array<i32>} : memref<50x64xf32, #tpu.memory_space<vmem>>, vector<16xf32>,
      %add3A_2163 = arith.addf %add3A_2143, %get3A_2162 : vector<16xf32>
      %get3A_2164 = arith.constant 49 : i32
      %get3A_2165 = arith.index_cast %get3A_2164 : i32 to index
      %get3A_2166 = arith.constant 48 : index
      %get3A_2167 = tpu.vector_load %arg9[%get3A_2165, %get3A_2166] {strides = array<i32>} : memref<50x64xf32, #tpu.memory_space<vmem>>, vector<16xf32>,
      %add3A_2168 = arith.addf %add3A_2148, %get3A_2167 : vector<16xf32>
      %add3A_2169 = arith.addf %add3A_2153, %add3A_2158 : vector<16xf32>
      %add3A_2170 = arith.addf %add3A_2163, %add3A_2168 : vector<16xf32>
      %add3A_2171 = arith.addf %add3A_2169, %add3A_2170 : vector<16xf32>
      %broadcast_in_dim3A_2172 = arith.constant 15 : i32
      %broadcast_in_dim3A_2173 = vector.broadcast %broadcast_in_dim3A_2172 : i32 to vector<16xi32>
      %broadcast_in_dim3A_2174 = arith.constant true
      %broadcast_in_dim3A_2175 = vector.broadcast %broadcast_in_dim3A_2174 : i1 to vector<16xi1>
      %masked_cumsum3A_2176 = tpu.scan <sum>, %add3A_2171 masked %broadcast_in_dim3A_2175 : vector<16xf32>, vector<16xi1> -> vector<16xf32>
      %lt3A_2177 = arith.constant 0 : i32
      %lt3A_2178 = vector.broadcast %lt3A_2177 : i32 to vector<16xi32>
      %lt3A_2179 = arith.cmpi slt, %broadcast_in_dim3A_2173, %lt3A_2178 : vector<16xi32>
      %add3A_2180 = arith.constant 16 : i32
      %add3A_2181 = vector.broadcast %add3A_2180 : i32 to vector<16xi32>
      %add3A_2182 = arith.addi %broadcast_in_dim3A_2173, %add3A_2181 : vector<16xi32>
      %select_n3A_2183 = arith.select %lt3A_2179, %add3A_2182, %broadcast_in_dim3A_2173 : vector<16xi1>, vector<16xi32>
      %broadcast_in_dim3A_2184 = vector.shape_cast %select_n3A_2183 : vector<16xi32> to vector<16x1xi32>
      %gather3A_2185 = vector.shape_cast %broadcast_in_dim3A_2184 : vector<16x1xi32> to vector<16xi32>
      %gather3A_2186 = tpu.dynamic_gather %masked_cumsum3A_2176[%gather3A_2185] in [0] : vector<16xf32>, vector<16xi32> -> vector<16xf32>
      %mul3A_2187 = arith.constant 1.562500e-02 : f32
      %mul3A_2188 = vector.broadcast %mul3A_2187 : f32 to vector<16xf32>
      %mul3A_2189 = arith.mulf %gather3A_2186, %mul3A_2188 : vector<16xf32>
      %sub3A_2190 = arith.subf %add3A_2153, %mul3A_2189 : vector<16xf32>
      %sub3A_2191 = arith.subf %add3A_2158, %mul3A_2189 : vector<16xf32>
      %sub3A_2192 = arith.subf %add3A_2163, %mul3A_2189 : vector<16xf32>
      %sub3A_2193 = arith.subf %add3A_2168, %mul3A_2189 : vector<16xf32>
      %mul3A_2194 = arith.mulf %sub3A_2190, %sub3A_2190 : vector<16xf32>
      %mul3A_2195 = arith.mulf %sub3A_2191, %sub3A_2191 : vector<16xf32>
      %add3A_2196 = arith.addf %mul3A_2194, %mul3A_2195 : vector<16xf32>
      %mul3A_2197 = arith.mulf %sub3A_2192, %sub3A_2192 : vector<16xf32>
      %mul3A_2198 = arith.mulf %sub3A_2193, %sub3A_2193 : vector<16xf32>
      %add3A_2199 = arith.addf %mul3A_2197, %mul3A_2198 : vector<16xf32>
      %add3A_2200 = arith.addf %add3A_2196, %add3A_2199 : vector<16xf32>
      %broadcast_in_dim3A_2201 = arith.constant 15 : i32
      %broadcast_in_dim3A_2202 = vector.broadcast %broadcast_in_dim3A_2201 : i32 to vector<16xi32>
      %broadcast_in_dim3A_2203 = arith.constant true
      %broadcast_in_dim3A_2204 = vector.broadcast %broadcast_in_dim3A_2203 : i1 to vector<16xi1>
      %masked_cumsum3A_2205 = tpu.scan <sum>, %add3A_2200 masked %broadcast_in_dim3A_2204 : vector<16xf32>, vector<16xi1> -> vector<16xf32>
      %lt3A_2206 = arith.constant 0 : i32
      %lt3A_2207 = vector.broadcast %lt3A_2206 : i32 to vector<16xi32>
      %lt3A_2208 = arith.cmpi slt, %broadcast_in_dim3A_2202, %lt3A_2207 : vector<16xi32>
      %add3A_2209 = arith.constant 16 : i32
      %add3A_2210 = vector.broadcast %add3A_2209 : i32 to vector<16xi32>
      %add3A_2211 = arith.addi %broadcast_in_dim3A_2202, %add3A_2210 : vector<16xi32>
      %select_n3A_2212 = arith.select %lt3A_2208, %add3A_2211, %broadcast_in_dim3A_2202 : vector<16xi1>, vector<16xi32>
      %broadcast_in_dim3A_2213 = vector.shape_cast %select_n3A_2212 : vector<16xi32> to vector<16x1xi32>
      %gather3A_2214 = vector.shape_cast %broadcast_in_dim3A_2213 : vector<16x1xi32> to vector<16xi32>
      %gather3A_2215 = tpu.dynamic_gather %masked_cumsum3A_2205[%gather3A_2214] in [0] : vector<16xf32>, vector<16xi32> -> vector<16xf32>
      %mul3A_2216 = arith.constant 1.562500e-02 : f32
      %mul3A_2217 = vector.broadcast %mul3A_2216 : f32 to vector<16xf32>
      %mul3A_2218 = arith.mulf %gather3A_2215, %mul3A_2217 : vector<16xf32>
      %add3A_2219 = arith.constant 9.99999996E-13 : f32
      %add3A_2220 = vector.broadcast %add3A_2219 : f32 to vector<16xf32>
      %add3A_2221 = arith.addf %mul3A_2218, %add3A_2220 : vector<16xf32>
      %bitcast3A_2222 = vector.bitcast %add3A_2221 : vector<16xf32> to vector<16xi32>
      %shift_right_arithmetic3A_2223 = arith.constant 1 : i32
      %shift_right_arithmetic3A_2224 = vector.broadcast %shift_right_arithmetic3A_2223 : i32 to vector<16xi32>
      %shift_right_arithmetic3A_2225 = arith.shrsi %bitcast3A_2222, %shift_right_arithmetic3A_2224 : vector<16xi32>
      %sub3A_2226 = arith.constant 1597463007 : i32
      %sub3A_2227 = vector.broadcast %sub3A_2226 : i32 to vector<16xi32>
      %sub3A_2228 = arith.subi %sub3A_2227, %shift_right_arithmetic3A_2225 : vector<16xi32>
      %bitcast3A_2229 = vector.bitcast %sub3A_2228 : vector<16xi32> to vector<16xf32>
      %mul3A_2230 = arith.constant 5.000000e-01 : f32
      %mul3A_2231 = vector.broadcast %mul3A_2230 : f32 to vector<16xf32>
      %mul3A_2232 = arith.mulf %add3A_2221, %mul3A_2231 : vector<16xf32>
      %mul3A_2233 = arith.mulf %mul3A_2232, %bitcast3A_2229 : vector<16xf32>
      %mul3A_2234 = arith.mulf %mul3A_2233, %bitcast3A_2229 : vector<16xf32>
      %sub3A_2235 = arith.constant 1.500000e+00 : f32
      %sub3A_2236 = vector.broadcast %sub3A_2235 : f32 to vector<16xf32>
      %sub3A_2237 = arith.subf %sub3A_2236, %mul3A_2234 : vector<16xf32>
      %mul3A_2238 = arith.mulf %bitcast3A_2229, %sub3A_2237 : vector<16xf32>
      %mul3A_2239 = arith.mulf %mul3A_2232, %mul3A_2238 : vector<16xf32>
      %mul3A_2240 = arith.mulf %mul3A_2239, %mul3A_2238 : vector<16xf32>
      %sub3A_2241 = arith.constant 1.500000e+00 : f32
      %sub3A_2242 = vector.broadcast %sub3A_2241 : f32 to vector<16xf32>
      %sub3A_2243 = arith.subf %sub3A_2242, %mul3A_2240 : vector<16xf32>
      %mul3A_2244 = arith.mulf %mul3A_2238, %sub3A_2243 : vector<16xf32>
      %mul3A_2245 = arith.mulf %mul3A_2232, %mul3A_2244 : vector<16xf32>
      %mul3A_2246 = arith.mulf %mul3A_2245, %mul3A_2244 : vector<16xf32>
      %sub3A_2247 = arith.constant 1.500000e+00 : f32
      %sub3A_2248 = vector.broadcast %sub3A_2247 : f32 to vector<16xf32>
      %sub3A_2249 = arith.subf %sub3A_2248, %mul3A_2246 : vector<16xf32>
      %mul3A_2250 = arith.mulf %mul3A_2244, %sub3A_2249 : vector<16xf32>
      %mul3A_2251 = arith.mulf %sub3A_2190, %mul3A_2250 : vector<16xf32>
      %mul3A_2252 = arith.mulf %mul3A_2251, %get3A_3 : vector<16xf32>
      %add3A_2253 = arith.addf %mul3A_2252, %get3A_11 : vector<16xf32>
      %swap3A_2254 = arith.index_cast %add3A_1166 : i32 to index
      %swap3A_2255 = arith.constant 0 : index
      %swap3A_2256 = tpu.vector_load %arg12[%swap3A_2254, %swap3A_2255] {strides = array<i32>} : memref<128x64xf32, #tpu.memory_space<vmem>>, vector<16xf32>,
      tpu.vector_store %arg12[%swap3A_2254, %swap3A_2255], %add3A_2253 {strides = array<i32>} : memref<128x64xf32, #tpu.memory_space<vmem>>, vector<16xf32>,
      %mul3A_2257 = arith.mulf %sub3A_2191, %mul3A_2250 : vector<16xf32>
      %mul3A_2258 = arith.mulf %mul3A_2257, %get3A_5 : vector<16xf32>
      %add3A_2259 = arith.addf %mul3A_2258, %get3A_13 : vector<16xf32>
      %swap3A_2260 = arith.index_cast %add3A_1166 : i32 to index
      %swap3A_2261 = arith.constant 16 : index
      %swap3A_2262 = tpu.vector_load %arg12[%swap3A_2260, %swap3A_2261] {strides = array<i32>} : memref<128x64xf32, #tpu.memory_space<vmem>>, vector<16xf32>,
      tpu.vector_store %arg12[%swap3A_2260, %swap3A_2261], %add3A_2259 {strides = array<i32>} : memref<128x64xf32, #tpu.memory_space<vmem>>, vector<16xf32>,
      %mul3A_2263 = arith.mulf %sub3A_2192, %mul3A_2250 : vector<16xf32>
      %mul3A_2264 = arith.mulf %mul3A_2263, %get3A_7 : vector<16xf32>
      %add3A_2265 = arith.addf %mul3A_2264, %get3A_15 : vector<16xf32>
      %swap3A_2266 = arith.index_cast %add3A_1166 : i32 to index
      %swap3A_2267 = arith.constant 32 : index
      %swap3A_2268 = tpu.vector_load %arg12[%swap3A_2266, %swap3A_2267] {strides = array<i32>} : memref<128x64xf32, #tpu.memory_space<vmem>>, vector<16xf32>,
      tpu.vector_store %arg12[%swap3A_2266, %swap3A_2267], %add3A_2265 {strides = array<i32>} : memref<128x64xf32, #tpu.memory_space<vmem>>, vector<16xf32>,
      %mul3A_2269 = arith.mulf %sub3A_2193, %mul3A_2250 : vector<16xf32>
      %mul3A_2270 = arith.mulf %mul3A_2269, %get3A_9 : vector<16xf32>
      %add3A_2271 = arith.addf %mul3A_2270, %get3A_17 : vector<16xf32>
      %swap3A_2272 = arith.index_cast %add3A_1166 : i32 to index
      %swap3A_2273 = arith.constant 48 : index
      %swap3A_2274 = tpu.vector_load %arg12[%swap3A_2272, %swap3A_2273] {strides = array<i32>} : memref<128x64xf32, #tpu.memory_space<vmem>>, vector<16xf32>,
      tpu.vector_store %arg12[%swap3A_2272, %swap3A_2273], %add3A_2271 {strides = array<i32>} : memref<128x64xf32, #tpu.memory_space<vmem>>, vector<16xf32>,
      %add3A_2275 = arith.constant 4 : i32
      %add3A_2276 = arith.addi %add3A_1166, %add3A_2275 : i32
      %lt3A_2277 = arith.constant 128 : i32
      %lt3A_2278 = arith.cmpi slt, %add3A_2276, %lt3A_2277 : i32
      %convert_element_type3A_2279 = arith.extui %lt3A_2278 : i1 to i32
      %cond3A_2280 = arith.constant 0 : i32
      %cond3A_2281 = arith.cmpi ne, %convert_element_type3A_2279, %cond3A_2280 : i32
      scf.if %cond3A_2281 {
        %add3A_4520 = arith.constant 4 : i32
        %add3A_4521 = arith.addi %add3A_1166, %add3A_4520 : i32
        %dma_start3A_4522 = arith.constant 0 : i32
        %dma_start3A_4523 = tpu.memref_slice %arg7[%add3A_4521, %dma_start3A_4522] : memref<128x50xi32, #tpu.memory_space<vmem>> -> memref<1x50xi32, #tpu.memory_space<vmem>>
        %dma_start3A_4524 = tpu.memref_squeeze %dma_start3A_4523 : memref<1x50xi32, #tpu.memory_space<vmem>> -> memref<50xi32, #tpu.memory_space<vmem>>
        %dma_start3A_4525 = arith.constant 0 : i32
        %dma_start3A_4526 = arith.constant 0 : i32
        %dma_start3A_4527 = tpu.memref_slice %arg2[%dma_start3A_4525, %dma_start3A_4526] : memref<100000x64xf32, #tpu.memory_space<hbm>> -> memref<100000x64xf32, #tpu.memory_space<hbm>>
        tpu.enqueue_indirect_dma source(%dma_start3A_4527 : memref<100000x64xf32, #tpu.memory_space<hbm>>) target(%arg9 : memref<50x64xf32, #tpu.memory_space<vmem>>) offsets(%dma_start3A_4524 : memref<50xi32, #tpu.memory_space<vmem>>) semaphore(%arg16 : memref<!tpu.dma_semaphore, #tpu.memory_space<semaphore_mem>>)
      } else {
      }
      %mul3A_2282 = arith.constant 4 : i32
      %mul3A_2283 = arith.muli %add3A_55, %mul3A_2282 : i32
      %add3A_2284 = arith.constant 2 : i32
      %add3A_2285 = arith.addi %mul3A_2283, %add3A_2284 : i32
      %dma_wait3A_2286 = arith.constant 0 : i32
      %dma_wait3A_2287 = tpu.memref_slice %arg7[%add3A_2285, %dma_wait3A_2286] : memref<128x50xi32, #tpu.memory_space<vmem>> -> memref<1x50xi32, #tpu.memory_space<vmem>>
      %dma_wait3A_2288 = tpu.memref_squeeze %dma_wait3A_2287 : memref<1x50xi32, #tpu.memory_space<vmem>> -> memref<50xi32, #tpu.memory_space<vmem>>
      %dma_wait3A_2289 = arith.constant 0 : i32
      %dma_wait3A_2290 = arith.constant 0 : i32
      %dma_wait3A_2291 = tpu.memref_slice %arg2[%dma_wait3A_2289, %dma_wait3A_2290] : memref<100000x64xf32, #tpu.memory_space<hbm>> -> memref<100000x64xf32, #tpu.memory_space<hbm>>
      tpu.wait_indirect_dma semaphore(%arg17 : memref<!tpu.dma_semaphore, #tpu.memory_space<semaphore_mem>>) src(%dma_wait3A_2291 : memref<100000x64xf32, #tpu.memory_space<hbm>>) dst(%arg10 : memref<50x64xf32, #tpu.memory_space<vmem>>)
      %get3A_2292 = arith.constant 0 : i32
      %get3A_2293 = arith.index_cast %get3A_2292 : i32 to index
      %get3A_2294 = arith.constant 0 : index
      %get3A_2295 = tpu.vector_load %arg10[%get3A_2293, %get3A_2294] {strides = array<i32>} : memref<50x64xf32, #tpu.memory_space<vmem>>, vector<16xf32>,
      %get3A_2296 = arith.constant 0 : i32
      %get3A_2297 = arith.index_cast %get3A_2296 : i32 to index
      %get3A_2298 = arith.constant 16 : index
      %get3A_2299 = tpu.vector_load %arg10[%get3A_2297, %get3A_2298] {strides = array<i32>} : memref<50x64xf32, #tpu.memory_space<vmem>>, vector<16xf32>,
      %get3A_2300 = arith.constant 0 : i32
      %get3A_2301 = arith.index_cast %get3A_2300 : i32 to index
      %get3A_2302 = arith.constant 32 : index
      %get3A_2303 = tpu.vector_load %arg10[%get3A_2301, %get3A_2302] {strides = array<i32>} : memref<50x64xf32, #tpu.memory_space<vmem>>, vector<16xf32>,
      %get3A_2304 = arith.constant 0 : i32
      %get3A_2305 = arith.index_cast %get3A_2304 : i32 to index
      %get3A_2306 = arith.constant 48 : index
      %get3A_2307 = tpu.vector_load %arg10[%get3A_2305, %get3A_2306] {strides = array<i32>} : memref<50x64xf32, #tpu.memory_space<vmem>>, vector<16xf32>,
      %get3A_2308 = arith.constant 1 : i32
      %get3A_2309 = arith.index_cast %get3A_2308 : i32 to index
      %get3A_2310 = arith.constant 0 : index
      %get3A_2311 = tpu.vector_load %arg10[%get3A_2309, %get3A_2310] {strides = array<i32>} : memref<50x64xf32, #tpu.memory_space<vmem>>, vector<16xf32>,
      %add3A_2312 = arith.addf %get3A_2295, %get3A_2311 : vector<16xf32>
      %get3A_2313 = arith.constant 1 : i32
      %get3A_2314 = arith.index_cast %get3A_2313 : i32 to index
      %get3A_2315 = arith.constant 16 : index
      %get3A_2316 = tpu.vector_load %arg10[%get3A_2314, %get3A_2315] {strides = array<i32>} : memref<50x64xf32, #tpu.memory_space<vmem>>, vector<16xf32>,
      %add3A_2317 = arith.addf %get3A_2299, %get3A_2316 : vector<16xf32>
      %get3A_2318 = arith.constant 1 : i32
      %get3A_2319 = arith.index_cast %get3A_2318 : i32 to index
      %get3A_2320 = arith.constant 32 : index
      %get3A_2321 = tpu.vector_load %arg10[%get3A_2319, %get3A_2320] {strides = array<i32>} : memref<50x64xf32, #tpu.memory_space<vmem>>, vector<16xf32>,
      %add3A_2322 = arith.addf %get3A_2303, %get3A_2321 : vector<16xf32>
      %get3A_2323 = arith.constant 1 : i32
      %get3A_2324 = arith.index_cast %get3A_2323 : i32 to index
      %get3A_2325 = arith.constant 48 : index
      %get3A_2326 = tpu.vector_load %arg10[%get3A_2324, %get3A_2325] {strides = array<i32>} : memref<50x64xf32, #tpu.memory_space<vmem>>, vector<16xf32>,
      %add3A_2327 = arith.addf %get3A_2307, %get3A_2326 : vector<16xf32>
      %get3A_2328 = arith.constant 2 : i32
      %get3A_2329 = arith.index_cast %get3A_2328 : i32 to index
      %get3A_2330 = arith.constant 0 : index
      %get3A_2331 = tpu.vector_load %arg10[%get3A_2329, %get3A_2330] {strides = array<i32>} : memref<50x64xf32, #tpu.memory_space<vmem>>, vector<16xf32>,
      %add3A_2332 = arith.addf %add3A_2312, %get3A_2331 : vector<16xf32>
      %get3A_2333 = arith.constant 2 : i32
      %get3A_2334 = arith.index_cast %get3A_2333 : i32 to index
      %get3A_2335 = arith.constant 16 : index
      %get3A_2336 = tpu.vector_load %arg10[%get3A_2334, %get3A_2335] {strides = array<i32>} : memref<50x64xf32, #tpu.memory_space<vmem>>, vector<16xf32>,
      %add3A_2337 = arith.addf %add3A_2317, %get3A_2336 : vector<16xf32>
      %get3A_2338 = arith.constant 2 : i32
      %get3A_2339 = arith.index_cast %get3A_2338 : i32 to index
      %get3A_2340 = arith.constant 32 : index
      %get3A_2341 = tpu.vector_load %arg10[%get3A_2339, %get3A_2340] {strides = array<i32>} : memref<50x64xf32, #tpu.memory_space<vmem>>, vector<16xf32>,
      %add3A_2342 = arith.addf %add3A_2322, %get3A_2341 : vector<16xf32>
      %get3A_2343 = arith.constant 2 : i32
      %get3A_2344 = arith.index_cast %get3A_2343 : i32 to index
      %get3A_2345 = arith.constant 48 : index
      %get3A_2346 = tpu.vector_load %arg10[%get3A_2344, %get3A_2345] {strides = array<i32>} : memref<50x64xf32, #tpu.memory_space<vmem>>, vector<16xf32>,
      %add3A_2347 = arith.addf %add3A_2327, %get3A_2346 : vector<16xf32>
      %get3A_2348 = arith.constant 3 : i32
      %get3A_2349 = arith.index_cast %get3A_2348 : i32 to index
      %get3A_2350 = arith.constant 0 : index
      %get3A_2351 = tpu.vector_load %arg10[%get3A_2349, %get3A_2350] {strides = array<i32>} : memref<50x64xf32, #tpu.memory_space<vmem>>, vector<16xf32>,
      %add3A_2352 = arith.addf %add3A_2332, %get3A_2351 : vector<16xf32>
      %get3A_2353 = arith.constant 3 : i32
      %get3A_2354 = arith.index_cast %get3A_2353 : i32 to index
      %get3A_2355 = arith.constant 16 : index
      %get3A_2356 = tpu.vector_load %arg10[%get3A_2354, %get3A_2355] {strides = array<i32>} : memref<50x64xf32, #tpu.memory_space<vmem>>, vector<16xf32>,
      %add3A_2357 = arith.addf %add3A_2337, %get3A_2356 : vector<16xf32>
      %get3A_2358 = arith.constant 3 : i32
      %get3A_2359 = arith.index_cast %get3A_2358 : i32 to index
      %get3A_2360 = arith.constant 32 : index
      %get3A_2361 = tpu.vector_load %arg10[%get3A_2359, %get3A_2360] {strides = array<i32>} : memref<50x64xf32, #tpu.memory_space<vmem>>, vector<16xf32>,
      %add3A_2362 = arith.addf %add3A_2342, %get3A_2361 : vector<16xf32>
      %get3A_2363 = arith.constant 3 : i32
      %get3A_2364 = arith.index_cast %get3A_2363 : i32 to index
      %get3A_2365 = arith.constant 48 : index
      %get3A_2366 = tpu.vector_load %arg10[%get3A_2364, %get3A_2365] {strides = array<i32>} : memref<50x64xf32, #tpu.memory_space<vmem>>, vector<16xf32>,
      %add3A_2367 = arith.addf %add3A_2347, %get3A_2366 : vector<16xf32>
      %get3A_2368 = arith.constant 4 : i32
      %get3A_2369 = arith.index_cast %get3A_2368 : i32 to index
      %get3A_2370 = arith.constant 0 : index
      %get3A_2371 = tpu.vector_load %arg10[%get3A_2369, %get3A_2370] {strides = array<i32>} : memref<50x64xf32, #tpu.memory_space<vmem>>, vector<16xf32>,
      %add3A_2372 = arith.addf %add3A_2352, %get3A_2371 : vector<16xf32>
      %get3A_2373 = arith.constant 4 : i32
      %get3A_2374 = arith.index_cast %get3A_2373 : i32 to index
      %get3A_2375 = arith.constant 16 : index
      %get3A_2376 = tpu.vector_load %arg10[%get3A_2374, %get3A_2375] {strides = array<i32>} : memref<50x64xf32, #tpu.memory_space<vmem>>, vector<16xf32>,
      %add3A_2377 = arith.addf %add3A_2357, %get3A_2376 : vector<16xf32>
      %get3A_2378 = arith.constant 4 : i32
      %get3A_2379 = arith.index_cast %get3A_2378 : i32 to index
      %get3A_2380 = arith.constant 32 : index
      %get3A_2381 = tpu.vector_load %arg10[%get3A_2379, %get3A_2380] {strides = array<i32>} : memref<50x64xf32, #tpu.memory_space<vmem>>, vector<16xf32>,
      %add3A_2382 = arith.addf %add3A_2362, %get3A_2381 : vector<16xf32>
      %get3A_2383 = arith.constant 4 : i32
      %get3A_2384 = arith.index_cast %get3A_2383 : i32 to index
      %get3A_2385 = arith.constant 48 : index
      %get3A_2386 = tpu.vector_load %arg10[%get3A_2384, %get3A_2385] {strides = array<i32>} : memref<50x64xf32, #tpu.memory_space<vmem>>, vector<16xf32>,
      %add3A_2387 = arith.addf %add3A_2367, %get3A_2386 : vector<16xf32>
      %get3A_2388 = arith.constant 5 : i32
      %get3A_2389 = arith.index_cast %get3A_2388 : i32 to index
      %get3A_2390 = arith.constant 0 : index
      %get3A_2391 = tpu.vector_load %arg10[%get3A_2389, %get3A_2390] {strides = array<i32>} : memref<50x64xf32, #tpu.memory_space<vmem>>, vector<16xf32>,
      %add3A_2392 = arith.addf %add3A_2372, %get3A_2391 : vector<16xf32>
      %get3A_2393 = arith.constant 5 : i32
      %get3A_2394 = arith.index_cast %get3A_2393 : i32 to index
      %get3A_2395 = arith.constant 16 : index
      %get3A_2396 = tpu.vector_load %arg10[%get3A_2394, %get3A_2395] {strides = array<i32>} : memref<50x64xf32, #tpu.memory_space<vmem>>, vector<16xf32>,
      %add3A_2397 = arith.addf %add3A_2377, %get3A_2396 : vector<16xf32>
      %get3A_2398 = arith.constant 5 : i32
      %get3A_2399 = arith.index_cast %get3A_2398 : i32 to index
      %get3A_2400 = arith.constant 32 : index
      %get3A_2401 = tpu.vector_load %arg10[%get3A_2399, %get3A_2400] {strides = array<i32>} : memref<50x64xf32, #tpu.memory_space<vmem>>, vector<16xf32>,
      %add3A_2402 = arith.addf %add3A_2382, %get3A_2401 : vector<16xf32>
      %get3A_2403 = arith.constant 5 : i32
      %get3A_2404 = arith.index_cast %get3A_2403 : i32 to index
      %get3A_2405 = arith.constant 48 : index
      %get3A_2406 = tpu.vector_load %arg10[%get3A_2404, %get3A_2405] {strides = array<i32>} : memref<50x64xf32, #tpu.memory_space<vmem>>, vector<16xf32>,
      %add3A_2407 = arith.addf %add3A_2387, %get3A_2406 : vector<16xf32>
      %get3A_2408 = arith.constant 6 : i32
      %get3A_2409 = arith.index_cast %get3A_2408 : i32 to index
      %get3A_2410 = arith.constant 0 : index
      %get3A_2411 = tpu.vector_load %arg10[%get3A_2409, %get3A_2410] {strides = array<i32>} : memref<50x64xf32, #tpu.memory_space<vmem>>, vector<16xf32>,
      %add3A_2412 = arith.addf %add3A_2392, %get3A_2411 : vector<16xf32>
      %get3A_2413 = arith.constant 6 : i32
      %get3A_2414 = arith.index_cast %get3A_2413 : i32 to index
      %get3A_2415 = arith.constant 16 : index
      %get3A_2416 = tpu.vector_load %arg10[%get3A_2414, %get3A_2415] {strides = array<i32>} : memref<50x64xf32, #tpu.memory_space<vmem>>, vector<16xf32>,
      %add3A_2417 = arith.addf %add3A_2397, %get3A_2416 : vector<16xf32>
      %get3A_2418 = arith.constant 6 : i32
      %get3A_2419 = arith.index_cast %get3A_2418 : i32 to index
      %get3A_2420 = arith.constant 32 : index
      %get3A_2421 = tpu.vector_load %arg10[%get3A_2419, %get3A_2420] {strides = array<i32>} : memref<50x64xf32, #tpu.memory_space<vmem>>, vector<16xf32>,
      %add3A_2422 = arith.addf %add3A_2402, %get3A_2421 : vector<16xf32>
      %get3A_2423 = arith.constant 6 : i32
      %get3A_2424 = arith.index_cast %get3A_2423 : i32 to index
      %get3A_2425 = arith.constant 48 : index
      %get3A_2426 = tpu.vector_load %arg10[%get3A_2424, %get3A_2425] {strides = array<i32>} : memref<50x64xf32, #tpu.memory_space<vmem>>, vector<16xf32>,
      %add3A_2427 = arith.addf %add3A_2407, %get3A_2426 : vector<16xf32>
      %get3A_2428 = arith.constant 7 : i32
      %get3A_2429 = arith.index_cast %get3A_2428 : i32 to index
      %get3A_2430 = arith.constant 0 : index
      %get3A_2431 = tpu.vector_load %arg10[%get3A_2429, %get3A_2430] {strides = array<i32>} : memref<50x64xf32, #tpu.memory_space<vmem>>, vector<16xf32>,
      %add3A_2432 = arith.addf %add3A_2412, %get3A_2431 : vector<16xf32>
      %get3A_2433 = arith.constant 7 : i32
      %get3A_2434 = arith.index_cast %get3A_2433 : i32 to index
      %get3A_2435 = arith.constant 16 : index
      %get3A_2436 = tpu.vector_load %arg10[%get3A_2434, %get3A_2435] {strides = array<i32>} : memref<50x64xf32, #tpu.memory_space<vmem>>, vector<16xf32>,
      %add3A_2437 = arith.addf %add3A_2417, %get3A_2436 : vector<16xf32>
      %get3A_2438 = arith.constant 7 : i32
      %get3A_2439 = arith.index_cast %get3A_2438 : i32 to index
      %get3A_2440 = arith.constant 32 : index
      %get3A_2441 = tpu.vector_load %arg10[%get3A_2439, %get3A_2440] {strides = array<i32>} : memref<50x64xf32, #tpu.memory_space<vmem>>, vector<16xf32>,
      %add3A_2442 = arith.addf %add3A_2422, %get3A_2441 : vector<16xf32>
      %get3A_2443 = arith.constant 7 : i32
      %get3A_2444 = arith.index_cast %get3A_2443 : i32 to index
      %get3A_2445 = arith.constant 48 : index
      %get3A_2446 = tpu.vector_load %arg10[%get3A_2444, %get3A_2445] {strides = array<i32>} : memref<50x64xf32, #tpu.memory_space<vmem>>, vector<16xf32>,
      %add3A_2447 = arith.addf %add3A_2427, %get3A_2446 : vector<16xf32>
      %get3A_2448 = arith.constant 8 : i32
      %get3A_2449 = arith.index_cast %get3A_2448 : i32 to index
      %get3A_2450 = arith.constant 0 : index
      %get3A_2451 = tpu.vector_load %arg10[%get3A_2449, %get3A_2450] {strides = array<i32>} : memref<50x64xf32, #tpu.memory_space<vmem>>, vector<16xf32>,
      %add3A_2452 = arith.addf %add3A_2432, %get3A_2451 : vector<16xf32>
      %get3A_2453 = arith.constant 8 : i32
      %get3A_2454 = arith.index_cast %get3A_2453 : i32 to index
      %get3A_2455 = arith.constant 16 : index
      %get3A_2456 = tpu.vector_load %arg10[%get3A_2454, %get3A_2455] {strides = array<i32>} : memref<50x64xf32, #tpu.memory_space<vmem>>, vector<16xf32>,
      %add3A_2457 = arith.addf %add3A_2437, %get3A_2456 : vector<16xf32>
      %get3A_2458 = arith.constant 8 : i32
      %get3A_2459 = arith.index_cast %get3A_2458 : i32 to index
      %get3A_2460 = arith.constant 32 : index
      %get3A_2461 = tpu.vector_load %arg10[%get3A_2459, %get3A_2460] {strides = array<i32>} : memref<50x64xf32, #tpu.memory_space<vmem>>, vector<16xf32>,
      %add3A_2462 = arith.addf %add3A_2442, %get3A_2461 : vector<16xf32>
      %get3A_2463 = arith.constant 8 : i32
      %get3A_2464 = arith.index_cast %get3A_2463 : i32 to index
      %get3A_2465 = arith.constant 48 : index
      %get3A_2466 = tpu.vector_load %arg10[%get3A_2464, %get3A_2465] {strides = array<i32>} : memref<50x64xf32, #tpu.memory_space<vmem>>, vector<16xf32>,
      %add3A_2467 = arith.addf %add3A_2447, %get3A_2466 : vector<16xf32>
      %get3A_2468 = arith.constant 9 : i32
      %get3A_2469 = arith.index_cast %get3A_2468 : i32 to index
      %get3A_2470 = arith.constant 0 : index
      %get3A_2471 = tpu.vector_load %arg10[%get3A_2469, %get3A_2470] {strides = array<i32>} : memref<50x64xf32, #tpu.memory_space<vmem>>, vector<16xf32>,
      %add3A_2472 = arith.addf %add3A_2452, %get3A_2471 : vector<16xf32>
      %get3A_2473 = arith.constant 9 : i32
      %get3A_2474 = arith.index_cast %get3A_2473 : i32 to index
      %get3A_2475 = arith.constant 16 : index
      %get3A_2476 = tpu.vector_load %arg10[%get3A_2474, %get3A_2475] {strides = array<i32>} : memref<50x64xf32, #tpu.memory_space<vmem>>, vector<16xf32>,
      %add3A_2477 = arith.addf %add3A_2457, %get3A_2476 : vector<16xf32>
      %get3A_2478 = arith.constant 9 : i32
      %get3A_2479 = arith.index_cast %get3A_2478 : i32 to index
      %get3A_2480 = arith.constant 32 : index
      %get3A_2481 = tpu.vector_load %arg10[%get3A_2479, %get3A_2480] {strides = array<i32>} : memref<50x64xf32, #tpu.memory_space<vmem>>, vector<16xf32>,
      %add3A_2482 = arith.addf %add3A_2462, %get3A_2481 : vector<16xf32>
      %get3A_2483 = arith.constant 9 : i32
      %get3A_2484 = arith.index_cast %get3A_2483 : i32 to index
      %get3A_2485 = arith.constant 48 : index
      %get3A_2486 = tpu.vector_load %arg10[%get3A_2484, %get3A_2485] {strides = array<i32>} : memref<50x64xf32, #tpu.memory_space<vmem>>, vector<16xf32>,
      %add3A_2487 = arith.addf %add3A_2467, %get3A_2486 : vector<16xf32>
      %get3A_2488 = arith.constant 10 : i32
      %get3A_2489 = arith.index_cast %get3A_2488 : i32 to index
      %get3A_2490 = arith.constant 0 : index
      %get3A_2491 = tpu.vector_load %arg10[%get3A_2489, %get3A_2490] {strides = array<i32>} : memref<50x64xf32, #tpu.memory_space<vmem>>, vector<16xf32>,
      %add3A_2492 = arith.addf %add3A_2472, %get3A_2491 : vector<16xf32>
      %get3A_2493 = arith.constant 10 : i32
      %get3A_2494 = arith.index_cast %get3A_2493 : i32 to index
      %get3A_2495 = arith.constant 16 : index
      %get3A_2496 = tpu.vector_load %arg10[%get3A_2494, %get3A_2495] {strides = array<i32>} : memref<50x64xf32, #tpu.memory_space<vmem>>, vector<16xf32>,
      %add3A_2497 = arith.addf %add3A_2477, %get3A_2496 : vector<16xf32>
      %get3A_2498 = arith.constant 10 : i32
      %get3A_2499 = arith.index_cast %get3A_2498 : i32 to index
      %get3A_2500 = arith.constant 32 : index
      %get3A_2501 = tpu.vector_load %arg10[%get3A_2499, %get3A_2500] {strides = array<i32>} : memref<50x64xf32, #tpu.memory_space<vmem>>, vector<16xf32>,
      %add3A_2502 = arith.addf %add3A_2482, %get3A_2501 : vector<16xf32>
      %get3A_2503 = arith.constant 10 : i32
      %get3A_2504 = arith.index_cast %get3A_2503 : i32 to index
      %get3A_2505 = arith.constant 48 : index
      %get3A_2506 = tpu.vector_load %arg10[%get3A_2504, %get3A_2505] {strides = array<i32>} : memref<50x64xf32, #tpu.memory_space<vmem>>, vector<16xf32>,
      %add3A_2507 = arith.addf %add3A_2487, %get3A_2506 : vector<16xf32>
      %get3A_2508 = arith.constant 11 : i32
      %get3A_2509 = arith.index_cast %get3A_2508 : i32 to index
      %get3A_2510 = arith.constant 0 : index
      %get3A_2511 = tpu.vector_load %arg10[%get3A_2509, %get3A_2510] {strides = array<i32>} : memref<50x64xf32, #tpu.memory_space<vmem>>, vector<16xf32>,
      %add3A_2512 = arith.addf %add3A_2492, %get3A_2511 : vector<16xf32>
      %get3A_2513 = arith.constant 11 : i32
      %get3A_2514 = arith.index_cast %get3A_2513 : i32 to index
      %get3A_2515 = arith.constant 16 : index
      %get3A_2516 = tpu.vector_load %arg10[%get3A_2514, %get3A_2515] {strides = array<i32>} : memref<50x64xf32, #tpu.memory_space<vmem>>, vector<16xf32>,
      %add3A_2517 = arith.addf %add3A_2497, %get3A_2516 : vector<16xf32>
      %get3A_2518 = arith.constant 11 : i32
      %get3A_2519 = arith.index_cast %get3A_2518 : i32 to index
      %get3A_2520 = arith.constant 32 : index
      %get3A_2521 = tpu.vector_load %arg10[%get3A_2519, %get3A_2520] {strides = array<i32>} : memref<50x64xf32, #tpu.memory_space<vmem>>, vector<16xf32>,
      %add3A_2522 = arith.addf %add3A_2502, %get3A_2521 : vector<16xf32>
      %get3A_2523 = arith.constant 11 : i32
      %get3A_2524 = arith.index_cast %get3A_2523 : i32 to index
      %get3A_2525 = arith.constant 48 : index
      %get3A_2526 = tpu.vector_load %arg10[%get3A_2524, %get3A_2525] {strides = array<i32>} : memref<50x64xf32, #tpu.memory_space<vmem>>, vector<16xf32>,
      %add3A_2527 = arith.addf %add3A_2507, %get3A_2526 : vector<16xf32>
      %get3A_2528 = arith.constant 12 : i32
      %get3A_2529 = arith.index_cast %get3A_2528 : i32 to index
      %get3A_2530 = arith.constant 0 : index
      %get3A_2531 = tpu.vector_load %arg10[%get3A_2529, %get3A_2530] {strides = array<i32>} : memref<50x64xf32, #tpu.memory_space<vmem>>, vector<16xf32>,
      %add3A_2532 = arith.addf %add3A_2512, %get3A_2531 : vector<16xf32>
      %get3A_2533 = arith.constant 12 : i32
      %get3A_2534 = arith.index_cast %get3A_2533 : i32 to index
      %get3A_2535 = arith.constant 16 : index
      %get3A_2536 = tpu.vector_load %arg10[%get3A_2534, %get3A_2535] {strides = array<i32>} : memref<50x64xf32, #tpu.memory_space<vmem>>, vector<16xf32>,
      %add3A_2537 = arith.addf %add3A_2517, %get3A_2536 : vector<16xf32>
      %get3A_2538 = arith.constant 12 : i32
      %get3A_2539 = arith.index_cast %get3A_2538 : i32 to index
      %get3A_2540 = arith.constant 32 : index
      %get3A_2541 = tpu.vector_load %arg10[%get3A_2539, %get3A_2540] {strides = array<i32>} : memref<50x64xf32, #tpu.memory_space<vmem>>, vector<16xf32>,
      %add3A_2542 = arith.addf %add3A_2522, %get3A_2541 : vector<16xf32>
      %get3A_2543 = arith.constant 12 : i32
      %get3A_2544 = arith.index_cast %get3A_2543 : i32 to index
      %get3A_2545 = arith.constant 48 : index
      %get3A_2546 = tpu.vector_load %arg10[%get3A_2544, %get3A_2545] {strides = array<i32>} : memref<50x64xf32, #tpu.memory_space<vmem>>, vector<16xf32>,
      %add3A_2547 = arith.addf %add3A_2527, %get3A_2546 : vector<16xf32>
      %get3A_2548 = arith.constant 13 : i32
      %get3A_2549 = arith.index_cast %get3A_2548 : i32 to index
      %get3A_2550 = arith.constant 0 : index
      %get3A_2551 = tpu.vector_load %arg10[%get3A_2549, %get3A_2550] {strides = array<i32>} : memref<50x64xf32, #tpu.memory_space<vmem>>, vector<16xf32>,
      %add3A_2552 = arith.addf %add3A_2532, %get3A_2551 : vector<16xf32>
      %get3A_2553 = arith.constant 13 : i32
      %get3A_2554 = arith.index_cast %get3A_2553 : i32 to index
      %get3A_2555 = arith.constant 16 : index
      %get3A_2556 = tpu.vector_load %arg10[%get3A_2554, %get3A_2555] {strides = array<i32>} : memref<50x64xf32, #tpu.memory_space<vmem>>, vector<16xf32>,
      %add3A_2557 = arith.addf %add3A_2537, %get3A_2556 : vector<16xf32>
      %get3A_2558 = arith.constant 13 : i32
      %get3A_2559 = arith.index_cast %get3A_2558 : i32 to index
      %get3A_2560 = arith.constant 32 : index
      %get3A_2561 = tpu.vector_load %arg10[%get3A_2559, %get3A_2560] {strides = array<i32>} : memref<50x64xf32, #tpu.memory_space<vmem>>, vector<16xf32>,
      %add3A_2562 = arith.addf %add3A_2542, %get3A_2561 : vector<16xf32>
      %get3A_2563 = arith.constant 13 : i32
      %get3A_2564 = arith.index_cast %get3A_2563 : i32 to index
      %get3A_2565 = arith.constant 48 : index
      %get3A_2566 = tpu.vector_load %arg10[%get3A_2564, %get3A_2565] {strides = array<i32>} : memref<50x64xf32, #tpu.memory_space<vmem>>, vector<16xf32>,
      %add3A_2567 = arith.addf %add3A_2547, %get3A_2566 : vector<16xf32>
      %get3A_2568 = arith.constant 14 : i32
      %get3A_2569 = arith.index_cast %get3A_2568 : i32 to index
      %get3A_2570 = arith.constant 0 : index
      %get3A_2571 = tpu.vector_load %arg10[%get3A_2569, %get3A_2570] {strides = array<i32>} : memref<50x64xf32, #tpu.memory_space<vmem>>, vector<16xf32>,
      %add3A_2572 = arith.addf %add3A_2552, %get3A_2571 : vector<16xf32>
      %get3A_2573 = arith.constant 14 : i32
      %get3A_2574 = arith.index_cast %get3A_2573 : i32 to index
      %get3A_2575 = arith.constant 16 : index
      %get3A_2576 = tpu.vector_load %arg10[%get3A_2574, %get3A_2575] {strides = array<i32>} : memref<50x64xf32, #tpu.memory_space<vmem>>, vector<16xf32>,
      %add3A_2577 = arith.addf %add3A_2557, %get3A_2576 : vector<16xf32>
      %get3A_2578 = arith.constant 14 : i32
      %get3A_2579 = arith.index_cast %get3A_2578 : i32 to index
      %get3A_2580 = arith.constant 32 : index
      %get3A_2581 = tpu.vector_load %arg10[%get3A_2579, %get3A_2580] {strides = array<i32>} : memref<50x64xf32, #tpu.memory_space<vmem>>, vector<16xf32>,
      %add3A_2582 = arith.addf %add3A_2562, %get3A_2581 : vector<16xf32>
      %get3A_2583 = arith.constant 14 : i32
      %get3A_2584 = arith.index_cast %get3A_2583 : i32 to index
      %get3A_2585 = arith.constant 48 : index
      %get3A_2586 = tpu.vector_load %arg10[%get3A_2584, %get3A_2585] {strides = array<i32>} : memref<50x64xf32, #tpu.memory_space<vmem>>, vector<16xf32>,
      %add3A_2587 = arith.addf %add3A_2567, %get3A_2586 : vector<16xf32>
      %get3A_2588 = arith.constant 15 : i32
      %get3A_2589 = arith.index_cast %get3A_2588 : i32 to index
      %get3A_2590 = arith.constant 0 : index
      %get3A_2591 = tpu.vector_load %arg10[%get3A_2589, %get3A_2590] {strides = array<i32>} : memref<50x64xf32, #tpu.memory_space<vmem>>, vector<16xf32>,
      %add3A_2592 = arith.addf %add3A_2572, %get3A_2591 : vector<16xf32>
      %get3A_2593 = arith.constant 15 : i32
      %get3A_2594 = arith.index_cast %get3A_2593 : i32 to index
      %get3A_2595 = arith.constant 16 : index
      %get3A_2596 = tpu.vector_load %arg10[%get3A_2594, %get3A_2595] {strides = array<i32>} : memref<50x64xf32, #tpu.memory_space<vmem>>, vector<16xf32>,
      %add3A_2597 = arith.addf %add3A_2577, %get3A_2596 : vector<16xf32>
      %get3A_2598 = arith.constant 15 : i32
      %get3A_2599 = arith.index_cast %get3A_2598 : i32 to index
      %get3A_2600 = arith.constant 32 : index
      %get3A_2601 = tpu.vector_load %arg10[%get3A_2599, %get3A_2600] {strides = array<i32>} : memref<50x64xf32, #tpu.memory_space<vmem>>, vector<16xf32>,
      %add3A_2602 = arith.addf %add3A_2582, %get3A_2601 : vector<16xf32>
      %get3A_2603 = arith.constant 15 : i32
      %get3A_2604 = arith.index_cast %get3A_2603 : i32 to index
      %get3A_2605 = arith.constant 48 : index
      %get3A_2606 = tpu.vector_load %arg10[%get3A_2604, %get3A_2605] {strides = array<i32>} : memref<50x64xf32, #tpu.memory_space<vmem>>, vector<16xf32>,
      %add3A_2607 = arith.addf %add3A_2587, %get3A_2606 : vector<16xf32>
      %get3A_2608 = arith.constant 16 : i32
      %get3A_2609 = arith.index_cast %get3A_2608 : i32 to index
      %get3A_2610 = arith.constant 0 : index
      %get3A_2611 = tpu.vector_load %arg10[%get3A_2609, %get3A_2610] {strides = array<i32>} : memref<50x64xf32, #tpu.memory_space<vmem>>, vector<16xf32>,
      %add3A_2612 = arith.addf %add3A_2592, %get3A_2611 : vector<16xf32>
      %get3A_2613 = arith.constant 16 : i32
      %get3A_2614 = arith.index_cast %get3A_2613 : i32 to index
      %get3A_2615 = arith.constant 16 : index
      %get3A_2616 = tpu.vector_load %arg10[%get3A_2614, %get3A_2615] {strides = array<i32>} : memref<50x64xf32, #tpu.memory_space<vmem>>, vector<16xf32>,
      %add3A_2617 = arith.addf %add3A_2597, %get3A_2616 : vector<16xf32>
      %get3A_2618 = arith.constant 16 : i32
      %get3A_2619 = arith.index_cast %get3A_2618 : i32 to index
      %get3A_2620 = arith.constant 32 : index
      %get3A_2621 = tpu.vector_load %arg10[%get3A_2619, %get3A_2620] {strides = array<i32>} : memref<50x64xf32, #tpu.memory_space<vmem>>, vector<16xf32>,
      %add3A_2622 = arith.addf %add3A_2602, %get3A_2621 : vector<16xf32>
      %get3A_2623 = arith.constant 16 : i32
      %get3A_2624 = arith.index_cast %get3A_2623 : i32 to index
      %get3A_2625 = arith.constant 48 : index
      %get3A_2626 = tpu.vector_load %arg10[%get3A_2624, %get3A_2625] {strides = array<i32>} : memref<50x64xf32, #tpu.memory_space<vmem>>, vector<16xf32>,
      %add3A_2627 = arith.addf %add3A_2607, %get3A_2626 : vector<16xf32>
      %get3A_2628 = arith.constant 17 : i32
      %get3A_2629 = arith.index_cast %get3A_2628 : i32 to index
      %get3A_2630 = arith.constant 0 : index
      %get3A_2631 = tpu.vector_load %arg10[%get3A_2629, %get3A_2630] {strides = array<i32>} : memref<50x64xf32, #tpu.memory_space<vmem>>, vector<16xf32>,
      %add3A_2632 = arith.addf %add3A_2612, %get3A_2631 : vector<16xf32>
      %get3A_2633 = arith.constant 17 : i32
      %get3A_2634 = arith.index_cast %get3A_2633 : i32 to index
      %get3A_2635 = arith.constant 16 : index
      %get3A_2636 = tpu.vector_load %arg10[%get3A_2634, %get3A_2635] {strides = array<i32>} : memref<50x64xf32, #tpu.memory_space<vmem>>, vector<16xf32>,
      %add3A_2637 = arith.addf %add3A_2617, %get3A_2636 : vector<16xf32>
      %get3A_2638 = arith.constant 17 : i32
      %get3A_2639 = arith.index_cast %get3A_2638 : i32 to index
      %get3A_2640 = arith.constant 32 : index
      %get3A_2641 = tpu.vector_load %arg10[%get3A_2639, %get3A_2640] {strides = array<i32>} : memref<50x64xf32, #tpu.memory_space<vmem>>, vector<16xf32>,
      %add3A_2642 = arith.addf %add3A_2622, %get3A_2641 : vector<16xf32>
      %get3A_2643 = arith.constant 17 : i32
      %get3A_2644 = arith.index_cast %get3A_2643 : i32 to index
      %get3A_2645 = arith.constant 48 : index
      %get3A_2646 = tpu.vector_load %arg10[%get3A_2644, %get3A_2645] {strides = array<i32>} : memref<50x64xf32, #tpu.memory_space<vmem>>, vector<16xf32>,
      %add3A_2647 = arith.addf %add3A_2627, %get3A_2646 : vector<16xf32>
      %get3A_2648 = arith.constant 18 : i32
      %get3A_2649 = arith.index_cast %get3A_2648 : i32 to index
      %get3A_2650 = arith.constant 0 : index
      %get3A_2651 = tpu.vector_load %arg10[%get3A_2649, %get3A_2650] {strides = array<i32>} : memref<50x64xf32, #tpu.memory_space<vmem>>, vector<16xf32>,
      %add3A_2652 = arith.addf %add3A_2632, %get3A_2651 : vector<16xf32>
      %get3A_2653 = arith.constant 18 : i32
      %get3A_2654 = arith.index_cast %get3A_2653 : i32 to index
      %get3A_2655 = arith.constant 16 : index
      %get3A_2656 = tpu.vector_load %arg10[%get3A_2654, %get3A_2655] {strides = array<i32>} : memref<50x64xf32, #tpu.memory_space<vmem>>, vector<16xf32>,
      %add3A_2657 = arith.addf %add3A_2637, %get3A_2656 : vector<16xf32>
      %get3A_2658 = arith.constant 18 : i32
      %get3A_2659 = arith.index_cast %get3A_2658 : i32 to index
      %get3A_2660 = arith.constant 32 : index
      %get3A_2661 = tpu.vector_load %arg10[%get3A_2659, %get3A_2660] {strides = array<i32>} : memref<50x64xf32, #tpu.memory_space<vmem>>, vector<16xf32>,
      %add3A_2662 = arith.addf %add3A_2642, %get3A_2661 : vector<16xf32>
      %get3A_2663 = arith.constant 18 : i32
      %get3A_2664 = arith.index_cast %get3A_2663 : i32 to index
      %get3A_2665 = arith.constant 48 : index
      %get3A_2666 = tpu.vector_load %arg10[%get3A_2664, %get3A_2665] {strides = array<i32>} : memref<50x64xf32, #tpu.memory_space<vmem>>, vector<16xf32>,
      %add3A_2667 = arith.addf %add3A_2647, %get3A_2666 : vector<16xf32>
      %get3A_2668 = arith.constant 19 : i32
      %get3A_2669 = arith.index_cast %get3A_2668 : i32 to index
      %get3A_2670 = arith.constant 0 : index
      %get3A_2671 = tpu.vector_load %arg10[%get3A_2669, %get3A_2670] {strides = array<i32>} : memref<50x64xf32, #tpu.memory_space<vmem>>, vector<16xf32>,
      %add3A_2672 = arith.addf %add3A_2652, %get3A_2671 : vector<16xf32>
      %get3A_2673 = arith.constant 19 : i32
      %get3A_2674 = arith.index_cast %get3A_2673 : i32 to index
      %get3A_2675 = arith.constant 16 : index
      %get3A_2676 = tpu.vector_load %arg10[%get3A_2674, %get3A_2675] {strides = array<i32>} : memref<50x64xf32, #tpu.memory_space<vmem>>, vector<16xf32>,
      %add3A_2677 = arith.addf %add3A_2657, %get3A_2676 : vector<16xf32>
      %get3A_2678 = arith.constant 19 : i32
      %get3A_2679 = arith.index_cast %get3A_2678 : i32 to index
      %get3A_2680 = arith.constant 32 : index
      %get3A_2681 = tpu.vector_load %arg10[%get3A_2679, %get3A_2680] {strides = array<i32>} : memref<50x64xf32, #tpu.memory_space<vmem>>, vector<16xf32>,
      %add3A_2682 = arith.addf %add3A_2662, %get3A_2681 : vector<16xf32>
      %get3A_2683 = arith.constant 19 : i32
      %get3A_2684 = arith.index_cast %get3A_2683 : i32 to index
      %get3A_2685 = arith.constant 48 : index
      %get3A_2686 = tpu.vector_load %arg10[%get3A_2684, %get3A_2685] {strides = array<i32>} : memref<50x64xf32, #tpu.memory_space<vmem>>, vector<16xf32>,
      %add3A_2687 = arith.addf %add3A_2667, %get3A_2686 : vector<16xf32>
      %get3A_2688 = arith.constant 20 : i32
      %get3A_2689 = arith.index_cast %get3A_2688 : i32 to index
      %get3A_2690 = arith.constant 0 : index
      %get3A_2691 = tpu.vector_load %arg10[%get3A_2689, %get3A_2690] {strides = array<i32>} : memref<50x64xf32, #tpu.memory_space<vmem>>, vector<16xf32>,
      %add3A_2692 = arith.addf %add3A_2672, %get3A_2691 : vector<16xf32>
      %get3A_2693 = arith.constant 20 : i32
      %get3A_2694 = arith.index_cast %get3A_2693 : i32 to index
      %get3A_2695 = arith.constant 16 : index
      %get3A_2696 = tpu.vector_load %arg10[%get3A_2694, %get3A_2695] {strides = array<i32>} : memref<50x64xf32, #tpu.memory_space<vmem>>, vector<16xf32>,
      %add3A_2697 = arith.addf %add3A_2677, %get3A_2696 : vector<16xf32>
      %get3A_2698 = arith.constant 20 : i32
      %get3A_2699 = arith.index_cast %get3A_2698 : i32 to index
      %get3A_2700 = arith.constant 32 : index
      %get3A_2701 = tpu.vector_load %arg10[%get3A_2699, %get3A_2700] {strides = array<i32>} : memref<50x64xf32, #tpu.memory_space<vmem>>, vector<16xf32>,
      %add3A_2702 = arith.addf %add3A_2682, %get3A_2701 : vector<16xf32>
      %get3A_2703 = arith.constant 20 : i32
      %get3A_2704 = arith.index_cast %get3A_2703 : i32 to index
      %get3A_2705 = arith.constant 48 : index
      %get3A_2706 = tpu.vector_load %arg10[%get3A_2704, %get3A_2705] {strides = array<i32>} : memref<50x64xf32, #tpu.memory_space<vmem>>, vector<16xf32>,
      %add3A_2707 = arith.addf %add3A_2687, %get3A_2706 : vector<16xf32>
      %get3A_2708 = arith.constant 21 : i32
      %get3A_2709 = arith.index_cast %get3A_2708 : i32 to index
      %get3A_2710 = arith.constant 0 : index
      %get3A_2711 = tpu.vector_load %arg10[%get3A_2709, %get3A_2710] {strides = array<i32>} : memref<50x64xf32, #tpu.memory_space<vmem>>, vector<16xf32>,
      %add3A_2712 = arith.addf %add3A_2692, %get3A_2711 : vector<16xf32>
      %get3A_2713 = arith.constant 21 : i32
      %get3A_2714 = arith.index_cast %get3A_2713 : i32 to index
      %get3A_2715 = arith.constant 16 : index
      %get3A_2716 = tpu.vector_load %arg10[%get3A_2714, %get3A_2715] {strides = array<i32>} : memref<50x64xf32, #tpu.memory_space<vmem>>, vector<16xf32>,
      %add3A_2717 = arith.addf %add3A_2697, %get3A_2716 : vector<16xf32>
      %get3A_2718 = arith.constant 21 : i32
      %get3A_2719 = arith.index_cast %get3A_2718 : i32 to index
      %get3A_2720 = arith.constant 32 : index
      %get3A_2721 = tpu.vector_load %arg10[%get3A_2719, %get3A_2720] {strides = array<i32>} : memref<50x64xf32, #tpu.memory_space<vmem>>, vector<16xf32>,
      %add3A_2722 = arith.addf %add3A_2702, %get3A_2721 : vector<16xf32>
      %get3A_2723 = arith.constant 21 : i32
      %get3A_2724 = arith.index_cast %get3A_2723 : i32 to index
      %get3A_2725 = arith.constant 48 : index
      %get3A_2726 = tpu.vector_load %arg10[%get3A_2724, %get3A_2725] {strides = array<i32>} : memref<50x64xf32, #tpu.memory_space<vmem>>, vector<16xf32>,
      %add3A_2727 = arith.addf %add3A_2707, %get3A_2726 : vector<16xf32>
      %get3A_2728 = arith.constant 22 : i32
      %get3A_2729 = arith.index_cast %get3A_2728 : i32 to index
      %get3A_2730 = arith.constant 0 : index
      %get3A_2731 = tpu.vector_load %arg10[%get3A_2729, %get3A_2730] {strides = array<i32>} : memref<50x64xf32, #tpu.memory_space<vmem>>, vector<16xf32>,
      %add3A_2732 = arith.addf %add3A_2712, %get3A_2731 : vector<16xf32>
      %get3A_2733 = arith.constant 22 : i32
      %get3A_2734 = arith.index_cast %get3A_2733 : i32 to index
      %get3A_2735 = arith.constant 16 : index
      %get3A_2736 = tpu.vector_load %arg10[%get3A_2734, %get3A_2735] {strides = array<i32>} : memref<50x64xf32, #tpu.memory_space<vmem>>, vector<16xf32>,
      %add3A_2737 = arith.addf %add3A_2717, %get3A_2736 : vector<16xf32>
      %get3A_2738 = arith.constant 22 : i32
      %get3A_2739 = arith.index_cast %get3A_2738 : i32 to index
      %get3A_2740 = arith.constant 32 : index
      %get3A_2741 = tpu.vector_load %arg10[%get3A_2739, %get3A_2740] {strides = array<i32>} : memref<50x64xf32, #tpu.memory_space<vmem>>, vector<16xf32>,
      %add3A_2742 = arith.addf %add3A_2722, %get3A_2741 : vector<16xf32>
      %get3A_2743 = arith.constant 22 : i32
      %get3A_2744 = arith.index_cast %get3A_2743 : i32 to index
      %get3A_2745 = arith.constant 48 : index
      %get3A_2746 = tpu.vector_load %arg10[%get3A_2744, %get3A_2745] {strides = array<i32>} : memref<50x64xf32, #tpu.memory_space<vmem>>, vector<16xf32>,
      %add3A_2747 = arith.addf %add3A_2727, %get3A_2746 : vector<16xf32>
      %get3A_2748 = arith.constant 23 : i32
      %get3A_2749 = arith.index_cast %get3A_2748 : i32 to index
      %get3A_2750 = arith.constant 0 : index
      %get3A_2751 = tpu.vector_load %arg10[%get3A_2749, %get3A_2750] {strides = array<i32>} : memref<50x64xf32, #tpu.memory_space<vmem>>, vector<16xf32>,
      %add3A_2752 = arith.addf %add3A_2732, %get3A_2751 : vector<16xf32>
      %get3A_2753 = arith.constant 23 : i32
      %get3A_2754 = arith.index_cast %get3A_2753 : i32 to index
      %get3A_2755 = arith.constant 16 : index
      %get3A_2756 = tpu.vector_load %arg10[%get3A_2754, %get3A_2755] {strides = array<i32>} : memref<50x64xf32, #tpu.memory_space<vmem>>, vector<16xf32>,
      %add3A_2757 = arith.addf %add3A_2737, %get3A_2756 : vector<16xf32>
      %get3A_2758 = arith.constant 23 : i32
      %get3A_2759 = arith.index_cast %get3A_2758 : i32 to index
      %get3A_2760 = arith.constant 32 : index
      %get3A_2761 = tpu.vector_load %arg10[%get3A_2759, %get3A_2760] {strides = array<i32>} : memref<50x64xf32, #tpu.memory_space<vmem>>, vector<16xf32>,
      %add3A_2762 = arith.addf %add3A_2742, %get3A_2761 : vector<16xf32>
      %get3A_2763 = arith.constant 23 : i32
      %get3A_2764 = arith.index_cast %get3A_2763 : i32 to index
      %get3A_2765 = arith.constant 48 : index
      %get3A_2766 = tpu.vector_load %arg10[%get3A_2764, %get3A_2765] {strides = array<i32>} : memref<50x64xf32, #tpu.memory_space<vmem>>, vector<16xf32>,
      %add3A_2767 = arith.addf %add3A_2747, %get3A_2766 : vector<16xf32>
      %get3A_2768 = arith.constant 24 : i32
      %get3A_2769 = arith.index_cast %get3A_2768 : i32 to index
      %get3A_2770 = arith.constant 0 : index
      %get3A_2771 = tpu.vector_load %arg10[%get3A_2769, %get3A_2770] {strides = array<i32>} : memref<50x64xf32, #tpu.memory_space<vmem>>, vector<16xf32>,
      %add3A_2772 = arith.addf %add3A_2752, %get3A_2771 : vector<16xf32>
      %get3A_2773 = arith.constant 24 : i32
      %get3A_2774 = arith.index_cast %get3A_2773 : i32 to index
      %get3A_2775 = arith.constant 16 : index
      %get3A_2776 = tpu.vector_load %arg10[%get3A_2774, %get3A_2775] {strides = array<i32>} : memref<50x64xf32, #tpu.memory_space<vmem>>, vector<16xf32>,
      %add3A_2777 = arith.addf %add3A_2757, %get3A_2776 : vector<16xf32>
      %get3A_2778 = arith.constant 24 : i32
      %get3A_2779 = arith.index_cast %get3A_2778 : i32 to index
      %get3A_2780 = arith.constant 32 : index
      %get3A_2781 = tpu.vector_load %arg10[%get3A_2779, %get3A_2780] {strides = array<i32>} : memref<50x64xf32, #tpu.memory_space<vmem>>, vector<16xf32>,
      %add3A_2782 = arith.addf %add3A_2762, %get3A_2781 : vector<16xf32>
      %get3A_2783 = arith.constant 24 : i32
      %get3A_2784 = arith.index_cast %get3A_2783 : i32 to index
      %get3A_2785 = arith.constant 48 : index
      %get3A_2786 = tpu.vector_load %arg10[%get3A_2784, %get3A_2785] {strides = array<i32>} : memref<50x64xf32, #tpu.memory_space<vmem>>, vector<16xf32>,
      %add3A_2787 = arith.addf %add3A_2767, %get3A_2786 : vector<16xf32>
      %get3A_2788 = arith.constant 25 : i32
      %get3A_2789 = arith.index_cast %get3A_2788 : i32 to index
      %get3A_2790 = arith.constant 0 : index
      %get3A_2791 = tpu.vector_load %arg10[%get3A_2789, %get3A_2790] {strides = array<i32>} : memref<50x64xf32, #tpu.memory_space<vmem>>, vector<16xf32>,
      %add3A_2792 = arith.addf %add3A_2772, %get3A_2791 : vector<16xf32>
      %get3A_2793 = arith.constant 25 : i32
      %get3A_2794 = arith.index_cast %get3A_2793 : i32 to index
      %get3A_2795 = arith.constant 16 : index
      %get3A_2796 = tpu.vector_load %arg10[%get3A_2794, %get3A_2795] {strides = array<i32>} : memref<50x64xf32, #tpu.memory_space<vmem>>, vector<16xf32>,
      %add3A_2797 = arith.addf %add3A_2777, %get3A_2796 : vector<16xf32>
      %get3A_2798 = arith.constant 25 : i32
      %get3A_2799 = arith.index_cast %get3A_2798 : i32 to index
      %get3A_2800 = arith.constant 32 : index
      %get3A_2801 = tpu.vector_load %arg10[%get3A_2799, %get3A_2800] {strides = array<i32>} : memref<50x64xf32, #tpu.memory_space<vmem>>, vector<16xf32>,
      %add3A_2802 = arith.addf %add3A_2782, %get3A_2801 : vector<16xf32>
      %get3A_2803 = arith.constant 25 : i32
      %get3A_2804 = arith.index_cast %get3A_2803 : i32 to index
      %get3A_2805 = arith.constant 48 : index
      %get3A_2806 = tpu.vector_load %arg10[%get3A_2804, %get3A_2805] {strides = array<i32>} : memref<50x64xf32, #tpu.memory_space<vmem>>, vector<16xf32>,
      %add3A_2807 = arith.addf %add3A_2787, %get3A_2806 : vector<16xf32>
      %get3A_2808 = arith.constant 26 : i32
      %get3A_2809 = arith.index_cast %get3A_2808 : i32 to index
      %get3A_2810 = arith.constant 0 : index
      %get3A_2811 = tpu.vector_load %arg10[%get3A_2809, %get3A_2810] {strides = array<i32>} : memref<50x64xf32, #tpu.memory_space<vmem>>, vector<16xf32>,
      %add3A_2812 = arith.addf %add3A_2792, %get3A_2811 : vector<16xf32>
      %get3A_2813 = arith.constant 26 : i32
      %get3A_2814 = arith.index_cast %get3A_2813 : i32 to index
      %get3A_2815 = arith.constant 16 : index
      %get3A_2816 = tpu.vector_load %arg10[%get3A_2814, %get3A_2815] {strides = array<i32>} : memref<50x64xf32, #tpu.memory_space<vmem>>, vector<16xf32>,
      %add3A_2817 = arith.addf %add3A_2797, %get3A_2816 : vector<16xf32>
      %get3A_2818 = arith.constant 26 : i32
      %get3A_2819 = arith.index_cast %get3A_2818 : i32 to index
      %get3A_2820 = arith.constant 32 : index
      %get3A_2821 = tpu.vector_load %arg10[%get3A_2819, %get3A_2820] {strides = array<i32>} : memref<50x64xf32, #tpu.memory_space<vmem>>, vector<16xf32>,
      %add3A_2822 = arith.addf %add3A_2802, %get3A_2821 : vector<16xf32>
      %get3A_2823 = arith.constant 26 : i32
      %get3A_2824 = arith.index_cast %get3A_2823 : i32 to index
      %get3A_2825 = arith.constant 48 : index
      %get3A_2826 = tpu.vector_load %arg10[%get3A_2824, %get3A_2825] {strides = array<i32>} : memref<50x64xf32, #tpu.memory_space<vmem>>, vector<16xf32>,
      %add3A_2827 = arith.addf %add3A_2807, %get3A_2826 : vector<16xf32>
      %get3A_2828 = arith.constant 27 : i32
      %get3A_2829 = arith.index_cast %get3A_2828 : i32 to index
      %get3A_2830 = arith.constant 0 : index
      %get3A_2831 = tpu.vector_load %arg10[%get3A_2829, %get3A_2830] {strides = array<i32>} : memref<50x64xf32, #tpu.memory_space<vmem>>, vector<16xf32>,
      %add3A_2832 = arith.addf %add3A_2812, %get3A_2831 : vector<16xf32>
      %get3A_2833 = arith.constant 27 : i32
      %get3A_2834 = arith.index_cast %get3A_2833 : i32 to index
      %get3A_2835 = arith.constant 16 : index
      %get3A_2836 = tpu.vector_load %arg10[%get3A_2834, %get3A_2835] {strides = array<i32>} : memref<50x64xf32, #tpu.memory_space<vmem>>, vector<16xf32>,
      %add3A_2837 = arith.addf %add3A_2817, %get3A_2836 : vector<16xf32>
      %get3A_2838 = arith.constant 27 : i32
      %get3A_2839 = arith.index_cast %get3A_2838 : i32 to index
      %get3A_2840 = arith.constant 32 : index
      %get3A_2841 = tpu.vector_load %arg10[%get3A_2839, %get3A_2840] {strides = array<i32>} : memref<50x64xf32, #tpu.memory_space<vmem>>, vector<16xf32>,
      %add3A_2842 = arith.addf %add3A_2822, %get3A_2841 : vector<16xf32>
      %get3A_2843 = arith.constant 27 : i32
      %get3A_2844 = arith.index_cast %get3A_2843 : i32 to index
      %get3A_2845 = arith.constant 48 : index
      %get3A_2846 = tpu.vector_load %arg10[%get3A_2844, %get3A_2845] {strides = array<i32>} : memref<50x64xf32, #tpu.memory_space<vmem>>, vector<16xf32>,
      %add3A_2847 = arith.addf %add3A_2827, %get3A_2846 : vector<16xf32>
      %get3A_2848 = arith.constant 28 : i32
      %get3A_2849 = arith.index_cast %get3A_2848 : i32 to index
      %get3A_2850 = arith.constant 0 : index
      %get3A_2851 = tpu.vector_load %arg10[%get3A_2849, %get3A_2850] {strides = array<i32>} : memref<50x64xf32, #tpu.memory_space<vmem>>, vector<16xf32>,
      %add3A_2852 = arith.addf %add3A_2832, %get3A_2851 : vector<16xf32>
      %get3A_2853 = arith.constant 28 : i32
      %get3A_2854 = arith.index_cast %get3A_2853 : i32 to index
      %get3A_2855 = arith.constant 16 : index
      %get3A_2856 = tpu.vector_load %arg10[%get3A_2854, %get3A_2855] {strides = array<i32>} : memref<50x64xf32, #tpu.memory_space<vmem>>, vector<16xf32>,
      %add3A_2857 = arith.addf %add3A_2837, %get3A_2856 : vector<16xf32>
      %get3A_2858 = arith.constant 28 : i32
      %get3A_2859 = arith.index_cast %get3A_2858 : i32 to index
      %get3A_2860 = arith.constant 32 : index
      %get3A_2861 = tpu.vector_load %arg10[%get3A_2859, %get3A_2860] {strides = array<i32>} : memref<50x64xf32, #tpu.memory_space<vmem>>, vector<16xf32>,
      %add3A_2862 = arith.addf %add3A_2842, %get3A_2861 : vector<16xf32>
      %get3A_2863 = arith.constant 28 : i32
      %get3A_2864 = arith.index_cast %get3A_2863 : i32 to index
      %get3A_2865 = arith.constant 48 : index
      %get3A_2866 = tpu.vector_load %arg10[%get3A_2864, %get3A_2865] {strides = array<i32>} : memref<50x64xf32, #tpu.memory_space<vmem>>, vector<16xf32>,
      %add3A_2867 = arith.addf %add3A_2847, %get3A_2866 : vector<16xf32>
      %get3A_2868 = arith.constant 29 : i32
      %get3A_2869 = arith.index_cast %get3A_2868 : i32 to index
      %get3A_2870 = arith.constant 0 : index
      %get3A_2871 = tpu.vector_load %arg10[%get3A_2869, %get3A_2870] {strides = array<i32>} : memref<50x64xf32, #tpu.memory_space<vmem>>, vector<16xf32>,
      %add3A_2872 = arith.addf %add3A_2852, %get3A_2871 : vector<16xf32>
      %get3A_2873 = arith.constant 29 : i32
      %get3A_2874 = arith.index_cast %get3A_2873 : i32 to index
      %get3A_2875 = arith.constant 16 : index
      %get3A_2876 = tpu.vector_load %arg10[%get3A_2874, %get3A_2875] {strides = array<i32>} : memref<50x64xf32, #tpu.memory_space<vmem>>, vector<16xf32>,
      %add3A_2877 = arith.addf %add3A_2857, %get3A_2876 : vector<16xf32>
      %get3A_2878 = arith.constant 29 : i32
      %get3A_2879 = arith.index_cast %get3A_2878 : i32 to index
      %get3A_2880 = arith.constant 32 : index
      %get3A_2881 = tpu.vector_load %arg10[%get3A_2879, %get3A_2880] {strides = array<i32>} : memref<50x64xf32, #tpu.memory_space<vmem>>, vector<16xf32>,
      %add3A_2882 = arith.addf %add3A_2862, %get3A_2881 : vector<16xf32>
      %get3A_2883 = arith.constant 29 : i32
      %get3A_2884 = arith.index_cast %get3A_2883 : i32 to index
      %get3A_2885 = arith.constant 48 : index
      %get3A_2886 = tpu.vector_load %arg10[%get3A_2884, %get3A_2885] {strides = array<i32>} : memref<50x64xf32, #tpu.memory_space<vmem>>, vector<16xf32>,
      %add3A_2887 = arith.addf %add3A_2867, %get3A_2886 : vector<16xf32>
      %get3A_2888 = arith.constant 30 : i32
      %get3A_2889 = arith.index_cast %get3A_2888 : i32 to index
      %get3A_2890 = arith.constant 0 : index
      %get3A_2891 = tpu.vector_load %arg10[%get3A_2889, %get3A_2890] {strides = array<i32>} : memref<50x64xf32, #tpu.memory_space<vmem>>, vector<16xf32>,
      %add3A_2892 = arith.addf %add3A_2872, %get3A_2891 : vector<16xf32>
      %get3A_2893 = arith.constant 30 : i32
      %get3A_2894 = arith.index_cast %get3A_2893 : i32 to index
      %get3A_2895 = arith.constant 16 : index
      %get3A_2896 = tpu.vector_load %arg10[%get3A_2894, %get3A_2895] {strides = array<i32>} : memref<50x64xf32, #tpu.memory_space<vmem>>, vector<16xf32>,
      %add3A_2897 = arith.addf %add3A_2877, %get3A_2896 : vector<16xf32>
      %get3A_2898 = arith.constant 30 : i32
      %get3A_2899 = arith.index_cast %get3A_2898 : i32 to index
      %get3A_2900 = arith.constant 32 : index
      %get3A_2901 = tpu.vector_load %arg10[%get3A_2899, %get3A_2900] {strides = array<i32>} : memref<50x64xf32, #tpu.memory_space<vmem>>, vector<16xf32>,
      %add3A_2902 = arith.addf %add3A_2882, %get3A_2901 : vector<16xf32>
      %get3A_2903 = arith.constant 30 : i32
      %get3A_2904 = arith.index_cast %get3A_2903 : i32 to index
      %get3A_2905 = arith.constant 48 : index
      %get3A_2906 = tpu.vector_load %arg10[%get3A_2904, %get3A_2905] {strides = array<i32>} : memref<50x64xf32, #tpu.memory_space<vmem>>, vector<16xf32>,
      %add3A_2907 = arith.addf %add3A_2887, %get3A_2906 : vector<16xf32>
      %get3A_2908 = arith.constant 31 : i32
      %get3A_2909 = arith.index_cast %get3A_2908 : i32 to index
      %get3A_2910 = arith.constant 0 : index
      %get3A_2911 = tpu.vector_load %arg10[%get3A_2909, %get3A_2910] {strides = array<i32>} : memref<50x64xf32, #tpu.memory_space<vmem>>, vector<16xf32>,
      %add3A_2912 = arith.addf %add3A_2892, %get3A_2911 : vector<16xf32>
      %get3A_2913 = arith.constant 31 : i32
      %get3A_2914 = arith.index_cast %get3A_2913 : i32 to index
      %get3A_2915 = arith.constant 16 : index
      %get3A_2916 = tpu.vector_load %arg10[%get3A_2914, %get3A_2915] {strides = array<i32>} : memref<50x64xf32, #tpu.memory_space<vmem>>, vector<16xf32>,
      %add3A_2917 = arith.addf %add3A_2897, %get3A_2916 : vector<16xf32>
      %get3A_2918 = arith.constant 31 : i32
      %get3A_2919 = arith.index_cast %get3A_2918 : i32 to index
      %get3A_2920 = arith.constant 32 : index
      %get3A_2921 = tpu.vector_load %arg10[%get3A_2919, %get3A_2920] {strides = array<i32>} : memref<50x64xf32, #tpu.memory_space<vmem>>, vector<16xf32>,
      %add3A_2922 = arith.addf %add3A_2902, %get3A_2921 : vector<16xf32>
      %get3A_2923 = arith.constant 31 : i32
      %get3A_2924 = arith.index_cast %get3A_2923 : i32 to index
      %get3A_2925 = arith.constant 48 : index
      %get3A_2926 = tpu.vector_load %arg10[%get3A_2924, %get3A_2925] {strides = array<i32>} : memref<50x64xf32, #tpu.memory_space<vmem>>, vector<16xf32>,
      %add3A_2927 = arith.addf %add3A_2907, %get3A_2926 : vector<16xf32>
      %get3A_2928 = arith.constant 32 : i32
      %get3A_2929 = arith.index_cast %get3A_2928 : i32 to index
      %get3A_2930 = arith.constant 0 : index
      %get3A_2931 = tpu.vector_load %arg10[%get3A_2929, %get3A_2930] {strides = array<i32>} : memref<50x64xf32, #tpu.memory_space<vmem>>, vector<16xf32>,
      %add3A_2932 = arith.addf %add3A_2912, %get3A_2931 : vector<16xf32>
      %get3A_2933 = arith.constant 32 : i32
      %get3A_2934 = arith.index_cast %get3A_2933 : i32 to index
      %get3A_2935 = arith.constant 16 : index
      %get3A_2936 = tpu.vector_load %arg10[%get3A_2934, %get3A_2935] {strides = array<i32>} : memref<50x64xf32, #tpu.memory_space<vmem>>, vector<16xf32>,
      %add3A_2937 = arith.addf %add3A_2917, %get3A_2936 : vector<16xf32>
      %get3A_2938 = arith.constant 32 : i32
      %get3A_2939 = arith.index_cast %get3A_2938 : i32 to index
      %get3A_2940 = arith.constant 32 : index
      %get3A_2941 = tpu.vector_load %arg10[%get3A_2939, %get3A_2940] {strides = array<i32>} : memref<50x64xf32, #tpu.memory_space<vmem>>, vector<16xf32>,
      %add3A_2942 = arith.addf %add3A_2922, %get3A_2941 : vector<16xf32>
      %get3A_2943 = arith.constant 32 : i32
      %get3A_2944 = arith.index_cast %get3A_2943 : i32 to index
      %get3A_2945 = arith.constant 48 : index
      %get3A_2946 = tpu.vector_load %arg10[%get3A_2944, %get3A_2945] {strides = array<i32>} : memref<50x64xf32, #tpu.memory_space<vmem>>, vector<16xf32>,
      %add3A_2947 = arith.addf %add3A_2927, %get3A_2946 : vector<16xf32>
      %get3A_2948 = arith.constant 33 : i32
      %get3A_2949 = arith.index_cast %get3A_2948 : i32 to index
      %get3A_2950 = arith.constant 0 : index
      %get3A_2951 = tpu.vector_load %arg10[%get3A_2949, %get3A_2950] {strides = array<i32>} : memref<50x64xf32, #tpu.memory_space<vmem>>, vector<16xf32>,
      %add3A_2952 = arith.addf %add3A_2932, %get3A_2951 : vector<16xf32>
      %get3A_2953 = arith.constant 33 : i32
      %get3A_2954 = arith.index_cast %get3A_2953 : i32 to index
      %get3A_2955 = arith.constant 16 : index
      %get3A_2956 = tpu.vector_load %arg10[%get3A_2954, %get3A_2955] {strides = array<i32>} : memref<50x64xf32, #tpu.memory_space<vmem>>, vector<16xf32>,
      %add3A_2957 = arith.addf %add3A_2937, %get3A_2956 : vector<16xf32>
      %get3A_2958 = arith.constant 33 : i32
      %get3A_2959 = arith.index_cast %get3A_2958 : i32 to index
      %get3A_2960 = arith.constant 32 : index
      %get3A_2961 = tpu.vector_load %arg10[%get3A_2959, %get3A_2960] {strides = array<i32>} : memref<50x64xf32, #tpu.memory_space<vmem>>, vector<16xf32>,
      %add3A_2962 = arith.addf %add3A_2942, %get3A_2961 : vector<16xf32>
      %get3A_2963 = arith.constant 33 : i32
      %get3A_2964 = arith.index_cast %get3A_2963 : i32 to index
      %get3A_2965 = arith.constant 48 : index
      %get3A_2966 = tpu.vector_load %arg10[%get3A_2964, %get3A_2965] {strides = array<i32>} : memref<50x64xf32, #tpu.memory_space<vmem>>, vector<16xf32>,
      %add3A_2967 = arith.addf %add3A_2947, %get3A_2966 : vector<16xf32>
      %get3A_2968 = arith.constant 34 : i32
      %get3A_2969 = arith.index_cast %get3A_2968 : i32 to index
      %get3A_2970 = arith.constant 0 : index
      %get3A_2971 = tpu.vector_load %arg10[%get3A_2969, %get3A_2970] {strides = array<i32>} : memref<50x64xf32, #tpu.memory_space<vmem>>, vector<16xf32>,
      %add3A_2972 = arith.addf %add3A_2952, %get3A_2971 : vector<16xf32>
      %get3A_2973 = arith.constant 34 : i32
      %get3A_2974 = arith.index_cast %get3A_2973 : i32 to index
      %get3A_2975 = arith.constant 16 : index
      %get3A_2976 = tpu.vector_load %arg10[%get3A_2974, %get3A_2975] {strides = array<i32>} : memref<50x64xf32, #tpu.memory_space<vmem>>, vector<16xf32>,
      %add3A_2977 = arith.addf %add3A_2957, %get3A_2976 : vector<16xf32>
      %get3A_2978 = arith.constant 34 : i32
      %get3A_2979 = arith.index_cast %get3A_2978 : i32 to index
      %get3A_2980 = arith.constant 32 : index
      %get3A_2981 = tpu.vector_load %arg10[%get3A_2979, %get3A_2980] {strides = array<i32>} : memref<50x64xf32, #tpu.memory_space<vmem>>, vector<16xf32>,
      %add3A_2982 = arith.addf %add3A_2962, %get3A_2981 : vector<16xf32>
      %get3A_2983 = arith.constant 34 : i32
      %get3A_2984 = arith.index_cast %get3A_2983 : i32 to index
      %get3A_2985 = arith.constant 48 : index
      %get3A_2986 = tpu.vector_load %arg10[%get3A_2984, %get3A_2985] {strides = array<i32>} : memref<50x64xf32, #tpu.memory_space<vmem>>, vector<16xf32>,
      %add3A_2987 = arith.addf %add3A_2967, %get3A_2986 : vector<16xf32>
      %get3A_2988 = arith.constant 35 : i32
      %get3A_2989 = arith.index_cast %get3A_2988 : i32 to index
      %get3A_2990 = arith.constant 0 : index
      %get3A_2991 = tpu.vector_load %arg10[%get3A_2989, %get3A_2990] {strides = array<i32>} : memref<50x64xf32, #tpu.memory_space<vmem>>, vector<16xf32>,
      %add3A_2992 = arith.addf %add3A_2972, %get3A_2991 : vector<16xf32>
      %get3A_2993 = arith.constant 35 : i32
      %get3A_2994 = arith.index_cast %get3A_2993 : i32 to index
      %get3A_2995 = arith.constant 16 : index
      %get3A_2996 = tpu.vector_load %arg10[%get3A_2994, %get3A_2995] {strides = array<i32>} : memref<50x64xf32, #tpu.memory_space<vmem>>, vector<16xf32>,
      %add3A_2997 = arith.addf %add3A_2977, %get3A_2996 : vector<16xf32>
      %get3A_2998 = arith.constant 35 : i32
      %get3A_2999 = arith.index_cast %get3A_2998 : i32 to index
      %get3A_3000 = arith.constant 32 : index
      %get3A_3001 = tpu.vector_load %arg10[%get3A_2999, %get3A_3000] {strides = array<i32>} : memref<50x64xf32, #tpu.memory_space<vmem>>, vector<16xf32>,
      %add3A_3002 = arith.addf %add3A_2982, %get3A_3001 : vector<16xf32>
      %get3A_3003 = arith.constant 35 : i32
      %get3A_3004 = arith.index_cast %get3A_3003 : i32 to index
      %get3A_3005 = arith.constant 48 : index
      %get3A_3006 = tpu.vector_load %arg10[%get3A_3004, %get3A_3005] {strides = array<i32>} : memref<50x64xf32, #tpu.memory_space<vmem>>, vector<16xf32>,
      %add3A_3007 = arith.addf %add3A_2987, %get3A_3006 : vector<16xf32>
      %get3A_3008 = arith.constant 36 : i32
      %get3A_3009 = arith.index_cast %get3A_3008 : i32 to index
      %get3A_3010 = arith.constant 0 : index
      %get3A_3011 = tpu.vector_load %arg10[%get3A_3009, %get3A_3010] {strides = array<i32>} : memref<50x64xf32, #tpu.memory_space<vmem>>, vector<16xf32>,
      %add3A_3012 = arith.addf %add3A_2992, %get3A_3011 : vector<16xf32>
      %get3A_3013 = arith.constant 36 : i32
      %get3A_3014 = arith.index_cast %get3A_3013 : i32 to index
      %get3A_3015 = arith.constant 16 : index
      %get3A_3016 = tpu.vector_load %arg10[%get3A_3014, %get3A_3015] {strides = array<i32>} : memref<50x64xf32, #tpu.memory_space<vmem>>, vector<16xf32>,
      %add3A_3017 = arith.addf %add3A_2997, %get3A_3016 : vector<16xf32>
      %get3A_3018 = arith.constant 36 : i32
      %get3A_3019 = arith.index_cast %get3A_3018 : i32 to index
      %get3A_3020 = arith.constant 32 : index
      %get3A_3021 = tpu.vector_load %arg10[%get3A_3019, %get3A_3020] {strides = array<i32>} : memref<50x64xf32, #tpu.memory_space<vmem>>, vector<16xf32>,
      %add3A_3022 = arith.addf %add3A_3002, %get3A_3021 : vector<16xf32>
      %get3A_3023 = arith.constant 36 : i32
      %get3A_3024 = arith.index_cast %get3A_3023 : i32 to index
      %get3A_3025 = arith.constant 48 : index
      %get3A_3026 = tpu.vector_load %arg10[%get3A_3024, %get3A_3025] {strides = array<i32>} : memref<50x64xf32, #tpu.memory_space<vmem>>, vector<16xf32>,
      %add3A_3027 = arith.addf %add3A_3007, %get3A_3026 : vector<16xf32>
      %get3A_3028 = arith.constant 37 : i32
      %get3A_3029 = arith.index_cast %get3A_3028 : i32 to index
      %get3A_3030 = arith.constant 0 : index
      %get3A_3031 = tpu.vector_load %arg10[%get3A_3029, %get3A_3030] {strides = array<i32>} : memref<50x64xf32, #tpu.memory_space<vmem>>, vector<16xf32>,
      %add3A_3032 = arith.addf %add3A_3012, %get3A_3031 : vector<16xf32>
      %get3A_3033 = arith.constant 37 : i32
      %get3A_3034 = arith.index_cast %get3A_3033 : i32 to index
      %get3A_3035 = arith.constant 16 : index
      %get3A_3036 = tpu.vector_load %arg10[%get3A_3034, %get3A_3035] {strides = array<i32>} : memref<50x64xf32, #tpu.memory_space<vmem>>, vector<16xf32>,
      %add3A_3037 = arith.addf %add3A_3017, %get3A_3036 : vector<16xf32>
      %get3A_3038 = arith.constant 37 : i32
      %get3A_3039 = arith.index_cast %get3A_3038 : i32 to index
      %get3A_3040 = arith.constant 32 : index
      %get3A_3041 = tpu.vector_load %arg10[%get3A_3039, %get3A_3040] {strides = array<i32>} : memref<50x64xf32, #tpu.memory_space<vmem>>, vector<16xf32>,
      %add3A_3042 = arith.addf %add3A_3022, %get3A_3041 : vector<16xf32>
      %get3A_3043 = arith.constant 37 : i32
      %get3A_3044 = arith.index_cast %get3A_3043 : i32 to index
      %get3A_3045 = arith.constant 48 : index
      %get3A_3046 = tpu.vector_load %arg10[%get3A_3044, %get3A_3045] {strides = array<i32>} : memref<50x64xf32, #tpu.memory_space<vmem>>, vector<16xf32>,
      %add3A_3047 = arith.addf %add3A_3027, %get3A_3046 : vector<16xf32>
      %get3A_3048 = arith.constant 38 : i32
      %get3A_3049 = arith.index_cast %get3A_3048 : i32 to index
      %get3A_3050 = arith.constant 0 : index
      %get3A_3051 = tpu.vector_load %arg10[%get3A_3049, %get3A_3050] {strides = array<i32>} : memref<50x64xf32, #tpu.memory_space<vmem>>, vector<16xf32>,
      %add3A_3052 = arith.addf %add3A_3032, %get3A_3051 : vector<16xf32>
      %get3A_3053 = arith.constant 38 : i32
      %get3A_3054 = arith.index_cast %get3A_3053 : i32 to index
      %get3A_3055 = arith.constant 16 : index
      %get3A_3056 = tpu.vector_load %arg10[%get3A_3054, %get3A_3055] {strides = array<i32>} : memref<50x64xf32, #tpu.memory_space<vmem>>, vector<16xf32>,
      %add3A_3057 = arith.addf %add3A_3037, %get3A_3056 : vector<16xf32>
      %get3A_3058 = arith.constant 38 : i32
      %get3A_3059 = arith.index_cast %get3A_3058 : i32 to index
      %get3A_3060 = arith.constant 32 : index
      %get3A_3061 = tpu.vector_load %arg10[%get3A_3059, %get3A_3060] {strides = array<i32>} : memref<50x64xf32, #tpu.memory_space<vmem>>, vector<16xf32>,
      %add3A_3062 = arith.addf %add3A_3042, %get3A_3061 : vector<16xf32>
      %get3A_3063 = arith.constant 38 : i32
      %get3A_3064 = arith.index_cast %get3A_3063 : i32 to index
      %get3A_3065 = arith.constant 48 : index
      %get3A_3066 = tpu.vector_load %arg10[%get3A_3064, %get3A_3065] {strides = array<i32>} : memref<50x64xf32, #tpu.memory_space<vmem>>, vector<16xf32>,
      %add3A_3067 = arith.addf %add3A_3047, %get3A_3066 : vector<16xf32>
      %get3A_3068 = arith.constant 39 : i32
      %get3A_3069 = arith.index_cast %get3A_3068 : i32 to index
      %get3A_3070 = arith.constant 0 : index
      %get3A_3071 = tpu.vector_load %arg10[%get3A_3069, %get3A_3070] {strides = array<i32>} : memref<50x64xf32, #tpu.memory_space<vmem>>, vector<16xf32>,
      %add3A_3072 = arith.addf %add3A_3052, %get3A_3071 : vector<16xf32>
      %get3A_3073 = arith.constant 39 : i32
      %get3A_3074 = arith.index_cast %get3A_3073 : i32 to index
      %get3A_3075 = arith.constant 16 : index
      %get3A_3076 = tpu.vector_load %arg10[%get3A_3074, %get3A_3075] {strides = array<i32>} : memref<50x64xf32, #tpu.memory_space<vmem>>, vector<16xf32>,
      %add3A_3077 = arith.addf %add3A_3057, %get3A_3076 : vector<16xf32>
      %get3A_3078 = arith.constant 39 : i32
      %get3A_3079 = arith.index_cast %get3A_3078 : i32 to index
      %get3A_3080 = arith.constant 32 : index
      %get3A_3081 = tpu.vector_load %arg10[%get3A_3079, %get3A_3080] {strides = array<i32>} : memref<50x64xf32, #tpu.memory_space<vmem>>, vector<16xf32>,
      %add3A_3082 = arith.addf %add3A_3062, %get3A_3081 : vector<16xf32>
      %get3A_3083 = arith.constant 39 : i32
      %get3A_3084 = arith.index_cast %get3A_3083 : i32 to index
      %get3A_3085 = arith.constant 48 : index
      %get3A_3086 = tpu.vector_load %arg10[%get3A_3084, %get3A_3085] {strides = array<i32>} : memref<50x64xf32, #tpu.memory_space<vmem>>, vector<16xf32>,
      %add3A_3087 = arith.addf %add3A_3067, %get3A_3086 : vector<16xf32>
      %get3A_3088 = arith.constant 40 : i32
      %get3A_3089 = arith.index_cast %get3A_3088 : i32 to index
      %get3A_3090 = arith.constant 0 : index
      %get3A_3091 = tpu.vector_load %arg10[%get3A_3089, %get3A_3090] {strides = array<i32>} : memref<50x64xf32, #tpu.memory_space<vmem>>, vector<16xf32>,
      %add3A_3092 = arith.addf %add3A_3072, %get3A_3091 : vector<16xf32>
      %get3A_3093 = arith.constant 40 : i32
      %get3A_3094 = arith.index_cast %get3A_3093 : i32 to index
      %get3A_3095 = arith.constant 16 : index
      %get3A_3096 = tpu.vector_load %arg10[%get3A_3094, %get3A_3095] {strides = array<i32>} : memref<50x64xf32, #tpu.memory_space<vmem>>, vector<16xf32>,
      %add3A_3097 = arith.addf %add3A_3077, %get3A_3096 : vector<16xf32>
      %get3A_3098 = arith.constant 40 : i32
      %get3A_3099 = arith.index_cast %get3A_3098 : i32 to index
      %get3A_3100 = arith.constant 32 : index
      %get3A_3101 = tpu.vector_load %arg10[%get3A_3099, %get3A_3100] {strides = array<i32>} : memref<50x64xf32, #tpu.memory_space<vmem>>, vector<16xf32>,
      %add3A_3102 = arith.addf %add3A_3082, %get3A_3101 : vector<16xf32>
      %get3A_3103 = arith.constant 40 : i32
      %get3A_3104 = arith.index_cast %get3A_3103 : i32 to index
      %get3A_3105 = arith.constant 48 : index
      %get3A_3106 = tpu.vector_load %arg10[%get3A_3104, %get3A_3105] {strides = array<i32>} : memref<50x64xf32, #tpu.memory_space<vmem>>, vector<16xf32>,
      %add3A_3107 = arith.addf %add3A_3087, %get3A_3106 : vector<16xf32>
      %get3A_3108 = arith.constant 41 : i32
      %get3A_3109 = arith.index_cast %get3A_3108 : i32 to index
      %get3A_3110 = arith.constant 0 : index
      %get3A_3111 = tpu.vector_load %arg10[%get3A_3109, %get3A_3110] {strides = array<i32>} : memref<50x64xf32, #tpu.memory_space<vmem>>, vector<16xf32>,
      %add3A_3112 = arith.addf %add3A_3092, %get3A_3111 : vector<16xf32>
      %get3A_3113 = arith.constant 41 : i32
      %get3A_3114 = arith.index_cast %get3A_3113 : i32 to index
      %get3A_3115 = arith.constant 16 : index
      %get3A_3116 = tpu.vector_load %arg10[%get3A_3114, %get3A_3115] {strides = array<i32>} : memref<50x64xf32, #tpu.memory_space<vmem>>, vector<16xf32>,
      %add3A_3117 = arith.addf %add3A_3097, %get3A_3116 : vector<16xf32>
      %get3A_3118 = arith.constant 41 : i32
      %get3A_3119 = arith.index_cast %get3A_3118 : i32 to index
      %get3A_3120 = arith.constant 32 : index
      %get3A_3121 = tpu.vector_load %arg10[%get3A_3119, %get3A_3120] {strides = array<i32>} : memref<50x64xf32, #tpu.memory_space<vmem>>, vector<16xf32>,
      %add3A_3122 = arith.addf %add3A_3102, %get3A_3121 : vector<16xf32>
      %get3A_3123 = arith.constant 41 : i32
      %get3A_3124 = arith.index_cast %get3A_3123 : i32 to index
      %get3A_3125 = arith.constant 48 : index
      %get3A_3126 = tpu.vector_load %arg10[%get3A_3124, %get3A_3125] {strides = array<i32>} : memref<50x64xf32, #tpu.memory_space<vmem>>, vector<16xf32>,
      %add3A_3127 = arith.addf %add3A_3107, %get3A_3126 : vector<16xf32>
      %get3A_3128 = arith.constant 42 : i32
      %get3A_3129 = arith.index_cast %get3A_3128 : i32 to index
      %get3A_3130 = arith.constant 0 : index
      %get3A_3131 = tpu.vector_load %arg10[%get3A_3129, %get3A_3130] {strides = array<i32>} : memref<50x64xf32, #tpu.memory_space<vmem>>, vector<16xf32>,
      %add3A_3132 = arith.addf %add3A_3112, %get3A_3131 : vector<16xf32>
      %get3A_3133 = arith.constant 42 : i32
      %get3A_3134 = arith.index_cast %get3A_3133 : i32 to index
      %get3A_3135 = arith.constant 16 : index
      %get3A_3136 = tpu.vector_load %arg10[%get3A_3134, %get3A_3135] {strides = array<i32>} : memref<50x64xf32, #tpu.memory_space<vmem>>, vector<16xf32>,
      %add3A_3137 = arith.addf %add3A_3117, %get3A_3136 : vector<16xf32>
      %get3A_3138 = arith.constant 42 : i32
      %get3A_3139 = arith.index_cast %get3A_3138 : i32 to index
      %get3A_3140 = arith.constant 32 : index
      %get3A_3141 = tpu.vector_load %arg10[%get3A_3139, %get3A_3140] {strides = array<i32>} : memref<50x64xf32, #tpu.memory_space<vmem>>, vector<16xf32>,
      %add3A_3142 = arith.addf %add3A_3122, %get3A_3141 : vector<16xf32>
      %get3A_3143 = arith.constant 42 : i32
      %get3A_3144 = arith.index_cast %get3A_3143 : i32 to index
      %get3A_3145 = arith.constant 48 : index
      %get3A_3146 = tpu.vector_load %arg10[%get3A_3144, %get3A_3145] {strides = array<i32>} : memref<50x64xf32, #tpu.memory_space<vmem>>, vector<16xf32>,
      %add3A_3147 = arith.addf %add3A_3127, %get3A_3146 : vector<16xf32>
      %get3A_3148 = arith.constant 43 : i32
      %get3A_3149 = arith.index_cast %get3A_3148 : i32 to index
      %get3A_3150 = arith.constant 0 : index
      %get3A_3151 = tpu.vector_load %arg10[%get3A_3149, %get3A_3150] {strides = array<i32>} : memref<50x64xf32, #tpu.memory_space<vmem>>, vector<16xf32>,
      %add3A_3152 = arith.addf %add3A_3132, %get3A_3151 : vector<16xf32>
      %get3A_3153 = arith.constant 43 : i32
      %get3A_3154 = arith.index_cast %get3A_3153 : i32 to index
      %get3A_3155 = arith.constant 16 : index
      %get3A_3156 = tpu.vector_load %arg10[%get3A_3154, %get3A_3155] {strides = array<i32>} : memref<50x64xf32, #tpu.memory_space<vmem>>, vector<16xf32>,
      %add3A_3157 = arith.addf %add3A_3137, %get3A_3156 : vector<16xf32>
      %get3A_3158 = arith.constant 43 : i32
      %get3A_3159 = arith.index_cast %get3A_3158 : i32 to index
      %get3A_3160 = arith.constant 32 : index
      %get3A_3161 = tpu.vector_load %arg10[%get3A_3159, %get3A_3160] {strides = array<i32>} : memref<50x64xf32, #tpu.memory_space<vmem>>, vector<16xf32>,
      %add3A_3162 = arith.addf %add3A_3142, %get3A_3161 : vector<16xf32>
      %get3A_3163 = arith.constant 43 : i32
      %get3A_3164 = arith.index_cast %get3A_3163 : i32 to index
      %get3A_3165 = arith.constant 48 : index
      %get3A_3166 = tpu.vector_load %arg10[%get3A_3164, %get3A_3165] {strides = array<i32>} : memref<50x64xf32, #tpu.memory_space<vmem>>, vector<16xf32>,
      %add3A_3167 = arith.addf %add3A_3147, %get3A_3166 : vector<16xf32>
      %get3A_3168 = arith.constant 44 : i32
      %get3A_3169 = arith.index_cast %get3A_3168 : i32 to index
      %get3A_3170 = arith.constant 0 : index
      %get3A_3171 = tpu.vector_load %arg10[%get3A_3169, %get3A_3170] {strides = array<i32>} : memref<50x64xf32, #tpu.memory_space<vmem>>, vector<16xf32>,
      %add3A_3172 = arith.addf %add3A_3152, %get3A_3171 : vector<16xf32>
      %get3A_3173 = arith.constant 44 : i32
      %get3A_3174 = arith.index_cast %get3A_3173 : i32 to index
      %get3A_3175 = arith.constant 16 : index
      %get3A_3176 = tpu.vector_load %arg10[%get3A_3174, %get3A_3175] {strides = array<i32>} : memref<50x64xf32, #tpu.memory_space<vmem>>, vector<16xf32>,
      %add3A_3177 = arith.addf %add3A_3157, %get3A_3176 : vector<16xf32>
      %get3A_3178 = arith.constant 44 : i32
      %get3A_3179 = arith.index_cast %get3A_3178 : i32 to index
      %get3A_3180 = arith.constant 32 : index
      %get3A_3181 = tpu.vector_load %arg10[%get3A_3179, %get3A_3180] {strides = array<i32>} : memref<50x64xf32, #tpu.memory_space<vmem>>, vector<16xf32>,
      %add3A_3182 = arith.addf %add3A_3162, %get3A_3181 : vector<16xf32>
      %get3A_3183 = arith.constant 44 : i32
      %get3A_3184 = arith.index_cast %get3A_3183 : i32 to index
      %get3A_3185 = arith.constant 48 : index
      %get3A_3186 = tpu.vector_load %arg10[%get3A_3184, %get3A_3185] {strides = array<i32>} : memref<50x64xf32, #tpu.memory_space<vmem>>, vector<16xf32>,
      %add3A_3187 = arith.addf %add3A_3167, %get3A_3186 : vector<16xf32>
      %get3A_3188 = arith.constant 45 : i32
      %get3A_3189 = arith.index_cast %get3A_3188 : i32 to index
      %get3A_3190 = arith.constant 0 : index
      %get3A_3191 = tpu.vector_load %arg10[%get3A_3189, %get3A_3190] {strides = array<i32>} : memref<50x64xf32, #tpu.memory_space<vmem>>, vector<16xf32>,
      %add3A_3192 = arith.addf %add3A_3172, %get3A_3191 : vector<16xf32>
      %get3A_3193 = arith.constant 45 : i32
      %get3A_3194 = arith.index_cast %get3A_3193 : i32 to index
      %get3A_3195 = arith.constant 16 : index
      %get3A_3196 = tpu.vector_load %arg10[%get3A_3194, %get3A_3195] {strides = array<i32>} : memref<50x64xf32, #tpu.memory_space<vmem>>, vector<16xf32>,
      %add3A_3197 = arith.addf %add3A_3177, %get3A_3196 : vector<16xf32>
      %get3A_3198 = arith.constant 45 : i32
      %get3A_3199 = arith.index_cast %get3A_3198 : i32 to index
      %get3A_3200 = arith.constant 32 : index
      %get3A_3201 = tpu.vector_load %arg10[%get3A_3199, %get3A_3200] {strides = array<i32>} : memref<50x64xf32, #tpu.memory_space<vmem>>, vector<16xf32>,
      %add3A_3202 = arith.addf %add3A_3182, %get3A_3201 : vector<16xf32>
      %get3A_3203 = arith.constant 45 : i32
      %get3A_3204 = arith.index_cast %get3A_3203 : i32 to index
      %get3A_3205 = arith.constant 48 : index
      %get3A_3206 = tpu.vector_load %arg10[%get3A_3204, %get3A_3205] {strides = array<i32>} : memref<50x64xf32, #tpu.memory_space<vmem>>, vector<16xf32>,
      %add3A_3207 = arith.addf %add3A_3187, %get3A_3206 : vector<16xf32>
      %get3A_3208 = arith.constant 46 : i32
      %get3A_3209 = arith.index_cast %get3A_3208 : i32 to index
      %get3A_3210 = arith.constant 0 : index
      %get3A_3211 = tpu.vector_load %arg10[%get3A_3209, %get3A_3210] {strides = array<i32>} : memref<50x64xf32, #tpu.memory_space<vmem>>, vector<16xf32>,
      %add3A_3212 = arith.addf %add3A_3192, %get3A_3211 : vector<16xf32>
      %get3A_3213 = arith.constant 46 : i32
      %get3A_3214 = arith.index_cast %get3A_3213 : i32 to index
      %get3A_3215 = arith.constant 16 : index
      %get3A_3216 = tpu.vector_load %arg10[%get3A_3214, %get3A_3215] {strides = array<i32>} : memref<50x64xf32, #tpu.memory_space<vmem>>, vector<16xf32>,
      %add3A_3217 = arith.addf %add3A_3197, %get3A_3216 : vector<16xf32>
      %get3A_3218 = arith.constant 46 : i32
      %get3A_3219 = arith.index_cast %get3A_3218 : i32 to index
      %get3A_3220 = arith.constant 32 : index
      %get3A_3221 = tpu.vector_load %arg10[%get3A_3219, %get3A_3220] {strides = array<i32>} : memref<50x64xf32, #tpu.memory_space<vmem>>, vector<16xf32>,
      %add3A_3222 = arith.addf %add3A_3202, %get3A_3221 : vector<16xf32>
      %get3A_3223 = arith.constant 46 : i32
      %get3A_3224 = arith.index_cast %get3A_3223 : i32 to index
      %get3A_3225 = arith.constant 48 : index
      %get3A_3226 = tpu.vector_load %arg10[%get3A_3224, %get3A_3225] {strides = array<i32>} : memref<50x64xf32, #tpu.memory_space<vmem>>, vector<16xf32>,
      %add3A_3227 = arith.addf %add3A_3207, %get3A_3226 : vector<16xf32>
      %get3A_3228 = arith.constant 47 : i32
      %get3A_3229 = arith.index_cast %get3A_3228 : i32 to index
      %get3A_3230 = arith.constant 0 : index
      %get3A_3231 = tpu.vector_load %arg10[%get3A_3229, %get3A_3230] {strides = array<i32>} : memref<50x64xf32, #tpu.memory_space<vmem>>, vector<16xf32>,
      %add3A_3232 = arith.addf %add3A_3212, %get3A_3231 : vector<16xf32>
      %get3A_3233 = arith.constant 47 : i32
      %get3A_3234 = arith.index_cast %get3A_3233 : i32 to index
      %get3A_3235 = arith.constant 16 : index
      %get3A_3236 = tpu.vector_load %arg10[%get3A_3234, %get3A_3235] {strides = array<i32>} : memref<50x64xf32, #tpu.memory_space<vmem>>, vector<16xf32>,
      %add3A_3237 = arith.addf %add3A_3217, %get3A_3236 : vector<16xf32>
      %get3A_3238 = arith.constant 47 : i32
      %get3A_3239 = arith.index_cast %get3A_3238 : i32 to index
      %get3A_3240 = arith.constant 32 : index
      %get3A_3241 = tpu.vector_load %arg10[%get3A_3239, %get3A_3240] {strides = array<i32>} : memref<50x64xf32, #tpu.memory_space<vmem>>, vector<16xf32>,
      %add3A_3242 = arith.addf %add3A_3222, %get3A_3241 : vector<16xf32>
      %get3A_3243 = arith.constant 47 : i32
      %get3A_3244 = arith.index_cast %get3A_3243 : i32 to index
      %get3A_3245 = arith.constant 48 : index
      %get3A_3246 = tpu.vector_load %arg10[%get3A_3244, %get3A_3245] {strides = array<i32>} : memref<50x64xf32, #tpu.memory_space<vmem>>, vector<16xf32>,
      %add3A_3247 = arith.addf %add3A_3227, %get3A_3246 : vector<16xf32>
      %get3A_3248 = arith.constant 48 : i32
      %get3A_3249 = arith.index_cast %get3A_3248 : i32 to index
      %get3A_3250 = arith.constant 0 : index
      %get3A_3251 = tpu.vector_load %arg10[%get3A_3249, %get3A_3250] {strides = array<i32>} : memref<50x64xf32, #tpu.memory_space<vmem>>, vector<16xf32>,
      %add3A_3252 = arith.addf %add3A_3232, %get3A_3251 : vector<16xf32>
      %get3A_3253 = arith.constant 48 : i32
      %get3A_3254 = arith.index_cast %get3A_3253 : i32 to index
      %get3A_3255 = arith.constant 16 : index
      %get3A_3256 = tpu.vector_load %arg10[%get3A_3254, %get3A_3255] {strides = array<i32>} : memref<50x64xf32, #tpu.memory_space<vmem>>, vector<16xf32>,
      %add3A_3257 = arith.addf %add3A_3237, %get3A_3256 : vector<16xf32>
      %get3A_3258 = arith.constant 48 : i32
      %get3A_3259 = arith.index_cast %get3A_3258 : i32 to index
      %get3A_3260 = arith.constant 32 : index
      %get3A_3261 = tpu.vector_load %arg10[%get3A_3259, %get3A_3260] {strides = array<i32>} : memref<50x64xf32, #tpu.memory_space<vmem>>, vector<16xf32>,
      %add3A_3262 = arith.addf %add3A_3242, %get3A_3261 : vector<16xf32>
      %get3A_3263 = arith.constant 48 : i32
      %get3A_3264 = arith.index_cast %get3A_3263 : i32 to index
      %get3A_3265 = arith.constant 48 : index
      %get3A_3266 = tpu.vector_load %arg10[%get3A_3264, %get3A_3265] {strides = array<i32>} : memref<50x64xf32, #tpu.memory_space<vmem>>, vector<16xf32>,
      %add3A_3267 = arith.addf %add3A_3247, %get3A_3266 : vector<16xf32>
      %get3A_3268 = arith.constant 49 : i32
      %get3A_3269 = arith.index_cast %get3A_3268 : i32 to index
      %get3A_3270 = arith.constant 0 : index
      %get3A_3271 = tpu.vector_load %arg10[%get3A_3269, %get3A_3270] {strides = array<i32>} : memref<50x64xf32, #tpu.memory_space<vmem>>, vector<16xf32>,
      %add3A_3272 = arith.addf %add3A_3252, %get3A_3271 : vector<16xf32>
      %get3A_3273 = arith.constant 49 : i32
      %get3A_3274 = arith.index_cast %get3A_3273 : i32 to index
      %get3A_3275 = arith.constant 16 : index
      %get3A_3276 = tpu.vector_load %arg10[%get3A_3274, %get3A_3275] {strides = array<i32>} : memref<50x64xf32, #tpu.memory_space<vmem>>, vector<16xf32>,
      %add3A_3277 = arith.addf %add3A_3257, %get3A_3276 : vector<16xf32>
      %get3A_3278 = arith.constant 49 : i32
      %get3A_3279 = arith.index_cast %get3A_3278 : i32 to index
      %get3A_3280 = arith.constant 32 : index
      %get3A_3281 = tpu.vector_load %arg10[%get3A_3279, %get3A_3280] {strides = array<i32>} : memref<50x64xf32, #tpu.memory_space<vmem>>, vector<16xf32>,
      %add3A_3282 = arith.addf %add3A_3262, %get3A_3281 : vector<16xf32>
      %get3A_3283 = arith.constant 49 : i32
      %get3A_3284 = arith.index_cast %get3A_3283 : i32 to index
      %get3A_3285 = arith.constant 48 : index
      %get3A_3286 = tpu.vector_load %arg10[%get3A_3284, %get3A_3285] {strides = array<i32>} : memref<50x64xf32, #tpu.memory_space<vmem>>, vector<16xf32>,
      %add3A_3287 = arith.addf %add3A_3267, %get3A_3286 : vector<16xf32>
      %add3A_3288 = arith.addf %add3A_3272, %add3A_3277 : vector<16xf32>
      %add3A_3289 = arith.addf %add3A_3282, %add3A_3287 : vector<16xf32>
      %add3A_3290 = arith.addf %add3A_3288, %add3A_3289 : vector<16xf32>
      %broadcast_in_dim3A_3291 = arith.constant 15 : i32
      %broadcast_in_dim3A_3292 = vector.broadcast %broadcast_in_dim3A_3291 : i32 to vector<16xi32>
      %broadcast_in_dim3A_3293 = arith.constant true
      %broadcast_in_dim3A_3294 = vector.broadcast %broadcast_in_dim3A_3293 : i1 to vector<16xi1>
      %masked_cumsum3A_3295 = tpu.scan <sum>, %add3A_3290 masked %broadcast_in_dim3A_3294 : vector<16xf32>, vector<16xi1> -> vector<16xf32>
      %lt3A_3296 = arith.constant 0 : i32
      %lt3A_3297 = vector.broadcast %lt3A_3296 : i32 to vector<16xi32>
      %lt3A_3298 = arith.cmpi slt, %broadcast_in_dim3A_3292, %lt3A_3297 : vector<16xi32>
      %add3A_3299 = arith.constant 16 : i32
      %add3A_3300 = vector.broadcast %add3A_3299 : i32 to vector<16xi32>
      %add3A_3301 = arith.addi %broadcast_in_dim3A_3292, %add3A_3300 : vector<16xi32>
      %select_n3A_3302 = arith.select %lt3A_3298, %add3A_3301, %broadcast_in_dim3A_3292 : vector<16xi1>, vector<16xi32>
      %broadcast_in_dim3A_3303 = vector.shape_cast %select_n3A_3302 : vector<16xi32> to vector<16x1xi32>
      %gather3A_3304 = vector.shape_cast %broadcast_in_dim3A_3303 : vector<16x1xi32> to vector<16xi32>
      %gather3A_3305 = tpu.dynamic_gather %masked_cumsum3A_3295[%gather3A_3304] in [0] : vector<16xf32>, vector<16xi32> -> vector<16xf32>
      %mul3A_3306 = arith.constant 1.562500e-02 : f32
      %mul3A_3307 = vector.broadcast %mul3A_3306 : f32 to vector<16xf32>
      %mul3A_3308 = arith.mulf %gather3A_3305, %mul3A_3307 : vector<16xf32>
      %sub3A_3309 = arith.subf %add3A_3272, %mul3A_3308 : vector<16xf32>
      %sub3A_3310 = arith.subf %add3A_3277, %mul3A_3308 : vector<16xf32>
      %sub3A_3311 = arith.subf %add3A_3282, %mul3A_3308 : vector<16xf32>
      %sub3A_3312 = arith.subf %add3A_3287, %mul3A_3308 : vector<16xf32>
      %mul3A_3313 = arith.mulf %sub3A_3309, %sub3A_3309 : vector<16xf32>
      %mul3A_3314 = arith.mulf %sub3A_3310, %sub3A_3310 : vector<16xf32>
      %add3A_3315 = arith.addf %mul3A_3313, %mul3A_3314 : vector<16xf32>
      %mul3A_3316 = arith.mulf %sub3A_3311, %sub3A_3311 : vector<16xf32>
      %mul3A_3317 = arith.mulf %sub3A_3312, %sub3A_3312 : vector<16xf32>
      %add3A_3318 = arith.addf %mul3A_3316, %mul3A_3317 : vector<16xf32>
      %add3A_3319 = arith.addf %add3A_3315, %add3A_3318 : vector<16xf32>
      %broadcast_in_dim3A_3320 = arith.constant 15 : i32
      %broadcast_in_dim3A_3321 = vector.broadcast %broadcast_in_dim3A_3320 : i32 to vector<16xi32>
      %broadcast_in_dim3A_3322 = arith.constant true
      %broadcast_in_dim3A_3323 = vector.broadcast %broadcast_in_dim3A_3322 : i1 to vector<16xi1>
      %masked_cumsum3A_3324 = tpu.scan <sum>, %add3A_3319 masked %broadcast_in_dim3A_3323 : vector<16xf32>, vector<16xi1> -> vector<16xf32>
      %lt3A_3325 = arith.constant 0 : i32
      %lt3A_3326 = vector.broadcast %lt3A_3325 : i32 to vector<16xi32>
      %lt3A_3327 = arith.cmpi slt, %broadcast_in_dim3A_3321, %lt3A_3326 : vector<16xi32>
      %add3A_3328 = arith.constant 16 : i32
      %add3A_3329 = vector.broadcast %add3A_3328 : i32 to vector<16xi32>
      %add3A_3330 = arith.addi %broadcast_in_dim3A_3321, %add3A_3329 : vector<16xi32>
      %select_n3A_3331 = arith.select %lt3A_3327, %add3A_3330, %broadcast_in_dim3A_3321 : vector<16xi1>, vector<16xi32>
      %broadcast_in_dim3A_3332 = vector.shape_cast %select_n3A_3331 : vector<16xi32> to vector<16x1xi32>
      %gather3A_3333 = vector.shape_cast %broadcast_in_dim3A_3332 : vector<16x1xi32> to vector<16xi32>
      %gather3A_3334 = tpu.dynamic_gather %masked_cumsum3A_3324[%gather3A_3333] in [0] : vector<16xf32>, vector<16xi32> -> vector<16xf32>
      %mul3A_3335 = arith.constant 1.562500e-02 : f32
      %mul3A_3336 = vector.broadcast %mul3A_3335 : f32 to vector<16xf32>
      %mul3A_3337 = arith.mulf %gather3A_3334, %mul3A_3336 : vector<16xf32>
      %add3A_3338 = arith.constant 9.99999996E-13 : f32
      %add3A_3339 = vector.broadcast %add3A_3338 : f32 to vector<16xf32>
      %add3A_3340 = arith.addf %mul3A_3337, %add3A_3339 : vector<16xf32>
      %bitcast3A_3341 = vector.bitcast %add3A_3340 : vector<16xf32> to vector<16xi32>
      %shift_right_arithmetic3A_3342 = arith.constant 1 : i32
      %shift_right_arithmetic3A_3343 = vector.broadcast %shift_right_arithmetic3A_3342 : i32 to vector<16xi32>
      %shift_right_arithmetic3A_3344 = arith.shrsi %bitcast3A_3341, %shift_right_arithmetic3A_3343 : vector<16xi32>
      %sub3A_3345 = arith.constant 1597463007 : i32
      %sub3A_3346 = vector.broadcast %sub3A_3345 : i32 to vector<16xi32>
      %sub3A_3347 = arith.subi %sub3A_3346, %shift_right_arithmetic3A_3344 : vector<16xi32>
      %bitcast3A_3348 = vector.bitcast %sub3A_3347 : vector<16xi32> to vector<16xf32>
      %mul3A_3349 = arith.constant 5.000000e-01 : f32
      %mul3A_3350 = vector.broadcast %mul3A_3349 : f32 to vector<16xf32>
      %mul3A_3351 = arith.mulf %add3A_3340, %mul3A_3350 : vector<16xf32>
      %mul3A_3352 = arith.mulf %mul3A_3351, %bitcast3A_3348 : vector<16xf32>
      %mul3A_3353 = arith.mulf %mul3A_3352, %bitcast3A_3348 : vector<16xf32>
      %sub3A_3354 = arith.constant 1.500000e+00 : f32
      %sub3A_3355 = vector.broadcast %sub3A_3354 : f32 to vector<16xf32>
      %sub3A_3356 = arith.subf %sub3A_3355, %mul3A_3353 : vector<16xf32>
      %mul3A_3357 = arith.mulf %bitcast3A_3348, %sub3A_3356 : vector<16xf32>
      %mul3A_3358 = arith.mulf %mul3A_3351, %mul3A_3357 : vector<16xf32>
      %mul3A_3359 = arith.mulf %mul3A_3358, %mul3A_3357 : vector<16xf32>
      %sub3A_3360 = arith.constant 1.500000e+00 : f32
      %sub3A_3361 = vector.broadcast %sub3A_3360 : f32 to vector<16xf32>
      %sub3A_3362 = arith.subf %sub3A_3361, %mul3A_3359 : vector<16xf32>
      %mul3A_3363 = arith.mulf %mul3A_3357, %sub3A_3362 : vector<16xf32>
      %mul3A_3364 = arith.mulf %mul3A_3351, %mul3A_3363 : vector<16xf32>
      %mul3A_3365 = arith.mulf %mul3A_3364, %mul3A_3363 : vector<16xf32>
      %sub3A_3366 = arith.constant 1.500000e+00 : f32
      %sub3A_3367 = vector.broadcast %sub3A_3366 : f32 to vector<16xf32>
      %sub3A_3368 = arith.subf %sub3A_3367, %mul3A_3365 : vector<16xf32>
      %mul3A_3369 = arith.mulf %mul3A_3363, %sub3A_3368 : vector<16xf32>
      %mul3A_3370 = arith.mulf %sub3A_3309, %mul3A_3369 : vector<16xf32>
      %mul3A_3371 = arith.mulf %mul3A_3370, %get3A_3 : vector<16xf32>
      %add3A_3372 = arith.addf %mul3A_3371, %get3A_11 : vector<16xf32>
      %swap3A_3373 = arith.index_cast %add3A_2285 : i32 to index
      %swap3A_3374 = arith.constant 0 : index
      %swap3A_3375 = tpu.vector_load %arg12[%swap3A_3373, %swap3A_3374] {strides = array<i32>} : memref<128x64xf32, #tpu.memory_space<vmem>>, vector<16xf32>,
      tpu.vector_store %arg12[%swap3A_3373, %swap3A_3374], %add3A_3372 {strides = array<i32>} : memref<128x64xf32, #tpu.memory_space<vmem>>, vector<16xf32>,
      %mul3A_3376 = arith.mulf %sub3A_3310, %mul3A_3369 : vector<16xf32>
      %mul3A_3377 = arith.mulf %mul3A_3376, %get3A_5 : vector<16xf32>
      %add3A_3378 = arith.addf %mul3A_3377, %get3A_13 : vector<16xf32>
      %swap3A_3379 = arith.index_cast %add3A_2285 : i32 to index
      %swap3A_3380 = arith.constant 16 : index
      %swap3A_3381 = tpu.vector_load %arg12[%swap3A_3379, %swap3A_3380] {strides = array<i32>} : memref<128x64xf32, #tpu.memory_space<vmem>>, vector<16xf32>,
      tpu.vector_store %arg12[%swap3A_3379, %swap3A_3380], %add3A_3378 {strides = array<i32>} : memref<128x64xf32, #tpu.memory_space<vmem>>, vector<16xf32>,
      %mul3A_3382 = arith.mulf %sub3A_3311, %mul3A_3369 : vector<16xf32>
      %mul3A_3383 = arith.mulf %mul3A_3382, %get3A_7 : vector<16xf32>
      %add3A_3384 = arith.addf %mul3A_3383, %get3A_15 : vector<16xf32>
      %swap3A_3385 = arith.index_cast %add3A_2285 : i32 to index
      %swap3A_3386 = arith.constant 32 : index
      %swap3A_3387 = tpu.vector_load %arg12[%swap3A_3385, %swap3A_3386] {strides = array<i32>} : memref<128x64xf32, #tpu.memory_space<vmem>>, vector<16xf32>,
      tpu.vector_store %arg12[%swap3A_3385, %swap3A_3386], %add3A_3384 {strides = array<i32>} : memref<128x64xf32, #tpu.memory_space<vmem>>, vector<16xf32>,
      %mul3A_3388 = arith.mulf %sub3A_3312, %mul3A_3369 : vector<16xf32>
      %mul3A_3389 = arith.mulf %mul3A_3388, %get3A_9 : vector<16xf32>
      %add3A_3390 = arith.addf %mul3A_3389, %get3A_17 : vector<16xf32>
      %swap3A_3391 = arith.index_cast %add3A_2285 : i32 to index
      %swap3A_3392 = arith.constant 48 : index
      %swap3A_3393 = tpu.vector_load %arg12[%swap3A_3391, %swap3A_3392] {strides = array<i32>} : memref<128x64xf32, #tpu.memory_space<vmem>>, vector<16xf32>,
      tpu.vector_store %arg12[%swap3A_3391, %swap3A_3392], %add3A_3390 {strides = array<i32>} : memref<128x64xf32, #tpu.memory_space<vmem>>, vector<16xf32>,
      %add3A_3394 = arith.constant 4 : i32
      %add3A_3395 = arith.addi %add3A_2285, %add3A_3394 : i32
      %lt3A_3396 = arith.constant 128 : i32
      %lt3A_3397 = arith.cmpi slt, %add3A_3395, %lt3A_3396 : i32
      %convert_element_type3A_3398 = arith.extui %lt3A_3397 : i1 to i32
      %cond3A_3399 = arith.constant 0 : i32
      %cond3A_3400 = arith.cmpi ne, %convert_element_type3A_3398, %cond3A_3399 : i32
      scf.if %cond3A_3400 {
        %add3A_4520 = arith.constant 4 : i32
        %add3A_4521 = arith.addi %add3A_2285, %add3A_4520 : i32
        %dma_start3A_4522 = arith.constant 0 : i32
        %dma_start3A_4523 = tpu.memref_slice %arg7[%add3A_4521, %dma_start3A_4522] : memref<128x50xi32, #tpu.memory_space<vmem>> -> memref<1x50xi32, #tpu.memory_space<vmem>>
        %dma_start3A_4524 = tpu.memref_squeeze %dma_start3A_4523 : memref<1x50xi32, #tpu.memory_space<vmem>> -> memref<50xi32, #tpu.memory_space<vmem>>
        %dma_start3A_4525 = arith.constant 0 : i32
        %dma_start3A_4526 = arith.constant 0 : i32
        %dma_start3A_4527 = tpu.memref_slice %arg2[%dma_start3A_4525, %dma_start3A_4526] : memref<100000x64xf32, #tpu.memory_space<hbm>> -> memref<100000x64xf32, #tpu.memory_space<hbm>>
        tpu.enqueue_indirect_dma source(%dma_start3A_4527 : memref<100000x64xf32, #tpu.memory_space<hbm>>) target(%arg10 : memref<50x64xf32, #tpu.memory_space<vmem>>) offsets(%dma_start3A_4524 : memref<50xi32, #tpu.memory_space<vmem>>) semaphore(%arg17 : memref<!tpu.dma_semaphore, #tpu.memory_space<semaphore_mem>>)
      } else {
      }
      %mul3A_3401 = arith.constant 4 : i32
      %mul3A_3402 = arith.muli %add3A_55, %mul3A_3401 : i32
      %add3A_3403 = arith.constant 3 : i32
      %add3A_3404 = arith.addi %mul3A_3402, %add3A_3403 : i32
      %dma_wait3A_3405 = arith.constant 0 : i32
      %dma_wait3A_3406 = tpu.memref_slice %arg7[%add3A_3404, %dma_wait3A_3405] : memref<128x50xi32, #tpu.memory_space<vmem>> -> memref<1x50xi32, #tpu.memory_space<vmem>>
      %dma_wait3A_3407 = tpu.memref_squeeze %dma_wait3A_3406 : memref<1x50xi32, #tpu.memory_space<vmem>> -> memref<50xi32, #tpu.memory_space<vmem>>
      %dma_wait3A_3408 = arith.constant 0 : i32
      %dma_wait3A_3409 = arith.constant 0 : i32
      %dma_wait3A_3410 = tpu.memref_slice %arg2[%dma_wait3A_3408, %dma_wait3A_3409] : memref<100000x64xf32, #tpu.memory_space<hbm>> -> memref<100000x64xf32, #tpu.memory_space<hbm>>
      tpu.wait_indirect_dma semaphore(%arg18 : memref<!tpu.dma_semaphore, #tpu.memory_space<semaphore_mem>>) src(%dma_wait3A_3410 : memref<100000x64xf32, #tpu.memory_space<hbm>>) dst(%arg11 : memref<50x64xf32, #tpu.memory_space<vmem>>)
      %get3A_3411 = arith.constant 0 : i32
      %get3A_3412 = arith.index_cast %get3A_3411 : i32 to index
      %get3A_3413 = arith.constant 0 : index
      %get3A_3414 = tpu.vector_load %arg11[%get3A_3412, %get3A_3413] {strides = array<i32>} : memref<50x64xf32, #tpu.memory_space<vmem>>, vector<16xf32>,
      %get3A_3415 = arith.constant 0 : i32
      %get3A_3416 = arith.index_cast %get3A_3415 : i32 to index
      %get3A_3417 = arith.constant 16 : index
      %get3A_3418 = tpu.vector_load %arg11[%get3A_3416, %get3A_3417] {strides = array<i32>} : memref<50x64xf32, #tpu.memory_space<vmem>>, vector<16xf32>,
      %get3A_3419 = arith.constant 0 : i32
      %get3A_3420 = arith.index_cast %get3A_3419 : i32 to index
      %get3A_3421 = arith.constant 32 : index
      %get3A_3422 = tpu.vector_load %arg11[%get3A_3420, %get3A_3421] {strides = array<i32>} : memref<50x64xf32, #tpu.memory_space<vmem>>, vector<16xf32>,
      %get3A_3423 = arith.constant 0 : i32
      %get3A_3424 = arith.index_cast %get3A_3423 : i32 to index
      %get3A_3425 = arith.constant 48 : index
      %get3A_3426 = tpu.vector_load %arg11[%get3A_3424, %get3A_3425] {strides = array<i32>} : memref<50x64xf32, #tpu.memory_space<vmem>>, vector<16xf32>,
      %get3A_3427 = arith.constant 1 : i32
      %get3A_3428 = arith.index_cast %get3A_3427 : i32 to index
      %get3A_3429 = arith.constant 0 : index
      %get3A_3430 = tpu.vector_load %arg11[%get3A_3428, %get3A_3429] {strides = array<i32>} : memref<50x64xf32, #tpu.memory_space<vmem>>, vector<16xf32>,
      %add3A_3431 = arith.addf %get3A_3414, %get3A_3430 : vector<16xf32>
      %get3A_3432 = arith.constant 1 : i32
      %get3A_3433 = arith.index_cast %get3A_3432 : i32 to index
      %get3A_3434 = arith.constant 16 : index
      %get3A_3435 = tpu.vector_load %arg11[%get3A_3433, %get3A_3434] {strides = array<i32>} : memref<50x64xf32, #tpu.memory_space<vmem>>, vector<16xf32>,
      %add3A_3436 = arith.addf %get3A_3418, %get3A_3435 : vector<16xf32>
      %get3A_3437 = arith.constant 1 : i32
      %get3A_3438 = arith.index_cast %get3A_3437 : i32 to index
      %get3A_3439 = arith.constant 32 : index
      %get3A_3440 = tpu.vector_load %arg11[%get3A_3438, %get3A_3439] {strides = array<i32>} : memref<50x64xf32, #tpu.memory_space<vmem>>, vector<16xf32>,
      %add3A_3441 = arith.addf %get3A_3422, %get3A_3440 : vector<16xf32>
      %get3A_3442 = arith.constant 1 : i32
      %get3A_3443 = arith.index_cast %get3A_3442 : i32 to index
      %get3A_3444 = arith.constant 48 : index
      %get3A_3445 = tpu.vector_load %arg11[%get3A_3443, %get3A_3444] {strides = array<i32>} : memref<50x64xf32, #tpu.memory_space<vmem>>, vector<16xf32>,
      %add3A_3446 = arith.addf %get3A_3426, %get3A_3445 : vector<16xf32>
      %get3A_3447 = arith.constant 2 : i32
      %get3A_3448 = arith.index_cast %get3A_3447 : i32 to index
      %get3A_3449 = arith.constant 0 : index
      %get3A_3450 = tpu.vector_load %arg11[%get3A_3448, %get3A_3449] {strides = array<i32>} : memref<50x64xf32, #tpu.memory_space<vmem>>, vector<16xf32>,
      %add3A_3451 = arith.addf %add3A_3431, %get3A_3450 : vector<16xf32>
      %get3A_3452 = arith.constant 2 : i32
      %get3A_3453 = arith.index_cast %get3A_3452 : i32 to index
      %get3A_3454 = arith.constant 16 : index
      %get3A_3455 = tpu.vector_load %arg11[%get3A_3453, %get3A_3454] {strides = array<i32>} : memref<50x64xf32, #tpu.memory_space<vmem>>, vector<16xf32>,
      %add3A_3456 = arith.addf %add3A_3436, %get3A_3455 : vector<16xf32>
      %get3A_3457 = arith.constant 2 : i32
      %get3A_3458 = arith.index_cast %get3A_3457 : i32 to index
      %get3A_3459 = arith.constant 32 : index
      %get3A_3460 = tpu.vector_load %arg11[%get3A_3458, %get3A_3459] {strides = array<i32>} : memref<50x64xf32, #tpu.memory_space<vmem>>, vector<16xf32>,
      %add3A_3461 = arith.addf %add3A_3441, %get3A_3460 : vector<16xf32>
      %get3A_3462 = arith.constant 2 : i32
      %get3A_3463 = arith.index_cast %get3A_3462 : i32 to index
      %get3A_3464 = arith.constant 48 : index
      %get3A_3465 = tpu.vector_load %arg11[%get3A_3463, %get3A_3464] {strides = array<i32>} : memref<50x64xf32, #tpu.memory_space<vmem>>, vector<16xf32>,
      %add3A_3466 = arith.addf %add3A_3446, %get3A_3465 : vector<16xf32>
      %get3A_3467 = arith.constant 3 : i32
      %get3A_3468 = arith.index_cast %get3A_3467 : i32 to index
      %get3A_3469 = arith.constant 0 : index
      %get3A_3470 = tpu.vector_load %arg11[%get3A_3468, %get3A_3469] {strides = array<i32>} : memref<50x64xf32, #tpu.memory_space<vmem>>, vector<16xf32>,
      %add3A_3471 = arith.addf %add3A_3451, %get3A_3470 : vector<16xf32>
      %get3A_3472 = arith.constant 3 : i32
      %get3A_3473 = arith.index_cast %get3A_3472 : i32 to index
      %get3A_3474 = arith.constant 16 : index
      %get3A_3475 = tpu.vector_load %arg11[%get3A_3473, %get3A_3474] {strides = array<i32>} : memref<50x64xf32, #tpu.memory_space<vmem>>, vector<16xf32>,
      %add3A_3476 = arith.addf %add3A_3456, %get3A_3475 : vector<16xf32>
      %get3A_3477 = arith.constant 3 : i32
      %get3A_3478 = arith.index_cast %get3A_3477 : i32 to index
      %get3A_3479 = arith.constant 32 : index
      %get3A_3480 = tpu.vector_load %arg11[%get3A_3478, %get3A_3479] {strides = array<i32>} : memref<50x64xf32, #tpu.memory_space<vmem>>, vector<16xf32>,
      %add3A_3481 = arith.addf %add3A_3461, %get3A_3480 : vector<16xf32>
      %get3A_3482 = arith.constant 3 : i32
      %get3A_3483 = arith.index_cast %get3A_3482 : i32 to index
      %get3A_3484 = arith.constant 48 : index
      %get3A_3485 = tpu.vector_load %arg11[%get3A_3483, %get3A_3484] {strides = array<i32>} : memref<50x64xf32, #tpu.memory_space<vmem>>, vector<16xf32>,
      %add3A_3486 = arith.addf %add3A_3466, %get3A_3485 : vector<16xf32>
      %get3A_3487 = arith.constant 4 : i32
      %get3A_3488 = arith.index_cast %get3A_3487 : i32 to index
      %get3A_3489 = arith.constant 0 : index
      %get3A_3490 = tpu.vector_load %arg11[%get3A_3488, %get3A_3489] {strides = array<i32>} : memref<50x64xf32, #tpu.memory_space<vmem>>, vector<16xf32>,
      %add3A_3491 = arith.addf %add3A_3471, %get3A_3490 : vector<16xf32>
      %get3A_3492 = arith.constant 4 : i32
      %get3A_3493 = arith.index_cast %get3A_3492 : i32 to index
      %get3A_3494 = arith.constant 16 : index
      %get3A_3495 = tpu.vector_load %arg11[%get3A_3493, %get3A_3494] {strides = array<i32>} : memref<50x64xf32, #tpu.memory_space<vmem>>, vector<16xf32>,
      %add3A_3496 = arith.addf %add3A_3476, %get3A_3495 : vector<16xf32>
      %get3A_3497 = arith.constant 4 : i32
      %get3A_3498 = arith.index_cast %get3A_3497 : i32 to index
      %get3A_3499 = arith.constant 32 : index
      %get3A_3500 = tpu.vector_load %arg11[%get3A_3498, %get3A_3499] {strides = array<i32>} : memref<50x64xf32, #tpu.memory_space<vmem>>, vector<16xf32>,
      %add3A_3501 = arith.addf %add3A_3481, %get3A_3500 : vector<16xf32>
      %get3A_3502 = arith.constant 4 : i32
      %get3A_3503 = arith.index_cast %get3A_3502 : i32 to index
      %get3A_3504 = arith.constant 48 : index
      %get3A_3505 = tpu.vector_load %arg11[%get3A_3503, %get3A_3504] {strides = array<i32>} : memref<50x64xf32, #tpu.memory_space<vmem>>, vector<16xf32>,
      %add3A_3506 = arith.addf %add3A_3486, %get3A_3505 : vector<16xf32>
      %get3A_3507 = arith.constant 5 : i32
      %get3A_3508 = arith.index_cast %get3A_3507 : i32 to index
      %get3A_3509 = arith.constant 0 : index
      %get3A_3510 = tpu.vector_load %arg11[%get3A_3508, %get3A_3509] {strides = array<i32>} : memref<50x64xf32, #tpu.memory_space<vmem>>, vector<16xf32>,
      %add3A_3511 = arith.addf %add3A_3491, %get3A_3510 : vector<16xf32>
      %get3A_3512 = arith.constant 5 : i32
      %get3A_3513 = arith.index_cast %get3A_3512 : i32 to index
      %get3A_3514 = arith.constant 16 : index
      %get3A_3515 = tpu.vector_load %arg11[%get3A_3513, %get3A_3514] {strides = array<i32>} : memref<50x64xf32, #tpu.memory_space<vmem>>, vector<16xf32>,
      %add3A_3516 = arith.addf %add3A_3496, %get3A_3515 : vector<16xf32>
      %get3A_3517 = arith.constant 5 : i32
      %get3A_3518 = arith.index_cast %get3A_3517 : i32 to index
      %get3A_3519 = arith.constant 32 : index
      %get3A_3520 = tpu.vector_load %arg11[%get3A_3518, %get3A_3519] {strides = array<i32>} : memref<50x64xf32, #tpu.memory_space<vmem>>, vector<16xf32>,
      %add3A_3521 = arith.addf %add3A_3501, %get3A_3520 : vector<16xf32>
      %get3A_3522 = arith.constant 5 : i32
      %get3A_3523 = arith.index_cast %get3A_3522 : i32 to index
      %get3A_3524 = arith.constant 48 : index
      %get3A_3525 = tpu.vector_load %arg11[%get3A_3523, %get3A_3524] {strides = array<i32>} : memref<50x64xf32, #tpu.memory_space<vmem>>, vector<16xf32>,
      %add3A_3526 = arith.addf %add3A_3506, %get3A_3525 : vector<16xf32>
      %get3A_3527 = arith.constant 6 : i32
      %get3A_3528 = arith.index_cast %get3A_3527 : i32 to index
      %get3A_3529 = arith.constant 0 : index
      %get3A_3530 = tpu.vector_load %arg11[%get3A_3528, %get3A_3529] {strides = array<i32>} : memref<50x64xf32, #tpu.memory_space<vmem>>, vector<16xf32>,
      %add3A_3531 = arith.addf %add3A_3511, %get3A_3530 : vector<16xf32>
      %get3A_3532 = arith.constant 6 : i32
      %get3A_3533 = arith.index_cast %get3A_3532 : i32 to index
      %get3A_3534 = arith.constant 16 : index
      %get3A_3535 = tpu.vector_load %arg11[%get3A_3533, %get3A_3534] {strides = array<i32>} : memref<50x64xf32, #tpu.memory_space<vmem>>, vector<16xf32>,
      %add3A_3536 = arith.addf %add3A_3516, %get3A_3535 : vector<16xf32>
      %get3A_3537 = arith.constant 6 : i32
      %get3A_3538 = arith.index_cast %get3A_3537 : i32 to index
      %get3A_3539 = arith.constant 32 : index
      %get3A_3540 = tpu.vector_load %arg11[%get3A_3538, %get3A_3539] {strides = array<i32>} : memref<50x64xf32, #tpu.memory_space<vmem>>, vector<16xf32>,
      %add3A_3541 = arith.addf %add3A_3521, %get3A_3540 : vector<16xf32>
      %get3A_3542 = arith.constant 6 : i32
      %get3A_3543 = arith.index_cast %get3A_3542 : i32 to index
      %get3A_3544 = arith.constant 48 : index
      %get3A_3545 = tpu.vector_load %arg11[%get3A_3543, %get3A_3544] {strides = array<i32>} : memref<50x64xf32, #tpu.memory_space<vmem>>, vector<16xf32>,
      %add3A_3546 = arith.addf %add3A_3526, %get3A_3545 : vector<16xf32>
      %get3A_3547 = arith.constant 7 : i32
      %get3A_3548 = arith.index_cast %get3A_3547 : i32 to index
      %get3A_3549 = arith.constant 0 : index
      %get3A_3550 = tpu.vector_load %arg11[%get3A_3548, %get3A_3549] {strides = array<i32>} : memref<50x64xf32, #tpu.memory_space<vmem>>, vector<16xf32>,
      %add3A_3551 = arith.addf %add3A_3531, %get3A_3550 : vector<16xf32>
      %get3A_3552 = arith.constant 7 : i32
      %get3A_3553 = arith.index_cast %get3A_3552 : i32 to index
      %get3A_3554 = arith.constant 16 : index
      %get3A_3555 = tpu.vector_load %arg11[%get3A_3553, %get3A_3554] {strides = array<i32>} : memref<50x64xf32, #tpu.memory_space<vmem>>, vector<16xf32>,
      %add3A_3556 = arith.addf %add3A_3536, %get3A_3555 : vector<16xf32>
      %get3A_3557 = arith.constant 7 : i32
      %get3A_3558 = arith.index_cast %get3A_3557 : i32 to index
      %get3A_3559 = arith.constant 32 : index
      %get3A_3560 = tpu.vector_load %arg11[%get3A_3558, %get3A_3559] {strides = array<i32>} : memref<50x64xf32, #tpu.memory_space<vmem>>, vector<16xf32>,
      %add3A_3561 = arith.addf %add3A_3541, %get3A_3560 : vector<16xf32>
      %get3A_3562 = arith.constant 7 : i32
      %get3A_3563 = arith.index_cast %get3A_3562 : i32 to index
      %get3A_3564 = arith.constant 48 : index
      %get3A_3565 = tpu.vector_load %arg11[%get3A_3563, %get3A_3564] {strides = array<i32>} : memref<50x64xf32, #tpu.memory_space<vmem>>, vector<16xf32>,
      %add3A_3566 = arith.addf %add3A_3546, %get3A_3565 : vector<16xf32>
      %get3A_3567 = arith.constant 8 : i32
      %get3A_3568 = arith.index_cast %get3A_3567 : i32 to index
      %get3A_3569 = arith.constant 0 : index
      %get3A_3570 = tpu.vector_load %arg11[%get3A_3568, %get3A_3569] {strides = array<i32>} : memref<50x64xf32, #tpu.memory_space<vmem>>, vector<16xf32>,
      %add3A_3571 = arith.addf %add3A_3551, %get3A_3570 : vector<16xf32>
      %get3A_3572 = arith.constant 8 : i32
      %get3A_3573 = arith.index_cast %get3A_3572 : i32 to index
      %get3A_3574 = arith.constant 16 : index
      %get3A_3575 = tpu.vector_load %arg11[%get3A_3573, %get3A_3574] {strides = array<i32>} : memref<50x64xf32, #tpu.memory_space<vmem>>, vector<16xf32>,
      %add3A_3576 = arith.addf %add3A_3556, %get3A_3575 : vector<16xf32>
      %get3A_3577 = arith.constant 8 : i32
      %get3A_3578 = arith.index_cast %get3A_3577 : i32 to index
      %get3A_3579 = arith.constant 32 : index
      %get3A_3580 = tpu.vector_load %arg11[%get3A_3578, %get3A_3579] {strides = array<i32>} : memref<50x64xf32, #tpu.memory_space<vmem>>, vector<16xf32>,
      %add3A_3581 = arith.addf %add3A_3561, %get3A_3580 : vector<16xf32>
      %get3A_3582 = arith.constant 8 : i32
      %get3A_3583 = arith.index_cast %get3A_3582 : i32 to index
      %get3A_3584 = arith.constant 48 : index
      %get3A_3585 = tpu.vector_load %arg11[%get3A_3583, %get3A_3584] {strides = array<i32>} : memref<50x64xf32, #tpu.memory_space<vmem>>, vector<16xf32>,
      %add3A_3586 = arith.addf %add3A_3566, %get3A_3585 : vector<16xf32>
      %get3A_3587 = arith.constant 9 : i32
      %get3A_3588 = arith.index_cast %get3A_3587 : i32 to index
      %get3A_3589 = arith.constant 0 : index
      %get3A_3590 = tpu.vector_load %arg11[%get3A_3588, %get3A_3589] {strides = array<i32>} : memref<50x64xf32, #tpu.memory_space<vmem>>, vector<16xf32>,
      %add3A_3591 = arith.addf %add3A_3571, %get3A_3590 : vector<16xf32>
      %get3A_3592 = arith.constant 9 : i32
      %get3A_3593 = arith.index_cast %get3A_3592 : i32 to index
      %get3A_3594 = arith.constant 16 : index
      %get3A_3595 = tpu.vector_load %arg11[%get3A_3593, %get3A_3594] {strides = array<i32>} : memref<50x64xf32, #tpu.memory_space<vmem>>, vector<16xf32>,
      %add3A_3596 = arith.addf %add3A_3576, %get3A_3595 : vector<16xf32>
      %get3A_3597 = arith.constant 9 : i32
      %get3A_3598 = arith.index_cast %get3A_3597 : i32 to index
      %get3A_3599 = arith.constant 32 : index
      %get3A_3600 = tpu.vector_load %arg11[%get3A_3598, %get3A_3599] {strides = array<i32>} : memref<50x64xf32, #tpu.memory_space<vmem>>, vector<16xf32>,
      %add3A_3601 = arith.addf %add3A_3581, %get3A_3600 : vector<16xf32>
      %get3A_3602 = arith.constant 9 : i32
      %get3A_3603 = arith.index_cast %get3A_3602 : i32 to index
      %get3A_3604 = arith.constant 48 : index
      %get3A_3605 = tpu.vector_load %arg11[%get3A_3603, %get3A_3604] {strides = array<i32>} : memref<50x64xf32, #tpu.memory_space<vmem>>, vector<16xf32>,
      %add3A_3606 = arith.addf %add3A_3586, %get3A_3605 : vector<16xf32>
      %get3A_3607 = arith.constant 10 : i32
      %get3A_3608 = arith.index_cast %get3A_3607 : i32 to index
      %get3A_3609 = arith.constant 0 : index
      %get3A_3610 = tpu.vector_load %arg11[%get3A_3608, %get3A_3609] {strides = array<i32>} : memref<50x64xf32, #tpu.memory_space<vmem>>, vector<16xf32>,
      %add3A_3611 = arith.addf %add3A_3591, %get3A_3610 : vector<16xf32>
      %get3A_3612 = arith.constant 10 : i32
      %get3A_3613 = arith.index_cast %get3A_3612 : i32 to index
      %get3A_3614 = arith.constant 16 : index
      %get3A_3615 = tpu.vector_load %arg11[%get3A_3613, %get3A_3614] {strides = array<i32>} : memref<50x64xf32, #tpu.memory_space<vmem>>, vector<16xf32>,
      %add3A_3616 = arith.addf %add3A_3596, %get3A_3615 : vector<16xf32>
      %get3A_3617 = arith.constant 10 : i32
      %get3A_3618 = arith.index_cast %get3A_3617 : i32 to index
      %get3A_3619 = arith.constant 32 : index
      %get3A_3620 = tpu.vector_load %arg11[%get3A_3618, %get3A_3619] {strides = array<i32>} : memref<50x64xf32, #tpu.memory_space<vmem>>, vector<16xf32>,
      %add3A_3621 = arith.addf %add3A_3601, %get3A_3620 : vector<16xf32>
      %get3A_3622 = arith.constant 10 : i32
      %get3A_3623 = arith.index_cast %get3A_3622 : i32 to index
      %get3A_3624 = arith.constant 48 : index
      %get3A_3625 = tpu.vector_load %arg11[%get3A_3623, %get3A_3624] {strides = array<i32>} : memref<50x64xf32, #tpu.memory_space<vmem>>, vector<16xf32>,
      %add3A_3626 = arith.addf %add3A_3606, %get3A_3625 : vector<16xf32>
      %get3A_3627 = arith.constant 11 : i32
      %get3A_3628 = arith.index_cast %get3A_3627 : i32 to index
      %get3A_3629 = arith.constant 0 : index
      %get3A_3630 = tpu.vector_load %arg11[%get3A_3628, %get3A_3629] {strides = array<i32>} : memref<50x64xf32, #tpu.memory_space<vmem>>, vector<16xf32>,
      %add3A_3631 = arith.addf %add3A_3611, %get3A_3630 : vector<16xf32>
      %get3A_3632 = arith.constant 11 : i32
      %get3A_3633 = arith.index_cast %get3A_3632 : i32 to index
      %get3A_3634 = arith.constant 16 : index
      %get3A_3635 = tpu.vector_load %arg11[%get3A_3633, %get3A_3634] {strides = array<i32>} : memref<50x64xf32, #tpu.memory_space<vmem>>, vector<16xf32>,
      %add3A_3636 = arith.addf %add3A_3616, %get3A_3635 : vector<16xf32>
      %get3A_3637 = arith.constant 11 : i32
      %get3A_3638 = arith.index_cast %get3A_3637 : i32 to index
      %get3A_3639 = arith.constant 32 : index
      %get3A_3640 = tpu.vector_load %arg11[%get3A_3638, %get3A_3639] {strides = array<i32>} : memref<50x64xf32, #tpu.memory_space<vmem>>, vector<16xf32>,
      %add3A_3641 = arith.addf %add3A_3621, %get3A_3640 : vector<16xf32>
      %get3A_3642 = arith.constant 11 : i32
      %get3A_3643 = arith.index_cast %get3A_3642 : i32 to index
      %get3A_3644 = arith.constant 48 : index
      %get3A_3645 = tpu.vector_load %arg11[%get3A_3643, %get3A_3644] {strides = array<i32>} : memref<50x64xf32, #tpu.memory_space<vmem>>, vector<16xf32>,
      %add3A_3646 = arith.addf %add3A_3626, %get3A_3645 : vector<16xf32>
      %get3A_3647 = arith.constant 12 : i32
      %get3A_3648 = arith.index_cast %get3A_3647 : i32 to index
      %get3A_3649 = arith.constant 0 : index
      %get3A_3650 = tpu.vector_load %arg11[%get3A_3648, %get3A_3649] {strides = array<i32>} : memref<50x64xf32, #tpu.memory_space<vmem>>, vector<16xf32>,
      %add3A_3651 = arith.addf %add3A_3631, %get3A_3650 : vector<16xf32>
      %get3A_3652 = arith.constant 12 : i32
      %get3A_3653 = arith.index_cast %get3A_3652 : i32 to index
      %get3A_3654 = arith.constant 16 : index
      %get3A_3655 = tpu.vector_load %arg11[%get3A_3653, %get3A_3654] {strides = array<i32>} : memref<50x64xf32, #tpu.memory_space<vmem>>, vector<16xf32>,
      %add3A_3656 = arith.addf %add3A_3636, %get3A_3655 : vector<16xf32>
      %get3A_3657 = arith.constant 12 : i32
      %get3A_3658 = arith.index_cast %get3A_3657 : i32 to index
      %get3A_3659 = arith.constant 32 : index
      %get3A_3660 = tpu.vector_load %arg11[%get3A_3658, %get3A_3659] {strides = array<i32>} : memref<50x64xf32, #tpu.memory_space<vmem>>, vector<16xf32>,
      %add3A_3661 = arith.addf %add3A_3641, %get3A_3660 : vector<16xf32>
      %get3A_3662 = arith.constant 12 : i32
      %get3A_3663 = arith.index_cast %get3A_3662 : i32 to index
      %get3A_3664 = arith.constant 48 : index
      %get3A_3665 = tpu.vector_load %arg11[%get3A_3663, %get3A_3664] {strides = array<i32>} : memref<50x64xf32, #tpu.memory_space<vmem>>, vector<16xf32>,
      %add3A_3666 = arith.addf %add3A_3646, %get3A_3665 : vector<16xf32>
      %get3A_3667 = arith.constant 13 : i32
      %get3A_3668 = arith.index_cast %get3A_3667 : i32 to index
      %get3A_3669 = arith.constant 0 : index
      %get3A_3670 = tpu.vector_load %arg11[%get3A_3668, %get3A_3669] {strides = array<i32>} : memref<50x64xf32, #tpu.memory_space<vmem>>, vector<16xf32>,
      %add3A_3671 = arith.addf %add3A_3651, %get3A_3670 : vector<16xf32>
      %get3A_3672 = arith.constant 13 : i32
      %get3A_3673 = arith.index_cast %get3A_3672 : i32 to index
      %get3A_3674 = arith.constant 16 : index
      %get3A_3675 = tpu.vector_load %arg11[%get3A_3673, %get3A_3674] {strides = array<i32>} : memref<50x64xf32, #tpu.memory_space<vmem>>, vector<16xf32>,
      %add3A_3676 = arith.addf %add3A_3656, %get3A_3675 : vector<16xf32>
      %get3A_3677 = arith.constant 13 : i32
      %get3A_3678 = arith.index_cast %get3A_3677 : i32 to index
      %get3A_3679 = arith.constant 32 : index
      %get3A_3680 = tpu.vector_load %arg11[%get3A_3678, %get3A_3679] {strides = array<i32>} : memref<50x64xf32, #tpu.memory_space<vmem>>, vector<16xf32>,
      %add3A_3681 = arith.addf %add3A_3661, %get3A_3680 : vector<16xf32>
      %get3A_3682 = arith.constant 13 : i32
      %get3A_3683 = arith.index_cast %get3A_3682 : i32 to index
      %get3A_3684 = arith.constant 48 : index
      %get3A_3685 = tpu.vector_load %arg11[%get3A_3683, %get3A_3684] {strides = array<i32>} : memref<50x64xf32, #tpu.memory_space<vmem>>, vector<16xf32>,
      %add3A_3686 = arith.addf %add3A_3666, %get3A_3685 : vector<16xf32>
      %get3A_3687 = arith.constant 14 : i32
      %get3A_3688 = arith.index_cast %get3A_3687 : i32 to index
      %get3A_3689 = arith.constant 0 : index
      %get3A_3690 = tpu.vector_load %arg11[%get3A_3688, %get3A_3689] {strides = array<i32>} : memref<50x64xf32, #tpu.memory_space<vmem>>, vector<16xf32>,
      %add3A_3691 = arith.addf %add3A_3671, %get3A_3690 : vector<16xf32>
      %get3A_3692 = arith.constant 14 : i32
      %get3A_3693 = arith.index_cast %get3A_3692 : i32 to index
      %get3A_3694 = arith.constant 16 : index
      %get3A_3695 = tpu.vector_load %arg11[%get3A_3693, %get3A_3694] {strides = array<i32>} : memref<50x64xf32, #tpu.memory_space<vmem>>, vector<16xf32>,
      %add3A_3696 = arith.addf %add3A_3676, %get3A_3695 : vector<16xf32>
      %get3A_3697 = arith.constant 14 : i32
      %get3A_3698 = arith.index_cast %get3A_3697 : i32 to index
      %get3A_3699 = arith.constant 32 : index
      %get3A_3700 = tpu.vector_load %arg11[%get3A_3698, %get3A_3699] {strides = array<i32>} : memref<50x64xf32, #tpu.memory_space<vmem>>, vector<16xf32>,
      %add3A_3701 = arith.addf %add3A_3681, %get3A_3700 : vector<16xf32>
      %get3A_3702 = arith.constant 14 : i32
      %get3A_3703 = arith.index_cast %get3A_3702 : i32 to index
      %get3A_3704 = arith.constant 48 : index
      %get3A_3705 = tpu.vector_load %arg11[%get3A_3703, %get3A_3704] {strides = array<i32>} : memref<50x64xf32, #tpu.memory_space<vmem>>, vector<16xf32>,
      %add3A_3706 = arith.addf %add3A_3686, %get3A_3705 : vector<16xf32>
      %get3A_3707 = arith.constant 15 : i32
      %get3A_3708 = arith.index_cast %get3A_3707 : i32 to index
      %get3A_3709 = arith.constant 0 : index
      %get3A_3710 = tpu.vector_load %arg11[%get3A_3708, %get3A_3709] {strides = array<i32>} : memref<50x64xf32, #tpu.memory_space<vmem>>, vector<16xf32>,
      %add3A_3711 = arith.addf %add3A_3691, %get3A_3710 : vector<16xf32>
      %get3A_3712 = arith.constant 15 : i32
      %get3A_3713 = arith.index_cast %get3A_3712 : i32 to index
      %get3A_3714 = arith.constant 16 : index
      %get3A_3715 = tpu.vector_load %arg11[%get3A_3713, %get3A_3714] {strides = array<i32>} : memref<50x64xf32, #tpu.memory_space<vmem>>, vector<16xf32>,
      %add3A_3716 = arith.addf %add3A_3696, %get3A_3715 : vector<16xf32>
      %get3A_3717 = arith.constant 15 : i32
      %get3A_3718 = arith.index_cast %get3A_3717 : i32 to index
      %get3A_3719 = arith.constant 32 : index
      %get3A_3720 = tpu.vector_load %arg11[%get3A_3718, %get3A_3719] {strides = array<i32>} : memref<50x64xf32, #tpu.memory_space<vmem>>, vector<16xf32>,
      %add3A_3721 = arith.addf %add3A_3701, %get3A_3720 : vector<16xf32>
      %get3A_3722 = arith.constant 15 : i32
      %get3A_3723 = arith.index_cast %get3A_3722 : i32 to index
      %get3A_3724 = arith.constant 48 : index
      %get3A_3725 = tpu.vector_load %arg11[%get3A_3723, %get3A_3724] {strides = array<i32>} : memref<50x64xf32, #tpu.memory_space<vmem>>, vector<16xf32>,
      %add3A_3726 = arith.addf %add3A_3706, %get3A_3725 : vector<16xf32>
      %get3A_3727 = arith.constant 16 : i32
      %get3A_3728 = arith.index_cast %get3A_3727 : i32 to index
      %get3A_3729 = arith.constant 0 : index
      %get3A_3730 = tpu.vector_load %arg11[%get3A_3728, %get3A_3729] {strides = array<i32>} : memref<50x64xf32, #tpu.memory_space<vmem>>, vector<16xf32>,
      %add3A_3731 = arith.addf %add3A_3711, %get3A_3730 : vector<16xf32>
      %get3A_3732 = arith.constant 16 : i32
      %get3A_3733 = arith.index_cast %get3A_3732 : i32 to index
      %get3A_3734 = arith.constant 16 : index
      %get3A_3735 = tpu.vector_load %arg11[%get3A_3733, %get3A_3734] {strides = array<i32>} : memref<50x64xf32, #tpu.memory_space<vmem>>, vector<16xf32>,
      %add3A_3736 = arith.addf %add3A_3716, %get3A_3735 : vector<16xf32>
      %get3A_3737 = arith.constant 16 : i32
      %get3A_3738 = arith.index_cast %get3A_3737 : i32 to index
      %get3A_3739 = arith.constant 32 : index
      %get3A_3740 = tpu.vector_load %arg11[%get3A_3738, %get3A_3739] {strides = array<i32>} : memref<50x64xf32, #tpu.memory_space<vmem>>, vector<16xf32>,
      %add3A_3741 = arith.addf %add3A_3721, %get3A_3740 : vector<16xf32>
      %get3A_3742 = arith.constant 16 : i32
      %get3A_3743 = arith.index_cast %get3A_3742 : i32 to index
      %get3A_3744 = arith.constant 48 : index
      %get3A_3745 = tpu.vector_load %arg11[%get3A_3743, %get3A_3744] {strides = array<i32>} : memref<50x64xf32, #tpu.memory_space<vmem>>, vector<16xf32>,
      %add3A_3746 = arith.addf %add3A_3726, %get3A_3745 : vector<16xf32>
      %get3A_3747 = arith.constant 17 : i32
      %get3A_3748 = arith.index_cast %get3A_3747 : i32 to index
      %get3A_3749 = arith.constant 0 : index
      %get3A_3750 = tpu.vector_load %arg11[%get3A_3748, %get3A_3749] {strides = array<i32>} : memref<50x64xf32, #tpu.memory_space<vmem>>, vector<16xf32>,
      %add3A_3751 = arith.addf %add3A_3731, %get3A_3750 : vector<16xf32>
      %get3A_3752 = arith.constant 17 : i32
      %get3A_3753 = arith.index_cast %get3A_3752 : i32 to index
      %get3A_3754 = arith.constant 16 : index
      %get3A_3755 = tpu.vector_load %arg11[%get3A_3753, %get3A_3754] {strides = array<i32>} : memref<50x64xf32, #tpu.memory_space<vmem>>, vector<16xf32>,
      %add3A_3756 = arith.addf %add3A_3736, %get3A_3755 : vector<16xf32>
      %get3A_3757 = arith.constant 17 : i32
      %get3A_3758 = arith.index_cast %get3A_3757 : i32 to index
      %get3A_3759 = arith.constant 32 : index
      %get3A_3760 = tpu.vector_load %arg11[%get3A_3758, %get3A_3759] {strides = array<i32>} : memref<50x64xf32, #tpu.memory_space<vmem>>, vector<16xf32>,
      %add3A_3761 = arith.addf %add3A_3741, %get3A_3760 : vector<16xf32>
      %get3A_3762 = arith.constant 17 : i32
      %get3A_3763 = arith.index_cast %get3A_3762 : i32 to index
      %get3A_3764 = arith.constant 48 : index
      %get3A_3765 = tpu.vector_load %arg11[%get3A_3763, %get3A_3764] {strides = array<i32>} : memref<50x64xf32, #tpu.memory_space<vmem>>, vector<16xf32>,
      %add3A_3766 = arith.addf %add3A_3746, %get3A_3765 : vector<16xf32>
      %get3A_3767 = arith.constant 18 : i32
      %get3A_3768 = arith.index_cast %get3A_3767 : i32 to index
      %get3A_3769 = arith.constant 0 : index
      %get3A_3770 = tpu.vector_load %arg11[%get3A_3768, %get3A_3769] {strides = array<i32>} : memref<50x64xf32, #tpu.memory_space<vmem>>, vector<16xf32>,
      %add3A_3771 = arith.addf %add3A_3751, %get3A_3770 : vector<16xf32>
      %get3A_3772 = arith.constant 18 : i32
      %get3A_3773 = arith.index_cast %get3A_3772 : i32 to index
      %get3A_3774 = arith.constant 16 : index
      %get3A_3775 = tpu.vector_load %arg11[%get3A_3773, %get3A_3774] {strides = array<i32>} : memref<50x64xf32, #tpu.memory_space<vmem>>, vector<16xf32>,
      %add3A_3776 = arith.addf %add3A_3756, %get3A_3775 : vector<16xf32>
      %get3A_3777 = arith.constant 18 : i32
      %get3A_3778 = arith.index_cast %get3A_3777 : i32 to index
      %get3A_3779 = arith.constant 32 : index
      %get3A_3780 = tpu.vector_load %arg11[%get3A_3778, %get3A_3779] {strides = array<i32>} : memref<50x64xf32, #tpu.memory_space<vmem>>, vector<16xf32>,
      %add3A_3781 = arith.addf %add3A_3761, %get3A_3780 : vector<16xf32>
      %get3A_3782 = arith.constant 18 : i32
      %get3A_3783 = arith.index_cast %get3A_3782 : i32 to index
      %get3A_3784 = arith.constant 48 : index
      %get3A_3785 = tpu.vector_load %arg11[%get3A_3783, %get3A_3784] {strides = array<i32>} : memref<50x64xf32, #tpu.memory_space<vmem>>, vector<16xf32>,
      %add3A_3786 = arith.addf %add3A_3766, %get3A_3785 : vector<16xf32>
      %get3A_3787 = arith.constant 19 : i32
      %get3A_3788 = arith.index_cast %get3A_3787 : i32 to index
      %get3A_3789 = arith.constant 0 : index
      %get3A_3790 = tpu.vector_load %arg11[%get3A_3788, %get3A_3789] {strides = array<i32>} : memref<50x64xf32, #tpu.memory_space<vmem>>, vector<16xf32>,
      %add3A_3791 = arith.addf %add3A_3771, %get3A_3790 : vector<16xf32>
      %get3A_3792 = arith.constant 19 : i32
      %get3A_3793 = arith.index_cast %get3A_3792 : i32 to index
      %get3A_3794 = arith.constant 16 : index
      %get3A_3795 = tpu.vector_load %arg11[%get3A_3793, %get3A_3794] {strides = array<i32>} : memref<50x64xf32, #tpu.memory_space<vmem>>, vector<16xf32>,
      %add3A_3796 = arith.addf %add3A_3776, %get3A_3795 : vector<16xf32>
      %get3A_3797 = arith.constant 19 : i32
      %get3A_3798 = arith.index_cast %get3A_3797 : i32 to index
      %get3A_3799 = arith.constant 32 : index
      %get3A_3800 = tpu.vector_load %arg11[%get3A_3798, %get3A_3799] {strides = array<i32>} : memref<50x64xf32, #tpu.memory_space<vmem>>, vector<16xf32>,
      %add3A_3801 = arith.addf %add3A_3781, %get3A_3800 : vector<16xf32>
      %get3A_3802 = arith.constant 19 : i32
      %get3A_3803 = arith.index_cast %get3A_3802 : i32 to index
      %get3A_3804 = arith.constant 48 : index
      %get3A_3805 = tpu.vector_load %arg11[%get3A_3803, %get3A_3804] {strides = array<i32>} : memref<50x64xf32, #tpu.memory_space<vmem>>, vector<16xf32>,
      %add3A_3806 = arith.addf %add3A_3786, %get3A_3805 : vector<16xf32>
      %get3A_3807 = arith.constant 20 : i32
      %get3A_3808 = arith.index_cast %get3A_3807 : i32 to index
      %get3A_3809 = arith.constant 0 : index
      %get3A_3810 = tpu.vector_load %arg11[%get3A_3808, %get3A_3809] {strides = array<i32>} : memref<50x64xf32, #tpu.memory_space<vmem>>, vector<16xf32>,
      %add3A_3811 = arith.addf %add3A_3791, %get3A_3810 : vector<16xf32>
      %get3A_3812 = arith.constant 20 : i32
      %get3A_3813 = arith.index_cast %get3A_3812 : i32 to index
      %get3A_3814 = arith.constant 16 : index
      %get3A_3815 = tpu.vector_load %arg11[%get3A_3813, %get3A_3814] {strides = array<i32>} : memref<50x64xf32, #tpu.memory_space<vmem>>, vector<16xf32>,
      %add3A_3816 = arith.addf %add3A_3796, %get3A_3815 : vector<16xf32>
      %get3A_3817 = arith.constant 20 : i32
      %get3A_3818 = arith.index_cast %get3A_3817 : i32 to index
      %get3A_3819 = arith.constant 32 : index
      %get3A_3820 = tpu.vector_load %arg11[%get3A_3818, %get3A_3819] {strides = array<i32>} : memref<50x64xf32, #tpu.memory_space<vmem>>, vector<16xf32>,
      %add3A_3821 = arith.addf %add3A_3801, %get3A_3820 : vector<16xf32>
      %get3A_3822 = arith.constant 20 : i32
      %get3A_3823 = arith.index_cast %get3A_3822 : i32 to index
      %get3A_3824 = arith.constant 48 : index
      %get3A_3825 = tpu.vector_load %arg11[%get3A_3823, %get3A_3824] {strides = array<i32>} : memref<50x64xf32, #tpu.memory_space<vmem>>, vector<16xf32>,
      %add3A_3826 = arith.addf %add3A_3806, %get3A_3825 : vector<16xf32>
      %get3A_3827 = arith.constant 21 : i32
      %get3A_3828 = arith.index_cast %get3A_3827 : i32 to index
      %get3A_3829 = arith.constant 0 : index
      %get3A_3830 = tpu.vector_load %arg11[%get3A_3828, %get3A_3829] {strides = array<i32>} : memref<50x64xf32, #tpu.memory_space<vmem>>, vector<16xf32>,
      %add3A_3831 = arith.addf %add3A_3811, %get3A_3830 : vector<16xf32>
      %get3A_3832 = arith.constant 21 : i32
      %get3A_3833 = arith.index_cast %get3A_3832 : i32 to index
      %get3A_3834 = arith.constant 16 : index
      %get3A_3835 = tpu.vector_load %arg11[%get3A_3833, %get3A_3834] {strides = array<i32>} : memref<50x64xf32, #tpu.memory_space<vmem>>, vector<16xf32>,
      %add3A_3836 = arith.addf %add3A_3816, %get3A_3835 : vector<16xf32>
      %get3A_3837 = arith.constant 21 : i32
      %get3A_3838 = arith.index_cast %get3A_3837 : i32 to index
      %get3A_3839 = arith.constant 32 : index
      %get3A_3840 = tpu.vector_load %arg11[%get3A_3838, %get3A_3839] {strides = array<i32>} : memref<50x64xf32, #tpu.memory_space<vmem>>, vector<16xf32>,
      %add3A_3841 = arith.addf %add3A_3821, %get3A_3840 : vector<16xf32>
      %get3A_3842 = arith.constant 21 : i32
      %get3A_3843 = arith.index_cast %get3A_3842 : i32 to index
      %get3A_3844 = arith.constant 48 : index
      %get3A_3845 = tpu.vector_load %arg11[%get3A_3843, %get3A_3844] {strides = array<i32>} : memref<50x64xf32, #tpu.memory_space<vmem>>, vector<16xf32>,
      %add3A_3846 = arith.addf %add3A_3826, %get3A_3845 : vector<16xf32>
      %get3A_3847 = arith.constant 22 : i32
      %get3A_3848 = arith.index_cast %get3A_3847 : i32 to index
      %get3A_3849 = arith.constant 0 : index
      %get3A_3850 = tpu.vector_load %arg11[%get3A_3848, %get3A_3849] {strides = array<i32>} : memref<50x64xf32, #tpu.memory_space<vmem>>, vector<16xf32>,
      %add3A_3851 = arith.addf %add3A_3831, %get3A_3850 : vector<16xf32>
      %get3A_3852 = arith.constant 22 : i32
      %get3A_3853 = arith.index_cast %get3A_3852 : i32 to index
      %get3A_3854 = arith.constant 16 : index
      %get3A_3855 = tpu.vector_load %arg11[%get3A_3853, %get3A_3854] {strides = array<i32>} : memref<50x64xf32, #tpu.memory_space<vmem>>, vector<16xf32>,
      %add3A_3856 = arith.addf %add3A_3836, %get3A_3855 : vector<16xf32>
      %get3A_3857 = arith.constant 22 : i32
      %get3A_3858 = arith.index_cast %get3A_3857 : i32 to index
      %get3A_3859 = arith.constant 32 : index
      %get3A_3860 = tpu.vector_load %arg11[%get3A_3858, %get3A_3859] {strides = array<i32>} : memref<50x64xf32, #tpu.memory_space<vmem>>, vector<16xf32>,
      %add3A_3861 = arith.addf %add3A_3841, %get3A_3860 : vector<16xf32>
      %get3A_3862 = arith.constant 22 : i32
      %get3A_3863 = arith.index_cast %get3A_3862 : i32 to index
      %get3A_3864 = arith.constant 48 : index
      %get3A_3865 = tpu.vector_load %arg11[%get3A_3863, %get3A_3864] {strides = array<i32>} : memref<50x64xf32, #tpu.memory_space<vmem>>, vector<16xf32>,
      %add3A_3866 = arith.addf %add3A_3846, %get3A_3865 : vector<16xf32>
      %get3A_3867 = arith.constant 23 : i32
      %get3A_3868 = arith.index_cast %get3A_3867 : i32 to index
      %get3A_3869 = arith.constant 0 : index
      %get3A_3870 = tpu.vector_load %arg11[%get3A_3868, %get3A_3869] {strides = array<i32>} : memref<50x64xf32, #tpu.memory_space<vmem>>, vector<16xf32>,
      %add3A_3871 = arith.addf %add3A_3851, %get3A_3870 : vector<16xf32>
      %get3A_3872 = arith.constant 23 : i32
      %get3A_3873 = arith.index_cast %get3A_3872 : i32 to index
      %get3A_3874 = arith.constant 16 : index
      %get3A_3875 = tpu.vector_load %arg11[%get3A_3873, %get3A_3874] {strides = array<i32>} : memref<50x64xf32, #tpu.memory_space<vmem>>, vector<16xf32>,
      %add3A_3876 = arith.addf %add3A_3856, %get3A_3875 : vector<16xf32>
      %get3A_3877 = arith.constant 23 : i32
      %get3A_3878 = arith.index_cast %get3A_3877 : i32 to index
      %get3A_3879 = arith.constant 32 : index
      %get3A_3880 = tpu.vector_load %arg11[%get3A_3878, %get3A_3879] {strides = array<i32>} : memref<50x64xf32, #tpu.memory_space<vmem>>, vector<16xf32>,
      %add3A_3881 = arith.addf %add3A_3861, %get3A_3880 : vector<16xf32>
      %get3A_3882 = arith.constant 23 : i32
      %get3A_3883 = arith.index_cast %get3A_3882 : i32 to index
      %get3A_3884 = arith.constant 48 : index
      %get3A_3885 = tpu.vector_load %arg11[%get3A_3883, %get3A_3884] {strides = array<i32>} : memref<50x64xf32, #tpu.memory_space<vmem>>, vector<16xf32>,
      %add3A_3886 = arith.addf %add3A_3866, %get3A_3885 : vector<16xf32>
      %get3A_3887 = arith.constant 24 : i32
      %get3A_3888 = arith.index_cast %get3A_3887 : i32 to index
      %get3A_3889 = arith.constant 0 : index
      %get3A_3890 = tpu.vector_load %arg11[%get3A_3888, %get3A_3889] {strides = array<i32>} : memref<50x64xf32, #tpu.memory_space<vmem>>, vector<16xf32>,
      %add3A_3891 = arith.addf %add3A_3871, %get3A_3890 : vector<16xf32>
      %get3A_3892 = arith.constant 24 : i32
      %get3A_3893 = arith.index_cast %get3A_3892 : i32 to index
      %get3A_3894 = arith.constant 16 : index
      %get3A_3895 = tpu.vector_load %arg11[%get3A_3893, %get3A_3894] {strides = array<i32>} : memref<50x64xf32, #tpu.memory_space<vmem>>, vector<16xf32>,
      %add3A_3896 = arith.addf %add3A_3876, %get3A_3895 : vector<16xf32>
      %get3A_3897 = arith.constant 24 : i32
      %get3A_3898 = arith.index_cast %get3A_3897 : i32 to index
      %get3A_3899 = arith.constant 32 : index
      %get3A_3900 = tpu.vector_load %arg11[%get3A_3898, %get3A_3899] {strides = array<i32>} : memref<50x64xf32, #tpu.memory_space<vmem>>, vector<16xf32>,
      %add3A_3901 = arith.addf %add3A_3881, %get3A_3900 : vector<16xf32>
      %get3A_3902 = arith.constant 24 : i32
      %get3A_3903 = arith.index_cast %get3A_3902 : i32 to index
      %get3A_3904 = arith.constant 48 : index
      %get3A_3905 = tpu.vector_load %arg11[%get3A_3903, %get3A_3904] {strides = array<i32>} : memref<50x64xf32, #tpu.memory_space<vmem>>, vector<16xf32>,
      %add3A_3906 = arith.addf %add3A_3886, %get3A_3905 : vector<16xf32>
      %get3A_3907 = arith.constant 25 : i32
      %get3A_3908 = arith.index_cast %get3A_3907 : i32 to index
      %get3A_3909 = arith.constant 0 : index
      %get3A_3910 = tpu.vector_load %arg11[%get3A_3908, %get3A_3909] {strides = array<i32>} : memref<50x64xf32, #tpu.memory_space<vmem>>, vector<16xf32>,
      %add3A_3911 = arith.addf %add3A_3891, %get3A_3910 : vector<16xf32>
      %get3A_3912 = arith.constant 25 : i32
      %get3A_3913 = arith.index_cast %get3A_3912 : i32 to index
      %get3A_3914 = arith.constant 16 : index
      %get3A_3915 = tpu.vector_load %arg11[%get3A_3913, %get3A_3914] {strides = array<i32>} : memref<50x64xf32, #tpu.memory_space<vmem>>, vector<16xf32>,
      %add3A_3916 = arith.addf %add3A_3896, %get3A_3915 : vector<16xf32>
      %get3A_3917 = arith.constant 25 : i32
      %get3A_3918 = arith.index_cast %get3A_3917 : i32 to index
      %get3A_3919 = arith.constant 32 : index
      %get3A_3920 = tpu.vector_load %arg11[%get3A_3918, %get3A_3919] {strides = array<i32>} : memref<50x64xf32, #tpu.memory_space<vmem>>, vector<16xf32>,
      %add3A_3921 = arith.addf %add3A_3901, %get3A_3920 : vector<16xf32>
      %get3A_3922 = arith.constant 25 : i32
      %get3A_3923 = arith.index_cast %get3A_3922 : i32 to index
      %get3A_3924 = arith.constant 48 : index
      %get3A_3925 = tpu.vector_load %arg11[%get3A_3923, %get3A_3924] {strides = array<i32>} : memref<50x64xf32, #tpu.memory_space<vmem>>, vector<16xf32>,
      %add3A_3926 = arith.addf %add3A_3906, %get3A_3925 : vector<16xf32>
      %get3A_3927 = arith.constant 26 : i32
      %get3A_3928 = arith.index_cast %get3A_3927 : i32 to index
      %get3A_3929 = arith.constant 0 : index
      %get3A_3930 = tpu.vector_load %arg11[%get3A_3928, %get3A_3929] {strides = array<i32>} : memref<50x64xf32, #tpu.memory_space<vmem>>, vector<16xf32>,
      %add3A_3931 = arith.addf %add3A_3911, %get3A_3930 : vector<16xf32>
      %get3A_3932 = arith.constant 26 : i32
      %get3A_3933 = arith.index_cast %get3A_3932 : i32 to index
      %get3A_3934 = arith.constant 16 : index
      %get3A_3935 = tpu.vector_load %arg11[%get3A_3933, %get3A_3934] {strides = array<i32>} : memref<50x64xf32, #tpu.memory_space<vmem>>, vector<16xf32>,
      %add3A_3936 = arith.addf %add3A_3916, %get3A_3935 : vector<16xf32>
      %get3A_3937 = arith.constant 26 : i32
      %get3A_3938 = arith.index_cast %get3A_3937 : i32 to index
      %get3A_3939 = arith.constant 32 : index
      %get3A_3940 = tpu.vector_load %arg11[%get3A_3938, %get3A_3939] {strides = array<i32>} : memref<50x64xf32, #tpu.memory_space<vmem>>, vector<16xf32>,
      %add3A_3941 = arith.addf %add3A_3921, %get3A_3940 : vector<16xf32>
      %get3A_3942 = arith.constant 26 : i32
      %get3A_3943 = arith.index_cast %get3A_3942 : i32 to index
      %get3A_3944 = arith.constant 48 : index
      %get3A_3945 = tpu.vector_load %arg11[%get3A_3943, %get3A_3944] {strides = array<i32>} : memref<50x64xf32, #tpu.memory_space<vmem>>, vector<16xf32>,
      %add3A_3946 = arith.addf %add3A_3926, %get3A_3945 : vector<16xf32>
      %get3A_3947 = arith.constant 27 : i32
      %get3A_3948 = arith.index_cast %get3A_3947 : i32 to index
      %get3A_3949 = arith.constant 0 : index
      %get3A_3950 = tpu.vector_load %arg11[%get3A_3948, %get3A_3949] {strides = array<i32>} : memref<50x64xf32, #tpu.memory_space<vmem>>, vector<16xf32>,
      %add3A_3951 = arith.addf %add3A_3931, %get3A_3950 : vector<16xf32>
      %get3A_3952 = arith.constant 27 : i32
      %get3A_3953 = arith.index_cast %get3A_3952 : i32 to index
      %get3A_3954 = arith.constant 16 : index
      %get3A_3955 = tpu.vector_load %arg11[%get3A_3953, %get3A_3954] {strides = array<i32>} : memref<50x64xf32, #tpu.memory_space<vmem>>, vector<16xf32>,
      %add3A_3956 = arith.addf %add3A_3936, %get3A_3955 : vector<16xf32>
      %get3A_3957 = arith.constant 27 : i32
      %get3A_3958 = arith.index_cast %get3A_3957 : i32 to index
      %get3A_3959 = arith.constant 32 : index
      %get3A_3960 = tpu.vector_load %arg11[%get3A_3958, %get3A_3959] {strides = array<i32>} : memref<50x64xf32, #tpu.memory_space<vmem>>, vector<16xf32>,
      %add3A_3961 = arith.addf %add3A_3941, %get3A_3960 : vector<16xf32>
      %get3A_3962 = arith.constant 27 : i32
      %get3A_3963 = arith.index_cast %get3A_3962 : i32 to index
      %get3A_3964 = arith.constant 48 : index
      %get3A_3965 = tpu.vector_load %arg11[%get3A_3963, %get3A_3964] {strides = array<i32>} : memref<50x64xf32, #tpu.memory_space<vmem>>, vector<16xf32>,
      %add3A_3966 = arith.addf %add3A_3946, %get3A_3965 : vector<16xf32>
      %get3A_3967 = arith.constant 28 : i32
      %get3A_3968 = arith.index_cast %get3A_3967 : i32 to index
      %get3A_3969 = arith.constant 0 : index
      %get3A_3970 = tpu.vector_load %arg11[%get3A_3968, %get3A_3969] {strides = array<i32>} : memref<50x64xf32, #tpu.memory_space<vmem>>, vector<16xf32>,
      %add3A_3971 = arith.addf %add3A_3951, %get3A_3970 : vector<16xf32>
      %get3A_3972 = arith.constant 28 : i32
      %get3A_3973 = arith.index_cast %get3A_3972 : i32 to index
      %get3A_3974 = arith.constant 16 : index
      %get3A_3975 = tpu.vector_load %arg11[%get3A_3973, %get3A_3974] {strides = array<i32>} : memref<50x64xf32, #tpu.memory_space<vmem>>, vector<16xf32>,
      %add3A_3976 = arith.addf %add3A_3956, %get3A_3975 : vector<16xf32>
      %get3A_3977 = arith.constant 28 : i32
      %get3A_3978 = arith.index_cast %get3A_3977 : i32 to index
      %get3A_3979 = arith.constant 32 : index
      %get3A_3980 = tpu.vector_load %arg11[%get3A_3978, %get3A_3979] {strides = array<i32>} : memref<50x64xf32, #tpu.memory_space<vmem>>, vector<16xf32>,
      %add3A_3981 = arith.addf %add3A_3961, %get3A_3980 : vector<16xf32>
      %get3A_3982 = arith.constant 28 : i32
      %get3A_3983 = arith.index_cast %get3A_3982 : i32 to index
      %get3A_3984 = arith.constant 48 : index
      %get3A_3985 = tpu.vector_load %arg11[%get3A_3983, %get3A_3984] {strides = array<i32>} : memref<50x64xf32, #tpu.memory_space<vmem>>, vector<16xf32>,
      %add3A_3986 = arith.addf %add3A_3966, %get3A_3985 : vector<16xf32>
      %get3A_3987 = arith.constant 29 : i32
      %get3A_3988 = arith.index_cast %get3A_3987 : i32 to index
      %get3A_3989 = arith.constant 0 : index
      %get3A_3990 = tpu.vector_load %arg11[%get3A_3988, %get3A_3989] {strides = array<i32>} : memref<50x64xf32, #tpu.memory_space<vmem>>, vector<16xf32>,
      %add3A_3991 = arith.addf %add3A_3971, %get3A_3990 : vector<16xf32>
      %get3A_3992 = arith.constant 29 : i32
      %get3A_3993 = arith.index_cast %get3A_3992 : i32 to index
      %get3A_3994 = arith.constant 16 : index
      %get3A_3995 = tpu.vector_load %arg11[%get3A_3993, %get3A_3994] {strides = array<i32>} : memref<50x64xf32, #tpu.memory_space<vmem>>, vector<16xf32>,
      %add3A_3996 = arith.addf %add3A_3976, %get3A_3995 : vector<16xf32>
      %get3A_3997 = arith.constant 29 : i32
      %get3A_3998 = arith.index_cast %get3A_3997 : i32 to index
      %get3A_3999 = arith.constant 32 : index
      %get3A_4000 = tpu.vector_load %arg11[%get3A_3998, %get3A_3999] {strides = array<i32>} : memref<50x64xf32, #tpu.memory_space<vmem>>, vector<16xf32>,
      %add3A_4001 = arith.addf %add3A_3981, %get3A_4000 : vector<16xf32>
      %get3A_4002 = arith.constant 29 : i32
      %get3A_4003 = arith.index_cast %get3A_4002 : i32 to index
      %get3A_4004 = arith.constant 48 : index
      %get3A_4005 = tpu.vector_load %arg11[%get3A_4003, %get3A_4004] {strides = array<i32>} : memref<50x64xf32, #tpu.memory_space<vmem>>, vector<16xf32>,
      %add3A_4006 = arith.addf %add3A_3986, %get3A_4005 : vector<16xf32>
      %get3A_4007 = arith.constant 30 : i32
      %get3A_4008 = arith.index_cast %get3A_4007 : i32 to index
      %get3A_4009 = arith.constant 0 : index
      %get3A_4010 = tpu.vector_load %arg11[%get3A_4008, %get3A_4009] {strides = array<i32>} : memref<50x64xf32, #tpu.memory_space<vmem>>, vector<16xf32>,
      %add3A_4011 = arith.addf %add3A_3991, %get3A_4010 : vector<16xf32>
      %get3A_4012 = arith.constant 30 : i32
      %get3A_4013 = arith.index_cast %get3A_4012 : i32 to index
      %get3A_4014 = arith.constant 16 : index
      %get3A_4015 = tpu.vector_load %arg11[%get3A_4013, %get3A_4014] {strides = array<i32>} : memref<50x64xf32, #tpu.memory_space<vmem>>, vector<16xf32>,
      %add3A_4016 = arith.addf %add3A_3996, %get3A_4015 : vector<16xf32>
      %get3A_4017 = arith.constant 30 : i32
      %get3A_4018 = arith.index_cast %get3A_4017 : i32 to index
      %get3A_4019 = arith.constant 32 : index
      %get3A_4020 = tpu.vector_load %arg11[%get3A_4018, %get3A_4019] {strides = array<i32>} : memref<50x64xf32, #tpu.memory_space<vmem>>, vector<16xf32>,
      %add3A_4021 = arith.addf %add3A_4001, %get3A_4020 : vector<16xf32>
      %get3A_4022 = arith.constant 30 : i32
      %get3A_4023 = arith.index_cast %get3A_4022 : i32 to index
      %get3A_4024 = arith.constant 48 : index
      %get3A_4025 = tpu.vector_load %arg11[%get3A_4023, %get3A_4024] {strides = array<i32>} : memref<50x64xf32, #tpu.memory_space<vmem>>, vector<16xf32>,
      %add3A_4026 = arith.addf %add3A_4006, %get3A_4025 : vector<16xf32>
      %get3A_4027 = arith.constant 31 : i32
      %get3A_4028 = arith.index_cast %get3A_4027 : i32 to index
      %get3A_4029 = arith.constant 0 : index
      %get3A_4030 = tpu.vector_load %arg11[%get3A_4028, %get3A_4029] {strides = array<i32>} : memref<50x64xf32, #tpu.memory_space<vmem>>, vector<16xf32>,
      %add3A_4031 = arith.addf %add3A_4011, %get3A_4030 : vector<16xf32>
      %get3A_4032 = arith.constant 31 : i32
      %get3A_4033 = arith.index_cast %get3A_4032 : i32 to index
      %get3A_4034 = arith.constant 16 : index
      %get3A_4035 = tpu.vector_load %arg11[%get3A_4033, %get3A_4034] {strides = array<i32>} : memref<50x64xf32, #tpu.memory_space<vmem>>, vector<16xf32>,
      %add3A_4036 = arith.addf %add3A_4016, %get3A_4035 : vector<16xf32>
      %get3A_4037 = arith.constant 31 : i32
      %get3A_4038 = arith.index_cast %get3A_4037 : i32 to index
      %get3A_4039 = arith.constant 32 : index
      %get3A_4040 = tpu.vector_load %arg11[%get3A_4038, %get3A_4039] {strides = array<i32>} : memref<50x64xf32, #tpu.memory_space<vmem>>, vector<16xf32>,
      %add3A_4041 = arith.addf %add3A_4021, %get3A_4040 : vector<16xf32>
      %get3A_4042 = arith.constant 31 : i32
      %get3A_4043 = arith.index_cast %get3A_4042 : i32 to index
      %get3A_4044 = arith.constant 48 : index
      %get3A_4045 = tpu.vector_load %arg11[%get3A_4043, %get3A_4044] {strides = array<i32>} : memref<50x64xf32, #tpu.memory_space<vmem>>, vector<16xf32>,
      %add3A_4046 = arith.addf %add3A_4026, %get3A_4045 : vector<16xf32>
      %get3A_4047 = arith.constant 32 : i32
      %get3A_4048 = arith.index_cast %get3A_4047 : i32 to index
      %get3A_4049 = arith.constant 0 : index
      %get3A_4050 = tpu.vector_load %arg11[%get3A_4048, %get3A_4049] {strides = array<i32>} : memref<50x64xf32, #tpu.memory_space<vmem>>, vector<16xf32>,
      %add3A_4051 = arith.addf %add3A_4031, %get3A_4050 : vector<16xf32>
      %get3A_4052 = arith.constant 32 : i32
      %get3A_4053 = arith.index_cast %get3A_4052 : i32 to index
      %get3A_4054 = arith.constant 16 : index
      %get3A_4055 = tpu.vector_load %arg11[%get3A_4053, %get3A_4054] {strides = array<i32>} : memref<50x64xf32, #tpu.memory_space<vmem>>, vector<16xf32>,
      %add3A_4056 = arith.addf %add3A_4036, %get3A_4055 : vector<16xf32>
      %get3A_4057 = arith.constant 32 : i32
      %get3A_4058 = arith.index_cast %get3A_4057 : i32 to index
      %get3A_4059 = arith.constant 32 : index
      %get3A_4060 = tpu.vector_load %arg11[%get3A_4058, %get3A_4059] {strides = array<i32>} : memref<50x64xf32, #tpu.memory_space<vmem>>, vector<16xf32>,
      %add3A_4061 = arith.addf %add3A_4041, %get3A_4060 : vector<16xf32>
      %get3A_4062 = arith.constant 32 : i32
      %get3A_4063 = arith.index_cast %get3A_4062 : i32 to index
      %get3A_4064 = arith.constant 48 : index
      %get3A_4065 = tpu.vector_load %arg11[%get3A_4063, %get3A_4064] {strides = array<i32>} : memref<50x64xf32, #tpu.memory_space<vmem>>, vector<16xf32>,
      %add3A_4066 = arith.addf %add3A_4046, %get3A_4065 : vector<16xf32>
      %get3A_4067 = arith.constant 33 : i32
      %get3A_4068 = arith.index_cast %get3A_4067 : i32 to index
      %get3A_4069 = arith.constant 0 : index
      %get3A_4070 = tpu.vector_load %arg11[%get3A_4068, %get3A_4069] {strides = array<i32>} : memref<50x64xf32, #tpu.memory_space<vmem>>, vector<16xf32>,
      %add3A_4071 = arith.addf %add3A_4051, %get3A_4070 : vector<16xf32>
      %get3A_4072 = arith.constant 33 : i32
      %get3A_4073 = arith.index_cast %get3A_4072 : i32 to index
      %get3A_4074 = arith.constant 16 : index
      %get3A_4075 = tpu.vector_load %arg11[%get3A_4073, %get3A_4074] {strides = array<i32>} : memref<50x64xf32, #tpu.memory_space<vmem>>, vector<16xf32>,
      %add3A_4076 = arith.addf %add3A_4056, %get3A_4075 : vector<16xf32>
      %get3A_4077 = arith.constant 33 : i32
      %get3A_4078 = arith.index_cast %get3A_4077 : i32 to index
      %get3A_4079 = arith.constant 32 : index
      %get3A_4080 = tpu.vector_load %arg11[%get3A_4078, %get3A_4079] {strides = array<i32>} : memref<50x64xf32, #tpu.memory_space<vmem>>, vector<16xf32>,
      %add3A_4081 = arith.addf %add3A_4061, %get3A_4080 : vector<16xf32>
      %get3A_4082 = arith.constant 33 : i32
      %get3A_4083 = arith.index_cast %get3A_4082 : i32 to index
      %get3A_4084 = arith.constant 48 : index
      %get3A_4085 = tpu.vector_load %arg11[%get3A_4083, %get3A_4084] {strides = array<i32>} : memref<50x64xf32, #tpu.memory_space<vmem>>, vector<16xf32>,
      %add3A_4086 = arith.addf %add3A_4066, %get3A_4085 : vector<16xf32>
      %get3A_4087 = arith.constant 34 : i32
      %get3A_4088 = arith.index_cast %get3A_4087 : i32 to index
      %get3A_4089 = arith.constant 0 : index
      %get3A_4090 = tpu.vector_load %arg11[%get3A_4088, %get3A_4089] {strides = array<i32>} : memref<50x64xf32, #tpu.memory_space<vmem>>, vector<16xf32>,
      %add3A_4091 = arith.addf %add3A_4071, %get3A_4090 : vector<16xf32>
      %get3A_4092 = arith.constant 34 : i32
      %get3A_4093 = arith.index_cast %get3A_4092 : i32 to index
      %get3A_4094 = arith.constant 16 : index
      %get3A_4095 = tpu.vector_load %arg11[%get3A_4093, %get3A_4094] {strides = array<i32>} : memref<50x64xf32, #tpu.memory_space<vmem>>, vector<16xf32>,
      %add3A_4096 = arith.addf %add3A_4076, %get3A_4095 : vector<16xf32>
      %get3A_4097 = arith.constant 34 : i32
      %get3A_4098 = arith.index_cast %get3A_4097 : i32 to index
      %get3A_4099 = arith.constant 32 : index
      %get3A_4100 = tpu.vector_load %arg11[%get3A_4098, %get3A_4099] {strides = array<i32>} : memref<50x64xf32, #tpu.memory_space<vmem>>, vector<16xf32>,
      %add3A_4101 = arith.addf %add3A_4081, %get3A_4100 : vector<16xf32>
      %get3A_4102 = arith.constant 34 : i32
      %get3A_4103 = arith.index_cast %get3A_4102 : i32 to index
      %get3A_4104 = arith.constant 48 : index
      %get3A_4105 = tpu.vector_load %arg11[%get3A_4103, %get3A_4104] {strides = array<i32>} : memref<50x64xf32, #tpu.memory_space<vmem>>, vector<16xf32>,
      %add3A_4106 = arith.addf %add3A_4086, %get3A_4105 : vector<16xf32>
      %get3A_4107 = arith.constant 35 : i32
      %get3A_4108 = arith.index_cast %get3A_4107 : i32 to index
      %get3A_4109 = arith.constant 0 : index
      %get3A_4110 = tpu.vector_load %arg11[%get3A_4108, %get3A_4109] {strides = array<i32>} : memref<50x64xf32, #tpu.memory_space<vmem>>, vector<16xf32>,
      %add3A_4111 = arith.addf %add3A_4091, %get3A_4110 : vector<16xf32>
      %get3A_4112 = arith.constant 35 : i32
      %get3A_4113 = arith.index_cast %get3A_4112 : i32 to index
      %get3A_4114 = arith.constant 16 : index
      %get3A_4115 = tpu.vector_load %arg11[%get3A_4113, %get3A_4114] {strides = array<i32>} : memref<50x64xf32, #tpu.memory_space<vmem>>, vector<16xf32>,
      %add3A_4116 = arith.addf %add3A_4096, %get3A_4115 : vector<16xf32>
      %get3A_4117 = arith.constant 35 : i32
      %get3A_4118 = arith.index_cast %get3A_4117 : i32 to index
      %get3A_4119 = arith.constant 32 : index
      %get3A_4120 = tpu.vector_load %arg11[%get3A_4118, %get3A_4119] {strides = array<i32>} : memref<50x64xf32, #tpu.memory_space<vmem>>, vector<16xf32>,
      %add3A_4121 = arith.addf %add3A_4101, %get3A_4120 : vector<16xf32>
      %get3A_4122 = arith.constant 35 : i32
      %get3A_4123 = arith.index_cast %get3A_4122 : i32 to index
      %get3A_4124 = arith.constant 48 : index
      %get3A_4125 = tpu.vector_load %arg11[%get3A_4123, %get3A_4124] {strides = array<i32>} : memref<50x64xf32, #tpu.memory_space<vmem>>, vector<16xf32>,
      %add3A_4126 = arith.addf %add3A_4106, %get3A_4125 : vector<16xf32>
      %get3A_4127 = arith.constant 36 : i32
      %get3A_4128 = arith.index_cast %get3A_4127 : i32 to index
      %get3A_4129 = arith.constant 0 : index
      %get3A_4130 = tpu.vector_load %arg11[%get3A_4128, %get3A_4129] {strides = array<i32>} : memref<50x64xf32, #tpu.memory_space<vmem>>, vector<16xf32>,
      %add3A_4131 = arith.addf %add3A_4111, %get3A_4130 : vector<16xf32>
      %get3A_4132 = arith.constant 36 : i32
      %get3A_4133 = arith.index_cast %get3A_4132 : i32 to index
      %get3A_4134 = arith.constant 16 : index
      %get3A_4135 = tpu.vector_load %arg11[%get3A_4133, %get3A_4134] {strides = array<i32>} : memref<50x64xf32, #tpu.memory_space<vmem>>, vector<16xf32>,
      %add3A_4136 = arith.addf %add3A_4116, %get3A_4135 : vector<16xf32>
      %get3A_4137 = arith.constant 36 : i32
      %get3A_4138 = arith.index_cast %get3A_4137 : i32 to index
      %get3A_4139 = arith.constant 32 : index
      %get3A_4140 = tpu.vector_load %arg11[%get3A_4138, %get3A_4139] {strides = array<i32>} : memref<50x64xf32, #tpu.memory_space<vmem>>, vector<16xf32>,
      %add3A_4141 = arith.addf %add3A_4121, %get3A_4140 : vector<16xf32>
      %get3A_4142 = arith.constant 36 : i32
      %get3A_4143 = arith.index_cast %get3A_4142 : i32 to index
      %get3A_4144 = arith.constant 48 : index
      %get3A_4145 = tpu.vector_load %arg11[%get3A_4143, %get3A_4144] {strides = array<i32>} : memref<50x64xf32, #tpu.memory_space<vmem>>, vector<16xf32>,
      %add3A_4146 = arith.addf %add3A_4126, %get3A_4145 : vector<16xf32>
      %get3A_4147 = arith.constant 37 : i32
      %get3A_4148 = arith.index_cast %get3A_4147 : i32 to index
      %get3A_4149 = arith.constant 0 : index
      %get3A_4150 = tpu.vector_load %arg11[%get3A_4148, %get3A_4149] {strides = array<i32>} : memref<50x64xf32, #tpu.memory_space<vmem>>, vector<16xf32>,
      %add3A_4151 = arith.addf %add3A_4131, %get3A_4150 : vector<16xf32>
      %get3A_4152 = arith.constant 37 : i32
      %get3A_4153 = arith.index_cast %get3A_4152 : i32 to index
      %get3A_4154 = arith.constant 16 : index
      %get3A_4155 = tpu.vector_load %arg11[%get3A_4153, %get3A_4154] {strides = array<i32>} : memref<50x64xf32, #tpu.memory_space<vmem>>, vector<16xf32>,
      %add3A_4156 = arith.addf %add3A_4136, %get3A_4155 : vector<16xf32>
      %get3A_4157 = arith.constant 37 : i32
      %get3A_4158 = arith.index_cast %get3A_4157 : i32 to index
      %get3A_4159 = arith.constant 32 : index
      %get3A_4160 = tpu.vector_load %arg11[%get3A_4158, %get3A_4159] {strides = array<i32>} : memref<50x64xf32, #tpu.memory_space<vmem>>, vector<16xf32>,
      %add3A_4161 = arith.addf %add3A_4141, %get3A_4160 : vector<16xf32>
      %get3A_4162 = arith.constant 37 : i32
      %get3A_4163 = arith.index_cast %get3A_4162 : i32 to index
      %get3A_4164 = arith.constant 48 : index
      %get3A_4165 = tpu.vector_load %arg11[%get3A_4163, %get3A_4164] {strides = array<i32>} : memref<50x64xf32, #tpu.memory_space<vmem>>, vector<16xf32>,
      %add3A_4166 = arith.addf %add3A_4146, %get3A_4165 : vector<16xf32>
      %get3A_4167 = arith.constant 38 : i32
      %get3A_4168 = arith.index_cast %get3A_4167 : i32 to index
      %get3A_4169 = arith.constant 0 : index
      %get3A_4170 = tpu.vector_load %arg11[%get3A_4168, %get3A_4169] {strides = array<i32>} : memref<50x64xf32, #tpu.memory_space<vmem>>, vector<16xf32>,
      %add3A_4171 = arith.addf %add3A_4151, %get3A_4170 : vector<16xf32>
      %get3A_4172 = arith.constant 38 : i32
      %get3A_4173 = arith.index_cast %get3A_4172 : i32 to index
      %get3A_4174 = arith.constant 16 : index
      %get3A_4175 = tpu.vector_load %arg11[%get3A_4173, %get3A_4174] {strides = array<i32>} : memref<50x64xf32, #tpu.memory_space<vmem>>, vector<16xf32>,
      %add3A_4176 = arith.addf %add3A_4156, %get3A_4175 : vector<16xf32>
      %get3A_4177 = arith.constant 38 : i32
      %get3A_4178 = arith.index_cast %get3A_4177 : i32 to index
      %get3A_4179 = arith.constant 32 : index
      %get3A_4180 = tpu.vector_load %arg11[%get3A_4178, %get3A_4179] {strides = array<i32>} : memref<50x64xf32, #tpu.memory_space<vmem>>, vector<16xf32>,
      %add3A_4181 = arith.addf %add3A_4161, %get3A_4180 : vector<16xf32>
      %get3A_4182 = arith.constant 38 : i32
      %get3A_4183 = arith.index_cast %get3A_4182 : i32 to index
      %get3A_4184 = arith.constant 48 : index
      %get3A_4185 = tpu.vector_load %arg11[%get3A_4183, %get3A_4184] {strides = array<i32>} : memref<50x64xf32, #tpu.memory_space<vmem>>, vector<16xf32>,
      %add3A_4186 = arith.addf %add3A_4166, %get3A_4185 : vector<16xf32>
      %get3A_4187 = arith.constant 39 : i32
      %get3A_4188 = arith.index_cast %get3A_4187 : i32 to index
      %get3A_4189 = arith.constant 0 : index
      %get3A_4190 = tpu.vector_load %arg11[%get3A_4188, %get3A_4189] {strides = array<i32>} : memref<50x64xf32, #tpu.memory_space<vmem>>, vector<16xf32>,
      %add3A_4191 = arith.addf %add3A_4171, %get3A_4190 : vector<16xf32>
      %get3A_4192 = arith.constant 39 : i32
      %get3A_4193 = arith.index_cast %get3A_4192 : i32 to index
      %get3A_4194 = arith.constant 16 : index
      %get3A_4195 = tpu.vector_load %arg11[%get3A_4193, %get3A_4194] {strides = array<i32>} : memref<50x64xf32, #tpu.memory_space<vmem>>, vector<16xf32>,
      %add3A_4196 = arith.addf %add3A_4176, %get3A_4195 : vector<16xf32>
      %get3A_4197 = arith.constant 39 : i32
      %get3A_4198 = arith.index_cast %get3A_4197 : i32 to index
      %get3A_4199 = arith.constant 32 : index
      %get3A_4200 = tpu.vector_load %arg11[%get3A_4198, %get3A_4199] {strides = array<i32>} : memref<50x64xf32, #tpu.memory_space<vmem>>, vector<16xf32>,
      %add3A_4201 = arith.addf %add3A_4181, %get3A_4200 : vector<16xf32>
      %get3A_4202 = arith.constant 39 : i32
      %get3A_4203 = arith.index_cast %get3A_4202 : i32 to index
      %get3A_4204 = arith.constant 48 : index
      %get3A_4205 = tpu.vector_load %arg11[%get3A_4203, %get3A_4204] {strides = array<i32>} : memref<50x64xf32, #tpu.memory_space<vmem>>, vector<16xf32>,
      %add3A_4206 = arith.addf %add3A_4186, %get3A_4205 : vector<16xf32>
      %get3A_4207 = arith.constant 40 : i32
      %get3A_4208 = arith.index_cast %get3A_4207 : i32 to index
      %get3A_4209 = arith.constant 0 : index
      %get3A_4210 = tpu.vector_load %arg11[%get3A_4208, %get3A_4209] {strides = array<i32>} : memref<50x64xf32, #tpu.memory_space<vmem>>, vector<16xf32>,
      %add3A_4211 = arith.addf %add3A_4191, %get3A_4210 : vector<16xf32>
      %get3A_4212 = arith.constant 40 : i32
      %get3A_4213 = arith.index_cast %get3A_4212 : i32 to index
      %get3A_4214 = arith.constant 16 : index
      %get3A_4215 = tpu.vector_load %arg11[%get3A_4213, %get3A_4214] {strides = array<i32>} : memref<50x64xf32, #tpu.memory_space<vmem>>, vector<16xf32>,
      %add3A_4216 = arith.addf %add3A_4196, %get3A_4215 : vector<16xf32>
      %get3A_4217 = arith.constant 40 : i32
      %get3A_4218 = arith.index_cast %get3A_4217 : i32 to index
      %get3A_4219 = arith.constant 32 : index
      %get3A_4220 = tpu.vector_load %arg11[%get3A_4218, %get3A_4219] {strides = array<i32>} : memref<50x64xf32, #tpu.memory_space<vmem>>, vector<16xf32>,
      %add3A_4221 = arith.addf %add3A_4201, %get3A_4220 : vector<16xf32>
      %get3A_4222 = arith.constant 40 : i32
      %get3A_4223 = arith.index_cast %get3A_4222 : i32 to index
      %get3A_4224 = arith.constant 48 : index
      %get3A_4225 = tpu.vector_load %arg11[%get3A_4223, %get3A_4224] {strides = array<i32>} : memref<50x64xf32, #tpu.memory_space<vmem>>, vector<16xf32>,
      %add3A_4226 = arith.addf %add3A_4206, %get3A_4225 : vector<16xf32>
      %get3A_4227 = arith.constant 41 : i32
      %get3A_4228 = arith.index_cast %get3A_4227 : i32 to index
      %get3A_4229 = arith.constant 0 : index
      %get3A_4230 = tpu.vector_load %arg11[%get3A_4228, %get3A_4229] {strides = array<i32>} : memref<50x64xf32, #tpu.memory_space<vmem>>, vector<16xf32>,
      %add3A_4231 = arith.addf %add3A_4211, %get3A_4230 : vector<16xf32>
      %get3A_4232 = arith.constant 41 : i32
      %get3A_4233 = arith.index_cast %get3A_4232 : i32 to index
      %get3A_4234 = arith.constant 16 : index
      %get3A_4235 = tpu.vector_load %arg11[%get3A_4233, %get3A_4234] {strides = array<i32>} : memref<50x64xf32, #tpu.memory_space<vmem>>, vector<16xf32>,
      %add3A_4236 = arith.addf %add3A_4216, %get3A_4235 : vector<16xf32>
      %get3A_4237 = arith.constant 41 : i32
      %get3A_4238 = arith.index_cast %get3A_4237 : i32 to index
      %get3A_4239 = arith.constant 32 : index
      %get3A_4240 = tpu.vector_load %arg11[%get3A_4238, %get3A_4239] {strides = array<i32>} : memref<50x64xf32, #tpu.memory_space<vmem>>, vector<16xf32>,
      %add3A_4241 = arith.addf %add3A_4221, %get3A_4240 : vector<16xf32>
      %get3A_4242 = arith.constant 41 : i32
      %get3A_4243 = arith.index_cast %get3A_4242 : i32 to index
      %get3A_4244 = arith.constant 48 : index
      %get3A_4245 = tpu.vector_load %arg11[%get3A_4243, %get3A_4244] {strides = array<i32>} : memref<50x64xf32, #tpu.memory_space<vmem>>, vector<16xf32>,
      %add3A_4246 = arith.addf %add3A_4226, %get3A_4245 : vector<16xf32>
      %get3A_4247 = arith.constant 42 : i32
      %get3A_4248 = arith.index_cast %get3A_4247 : i32 to index
      %get3A_4249 = arith.constant 0 : index
      %get3A_4250 = tpu.vector_load %arg11[%get3A_4248, %get3A_4249] {strides = array<i32>} : memref<50x64xf32, #tpu.memory_space<vmem>>, vector<16xf32>,
      %add3A_4251 = arith.addf %add3A_4231, %get3A_4250 : vector<16xf32>
      %get3A_4252 = arith.constant 42 : i32
      %get3A_4253 = arith.index_cast %get3A_4252 : i32 to index
      %get3A_4254 = arith.constant 16 : index
      %get3A_4255 = tpu.vector_load %arg11[%get3A_4253, %get3A_4254] {strides = array<i32>} : memref<50x64xf32, #tpu.memory_space<vmem>>, vector<16xf32>,
      %add3A_4256 = arith.addf %add3A_4236, %get3A_4255 : vector<16xf32>
      %get3A_4257 = arith.constant 42 : i32
      %get3A_4258 = arith.index_cast %get3A_4257 : i32 to index
      %get3A_4259 = arith.constant 32 : index
      %get3A_4260 = tpu.vector_load %arg11[%get3A_4258, %get3A_4259] {strides = array<i32>} : memref<50x64xf32, #tpu.memory_space<vmem>>, vector<16xf32>,
      %add3A_4261 = arith.addf %add3A_4241, %get3A_4260 : vector<16xf32>
      %get3A_4262 = arith.constant 42 : i32
      %get3A_4263 = arith.index_cast %get3A_4262 : i32 to index
      %get3A_4264 = arith.constant 48 : index
      %get3A_4265 = tpu.vector_load %arg11[%get3A_4263, %get3A_4264] {strides = array<i32>} : memref<50x64xf32, #tpu.memory_space<vmem>>, vector<16xf32>,
      %add3A_4266 = arith.addf %add3A_4246, %get3A_4265 : vector<16xf32>
      %get3A_4267 = arith.constant 43 : i32
      %get3A_4268 = arith.index_cast %get3A_4267 : i32 to index
      %get3A_4269 = arith.constant 0 : index
      %get3A_4270 = tpu.vector_load %arg11[%get3A_4268, %get3A_4269] {strides = array<i32>} : memref<50x64xf32, #tpu.memory_space<vmem>>, vector<16xf32>,
      %add3A_4271 = arith.addf %add3A_4251, %get3A_4270 : vector<16xf32>
      %get3A_4272 = arith.constant 43 : i32
      %get3A_4273 = arith.index_cast %get3A_4272 : i32 to index
      %get3A_4274 = arith.constant 16 : index
      %get3A_4275 = tpu.vector_load %arg11[%get3A_4273, %get3A_4274] {strides = array<i32>} : memref<50x64xf32, #tpu.memory_space<vmem>>, vector<16xf32>,
      %add3A_4276 = arith.addf %add3A_4256, %get3A_4275 : vector<16xf32>
      %get3A_4277 = arith.constant 43 : i32
      %get3A_4278 = arith.index_cast %get3A_4277 : i32 to index
      %get3A_4279 = arith.constant 32 : index
      %get3A_4280 = tpu.vector_load %arg11[%get3A_4278, %get3A_4279] {strides = array<i32>} : memref<50x64xf32, #tpu.memory_space<vmem>>, vector<16xf32>,
      %add3A_4281 = arith.addf %add3A_4261, %get3A_4280 : vector<16xf32>
      %get3A_4282 = arith.constant 43 : i32
      %get3A_4283 = arith.index_cast %get3A_4282 : i32 to index
      %get3A_4284 = arith.constant 48 : index
      %get3A_4285 = tpu.vector_load %arg11[%get3A_4283, %get3A_4284] {strides = array<i32>} : memref<50x64xf32, #tpu.memory_space<vmem>>, vector<16xf32>,
      %add3A_4286 = arith.addf %add3A_4266, %get3A_4285 : vector<16xf32>
      %get3A_4287 = arith.constant 44 : i32
      %get3A_4288 = arith.index_cast %get3A_4287 : i32 to index
      %get3A_4289 = arith.constant 0 : index
      %get3A_4290 = tpu.vector_load %arg11[%get3A_4288, %get3A_4289] {strides = array<i32>} : memref<50x64xf32, #tpu.memory_space<vmem>>, vector<16xf32>,
      %add3A_4291 = arith.addf %add3A_4271, %get3A_4290 : vector<16xf32>
      %get3A_4292 = arith.constant 44 : i32
      %get3A_4293 = arith.index_cast %get3A_4292 : i32 to index
      %get3A_4294 = arith.constant 16 : index
      %get3A_4295 = tpu.vector_load %arg11[%get3A_4293, %get3A_4294] {strides = array<i32>} : memref<50x64xf32, #tpu.memory_space<vmem>>, vector<16xf32>,
      %add3A_4296 = arith.addf %add3A_4276, %get3A_4295 : vector<16xf32>
      %get3A_4297 = arith.constant 44 : i32
      %get3A_4298 = arith.index_cast %get3A_4297 : i32 to index
      %get3A_4299 = arith.constant 32 : index
      %get3A_4300 = tpu.vector_load %arg11[%get3A_4298, %get3A_4299] {strides = array<i32>} : memref<50x64xf32, #tpu.memory_space<vmem>>, vector<16xf32>,
      %add3A_4301 = arith.addf %add3A_4281, %get3A_4300 : vector<16xf32>
      %get3A_4302 = arith.constant 44 : i32
      %get3A_4303 = arith.index_cast %get3A_4302 : i32 to index
      %get3A_4304 = arith.constant 48 : index
      %get3A_4305 = tpu.vector_load %arg11[%get3A_4303, %get3A_4304] {strides = array<i32>} : memref<50x64xf32, #tpu.memory_space<vmem>>, vector<16xf32>,
      %add3A_4306 = arith.addf %add3A_4286, %get3A_4305 : vector<16xf32>
      %get3A_4307 = arith.constant 45 : i32
      %get3A_4308 = arith.index_cast %get3A_4307 : i32 to index
      %get3A_4309 = arith.constant 0 : index
      %get3A_4310 = tpu.vector_load %arg11[%get3A_4308, %get3A_4309] {strides = array<i32>} : memref<50x64xf32, #tpu.memory_space<vmem>>, vector<16xf32>,
      %add3A_4311 = arith.addf %add3A_4291, %get3A_4310 : vector<16xf32>
      %get3A_4312 = arith.constant 45 : i32
      %get3A_4313 = arith.index_cast %get3A_4312 : i32 to index
      %get3A_4314 = arith.constant 16 : index
      %get3A_4315 = tpu.vector_load %arg11[%get3A_4313, %get3A_4314] {strides = array<i32>} : memref<50x64xf32, #tpu.memory_space<vmem>>, vector<16xf32>,
      %add3A_4316 = arith.addf %add3A_4296, %get3A_4315 : vector<16xf32>
      %get3A_4317 = arith.constant 45 : i32
      %get3A_4318 = arith.index_cast %get3A_4317 : i32 to index
      %get3A_4319 = arith.constant 32 : index
      %get3A_4320 = tpu.vector_load %arg11[%get3A_4318, %get3A_4319] {strides = array<i32>} : memref<50x64xf32, #tpu.memory_space<vmem>>, vector<16xf32>,
      %add3A_4321 = arith.addf %add3A_4301, %get3A_4320 : vector<16xf32>
      %get3A_4322 = arith.constant 45 : i32
      %get3A_4323 = arith.index_cast %get3A_4322 : i32 to index
      %get3A_4324 = arith.constant 48 : index
      %get3A_4325 = tpu.vector_load %arg11[%get3A_4323, %get3A_4324] {strides = array<i32>} : memref<50x64xf32, #tpu.memory_space<vmem>>, vector<16xf32>,
      %add3A_4326 = arith.addf %add3A_4306, %get3A_4325 : vector<16xf32>
      %get3A_4327 = arith.constant 46 : i32
      %get3A_4328 = arith.index_cast %get3A_4327 : i32 to index
      %get3A_4329 = arith.constant 0 : index
      %get3A_4330 = tpu.vector_load %arg11[%get3A_4328, %get3A_4329] {strides = array<i32>} : memref<50x64xf32, #tpu.memory_space<vmem>>, vector<16xf32>,
      %add3A_4331 = arith.addf %add3A_4311, %get3A_4330 : vector<16xf32>
      %get3A_4332 = arith.constant 46 : i32
      %get3A_4333 = arith.index_cast %get3A_4332 : i32 to index
      %get3A_4334 = arith.constant 16 : index
      %get3A_4335 = tpu.vector_load %arg11[%get3A_4333, %get3A_4334] {strides = array<i32>} : memref<50x64xf32, #tpu.memory_space<vmem>>, vector<16xf32>,
      %add3A_4336 = arith.addf %add3A_4316, %get3A_4335 : vector<16xf32>
      %get3A_4337 = arith.constant 46 : i32
      %get3A_4338 = arith.index_cast %get3A_4337 : i32 to index
      %get3A_4339 = arith.constant 32 : index
      %get3A_4340 = tpu.vector_load %arg11[%get3A_4338, %get3A_4339] {strides = array<i32>} : memref<50x64xf32, #tpu.memory_space<vmem>>, vector<16xf32>,
      %add3A_4341 = arith.addf %add3A_4321, %get3A_4340 : vector<16xf32>
      %get3A_4342 = arith.constant 46 : i32
      %get3A_4343 = arith.index_cast %get3A_4342 : i32 to index
      %get3A_4344 = arith.constant 48 : index
      %get3A_4345 = tpu.vector_load %arg11[%get3A_4343, %get3A_4344] {strides = array<i32>} : memref<50x64xf32, #tpu.memory_space<vmem>>, vector<16xf32>,
      %add3A_4346 = arith.addf %add3A_4326, %get3A_4345 : vector<16xf32>
      %get3A_4347 = arith.constant 47 : i32
      %get3A_4348 = arith.index_cast %get3A_4347 : i32 to index
      %get3A_4349 = arith.constant 0 : index
      %get3A_4350 = tpu.vector_load %arg11[%get3A_4348, %get3A_4349] {strides = array<i32>} : memref<50x64xf32, #tpu.memory_space<vmem>>, vector<16xf32>,
      %add3A_4351 = arith.addf %add3A_4331, %get3A_4350 : vector<16xf32>
      %get3A_4352 = arith.constant 47 : i32
      %get3A_4353 = arith.index_cast %get3A_4352 : i32 to index
      %get3A_4354 = arith.constant 16 : index
      %get3A_4355 = tpu.vector_load %arg11[%get3A_4353, %get3A_4354] {strides = array<i32>} : memref<50x64xf32, #tpu.memory_space<vmem>>, vector<16xf32>,
      %add3A_4356 = arith.addf %add3A_4336, %get3A_4355 : vector<16xf32>
      %get3A_4357 = arith.constant 47 : i32
      %get3A_4358 = arith.index_cast %get3A_4357 : i32 to index
      %get3A_4359 = arith.constant 32 : index
      %get3A_4360 = tpu.vector_load %arg11[%get3A_4358, %get3A_4359] {strides = array<i32>} : memref<50x64xf32, #tpu.memory_space<vmem>>, vector<16xf32>,
      %add3A_4361 = arith.addf %add3A_4341, %get3A_4360 : vector<16xf32>
      %get3A_4362 = arith.constant 47 : i32
      %get3A_4363 = arith.index_cast %get3A_4362 : i32 to index
      %get3A_4364 = arith.constant 48 : index
      %get3A_4365 = tpu.vector_load %arg11[%get3A_4363, %get3A_4364] {strides = array<i32>} : memref<50x64xf32, #tpu.memory_space<vmem>>, vector<16xf32>,
      %add3A_4366 = arith.addf %add3A_4346, %get3A_4365 : vector<16xf32>
      %get3A_4367 = arith.constant 48 : i32
      %get3A_4368 = arith.index_cast %get3A_4367 : i32 to index
      %get3A_4369 = arith.constant 0 : index
      %get3A_4370 = tpu.vector_load %arg11[%get3A_4368, %get3A_4369] {strides = array<i32>} : memref<50x64xf32, #tpu.memory_space<vmem>>, vector<16xf32>,
      %add3A_4371 = arith.addf %add3A_4351, %get3A_4370 : vector<16xf32>
      %get3A_4372 = arith.constant 48 : i32
      %get3A_4373 = arith.index_cast %get3A_4372 : i32 to index
      %get3A_4374 = arith.constant 16 : index
      %get3A_4375 = tpu.vector_load %arg11[%get3A_4373, %get3A_4374] {strides = array<i32>} : memref<50x64xf32, #tpu.memory_space<vmem>>, vector<16xf32>,
      %add3A_4376 = arith.addf %add3A_4356, %get3A_4375 : vector<16xf32>
      %get3A_4377 = arith.constant 48 : i32
      %get3A_4378 = arith.index_cast %get3A_4377 : i32 to index
      %get3A_4379 = arith.constant 32 : index
      %get3A_4380 = tpu.vector_load %arg11[%get3A_4378, %get3A_4379] {strides = array<i32>} : memref<50x64xf32, #tpu.memory_space<vmem>>, vector<16xf32>,
      %add3A_4381 = arith.addf %add3A_4361, %get3A_4380 : vector<16xf32>
      %get3A_4382 = arith.constant 48 : i32
      %get3A_4383 = arith.index_cast %get3A_4382 : i32 to index
      %get3A_4384 = arith.constant 48 : index
      %get3A_4385 = tpu.vector_load %arg11[%get3A_4383, %get3A_4384] {strides = array<i32>} : memref<50x64xf32, #tpu.memory_space<vmem>>, vector<16xf32>,
      %add3A_4386 = arith.addf %add3A_4366, %get3A_4385 : vector<16xf32>
      %get3A_4387 = arith.constant 49 : i32
      %get3A_4388 = arith.index_cast %get3A_4387 : i32 to index
      %get3A_4389 = arith.constant 0 : index
      %get3A_4390 = tpu.vector_load %arg11[%get3A_4388, %get3A_4389] {strides = array<i32>} : memref<50x64xf32, #tpu.memory_space<vmem>>, vector<16xf32>,
      %add3A_4391 = arith.addf %add3A_4371, %get3A_4390 : vector<16xf32>
      %get3A_4392 = arith.constant 49 : i32
      %get3A_4393 = arith.index_cast %get3A_4392 : i32 to index
      %get3A_4394 = arith.constant 16 : index
      %get3A_4395 = tpu.vector_load %arg11[%get3A_4393, %get3A_4394] {strides = array<i32>} : memref<50x64xf32, #tpu.memory_space<vmem>>, vector<16xf32>,
      %add3A_4396 = arith.addf %add3A_4376, %get3A_4395 : vector<16xf32>
      %get3A_4397 = arith.constant 49 : i32
      %get3A_4398 = arith.index_cast %get3A_4397 : i32 to index
      %get3A_4399 = arith.constant 32 : index
      %get3A_4400 = tpu.vector_load %arg11[%get3A_4398, %get3A_4399] {strides = array<i32>} : memref<50x64xf32, #tpu.memory_space<vmem>>, vector<16xf32>,
      %add3A_4401 = arith.addf %add3A_4381, %get3A_4400 : vector<16xf32>
      %get3A_4402 = arith.constant 49 : i32
      %get3A_4403 = arith.index_cast %get3A_4402 : i32 to index
      %get3A_4404 = arith.constant 48 : index
      %get3A_4405 = tpu.vector_load %arg11[%get3A_4403, %get3A_4404] {strides = array<i32>} : memref<50x64xf32, #tpu.memory_space<vmem>>, vector<16xf32>,
      %add3A_4406 = arith.addf %add3A_4386, %get3A_4405 : vector<16xf32>
      %add3A_4407 = arith.addf %add3A_4391, %add3A_4396 : vector<16xf32>
      %add3A_4408 = arith.addf %add3A_4401, %add3A_4406 : vector<16xf32>
      %add3A_4409 = arith.addf %add3A_4407, %add3A_4408 : vector<16xf32>
      %broadcast_in_dim3A_4410 = arith.constant 15 : i32
      %broadcast_in_dim3A_4411 = vector.broadcast %broadcast_in_dim3A_4410 : i32 to vector<16xi32>
      %broadcast_in_dim3A_4412 = arith.constant true
      %broadcast_in_dim3A_4413 = vector.broadcast %broadcast_in_dim3A_4412 : i1 to vector<16xi1>
      %masked_cumsum3A_4414 = tpu.scan <sum>, %add3A_4409 masked %broadcast_in_dim3A_4413 : vector<16xf32>, vector<16xi1> -> vector<16xf32>
      %lt3A_4415 = arith.constant 0 : i32
      %lt3A_4416 = vector.broadcast %lt3A_4415 : i32 to vector<16xi32>
      %lt3A_4417 = arith.cmpi slt, %broadcast_in_dim3A_4411, %lt3A_4416 : vector<16xi32>
      %add3A_4418 = arith.constant 16 : i32
      %add3A_4419 = vector.broadcast %add3A_4418 : i32 to vector<16xi32>
      %add3A_4420 = arith.addi %broadcast_in_dim3A_4411, %add3A_4419 : vector<16xi32>
      %select_n3A_4421 = arith.select %lt3A_4417, %add3A_4420, %broadcast_in_dim3A_4411 : vector<16xi1>, vector<16xi32>
      %broadcast_in_dim3A_4422 = vector.shape_cast %select_n3A_4421 : vector<16xi32> to vector<16x1xi32>
      %gather3A_4423 = vector.shape_cast %broadcast_in_dim3A_4422 : vector<16x1xi32> to vector<16xi32>
      %gather3A_4424 = tpu.dynamic_gather %masked_cumsum3A_4414[%gather3A_4423] in [0] : vector<16xf32>, vector<16xi32> -> vector<16xf32>
      %mul3A_4425 = arith.constant 1.562500e-02 : f32
      %mul3A_4426 = vector.broadcast %mul3A_4425 : f32 to vector<16xf32>
      %mul3A_4427 = arith.mulf %gather3A_4424, %mul3A_4426 : vector<16xf32>
      %sub3A_4428 = arith.subf %add3A_4391, %mul3A_4427 : vector<16xf32>
      %sub3A_4429 = arith.subf %add3A_4396, %mul3A_4427 : vector<16xf32>
      %sub3A_4430 = arith.subf %add3A_4401, %mul3A_4427 : vector<16xf32>
      %sub3A_4431 = arith.subf %add3A_4406, %mul3A_4427 : vector<16xf32>
      %mul3A_4432 = arith.mulf %sub3A_4428, %sub3A_4428 : vector<16xf32>
      %mul3A_4433 = arith.mulf %sub3A_4429, %sub3A_4429 : vector<16xf32>
      %add3A_4434 = arith.addf %mul3A_4432, %mul3A_4433 : vector<16xf32>
      %mul3A_4435 = arith.mulf %sub3A_4430, %sub3A_4430 : vector<16xf32>
      %mul3A_4436 = arith.mulf %sub3A_4431, %sub3A_4431 : vector<16xf32>
      %add3A_4437 = arith.addf %mul3A_4435, %mul3A_4436 : vector<16xf32>
      %add3A_4438 = arith.addf %add3A_4434, %add3A_4437 : vector<16xf32>
      %broadcast_in_dim3A_4439 = arith.constant 15 : i32
      %broadcast_in_dim3A_4440 = vector.broadcast %broadcast_in_dim3A_4439 : i32 to vector<16xi32>
      %broadcast_in_dim3A_4441 = arith.constant true
      %broadcast_in_dim3A_4442 = vector.broadcast %broadcast_in_dim3A_4441 : i1 to vector<16xi1>
      %masked_cumsum3A_4443 = tpu.scan <sum>, %add3A_4438 masked %broadcast_in_dim3A_4442 : vector<16xf32>, vector<16xi1> -> vector<16xf32>
      %lt3A_4444 = arith.constant 0 : i32
      %lt3A_4445 = vector.broadcast %lt3A_4444 : i32 to vector<16xi32>
      %lt3A_4446 = arith.cmpi slt, %broadcast_in_dim3A_4440, %lt3A_4445 : vector<16xi32>
      %add3A_4447 = arith.constant 16 : i32
      %add3A_4448 = vector.broadcast %add3A_4447 : i32 to vector<16xi32>
      %add3A_4449 = arith.addi %broadcast_in_dim3A_4440, %add3A_4448 : vector<16xi32>
      %select_n3A_4450 = arith.select %lt3A_4446, %add3A_4449, %broadcast_in_dim3A_4440 : vector<16xi1>, vector<16xi32>
      %broadcast_in_dim3A_4451 = vector.shape_cast %select_n3A_4450 : vector<16xi32> to vector<16x1xi32>
      %gather3A_4452 = vector.shape_cast %broadcast_in_dim3A_4451 : vector<16x1xi32> to vector<16xi32>
      %gather3A_4453 = tpu.dynamic_gather %masked_cumsum3A_4443[%gather3A_4452] in [0] : vector<16xf32>, vector<16xi32> -> vector<16xf32>
      %mul3A_4454 = arith.constant 1.562500e-02 : f32
      %mul3A_4455 = vector.broadcast %mul3A_4454 : f32 to vector<16xf32>
      %mul3A_4456 = arith.mulf %gather3A_4453, %mul3A_4455 : vector<16xf32>
      %add3A_4457 = arith.constant 9.99999996E-13 : f32
      %add3A_4458 = vector.broadcast %add3A_4457 : f32 to vector<16xf32>
      %add3A_4459 = arith.addf %mul3A_4456, %add3A_4458 : vector<16xf32>
      %bitcast3A_4460 = vector.bitcast %add3A_4459 : vector<16xf32> to vector<16xi32>
      %shift_right_arithmetic3A_4461 = arith.constant 1 : i32
      %shift_right_arithmetic3A_4462 = vector.broadcast %shift_right_arithmetic3A_4461 : i32 to vector<16xi32>
      %shift_right_arithmetic3A_4463 = arith.shrsi %bitcast3A_4460, %shift_right_arithmetic3A_4462 : vector<16xi32>
      %sub3A_4464 = arith.constant 1597463007 : i32
      %sub3A_4465 = vector.broadcast %sub3A_4464 : i32 to vector<16xi32>
      %sub3A_4466 = arith.subi %sub3A_4465, %shift_right_arithmetic3A_4463 : vector<16xi32>
      %bitcast3A_4467 = vector.bitcast %sub3A_4466 : vector<16xi32> to vector<16xf32>
      %mul3A_4468 = arith.constant 5.000000e-01 : f32
      %mul3A_4469 = vector.broadcast %mul3A_4468 : f32 to vector<16xf32>
      %mul3A_4470 = arith.mulf %add3A_4459, %mul3A_4469 : vector<16xf32>
      %mul3A_4471 = arith.mulf %mul3A_4470, %bitcast3A_4467 : vector<16xf32>
      %mul3A_4472 = arith.mulf %mul3A_4471, %bitcast3A_4467 : vector<16xf32>
      %sub3A_4473 = arith.constant 1.500000e+00 : f32
      %sub3A_4474 = vector.broadcast %sub3A_4473 : f32 to vector<16xf32>
      %sub3A_4475 = arith.subf %sub3A_4474, %mul3A_4472 : vector<16xf32>
      %mul3A_4476 = arith.mulf %bitcast3A_4467, %sub3A_4475 : vector<16xf32>
      %mul3A_4477 = arith.mulf %mul3A_4470, %mul3A_4476 : vector<16xf32>
      %mul3A_4478 = arith.mulf %mul3A_4477, %mul3A_4476 : vector<16xf32>
      %sub3A_4479 = arith.constant 1.500000e+00 : f32
      %sub3A_4480 = vector.broadcast %sub3A_4479 : f32 to vector<16xf32>
      %sub3A_4481 = arith.subf %sub3A_4480, %mul3A_4478 : vector<16xf32>
      %mul3A_4482 = arith.mulf %mul3A_4476, %sub3A_4481 : vector<16xf32>
      %mul3A_4483 = arith.mulf %mul3A_4470, %mul3A_4482 : vector<16xf32>
      %mul3A_4484 = arith.mulf %mul3A_4483, %mul3A_4482 : vector<16xf32>
      %sub3A_4485 = arith.constant 1.500000e+00 : f32
      %sub3A_4486 = vector.broadcast %sub3A_4485 : f32 to vector<16xf32>
      %sub3A_4487 = arith.subf %sub3A_4486, %mul3A_4484 : vector<16xf32>
      %mul3A_4488 = arith.mulf %mul3A_4482, %sub3A_4487 : vector<16xf32>
      %mul3A_4489 = arith.mulf %sub3A_4428, %mul3A_4488 : vector<16xf32>
      %mul3A_4490 = arith.mulf %mul3A_4489, %get3A_3 : vector<16xf32>
      %add3A_4491 = arith.addf %mul3A_4490, %get3A_11 : vector<16xf32>
      %swap3A_4492 = arith.index_cast %add3A_3404 : i32 to index
      %swap3A_4493 = arith.constant 0 : index
      %swap3A_4494 = tpu.vector_load %arg12[%swap3A_4492, %swap3A_4493] {strides = array<i32>} : memref<128x64xf32, #tpu.memory_space<vmem>>, vector<16xf32>,
      tpu.vector_store %arg12[%swap3A_4492, %swap3A_4493], %add3A_4491 {strides = array<i32>} : memref<128x64xf32, #tpu.memory_space<vmem>>, vector<16xf32>,
      %mul3A_4495 = arith.mulf %sub3A_4429, %mul3A_4488 : vector<16xf32>
      %mul3A_4496 = arith.mulf %mul3A_4495, %get3A_5 : vector<16xf32>
      %add3A_4497 = arith.addf %mul3A_4496, %get3A_13 : vector<16xf32>
      %swap3A_4498 = arith.index_cast %add3A_3404 : i32 to index
      %swap3A_4499 = arith.constant 16 : index
      %swap3A_4500 = tpu.vector_load %arg12[%swap3A_4498, %swap3A_4499] {strides = array<i32>} : memref<128x64xf32, #tpu.memory_space<vmem>>, vector<16xf32>,
      tpu.vector_store %arg12[%swap3A_4498, %swap3A_4499], %add3A_4497 {strides = array<i32>} : memref<128x64xf32, #tpu.memory_space<vmem>>, vector<16xf32>,
      %mul3A_4501 = arith.mulf %sub3A_4430, %mul3A_4488 : vector<16xf32>
      %mul3A_4502 = arith.mulf %mul3A_4501, %get3A_7 : vector<16xf32>
      %add3A_4503 = arith.addf %mul3A_4502, %get3A_15 : vector<16xf32>
      %swap3A_4504 = arith.index_cast %add3A_3404 : i32 to index
      %swap3A_4505 = arith.constant 32 : index
      %swap3A_4506 = tpu.vector_load %arg12[%swap3A_4504, %swap3A_4505] {strides = array<i32>} : memref<128x64xf32, #tpu.memory_space<vmem>>, vector<16xf32>,
      tpu.vector_store %arg12[%swap3A_4504, %swap3A_4505], %add3A_4503 {strides = array<i32>} : memref<128x64xf32, #tpu.memory_space<vmem>>, vector<16xf32>,
      %mul3A_4507 = arith.mulf %sub3A_4431, %mul3A_4488 : vector<16xf32>
      %mul3A_4508 = arith.mulf %mul3A_4507, %get3A_9 : vector<16xf32>
      %add3A_4509 = arith.addf %mul3A_4508, %get3A_17 : vector<16xf32>
      %swap3A_4510 = arith.index_cast %add3A_3404 : i32 to index
      %swap3A_4511 = arith.constant 48 : index
      %swap3A_4512 = tpu.vector_load %arg12[%swap3A_4510, %swap3A_4511] {strides = array<i32>} : memref<128x64xf32, #tpu.memory_space<vmem>>, vector<16xf32>,
      tpu.vector_store %arg12[%swap3A_4510, %swap3A_4511], %add3A_4509 {strides = array<i32>} : memref<128x64xf32, #tpu.memory_space<vmem>>, vector<16xf32>,
      %add3A_4513 = arith.constant 4 : i32
      %add3A_4514 = arith.addi %add3A_3404, %add3A_4513 : i32
      %lt3A_4515 = arith.constant 128 : i32
      %lt3A_4516 = arith.cmpi slt, %add3A_4514, %lt3A_4515 : i32
      %convert_element_type3A_4517 = arith.extui %lt3A_4516 : i1 to i32
      %cond3A_4518 = arith.constant 0 : i32
      %cond3A_4519 = arith.cmpi ne, %convert_element_type3A_4517, %cond3A_4518 : i32
      scf.if %cond3A_4519 {
        %add3A_4520 = arith.constant 4 : i32
        %add3A_4521 = arith.addi %add3A_3404, %add3A_4520 : i32
        %dma_start3A_4522 = arith.constant 0 : i32
        %dma_start3A_4523 = tpu.memref_slice %arg7[%add3A_4521, %dma_start3A_4522] : memref<128x50xi32, #tpu.memory_space<vmem>> -> memref<1x50xi32, #tpu.memory_space<vmem>>
        %dma_start3A_4524 = tpu.memref_squeeze %dma_start3A_4523 : memref<1x50xi32, #tpu.memory_space<vmem>> -> memref<50xi32, #tpu.memory_space<vmem>>
        %dma_start3A_4525 = arith.constant 0 : i32
        %dma_start3A_4526 = arith.constant 0 : i32
        %dma_start3A_4527 = tpu.memref_slice %arg2[%dma_start3A_4525, %dma_start3A_4526] : memref<100000x64xf32, #tpu.memory_space<hbm>> -> memref<100000x64xf32, #tpu.memory_space<hbm>>
        tpu.enqueue_indirect_dma source(%dma_start3A_4527 : memref<100000x64xf32, #tpu.memory_space<hbm>>) target(%arg11 : memref<50x64xf32, #tpu.memory_space<vmem>>) offsets(%dma_start3A_4524 : memref<50xi32, #tpu.memory_space<vmem>>) semaphore(%arg18 : memref<!tpu.dma_semaphore, #tpu.memory_space<semaphore_mem>>)
      } else {
      }
    }
    %scan3A_48 = arith.constant 32 : i32
    %mul3A_49 = arith.constant 128 : i32
    %mul3A_50 = arith.muli %add3A, %mul3A_49 : i32
    "tpu.region"() ({
      %run_scoped3A = tpu.sem_alloc : memref<!tpu.dma_semaphore, #tpu.memory_space<semaphore_mem>>
      %dma_start3A_51 = arith.constant 0 : i32
      %dma_start3A_52 = tpu.memref_slice %arg6[%mul3A_50, %dma_start3A_51] : memref<4096x64xf32, #tpu.memory_space<hbm>> -> memref<128x64xf32, #tpu.memory_space<hbm>>
      %dma_start3A_53 = arith.constant 0 : i32
      %dma_start3A_54 = tpu.memref_slice %arg6[%mul3A_50, %dma_start3A_53] : memref<4096x64xf32, #tpu.memory_space<hbm>> -> memref<128x64xf32, #tpu.memory_space<hbm>>
      tpu.enqueue_dma source(%arg12 : memref<128x64xf32, #tpu.memory_space<vmem>>) target(%dma_start3A_54 : memref<128x64xf32, #tpu.memory_space<hbm>>) target_semaphore(%run_scoped3A : memref<!tpu.dma_semaphore, #tpu.memory_space<semaphore_mem>>)
      %dma_wait3A = arith.constant 0 : i32
      %dma_wait3A_55 = tpu.memref_slice %arg6[%mul3A_50, %dma_wait3A] : memref<4096x64xf32, #tpu.memory_space<hbm>> -> memref<128x64xf32, #tpu.memory_space<hbm>>
      %dma_wait3A_56 = arith.constant 0 : i32
      %dma_wait3A_57 = tpu.memref_slice %arg6[%mul3A_50, %dma_wait3A_56] : memref<4096x64xf32, #tpu.memory_space<hbm>> -> memref<128x64xf32, #tpu.memory_space<hbm>>
      tpu.wait_dma2 semaphore(%run_scoped3A : memref<!tpu.dma_semaphore, #tpu.memory_space<semaphore_mem>>) src(%arg12 : memref<128x64xf32, #tpu.memory_space<vmem>>) dst(%dma_wait3A_57 : memref<128x64xf32, #tpu.memory_space<hbm>>)
      tpu.yield
    }) : () -> ()
    return
  }
}

</mosaic_0001>

<sc_bundles>
// kernel: kernel.3.cloned.1.call-start
scs
__scs_entry_jumppad:
0x0: {  	(pc) =	sbr.rel $0x88, $3  }
0x1: {  	(tag) =	ssettag $0x0;
	lr =	simm.s32 $0x1  }
0x2: {  	[smem:$0x3F9D] =	sst lr;
	_ =	strace $0xD0000000  }
0x3: {  	_ = 	snop  }
0x4: {  	_ = 	snop  }
0x5: {  	_ = 	snop  }
0x6: {  	_ = 	snop  }
0x7: {  	_ = 	snop  }
__scs_overlays_trampoline_lowered:
0x8: {  	[smem:$0x3FAC] =	sst s0  }
0x9: {  	[smem:$0x3FAD] =	sst s1  }
0xa: {  	[smem:$0x3FAE] =	sst s2  }
0xb: {  	[smem:$0x3FAF] =	sst s3  }
0xc: {  	[smem:$0x3FB0] =	sst s4  }
0xd: {  	[smem:$0x3FB1] =	sst s5  }
0xe: {  	[smem:$0x3FB2] =	sst s6  }
0xf: {  	[smem:$0x3FB3] =	sst s7  }
0x10: {  	[smem:$0x3FB4] =	sst s8  }
0x11: {  	[smem:$0x3FB5] =	sst s9;
	s0 =	simm.s32 @!p0 $0x0  }
0x12: {  	s1 =	sld [smem:$0x3F9B];
	s0 =	simm.s32 @p0 $0x1  }
0x13: {  	[smem:$0x3FB6] =	sst s0;
	s0 =	simm.s32 @!p1 $0x0  }
0x14: {  	s2 =	sld [smem:$0x3F9A];
	s0 =	simm.s32 @p1 $0x1  }
0x15: {  	[smem:$0x3FB7] =	sst s0;
	s0 =	simm.s32 @!p2 $0x0  }
0x16: {  	s3 =	sld [smem:$0x3FDB];
	s0 =	simm.s32 @p2 $0x1  }
0x17: {  	s4 =	simm.s32 $0x1BF5;
	[smem:$0x3FB9] =	sst s0  }
0x18: {  	s0 =	sld [smem:$0x3F9C];
	_ =	swait.ge [sflag:s4], $0x0  }
0x19: {  	s7 =	sld [smem:$0x3F9D]  }
0x1a: {  	s8 =	sadd.s32 $0xFFFFE003, lr  }
0x1b: {  	s9 =	sadd.s32 $0xFFFFFEF7, lr;
	s5 =	simm.s32 $0xFFFFFFFF;
	p2 =	slt.u32 s8, $0xFFFFF086  }
0x1c: {  	p1 =	slt.u32 s9, $0xF7A;
	s5 =	simm.s32 @!p2 $0x0  }
0x1d: {  	s5 =	simm.s32 @p1 $0x1;
	p0 =	seq.s32 s7, s2  }
0x1e: {  	s7 =	smul.u32 @!p0 $0xF7A, s2;
	p2 =	seq.s32 @!p0 s5, $0x0  }
0x1f: {  	s9 =	smul.u32 $0xF7A, s1;
	s8 =	simm.s32 @!p0 $0x1BF5;
	p2 =	por !p2, p0  }
0x20: {  	[sflag:s8] =	ssyncset.s32 @!p0 $0xFFFFF086;
	s6 =	sadd.s32 @!p0 s3, s7;
	s7 =	simm.s32 @!p0 $0x108  }
0x21: {  	s3 =	sadd.s32 s3, s9;
	s6 =	sadd.s32 @!p0 $0x88, s6;
	s7 =	simm.s32 @p2 $0x1082  }
0x22: {  	[simem:s7], [sflag:s8] =	dma.local @!p0 [hbm:s6], $0xF7A  }
0x23: {  	s9 =	sor.u32 $0xD0000000, s2;
	s6 =	simm.s32 $0x108;
	_ =	swait.ge @!p0 [sflag:s8], $0x0  }
0x24: {  	s3 =	sadd.s32 $0x88, s3;
	s6 =	simm.s32 @!p1 $0x1082;
	[sflag:s4] =	ssyncset.s32 $0xFFFFF086  }
0x25: {  	[simem:s6], [sflag:s4] =	dma.local [hbm:s3], $0xF7A  }
0x26: {  	[smem:$0x3F9D] =	sst s1;
	(tag) =	ssettag s2;
	_ =	strace s9  }
0x27: {  	s1 =	sld [smem:$0x3FAD]  }
0x28: {  	s2 =	sld [smem:$0x3FAE]  }
0x29: {  	s4 =	sld [smem:$0x3FB0]  }
0x2a: {  	p0 =	seq.s32 s5, $0x0;
	s5 =	sld [smem:$0x3FB1]  }
0x2b: {  	s6 =	sld [smem:$0x3FB2]  }
0x2c: {  	s7 =	sld [smem:$0x3FB3]  }
0x2d: {  	s3 =	simm.s32 $0x108;
	s8 =	sld [smem:$0x3FB4]  }
0x2e: {  	s3 =	simm.s32 @!p0 $0x1082;
	s9 =	sld [smem:$0x3FB5]  }
0x2f: {  	lr =	sadd.s32 s0, s3;
	s0 =	sld [smem:$0x3FAC]  }
0x30: {  	s3 =	sld [smem:$0x3FAF]  }
0x31: {  	[smem:$0x3FB8] =	sst s10  }
0x32: {  	s10 =	sld [smem:$0x3FB6];
	_ =	sdelay $0x3  }
0x33: {  	p0 =	seq.s32 s10, $0x1;
	s10 =	sld [smem:$0x3FB8];
	_ =	sdelay $0x3  }
0x34: {  	[smem:$0x3FB8] =	sst s10  }
0x35: {  	s10 =	sld [smem:$0x3FB7];
	_ =	sdelay $0x3  }
0x36: {  	p1 =	seq.s32 s10, $0x1;
	s10 =	sld [smem:$0x3FB8];
	_ =	sdelay $0x3  }
0x37: {  	[smem:$0x3FB8] =	sst s10  }
0x38: {  	s10 =	sld [smem:$0x3FB9]  }
0x39: {  	_ = 	snop;
	(pc) =	sbr.ind lr, $3  }
0x3a: {  	_ = 	snop  }
0x3b: {  	_ = 	snop  }
0x3c: {  	p2 =	seq.s32 s10, $0x1;
	s10 =	sld [smem:$0x3FB8]  }
0x3d: {  	_ =	shalt  }
0x3e: {  	_ =	shalt  }
0x3f: {  	_ =	shalt  }
0x40: {  	_ =	shalt  }
0x41: {  	_ =	shalt  }
0x42: {  	_ =	shalt  }
0x43: {  	_ =	shalt  }
0x44: {  	_ =	shalt  }
0x45: {  	_ =	shalt  }
0x46: {  	_ =	shalt  }
0x47: {  	_ =	shalt  }
0x48: {  	_ =	shalt  }
0x49: {  	_ =	shalt  }
0x4a: {  	_ =	shalt  }
0x4b: {  	_ =	shalt  }
0x4c: {  	_ =	shalt  }
0x4d: {  	_ =	shalt  }
0x4e: {  	_ =	shalt  }
0x4f: {  	_ =	shalt  }
0x50: {  	_ =	shalt  }
0x51: {  	_ =	shalt  }
0x52: {  	_ =	shalt  }
0x53: {  	_ =	shalt  }
0x54: {  	_ =	shalt  }
0x55: {  	_ =	shalt  }
0x56: {  	_ =	shalt  }
0x57: {  	_ =	shalt  }
0x58: {  	_ =	shalt  }
0x59: {  	_ =	shalt  }
0x5a: {  	_ =	shalt  }
0x5b: {  	_ =	shalt  }
0x5c: {  	_ =	shalt  }
0x5d: {  	_ =	shalt  }
0x5e: {  	_ =	shalt  }
0x5f: {  	_ =	shalt  }
0x60: {  	_ =	shalt  }
0x61: {  	_ =	shalt  }
0x62: {  	_ =	shalt  }
0x63: {  	_ =	shalt  }
0x64: {  	_ =	shalt  }
0x65: {  	_ =	shalt  }
0x66: {  	_ =	shalt  }
0x67: {  	_ =	shalt  }
0x68: {  	_ =	shalt  }
0x69: {  	_ =	shalt  }
0x6a: {  	_ =	shalt  }
0x6b: {  	_ =	shalt  }
0x6c: {  	_ =	shalt  }
0x6d: {  	_ =	shalt  }
0x6e: {  	_ =	shalt  }
0x6f: {  	_ =	shalt  }
0x70: {  	_ =	shalt  }
0x71: {  	_ =	shalt  }
0x72: {  	_ =	shalt  }
0x73: {  	_ =	shalt  }
0x74: {  	_ =	shalt  }
0x75: {  	_ =	shalt  }
0x76: {  	_ =	shalt  }
0x77: {  	_ =	shalt  }
0x78: {  	_ =	shalt  }
0x79: {  	_ =	shalt  }
0x7a: {  	_ =	shalt  }
0x7b: {  	_ =	shalt  }
0x7c: {  	_ =	shalt  }
0x7d: {  	_ =	shalt  }
0x7e: {  	_ =	shalt  }
0x7f: {  	_ =	shalt  }
0x80: {  	_ =	shalt  }
0x81: {  	_ =	shalt  }
0x82: {  	_ =	shalt  }
0x83: {  	_ =	shalt  }
0x84: {  	_ =	shalt  }
0x85: {  	_ =	shalt  }
0x86: {  	_ =	shalt  }
0x87: {  	_ =	shalt  }
.Lfunc_end0:
.L_simem_size_0:
called_computation_lowered:
.L_overlay_start_0:
0x88: {  	s2 =	sld [smem:$0x3FD9]  }
0x89: {  	s3 =	sld [smem:$0x3FFE];
	_ =	sdelay $0x1  }
0x8a: {  	s1 =	srdreg.scid  }
0x8b: {  	s0 =	sand.u32 $0x1, s1  }
0x8c: {  	s17 =	sshll.u32 s0, $0xA;
	s2 =	sadd.s32 s3, s2  }
0x8d: {  	s2 =	sadd.s32 s2, s17  }
0x8e: {  	[smem:$0x3FC4] =	sst s2  }
0x8f: {  	_ = 	snop  }
0x90: {  	s2 =	sld [smem:$0x3FC7]  }
0x91: {  	s18 =	sld [smem:$0x3FC6]  }
0x92: {  	s4 =	sld [smem:$0x3FD0];
	(tm) =	ssettm $0x1  }
0x93: {  	s5 =	sld [smem:$0x3FFB];
	_ =	sdelay $0x3  }
0x94: {  	_ =	strace s5  }
0x95: {  	s5 =	sld [smem:$0x3FFC];
	_ =	sdelay $0x3  }
0x96: {  	_ =	strace s5  }
0x97: {  	s5 =	sld [smem:$0x3FFD];
	_ =	sdelay $0x3  }
0x98: {  	_ =	strace s5  }
0x99: {  	_ =	strace $0x8FFFFFFF  }
0x9a: {  	s19 =	sld [smem:$0x3FDB];
	_ =	sdelay $0x1  }
0x9b: {  	s6 =	simm.s32 $_scs_section_size  }
0x9c: {  	s7 =	simm.s32 $_size__tile_overlayer_lowered;
	s8 =	simm.s32 $_tile_overlayer_lowered  }
0x9d: {  	s22 =	simm.s32 $0x1BFF;
	s21 =	sshll.u32 s8, $0x1;
	s5 =	sadd.s32 s6, s19  }
0x9e: {  	s9 =	simm.s32 $0x0;
	s20 =	sshll.u32 s7, $0x1;
	s7 =	sadd.s32 s21, s5  }
0x9f: {  	[timem:s9], [sflag:s22] =	dma.local [hbm:s7], s20  }
0xa0: {  	_ =	swait.ge [sflag:s22], s20  }
0xa1: {  	s6 =	ssub.s32 $0x0, s20;
	[sflag:s22] =	ssyncset.done $0x0  }
0xa2: {  	[sflag:s22] =	ssyncadd.s32 s6;
	_ =	sdelay $0x1  }
0xa3: {  	s23 =	simm.s32 $0x1B8B  }
0xa4: {  	_ =	swait.ge [sflag:s23], $0x1  }
0xa5: {  	[sflag:s23] =	ssyncset.done $0x0  }
0xa6: {  	s25 =	simm.s32 $0x1B8E;
	s24 =	sld [smem:$0x3FFE];
	[sflag:s23] =	ssyncadd.s32 $0xFFFFFFFF  }
0xa7: {  	s26 =	simm.s32 $execute0_lowered;
	[smem:$0x3FD2] =	sst s25  }
0xa8: {  	s7 =	sshll.u32 s26, $0x1;
	_ =	strace $0x80000046;
	[dreg:$0x1] =	wrdreg $0xFFFFFFFF  }
0xa9: {  	s28 =	simm.s32 $_size_execute0_lowered;
	s5 =	sadd.s32 s5, s7;
	[dreg:$0x0] =	wrdreg $0x0  }
0xaa: {  	s7 =	sshll.u32 s28, $0x1;
	[dreg:$0x2] =	wrdreg s5  }
0xab: {  	[dreg:$0x3] =	wrdreg s7  }
0xac: {  	[dreg:$0x4] =	wrdreg $0xC0  }
0xad: {  	_ =	task [dreg:s9], $0x5FFFF  }
0xae: {  	[dreg:$0x1] =	wrdreg $0xFFFFFFFF  }
0xaf: {  	[dreg:$0x0] =	wrdreg $0x60  }
0xb0: {  	[dreg:$0x2] =	wrdreg s24  }
0xb1: {  	[dreg:$0x3] =	wrdreg s2  }
0xb2: {  	[dreg:$0x4] =	wrdreg s18  }
0xb3: {  	[dreg:$0x5] =	wrdreg s4  }
0xb4: {  	[dreg:$0x6] =	wrdreg $0x9  }
0xb5: {  	_ =	task.clear_ibuf [dreg:s9], $0x7FFFF;
	_ =	strace $0x90000046  }
0xb6: {  	s29 =	simm.s32 $0x9;
	_ =	strace $0x80000048  }
0xb7: {  	_ =	swait.ge [sflag:s29], $0x1  }
0xb8: {  	[sflag:s29] =	ssyncadd.s32 $0xFFFFFFFF  }
0xb9: {  	_ =	strace $0x90000048  }
0xba: {  	_ =	sfence  }
0xbb: {  	s30 =	sld [smem:$0x0];
	_ =	sdelay $0x2  }
0xbc: {  	s31 =	sshll.u32 s1, $0xD;
	s1 =	sshrl.u32 s1, $0x2  }
0xbd: {  	s3 =	sand.u32 $0x4000, s31;
	s1 =	sadd.s32 s1, s30  }
0xbe: {  	s0 =	sor.u32 s3, s0;
	s1 =	sshll.u32 s1, $0x11  }
0xbf: {  	s0 =	sor.u32 s1, s0  }
0xc0: {  	s0 =	sadd.s32 $0x8F2B, s0  }
0xc1: {  	[sflag:s0] =	ssyncadd.remote.s32 $0x1  }
0xc2: {  	_ =	sfence.sel $0xFFFF  }
0xc3: {  	[dreg:$0x0] =	wrdreg $0xFFFFFFFF;
	(pc) =	sbr.abs _section_cstart, $3  }
0xc4: {  	[dreg:$0x1] =	wrdreg $0xFFFFFFFF  }
0xc5: {  	_ =	task.clear_ibuf [dreg:s9], $0x2FFFF;
	_ =	strace $0x9FFFFFFF  }
0xc6: {  	(tm) =	ssettm $0x7FFFFFFF  }
0xc7: {  	_ =	shalt  }
tec
execute0_lowered:
.L_overlay_start_1:
0x0: {  	(tag) =	ssettag $0x1  }
0x1: {  	s6 =	rddreg [dreg:$0x0]  }
0x2: {  	s1 =	rddreg [dreg:$0x1];
	s2 =	srdreg.scid  }
0x3: {  	s3 =	rddreg [dreg:$0x2];
	s0 =	stileid.u32  }
0x4: {  	s8 =	rddreg [dreg:$0x3];
	s4 =	simm.s32 $0x0;
	s11 =	simm.s32 $0x6E40  }
0x5: {  	s12 =	simm.s32 $0x32;
	s13 =	simm.s32 $0x1C00;
	s14 =	simm.s32 $0x38  }
0x6: {  	s15 =	simm.s32 $0x2880;
	s16 =	simm.s32 $0x70;
	s17 =	simm.s32 $0x3500  }
0x7: {  	s18 =	simm.s32 $0xA8;
	s19 =	simm.s32 $0x4180;
	s7 =	sand.u32 $0x1, s2  }
0x8: {  	s20 =	simm.s32 $0x1;
	s5 =	sshll.u32 s0, $0x8;
	s9 =	sshll.u32 s7, $0x7  }
0x9: {  	s21 =	simm.s32 $0x2;
	s22 =	simm.s32 $0x3;
	s9 =	sor.u32 s9, s5  }
0xa: {  	s23 =	simm.s32 $0x4;
	s24 =	simm.s32 $0x4E00;
	s10 =	smul.u32 $0x7, s9  }
.Ltmp0:
0xb: {  	s25 =	simm.s32 $0x0;
	[smem:$0x7FF] =	sst s4;
	(pc) =	sbr.rel .LBB2_1-.Ltmp0, $4  }
0xc: {  	_ =	strace $0x80000047;
	s7 =	ssub.s32 $0x2, s7;
	s5 =	sadd.s32 $0x187000, s6  }
0xd: {  	s31 =	sshrl.u32 s7, $0x1;
	s9 =	sshll.u32 s9, $0x3;
	s6 =	sadd.s32 s10, s6  }
0xe: {  	s10 =	ssub.s32 s7, s31;
	s7 =	sadd.s32 s8, s9;
	s9 =	simm.s32 $0x5  }
0xf: {  	s6 =	sadd.s32 $0x600, s6;
	s8 =	smax.u32 s10, $0x1;
	s10 =	simm.s32 $0x6E00  }
.LBB2_4:
0x10: {  	s25 =	sadd.s32 $0x1, s25  }
0x11: {  	p0 =	sne.s32 s25, s8  }
.Ltmp1:
0x12: {  	_ = 	snop;
	(pc) =	sbr.rel @!p0 .LBB2_5-.Ltmp1, $4  }
0x13: {  	[hbm4b:s7+s4] =	stream.linear.scatter [tilespmem:s24], [sflag:$0x5], $0x2000, $0x38;
	[tilespmem:$0x6E80] =	vst v63  }
0x14: {  	_ =	swait.ge [sflag:s9], $0x2000  }
0x15: {  	[sflag:s9] =	ssyncset.done $0x0  }
0x16: {  	[sflag:s9] =	ssyncadd.s32 $0xFFFFE000  }
.LBB2_1:
0x17: {  	[tilespmem:s4], [sflag:$0x5] =	stream.linear.gather [hbm4b:s6+s4], $0x1C00, $0x38;
	[tilespmem:$0x6E80] =	vst v63  }
0x18: {  	_ =	swait.ge [sflag:s9], $0x1C00  }
0x19: {  	[sflag:s9] =	ssyncset.done $0x0  }
0x1a: {  	[sflag:s9] =	ssyncadd.s32 $0xFFFFE400  }
0x1b: {  	[tilespmem:s10], [sflag:$0x5] =	stream.linear.gather [hbm4b:s1+s4], $0x40, $0x38;
	[tilespmem:$0x6E80] =	vst v63  }
0x1c: {  	_ =	swait.ge [sflag:s9], $0x40  }
0x1d: {  	[sflag:s9] =	ssyncset.done $0x0  }
0x1e: {  	[sflag:s9] =	ssyncadd.s32 $0xFFFFFFC0  }
0x1f: {  	[tilespmem:s11], [sflag:$0x5] =	stream.linear.gather [hbm4b:s3+s4], $0x40, $0x38;
	[tilespmem:$0x6E80] =	vst v63  }
0x20: {  	_ =	swait.ge [sflag:s9], $0x40  }
0x21: {  	[sflag:s9] =	ssyncset.done $0x0  }
0x22: {  	[sflag:s9] =	ssyncadd.s32 $0xFFFFFFC0  }
0x23: {  	v0 =	vld [tilespmem:$0x6E00]  }
0x24: {  	v57 =	vld [tilespmem:$0x6E10]  }
0x25: {  	v58 =	vld [tilespmem:$0x6E20]  }
0x26: {  	v59 =	vld [tilespmem:$0x6E30]  }
0x27: {  	v60 =	vld [tilespmem:$0x6E40]  }
0x28: {  	v61 =	vld [tilespmem:$0x6E50]  }
0x29: {  	v62 =	vld [tilespmem:$0x6E60]  }
0x2a: {  	v63 =	vld [tilespmem:$0x6E70];
	[tilespmem:s13], [sflag:$0x1] =	stream.indirect.gather [hbm4b:s5+s12], $0x40, s4, s12, $0xb8  }
0x2b: {  	_ = 	snop  }
0x2c: {  	[tilespmem:s15], [sflag:$0x2] =	stream.indirect.gather [hbm4b:s5+s12], $0x40, s14, s12, $0xb8;
	[tilespmem:$0x6E80] =	vst v63  }
0x2d: {  	_ = 	snop  }
0x2e: {  	[tilespmem:s17], [sflag:$0x3] =	stream.indirect.gather [hbm4b:s5+s12], $0x40, s16, s12, $0xb8;
	[tilespmem:$0x6E80] =	vst v63  }
0x2f: {  	[tilespmem:$0x1FF80] =	vst v0  }
0x30: {  	[tilespmem:$0x1FF90] =	vst v57  }
0x31: {  	[tilespmem:$0x1FFA0] =	vst v58  }
0x32: {  	[tilespmem:$0x1FFB0] =	vst v59  }
0x33: {  	[tilespmem:$0x1FFC0] =	vst v60  }
0x34: {  	[tilespmem:$0x1FFD0] =	vst v61  }
0x35: {  	[tilespmem:$0x1FFE0] =	vst v62  }
0x36: {  	s26 =	simm.s32 $0xFFFF9380;
	s28 =	simm.s32 $0x4E80;
	[tilespmem:$0x1FFF0] =	vst v63  }
0x37: {  	[tilespmem:s19], [sflag:$0x4] =	stream.indirect.gather [hbm4b:s5+s12], $0x40, s18, s12, $0xb8;
	[tilespmem:$0x6E80] =	vst v63  }
.LBB2_2:
0x38: {  	_ =	swait.ge [sflag:s20], $0xC80  }
0x39: {  	[sflag:s20] =	ssyncset.done $0x0  }
0x3a: {  	[sflag:s20] =	ssyncadd.s32 $0xFFFFF380  }
0x3b: {  	v61 =	vld [tilespmem:$0x1FF0];
	_ =	sdelay $0x4  }
0x3c: {  	[tilespmem:$0x1F480] =	vst v61;
	v61 =	vld [tilespmem:$0x2000];
	_ =	sdelay $0x4  }
0x3d: {  	[tilespmem:$0x1F490] =	vst v61;
	v61 =	vld [tilespmem:$0x2010];
	_ =	sdelay $0x4  }
0x3e: {  	[tilespmem:$0x1F4A0] =	vst v61;
	v61 =	vld [tilespmem:$0x2020];
	_ =	sdelay $0x4  }
0x3f: {  	[tilespmem:$0x1F4B0] =	vst v61;
	v61 =	vld [tilespmem:$0x2030];
	_ =	sdelay $0x4  }
0x40: {  	[tilespmem:$0x1F4C0] =	vst v61;
	v61 =	vld [tilespmem:$0x2040];
	_ =	sdelay $0x4  }
0x41: {  	[tilespmem:$0x1F4D0] =	vst v61;
	v61 =	vld [tilespmem:$0x2050];
	_ =	sdelay $0x4  }
0x42: {  	[tilespmem:$0x1F4E0] =	vst v61;
	v61 =	vld [tilespmem:$0x2060];
	_ =	sdelay $0x4  }
0x43: {  	[tilespmem:$0x1F4F0] =	vst v61;
	v61 =	vld [tilespmem:$0x2070];
	_ =	sdelay $0x4  }
0x44: {  	[tilespmem:$0x1F500] =	vst v61;
	v61 =	vld [tilespmem:$0x2080];
	_ =	sdelay $0x4  }
0x45: {  	[tilespmem:$0x1F510] =	vst v61;
	v61 =	vld [tilespmem:$0x2090];
	_ =	sdelay $0x4  }
0x46: {  	[tilespmem:$0x1F520] =	vst v61;
	v61 =	vld [tilespmem:$0x20A0];
	_ =	sdelay $0x4  }
0x47: {  	[tilespmem:$0x1F530] =	vst v61;
	v61 =	vld [tilespmem:$0x20B0];
	_ =	sdelay $0x4  }
0x48: {  	[tilespmem:$0x1F540] =	vst v61;
	v61 =	vld [tilespmem:$0x20C0];
	_ =	sdelay $0x4  }
0x49: {  	[tilespmem:$0x1F550] =	vst v61;
	v61 =	vld [tilespmem:$0x20D0];
	_ =	sdelay $0x4  }
0x4a: {  	[tilespmem:$0x1F560] =	vst v61;
	v61 =	vld [tilespmem:$0x20E0];
	_ =	sdelay $0x4  }
0x4b: {  	[tilespmem:$0x1F570] =	vst v61;
	v61 =	vld [tilespmem:$0x20F0];
	_ =	sdelay $0x4  }
0x4c: {  	[tilespmem:$0x1F580] =	vst v61;
	v61 =	vld [tilespmem:$0x2100];
	_ =	sdelay $0x4  }
0x4d: {  	[tilespmem:$0x1F590] =	vst v61;
	v61 =	vld [tilespmem:$0x2110];
	_ =	sdelay $0x4  }
0x4e: {  	[tilespmem:$0x1F5A0] =	vst v61;
	v61 =	vld [tilespmem:$0x2120]  }
0x4f: {  	v2 =	vld [tilespmem:$0x1C00]  }
0x50: {  	v6 =	vld [tilespmem:$0x1C10]  }
0x51: {  	v10 =	vld [tilespmem:$0x1C20]  }
0x52: {  	v17 =	vld [tilespmem:$0x1C30]  }
0x53: {  	[tilespmem:$0x1F5B0] =	vst v61;
	v61 =	vld [tilespmem:$0x2130]  }
0x54: {  	v14 =	vld [tilespmem:$0x1C40]  }
0x55: {  	v22 =	vld [tilespmem:$0x1C50]  }
0x56: {  	v25 =	vld [tilespmem:$0x1C60]  }
0x57: {  	v30 =	vld [tilespmem:$0x1C70]  }
0x58: {  	[tilespmem:$0x1F5C0] =	vst v61;
	v61 =	vld [tilespmem:$0x2140]  }
0x59: {  	v33 =	vld [tilespmem:$0x1C80]  }
0x5a: {  	v38 =	vld [tilespmem:$0x1C90]  }
0x5b: {  	v41 =	vld [tilespmem:$0x1CA0]  }
0x5c: {  	v46 =	vld [tilespmem:$0x1CB0]  }
0x5d: {  	[tilespmem:$0x1F5D0] =	vst v61;
	v61 =	vld [tilespmem:$0x2150]  }
0x5e: {  	v49 =	vld [tilespmem:$0x1CC0]  }
0x5f: {  	v54 =	vld [tilespmem:$0x1CD0]  }
0x60: {  	v57 =	vld [tilespmem:$0x1CE0]  }
0x61: {  	v62 =	vld [tilespmem:$0x1CF0]  }
0x62: {  	[tilespmem:$0x1F5E0] =	vst v61;
	v61 =	vld [tilespmem:$0x2160]  }
0x63: {  	v0 =	vld [tilespmem:$0x1D00]  }
0x64: {  	v1 =	vld [tilespmem:$0x1D10]  }
0x65: {  	v3 =	vld [tilespmem:$0x1D20]  }
0x66: {  	v4 =	vld [tilespmem:$0x1D30]  }
0x67: {  	[tilespmem:$0x1F5F0] =	vst v61;
	v61 =	vld [tilespmem:$0x2170]  }
0x68: {  	v5 =	vld [tilespmem:$0x1D40]  }
0x69: {  	v7 =	vld [tilespmem:$0x1D50]  }
0x6a: {  	v8 =	vld [tilespmem:$0x1D60]  }
0x6b: {  	v9 =	vld [tilespmem:$0x1D70]  }
0x6c: {  	[tilespmem:$0x1F600] =	vst v61;
	v61 =	vld [tilespmem:$0x2180]  }
0x6d: {  	v11 =	vld [tilespmem:$0x1D80]  }
0x6e: {  	v12 =	vld [tilespmem:$0x1D90]  }
0x6f: {  	v13 =	vld [tilespmem:$0x1DA0]  }
0x70: {  	v15 =	vld [tilespmem:$0x1DB0]  }
0x71: {  	[tilespmem:$0x1F610] =	vst v61;
	v61 =	vld [tilespmem:$0x2190]  }
0x72: {  	v16 =	vld [tilespmem:$0x1DC0]  }
0x73: {  	v18 =	vld [tilespmem:$0x1DD0]  }
0x74: {  	v19 =	vld [tilespmem:$0x1DE0]  }
0x75: {  	v20 =	vld [tilespmem:$0x1DF0]  }
0x76: {  	[tilespmem:$0x1F620] =	vst v61;
	v61 =	vld [tilespmem:$0x21A0]  }
0x77: {  	v21 =	vld [tilespmem:$0x1E00]  }
0x78: {  	v23 =	vld [tilespmem:$0x1E10]  }
0x79: {  	v24 =	vld [tilespmem:$0x1E20]  }
0x7a: {  	v26 =	vld [tilespmem:$0x1E30]  }
0x7b: {  	[tilespmem:$0x1F630] =	vst v61;
	v61 =	vld [tilespmem:$0x21B0]  }
0x7c: {  	v27 =	vld [tilespmem:$0x1E40]  }
0x7d: {  	v28 =	vld [tilespmem:$0x1E50]  }
0x7e: {  	v29 =	vld [tilespmem:$0x1E60]  }
0x7f: {  	v31 =	vld [tilespmem:$0x1E70]  }
0x80: {  	[tilespmem:$0x1F640] =	vst v61;
	v61 =	vld [tilespmem:$0x21C0]  }
0x81: {  	v32 =	vld [tilespmem:$0x1E80]  }
0x82: {  	v34 =	vld [tilespmem:$0x1E90]  }
0x83: {  	v35 =	vld [tilespmem:$0x1EA0]  }
0x84: {  	v36 =	vld [tilespmem:$0x1EB0]  }
0x85: {  	[tilespmem:$0x1F650] =	vst v61;
	v61 =	vld [tilespmem:$0x21D0]  }
0x86: {  	v37 =	vld [tilespmem:$0x1EC0]  }
0x87: {  	v39 =	vld [tilespmem:$0x1ED0]  }
0x88: {  	v40 =	vld [tilespmem:$0x1EE0]  }
0x89: {  	v42 =	vld [tilespmem:$0x1EF0]  }
0x8a: {  	[tilespmem:$0x1F660] =	vst v61;
	v61 =	vld [tilespmem:$0x21E0]  }
0x8b: {  	v43 =	vld [tilespmem:$0x1F00]  }
0x8c: {  	v44 =	vld [tilespmem:$0x1F10]  }
0x8d: {  	v45 =	vld [tilespmem:$0x1F20]  }
0x8e: {  	v47 =	vld [tilespmem:$0x1F30]  }
0x8f: {  	[tilespmem:$0x1F670] =	vst v61;
	v61 =	vld [tilespmem:$0x21F0]  }
0x90: {  	v48 =	vld [tilespmem:$0x1F40]  }
0x91: {  	v50 =	vld [tilespmem:$0x1F50]  }
0x92: {  	v51 =	vld [tilespmem:$0x1F60]  }
0x93: {  	v52 =	vld [tilespmem:$0x1F70]  }
0x94: {  	[tilespmem:$0x1F680] =	vst v61;
	v61 =	vld [tilespmem:$0x2200]  }
0x95: {  	v53 =	vld [tilespmem:$0x1F80]  }
0x96: {  	v55 =	vld [tilespmem:$0x1F90]  }
0x97: {  	v58 =	vld [tilespmem:$0x1FA0]  }
0x98: {  	v56 =	vld [tilespmem:$0x1FB0]  }
0x99: {  	[tilespmem:$0x1F690] =	vst v61;
	v61 =	vld [tilespmem:$0x2210]  }
0x9a: {  	v60 =	vld [tilespmem:$0x1FC0]  }
0x9b: {  	v59 =	vld [tilespmem:$0x1FD0]  }
0x9c: {  	v63 =	vld [tilespmem:$0x1FE0]  }
0x9d: {  	v2 =	vadd.f32 v14, v2;
	v14 =	vld [tilespmem:$0x22B0]  }
0x9e: {  	[tilespmem:$0x1F6A0] =	vst v61;
	v61 =	vld [tilespmem:$0x2220]  }
0x9f: {  	v30 =	vadd.f32 v30, v17;
	v17 =	vld [tilespmem:$0x22C0]  }
0xa0: {  	v6 =	vadd.f32 v22, v6;
	v22 =	vld [tilespmem:$0x22D0]  }
0xa1: {  	v10 =	vadd.f32 v25, v10;
	v25 =	vld [tilespmem:$0x22E0]  }
0xa2: {  	v2 =	vadd.f32 v33, v2;
	v33 =	vld [tilespmem:$0x2300]  }
0xa3: {  	[tilespmem:$0x1F6B0] =	vst v61;
	v61 =	vld [tilespmem:$0x2230]  }
0xa4: {  	v6 =	vadd.f32 v38, v6;
	v10 =	vadd.f32 v41, v10;
	v38 =	vld [tilespmem:$0x2310]  }
0xa5: {  	v41 =	vld [tilespmem:$0x2320];
	v2 =	vadd.f32 v49, v2  }
0xa6: {  	v6 =	vadd.f32 v54, v6;
	v10 =	vadd.f32 v57, v10;
	v49 =	vld [tilespmem:$0x2340]  }
0xa7: {  	v54 =	vld [tilespmem:$0x2350]  }
0xa8: {  	v1 =	vadd.f32 v1, v6;
	v6 =	vadd.f32 v3, v10;
	[tilespmem:$0x1F6C0] =	vst v61;
	v61 =	vld [tilespmem:$0x2240]  }
0xa9: {  	v57 =	vld [tilespmem:$0x2360];
	v0 =	vadd.f32 v0, v2  }
0xaa: {  	v2 =	vadd.f32 v8, v6;
	v6 =	vld [tilespmem:$0x2390]  }
0xab: {  	v0 =	vadd.f32 v5, v0;
	v1 =	vadd.f32 v7, v1;
	v5 =	vld [tilespmem:$0x23B0]  }
0xac: {  	v7 =	vld [tilespmem:$0x23C0]  }
0xad: {  	v0 =	vadd.f32 v11, v0;
	v1 =	vadd.f32 v12, v1;
	[tilespmem:$0x1F6D0] =	vst v61;
	v61 =	vld [tilespmem:$0x2250]  }
0xae: {  	v8 =	vld [tilespmem:$0x23D0]  }
0xaf: {  	v11 =	vld [tilespmem:$0x23F0];
	v0 =	vadd.f32 v16, v0;
	v1 =	vadd.f32 v18, v1  }
0xb0: {  	v2 =	vadd.f32 v13, v2;
	v12 =	vld [tilespmem:$0x2400]  }
0xb1: {  	v13 =	vld [tilespmem:$0x2410];
	v0 =	vadd.f32 v21, v0;
	v1 =	vadd.f32 v23, v1  }
0xb2: {  	[tilespmem:$0x1F6E0] =	vst v61;
	v61 =	vld [tilespmem:$0x2260]  }
0xb3: {  	v16 =	vld [tilespmem:$0x2430];
	v0 =	vadd.f32 v27, v0;
	v1 =	vadd.f32 v28, v1  }
0xb4: {  	v2 =	vadd.f32 v19, v2;
	v18 =	vld [tilespmem:$0x2440]  }
0xb5: {  	v19 =	vld [tilespmem:$0x2450];
	v0 =	vadd.f32 v32, v0;
	v1 =	vadd.f32 v34, v1  }
0xb6: {  	v24 =	vadd.f32 v24, v2;
	v2 =	vld [tilespmem:$0x23A0]  }
0xb7: {  	v0 =	vadd.f32 v37, v0;
	v1 =	vadd.f32 v39, v1;
	[tilespmem:$0x1F6F0] =	vst v61;
	v61 =	vld [tilespmem:$0x2270]  }
0xb8: {  	v21 =	vld [tilespmem:$0x2470]  }
0xb9: {  	v23 =	vld [tilespmem:$0x2480];
	v0 =	vadd.f32 v43, v0;
	v1 =	vadd.f32 v44, v1  }
0xba: {  	v27 =	vld [tilespmem:$0x24B0]  }
0xbb: {  	v28 =	vld [tilespmem:$0x24C0];
	v0 =	vadd.f32 v48, v0;
	v1 =	vadd.f32 v50, v1  }
0xbc: {  	[tilespmem:$0x1F700] =	vst v61;
	v61 =	vld [tilespmem:$0x2280]  }
0xbd: {  	v0 =	vadd.f32 v53, v0;
	v1 =	vadd.f32 v55, v1;
	v53 =	vld [tilespmem:$0x1F490]  }
0xbe: {  	v55 =	vld [tilespmem:$0x1F4A0]  }
0xbf: {  	v1 =	vadd.f32 v59, v1;
	v59 =	vld [tilespmem:$0x1F4D0]  }
0xc0: {  	v0 =	vadd.f32 v60, v0;
	v60 =	vld [tilespmem:$0x1F4E0]  }
0xc1: {  	[tilespmem:$0x1F710] =	vst v61;
	v61 =	vld [tilespmem:$0x2290]  }
0xc2: {  	v32 =	vld [tilespmem:$0x1F510]  }
0xc3: {  	v0 =	vadd.f32 v53, v0;
	v34 =	vld [tilespmem:$0x1F520]  }
0xc4: {  	v1 =	vadd.f32 v55, v1;
	v37 =	vld [tilespmem:$0x1F550]  }
0xc5: {  	v0 =	vadd.f32 v59, v0;
	v39 =	vld [tilespmem:$0x1F560]  }
0xc6: {  	v1 =	vadd.f32 v60, v1;
	[tilespmem:$0x1F720] =	vst v61;
	v61 =	vld [tilespmem:$0x22A0]  }
0xc7: {  	v0 =	vadd.f32 v32, v0;
	v32 =	vld [tilespmem:$0x24F0]  }
0xc8: {  	v1 =	vadd.f32 v34, v1;
	v34 =	vld [tilespmem:$0x2500]  }
0xc9: {  	v0 =	vadd.f32 v37, v0;
	v37 =	vld [tilespmem:$0x2530]  }
0xca: {  	v1 =	vadd.f32 v39, v1;
	v39 =	vld [tilespmem:$0x2540]  }
0xcb: {  	v43 =	vld [tilespmem:$0x1F590];
	[tilespmem:$0x1F730] =	vst v61;
	v61 =	vadd.f32 v46, v30  }
0xcc: {  	v44 =	vld [tilespmem:$0x1F5A0]  }
0xcd: {  	v48 =	vld [tilespmem:$0x1F5D0];
	v62 =	vadd.f32 v62, v61  }
0xce: {  	v50 =	vld [tilespmem:$0x1F5E0]  }
0xcf: {  	v53 =	vld [tilespmem:$0x1F610];
	v10 =	vadd.f32 v4, v62  }
0xd0: {  	v55 =	vld [tilespmem:$0x1F620]  }
0xd1: {  	v59 =	vld [tilespmem:$0x1F650];
	v3 =	vadd.f32 v9, v10  }
0xd2: {  	v30 =	vld [tilespmem:$0x22F0]  }
0xd3: {  	v46 =	vld [tilespmem:$0x2330];
	v3 =	vadd.f32 v15, v3  }
0xd4: {  	v61 =	vld [tilespmem:$0x1F4F0]  }
0xd5: {  	v62 =	vld [tilespmem:$0x2370];
	v3 =	vadd.f32 v20, v3  }
0xd6: {  	v4 =	vadd.f32 v29, v24;
	v24 =	vld [tilespmem:$0x2490]  }
0xd7: {  	v29 =	vld [tilespmem:$0x24D0];
	v3 =	vadd.f32 v26, v3  }
0xd8: {  	v10 =	vld [tilespmem:$0x2380]  }
0xd9: {  	v4 =	vadd.f32 v35, v4;
	v9 =	vld [tilespmem:$0x23E0];
	v3 =	vadd.f32 v31, v3  }
0xda: {  	v35 =	vld [tilespmem:$0x1F530]  }
0xdb: {  	v4 =	vadd.f32 v40, v4;
	v15 =	vld [tilespmem:$0x2420];
	v3 =	vadd.f32 v36, v3  }
0xdc: {  	v40 =	vld [tilespmem:$0x1F570]  }
0xdd: {  	v4 =	vadd.f32 v45, v4;
	v20 =	vld [tilespmem:$0x2460];
	v3 =	vadd.f32 v42, v3  }
0xde: {  	v45 =	vld [tilespmem:$0x1F5B0]  }
0xdf: {  	v4 =	vadd.f32 v51, v4;
	v26 =	vld [tilespmem:$0x24A0];
	v3 =	vadd.f32 v47, v3  }
0xe0: {  	v51 =	vld [tilespmem:$0x1F5F0]  }
0xe1: {  	v4 =	vadd.f32 v58, v4;
	v58 =	vld [tilespmem:$0x1F4C0];
	v3 =	vadd.f32 v52, v3  }
0xe2: {  	v52 =	vld [tilespmem:$0x1F480]  }
0xe3: {  	v3 =	vadd.f32 v56, v3;
	v56 =	vld [tilespmem:$0x1F4B0]  }
0xe4: {  	v31 =	vld [tilespmem:$0x24E0]  }
0xe5: {  	v4 =	vadd.f32 v63, v4;
	v63 =	vld [tilespmem:$0x1F500]  }
0xe6: {  	v36 =	vld [tilespmem:$0x1F540]  }
0xe7: {  	v42 =	vld [tilespmem:$0x1F580];
	v3 =	vadd.f32 v52, v3  }
0xe8: {  	v47 =	vld [tilespmem:$0x1F5C0];
	v4 =	vadd.f32 v56, v4  }
0xe9: {  	v52 =	vld [tilespmem:$0x1F600];
	v3 =	vadd.f32 v58, v3  }
0xea: {  	v56 =	vld [tilespmem:$0x1F630];
	v4 =	vadd.f32 v61, v4  }
0xeb: {  	v58 =	vld [tilespmem:$0x1F640];
	v3 =	vadd.f32 v63, v3  }
0xec: {  	v4 =	vadd.f32 v35, v4;
	v35 =	vld [tilespmem:$0x2510]  }
0xed: {  	v3 =	vadd.f32 v36, v3;
	v36 =	vld [tilespmem:$0x2520]  }
0xee: {  	v4 =	vadd.f32 v40, v4;
	v40 =	vld [tilespmem:$0x2550]  }
0xef: {  	v3 =	vadd.f32 v42, v3;
	v42 =	vld [tilespmem:$0x2560]  }
0xf0: {  	v60 =	vld [tilespmem:$0x1F660]  }
0xf1: {  	v0 =	vadd.f32 v43, v0;
	v43 =	vld [tilespmem:$0x2570]  }
0xf2: {  	v61 =	vld [tilespmem:$0x1F670]  }
0xf3: {  	v63 =	vld [tilespmem:$0x1F680]  }
0xf4: {  	v1 =	vadd.f32 v44, v1;
	v0 =	vadd.f32 v48, v0;
	v44 =	vld [tilespmem:$0x2580]  }
0xf5: {  	v48 =	vld [tilespmem:$0x1F690]  }
0xf6: {  	v1 =	vadd.f32 v50, v1;
	v0 =	vadd.f32 v53, v0;
	v50 =	vld [tilespmem:$0x1F6A0]  }
0xf7: {  	v53 =	vld [tilespmem:$0x1F6D0]  }
0xf8: {  	v1 =	vadd.f32 v55, v1;
	v0 =	vadd.f32 v59, v0;
	v55 =	vld [tilespmem:$0x1F6E0]  }
0xf9: {  	v59 =	vld [tilespmem:$0x1F710];
	v4 =	vadd.f32 v45, v4;
	v3 =	vadd.f32 v47, v3  }
0xfa: {  	v45 =	vld [tilespmem:$0x2590]  }
0xfb: {  	v4 =	vadd.f32 v51, v4;
	v3 =	vadd.f32 v52, v3;
	v51 =	vld [tilespmem:$0x1F6B0]  }
0xfc: {  	v52 =	vld [tilespmem:$0x1F6C0]  }
0xfd: {  	v4 =	vadd.f32 v56, v4;
	v3 =	vadd.f32 v58, v3;
	v56 =	vld [tilespmem:$0x1F6F0]  }
0xfe: {  	v1 =	vadd.f32 v60, v1;
	v58 =	vld [tilespmem:$0x1F700]  }
0xff: {  	v60 =	vld [tilespmem:$0x1F720];
	v4 =	vadd.f32 v61, v4;
	v3 =	vadd.f32 v63, v3  }
0x100: {  	v0 =	vadd.f32 v48, v0;
	v1 =	vadd.f32 v50, v1;
	v61 =	vld [tilespmem:$0x1F730]  }
0x101: {  	v47 =	vld [tilespmem:$0x25A0];
	v4 =	vadd.f32 v51, v4;
	v3 =	vadd.f32 v52, v3  }
0x102: {  	v48 =	vld [tilespmem:$0x25B0];
	v0 =	vadd.f32 v53, v0;
	v1 =	vadd.f32 v55, v1  }
0x103: {  	v50 =	vld [tilespmem:$0x25C0];
	v4 =	vadd.f32 v56, v4;
	v3 =	vadd.f32 v58, v3  }
0x104: {  	v53 =	vld [tilespmem:$0x26E0];
	v0 =	vadd.f32 v59, v0;
	v1 =	vadd.f32 v60, v1  }
0x105: {  	v63 =	vld [tilespmem:$0x25F0];
	v4 =	vadd.f32 v61, v4;
	v3 =	vadd.f32 v14, v3  }
0x106: {  	v55 =	vld [tilespmem:$0x2700];
	v0 =	vadd.f32 v17, v0;
	v1 =	vadd.f32 v22, v1  }
0x107: {  	v59 =	vld [tilespmem:$0x2740];
	v4 =	vadd.f32 v25, v4;
	v3 =	vadd.f32 v30, v3  }
0x108: {  	v51 =	vld [tilespmem:$0x25D0];
	v0 =	vadd.f32 v33, v0;
	v1 =	vadd.f32 v38, v1  }
0x109: {  	v52 =	vld [tilespmem:$0x26D0];
	v4 =	vadd.f32 v41, v4;
	v3 =	vadd.f32 v46, v3  }
0x10a: {  	v60 =	vld [tilespmem:$0x2750];
	v0 =	vadd.f32 v49, v0;
	v1 =	vadd.f32 v54, v1  }
0x10b: {  	v56 =	vld [tilespmem:$0x2710];
	v4 =	vadd.f32 v57, v4;
	v3 =	vadd.f32 v62, v3  }
0x10c: {  	v58 =	vld [tilespmem:$0x2730];
	v0 =	vadd.f32 v10, v0;
	v1 =	vadd.f32 v6, v1  }
0x10d: {  	v22 =	vld [tilespmem:$0x2600];
	v2 =	vadd.f32 v2, v4;
	v3 =	vadd.f32 v5, v3  }
0x10e: {  	v33 =	vld [tilespmem:$0x2630];
	v0 =	vadd.f32 v7, v0;
	v1 =	vadd.f32 v8, v1  }
0x10f: {  	v14 =	vld [tilespmem:$0x25E0];
	v2 =	vadd.f32 v9, v2;
	v3 =	vadd.f32 v11, v3  }
0x110: {  	v61 =	vld [tilespmem:$0x2760];
	v0 =	vadd.f32 v12, v0;
	v1 =	vadd.f32 v13, v1  }
0x111: {  	v38 =	vld [tilespmem:$0x2640];
	v2 =	vadd.f32 v15, v2;
	v3 =	vadd.f32 v16, v3  }
0x112: {  	v49 =	vld [tilespmem:$0x26C0];
	v0 =	vadd.f32 v18, v0;
	v1 =	vadd.f32 v19, v1  }
0x113: {  	v25 =	vld [tilespmem:$0x2610];
	v2 =	vadd.f32 v20, v2;
	v3 =	vadd.f32 v21, v3  }
0x114: {  	v30 =	vld [tilespmem:$0x2620];
	v0 =	vadd.f32 v23, v0;
	v1 =	vadd.f32 v24, v1  }
0x115: {  	v54 =	vld [tilespmem:$0x26F0];
	v2 =	vadd.f32 v26, v2;
	v3 =	vadd.f32 v27, v3  }
0x116: {  	v41 =	vld [tilespmem:$0x26A0];
	v0 =	vadd.f32 v28, v0;
	v1 =	vadd.f32 v29, v1  }
0x117: {  	v46 =	vld [tilespmem:$0x26B0];
	v2 =	vadd.f32 v31, v2;
	v3 =	vadd.f32 v32, v3  }
0x118: {  	v6 =	vld [tilespmem:$0x2650];
	v0 =	vadd.f32 v34, v0;
	v1 =	vadd.f32 v35, v1  }
0x119: {  	v7 =	vld [tilespmem:$0x2680];
	v2 =	vadd.f32 v36, v2;
	v3 =	vadd.f32 v37, v3  }
0x11a: {  	v57 =	vld [tilespmem:$0x2720];
	v0 =	vadd.f32 v39, v0;
	v1 =	vadd.f32 v40, v1  }
0x11b: {  	v62 =	vld [tilespmem:$0x2770];
	v2 =	vadd.f32 v42, v2;
	v3 =	vadd.f32 v43, v3  }
0x11c: {  	v8 =	vld [tilespmem:$0x2690];
	v0 =	vadd.f32 v44, v0;
	v1 =	vadd.f32 v45, v1  }
0x11d: {  	v4 =	vld [tilespmem:$0x2660];
	v2 =	vadd.f32 v47, v2;
	v3 =	vadd.f32 v48, v3  }
0x11e: {  	v5 =	vld [tilespmem:$0x2670];
	v0 =	vadd.f32 v50, v0;
	v1 =	vadd.f32 v51, v1  }
0x11f: {  	v28 =	vld [tilespmem:$0x27B0];
	v2 =	vadd.f32 v14, v2;
	v3 =	vadd.f32 v63, v3  }
0x120: {  	v29 =	vld [tilespmem:$0x27C0];
	v0 =	vadd.f32 v22, v0;
	v1 =	vadd.f32 v25, v1  }
0x121: {  	v34 =	vld [tilespmem:$0x2810];
	v2 =	vadd.f32 v30, v2;
	v3 =	vadd.f32 v33, v3  }
0x122: {  	v27 =	vld [tilespmem:$0x27A0];
	v0 =	vadd.f32 v38, v0;
	v1 =	vadd.f32 v6, v1  }
0x123: {  	v35 =	vld [tilespmem:$0x2820];
	v2 =	vadd.f32 v4, v2;
	v3 =	vadd.f32 v5, v3  }
0x124: {  	v39 =	vld [tilespmem:$0x2860];
	v0 =	vadd.f32 v7, v0;
	v1 =	vadd.f32 v8, v1  }
0x125: {  	v31 =	vld [tilespmem:$0x27E0];
	v2 =	vadd.f32 v41, v2;
	v3 =	vadd.f32 v46, v3  }
0x126: {  	v25 =	vld [tilespmem:$0x2790];
	v0 =	vadd.f32 v49, v0;
	v1 =	vadd.f32 v52, v1  }
0x127: {  	v63 =	vld [tilespmem:$0x2780];
	v2 =	vadd.f32 v53, v2;
	v3 =	vadd.f32 v54, v3  }
0x128: {  	v32 =	vld [tilespmem:$0x27F0];
	v0 =	vadd.f32 v55, v0;
	v1 =	vadd.f32 v56, v1  }
0x129: {  	v30 =	vld [tilespmem:$0x27D0];
	v2 =	vadd.f32 v57, v2;
	v3 =	vadd.f32 v58, v3  }
0x12a: {  	v36 =	vld [tilespmem:$0x2830];
	v0 =	vadd.f32 v59, v0;
	v1 =	vadd.f32 v60, v1  }
0x12b: {  	v33 =	vld [tilespmem:$0x2800];
	v2 =	vadd.f32 v61, v2;
	v3 =	vadd.f32 v62, v3  }
0x12c: {  	v37 =	vld [tilespmem:$0x2840];
	v0 =	vadd.f32 v63, v0;
	v1 =	vadd.f32 v25, v1  }
0x12d: {  	v38 =	vld [tilespmem:$0x2850];
	v2 =	vadd.f32 v27, v2;
	v3 =	vadd.f32 v28, v3  }
0x12e: {  	v40 =	vld [tilespmem:$0x2870];
	v0 =	vadd.f32 v29, v0;
	v1 =	vadd.f32 v30, v1  }
0x12f: {  	v2 =	vadd.f32 v31, v2;
	v3 =	vadd.f32 v32, v3  }
0x130: {  	v0 =	vadd.f32 v33, v0;
	v1 =	vadd.f32 v34, v1  }
0x131: {  	v2 =	vadd.f32 v35, v2;
	v3 =	vadd.f32 v36, v3  }
0x132: {  	v0 =	vadd.f32 v37, v0;
	v1 =	vadd.f32 v38, v1  }
0x133: {  	v2 =	vadd.f32 v39, v2;
	v3 =	vadd.f32 v40, v3;
	_ =	sdelay $0x1  }
0x134: {  	v41 =	vadd.f32 v1, v0;
	v42 =	vadd.f32 v3, v2;
	_ =	sdelay $0x1  }
0x135: {  	v4 =	vadd.f32 v42, v41;
	_ =	sdelay $0x1  }
0x136: {  	(xrf2) =	vadd.scan.msk.f32 $0xffff, v4;
	_ =	sdelay $0x9  }
0x137: {  	v43 =	vimm.s32 $0xF;
	v4, _, _ =	vpop (xrf2)  }
0x138: {  	v4 =	vperm.xlane v4, v43;
	_ =	sdelay $0x1  }
0x139: {  	v4 =	vmul.f32 $1.562500000e-02, v4;
	_ =	sdelay $0x1  }
0x13a: {  	v0 =	vsub.f32 v0, v4;
	v1 =	vsub.f32 v1, v4  }
0x13b: {  	v2 =	vsub.f32 v2, v4;
	v3 =	vsub.f32 v3, v4  }
0x13c: {  	v45 =	vmul.f32 v0, v0;
	v46 =	vmul.f32 v1, v1  }
0x13d: {  	v47 =	vmul.f32 v2, v2;
	v48 =	vmul.f32 v3, v3;
	_ =	sdelay $0x1  }
0x13e: {  	v4 =	vadd.f32 v46, v45;
	v49 =	vadd.f32 v48, v47;
	_ =	sdelay $0x1  }
0x13f: {  	v4 =	vadd.f32 v49, v4;
	_ =	sdelay $0x1  }
0x140: {  	(xrf2) =	vadd.scan.msk.f32 $0xffff, v4;
	_ =	sdelay $0x9  }
0x141: {  	v44 =	vimm.s32 $0xF;
	v4, _, _ =	vpop (xrf2)  }
0x142: {  	v4 =	vperm.xlane v4, v44;
	_ =	sdelay $0x1  }
0x143: {  	v4 =	vmul.f32 $1.562500000e-02, v4;
	_ =	sdelay $0x1  }
0x144: {  	v4 =	vadd.f32 $9.999999960e-13, v4;
	_ =	sdelay $0x1  }
0x145: {  	v50 =	vshra.s32 v4, $0x1;
	v4 =	vmul.f32 $5.000000000e-01, v4  }
0x146: {  	v5 =	vsub.s32 $0x5F3759DF, v50  }
0x147: {  	v51 =	vmul.f32 v5, v4;
	_ =	sdelay $0x1  }
0x148: {  	v6 =	vmul.f32 v5, v51;
	_ =	sdelay $0x1  }
0x149: {  	v6 =	vsub.f32 $1.500000000e+00, v6;
	_ =	sdelay $0x1  }
0x14a: {  	v5 =	vmul.f32 v5, v6;
	_ =	sdelay $0x1  }
0x14b: {  	v6 =	vmul.f32 v5, v4;
	_ =	sdelay $0x1  }
0x14c: {  	v6 =	vmul.f32 v6, v5;
	_ =	sdelay $0x1  }
0x14d: {  	v6 =	vsub.f32 $1.500000000e+00, v6;
	_ =	sdelay $0x1  }
0x14e: {  	v5 =	vmul.f32 v6, v5;
	_ =	sdelay $0x1  }
0x14f: {  	v4 =	vmul.f32 v5, v4;
	_ =	sdelay $0x1  }
0x150: {  	v4 =	vmul.f32 v4, v5  }
0x151: {  	v52 =	vld [tilespmem:$0x1FF80]  }
0x152: {  	v55 =	vld [tilespmem:$0x1FFA0];
	v4 =	vsub.f32 $1.500000000e+00, v4  }
0x153: {  	v56 =	vld [tilespmem:$0x1FFD0]  }
0x154: {  	v53 =	vld [tilespmem:$0x1FF90];
	v4 =	vmul.f32 v4, v5  }
0x155: {  	v54 =	vld [tilespmem:$0x1FFC0]  }
0x156: {  	v57 =	vld [tilespmem:$0x1FFB0];
	v0 =	vmul.f32 v4, v0  }
0x157: {  	v58 =	vld [tilespmem:$0x1FFE0];
	v1 =	vmul.f32 v4, v1  }
0x158: {  	v59 =	vld [tilespmem:$0x1FFF0];
	v2 =	vmul.f32 v4, v2;
	v0 =	vmul.f32 v0, v52  }
0x159: {  	v3 =	vmul.f32 v4, v3;
	v1 =	vmul.f32 v1, v53  }
0x15a: {  	v2 =	vmul.f32 v2, v55;
	v0 =	vadd.f32 v0, v54  }
0x15b: {  	v3 =	vmul.f32 v3, v57;
	v1 =	vadd.f32 v1, v56  }
0x15c: {  	[tilespmem:s28+$0xFFFFFF80] =	vst v0;
	v0 =	vadd.f32 v2, v58  }
0x15d: {  	p0 =	seq.s32 s26, $0x0;
	[tilespmem:s28+$0xFFFFFF90] =	vst v1;
	v1 =	vadd.f32 v3, v59  }
0x15e: {  	s29 =	sshra.s32 @!p0 s26, $0x2;
	[tilespmem:s28+$0xFFFFFFA0] =	vst v0  }
0x15f: {  	s30 =	simm.s32 @!p0 $0x32;
	s2 =	simm.s32 @!p0 $0x1C00;
	s31 =	sadd.s32 @!p0 $0x1C00, s29;
	[tilespmem:s28+$0xFFFFFFB0] =	vst v1  }
0x160: {  	[tilespmem:s2], [sflag:$0x1] =	stream.indirect.gather @!p0 [hbm4b:s5+s30], $0x40, s31, s30, $0xb8;
	[tilespmem:$0x6E80] =	vst v63  }
0x161: {  	_ =	swait.ge [sflag:s21], $0xC80  }
0x162: {  	[sflag:s21] =	ssyncset.done $0x0  }
0x163: {  	[sflag:s21] =	ssyncadd.s32 $0xFFFFF380  }
0x164: {  	v60 =	vld [tilespmem:$0x2C70];
	_ =	sdelay $0x4  }
0x165: {  	[tilespmem:$0x1F740] =	vst v60;
	v60 =	vld [tilespmem:$0x2C80];
	_ =	sdelay $0x4  }
0x166: {  	[tilespmem:$0x1F750] =	vst v60;
	v60 =	vld [tilespmem:$0x2C90];
	_ =	sdelay $0x4  }
0x167: {  	[tilespmem:$0x1F760] =	vst v60;
	v60 =	vld [tilespmem:$0x2CA0];
	_ =	sdelay $0x4  }
0x168: {  	[tilespmem:$0x1F770] =	vst v60;
	v60 =	vld [tilespmem:$0x2CB0];
	_ =	sdelay $0x4  }
0x169: {  	[tilespmem:$0x1F780] =	vst v60;
	v60 =	vld [tilespmem:$0x2CC0];
	_ =	sdelay $0x4  }
0x16a: {  	[tilespmem:$0x1F790] =	vst v60;
	v60 =	vld [tilespmem:$0x2CD0];
	_ =	sdelay $0x4  }
0x16b: {  	[tilespmem:$0x1F7A0] =	vst v60;
	v60 =	vld [tilespmem:$0x2CE0];
	_ =	sdelay $0x4  }
0x16c: {  	[tilespmem:$0x1F7B0] =	vst v60;
	v60 =	vld [tilespmem:$0x2CF0];
	_ =	sdelay $0x4  }
0x16d: {  	[tilespmem:$0x1F7C0] =	vst v60;
	v60 =	vld [tilespmem:$0x2D00];
	_ =	sdelay $0x4  }
0x16e: {  	[tilespmem:$0x1F7D0] =	vst v60;
	v60 =	vld [tilespmem:$0x2D10];
	_ =	sdelay $0x4  }
0x16f: {  	[tilespmem:$0x1F7E0] =	vst v60;
	v60 =	vld [tilespmem:$0x2D20];
	_ =	sdelay $0x4  }
0x170: {  	[tilespmem:$0x1F7F0] =	vst v60;
	v60 =	vld [tilespmem:$0x2D30];
	_ =	sdelay $0x4  }
0x171: {  	[tilespmem:$0x1F800] =	vst v60;
	v60 =	vld [tilespmem:$0x2D40];
	_ =	sdelay $0x4  }
0x172: {  	[tilespmem:$0x1F810] =	vst v60;
	v60 =	vld [tilespmem:$0x2D50];
	_ =	sdelay $0x4  }
0x173: {  	[tilespmem:$0x1F820] =	vst v60;
	v60 =	vld [tilespmem:$0x2D60];
	_ =	sdelay $0x4  }
0x174: {  	[tilespmem:$0x1F830] =	vst v60;
	v60 =	vld [tilespmem:$0x2D70];
	_ =	sdelay $0x4  }
0x175: {  	[tilespmem:$0x1F840] =	vst v60;
	v60 =	vld [tilespmem:$0x2D80];
	_ =	sdelay $0x4  }
0x176: {  	[tilespmem:$0x1F850] =	vst v60;
	v60 =	vld [tilespmem:$0x2D90];
	_ =	sdelay $0x4  }
0x177: {  	[tilespmem:$0x1F860] =	vst v60;
	v60 =	vld [tilespmem:$0x2DA0];
	_ =	sdelay $0x4  }
0x178: {  	[tilespmem:$0x1F870] =	vst v60;
	v60 =	vld [tilespmem:$0x2DB0];
	_ =	sdelay $0x2  }
0x179: {  	v2 =	vld [tilespmem:$0x2880]  }
0x17a: {  	v6 =	vld [tilespmem:$0x2890]  }
0x17b: {  	[tilespmem:$0x1F880] =	vst v60;
	v60 =	vld [tilespmem:$0x2DC0]  }
0x17c: {  	v17 =	vld [tilespmem:$0x28A0]  }
0x17d: {  	v22 =	vld [tilespmem:$0x28B0]  }
0x17e: {  	v14 =	vld [tilespmem:$0x28C0]  }
0x17f: {  	v25 =	vld [tilespmem:$0x28D0]  }
0x180: {  	[tilespmem:$0x1F890] =	vst v60;
	v60 =	vld [tilespmem:$0x2DD0]  }
0x181: {  	v30 =	vld [tilespmem:$0x28E0]  }
0x182: {  	v33 =	vld [tilespmem:$0x28F0]  }
0x183: {  	v38 =	vld [tilespmem:$0x2900]  }
0x184: {  	v41 =	vld [tilespmem:$0x2910]  }
0x185: {  	[tilespmem:$0x1F8A0] =	vst v60;
	v60 =	vld [tilespmem:$0x2DE0]  }
0x186: {  	v46 =	vld [tilespmem:$0x2920]  }
0x187: {  	v49 =	vld [tilespmem:$0x2930]  }
0x188: {  	v54 =	vld [tilespmem:$0x2940]  }
0x189: {  	v57 =	vld [tilespmem:$0x2950]  }
0x18a: {  	[tilespmem:$0x1F8B0] =	vst v60;
	v60 =	vld [tilespmem:$0x2DF0]  }
0x18b: {  	v62 =	vld [tilespmem:$0x2960]  }
0x18c: {  	v63 =	vld [tilespmem:$0x2970]  }
0x18d: {  	v0 =	vld [tilespmem:$0x2980]  }
0x18e: {  	v1 =	vld [tilespmem:$0x2990]  }
0x18f: {  	[tilespmem:$0x1F8C0] =	vst v60;
	v60 =	vld [tilespmem:$0x2E00]  }
0x190: {  	v3 =	vld [tilespmem:$0x29A0]  }
0x191: {  	v4 =	vld [tilespmem:$0x29B0]  }
0x192: {  	v5 =	vld [tilespmem:$0x29C0]  }
0x193: {  	v7 =	vld [tilespmem:$0x29D0]  }
0x194: {  	[tilespmem:$0x1F8D0] =	vst v60;
	v60 =	vld [tilespmem:$0x2E10]  }
0x195: {  	v8 =	vld [tilespmem:$0x29E0]  }
0x196: {  	v9 =	vld [tilespmem:$0x29F0]  }
0x197: {  	v10 =	vld [tilespmem:$0x2A00]  }
0x198: {  	v11 =	vld [tilespmem:$0x2A10]  }
0x199: {  	[tilespmem:$0x1F8E0] =	vst v60;
	v60 =	vld [tilespmem:$0x2E20]  }
0x19a: {  	v12 =	vld [tilespmem:$0x2A20]  }
0x19b: {  	v13 =	vld [tilespmem:$0x2A30]  }
0x19c: {  	v15 =	vld [tilespmem:$0x2A40]  }
0x19d: {  	v16 =	vld [tilespmem:$0x2A50]  }
0x19e: {  	[tilespmem:$0x1F8F0] =	vst v60;
	v60 =	vld [tilespmem:$0x2E30]  }
0x19f: {  	v18 =	vld [tilespmem:$0x2A60]  }
0x1a0: {  	v19 =	vld [tilespmem:$0x2A70]  }
0x1a1: {  	v20 =	vld [tilespmem:$0x2A80]  }
0x1a2: {  	v21 =	vld [tilespmem:$0x2A90]  }
0x1a3: {  	[tilespmem:$0x1F900] =	vst v60;
	v60 =	vld [tilespmem:$0x2E40]  }
0x1a4: {  	v23 =	vld [tilespmem:$0x2AA0]  }
0x1a5: {  	v24 =	vld [tilespmem:$0x2AB0]  }
0x1a6: {  	v26 =	vld [tilespmem:$0x2AC0]  }
0x1a7: {  	v27 =	vld [tilespmem:$0x2AD0]  }
0x1a8: {  	[tilespmem:$0x1F910] =	vst v60;
	v60 =	vld [tilespmem:$0x2E50]  }
0x1a9: {  	v28 =	vld [tilespmem:$0x2AE0]  }
0x1aa: {  	v29 =	vld [tilespmem:$0x2AF0]  }
0x1ab: {  	v31 =	vld [tilespmem:$0x2B00]  }
0x1ac: {  	v32 =	vld [tilespmem:$0x2B10]  }
0x1ad: {  	[tilespmem:$0x1F920] =	vst v60;
	v60 =	vld [tilespmem:$0x2E60]  }
0x1ae: {  	v34 =	vld [tilespmem:$0x2B20]  }
0x1af: {  	v35 =	vld [tilespmem:$0x2B30]  }
0x1b0: {  	v36 =	vld [tilespmem:$0x2B40]  }
0x1b1: {  	v37 =	vld [tilespmem:$0x2B50]  }
0x1b2: {  	[tilespmem:$0x1F930] =	vst v60;
	v60 =	vld [tilespmem:$0x2E70]  }
0x1b3: {  	v39 =	vld [tilespmem:$0x2B60]  }
0x1b4: {  	v40 =	vld [tilespmem:$0x2B70]  }
0x1b5: {  	v42 =	vld [tilespmem:$0x2B80]  }
0x1b6: {  	v43 =	vld [tilespmem:$0x2B90]  }
0x1b7: {  	[tilespmem:$0x1F940] =	vst v60;
	v60 =	vld [tilespmem:$0x2E80]  }
0x1b8: {  	v44 =	vld [tilespmem:$0x2BA0]  }
0x1b9: {  	v45 =	vld [tilespmem:$0x2BB0]  }
0x1ba: {  	v47 =	vld [tilespmem:$0x2BC0]  }
0x1bb: {  	v48 =	vld [tilespmem:$0x2BD0]  }
0x1bc: {  	[tilespmem:$0x1F950] =	vst v60;
	v60 =	vld [tilespmem:$0x2E90]  }
0x1bd: {  	v50 =	vld [tilespmem:$0x2BE0]  }
0x1be: {  	v51 =	vld [tilespmem:$0x2BF0]  }
0x1bf: {  	v52 =	vld [tilespmem:$0x2C00]  }
0x1c0: {  	v53 =	vld [tilespmem:$0x2C10]  }
0x1c1: {  	[tilespmem:$0x1F960] =	vst v60;
	v60 =	vld [tilespmem:$0x2EA0]  }
0x1c2: {  	v56 =	vld [tilespmem:$0x2C20];
	v6 =	vadd.f32 v25, v6  }
0x1c3: {  	v55 =	vld [tilespmem:$0x2C30]  }
0x1c4: {  	v59 =	vld [tilespmem:$0x2C40];
	v2 =	vadd.f32 v14, v2;
	v6 =	vadd.f32 v41, v6  }
0x1c5: {  	v58 =	vld [tilespmem:$0x2C50]  }
0x1c6: {  	v2 =	vadd.f32 v38, v2;
	v6 =	vadd.f32 v57, v6;
	[tilespmem:$0x1F970] =	vst v60;
	v60 =	vld [tilespmem:$0x2EB0]  }
0x1c7: {  	v61 =	vld [tilespmem:$0x2C60]  }
0x1c8: {  	v14 =	vld [tilespmem:$0x2F30];
	v2 =	vadd.f32 v54, v2;
	v1 =	vadd.f32 v1, v6  }
0x1c9: {  	v25 =	vadd.f32 v30, v17;
	v17 =	vld [tilespmem:$0x2F40]  }
0x1ca: {  	v30 =	vld [tilespmem:$0x2F70];
	v0 =	vadd.f32 v0, v2;
	v1 =	vadd.f32 v7, v1  }
0x1cb: {  	v46 =	vadd.f32 v46, v25;
	[tilespmem:$0x1F980] =	vst v60;
	v60 =	vld [tilespmem:$0x2EC0]  }
0x1cc: {  	v25 =	vld [tilespmem:$0x2F60];
	v0 =	vadd.f32 v5, v0;
	v1 =	vadd.f32 v11, v1  }
0x1cd: {  	v38 =	vld [tilespmem:$0x2F90]  }
0x1ce: {  	v41 =	vld [tilespmem:$0x2FA0];
	v0 =	vadd.f32 v10, v0;
	v1 =	vadd.f32 v16, v1  }
0x1cf: {  	v54 =	vld [tilespmem:$0x2FD0]  }
0x1d0: {  	v0 =	vadd.f32 v15, v0;
	v1 =	vadd.f32 v21, v1;
	[tilespmem:$0x1F990] =	vst v60;
	v60 =	vld [tilespmem:$0x2ED0]  }
0x1d1: {  	v57 =	vld [tilespmem:$0x2FE0]  }
0x1d2: {  	v5 =	vld [tilespmem:$0x3030];
	v0 =	vadd.f32 v20, v0;
	v1 =	vadd.f32 v27, v1  }
0x1d3: {  	v7 =	vld [tilespmem:$0x3040]  }
0x1d4: {  	v10 =	vld [tilespmem:$0x3070];
	v0 =	vadd.f32 v26, v0;
	v1 =	vadd.f32 v32, v1  }
0x1d5: {  	[tilespmem:$0x1F9A0] =	vst v60;
	v60 =	vld [tilespmem:$0x2EE0]  }
0x1d6: {  	v11 =	vld [tilespmem:$0x3080];
	v0 =	vadd.f32 v31, v0;
	v1 =	vadd.f32 v37, v1  }
0x1d7: {  	v15 =	vld [tilespmem:$0x30B0]  }
0x1d8: {  	v16 =	vld [tilespmem:$0x30C0];
	v0 =	vadd.f32 v36, v0;
	v1 =	vadd.f32 v43, v1  }
0x1d9: {  	v20 =	vld [tilespmem:$0x30F0]  }
0x1da: {  	v0 =	vadd.f32 v42, v0;
	v1 =	vadd.f32 v48, v1;
	[tilespmem:$0x1F9B0] =	vst v60;
	v60 =	vld [tilespmem:$0x2EF0]  }
0x1db: {  	v21 =	vld [tilespmem:$0x3100]  }
0x1dc: {  	v26 =	vld [tilespmem:$0x3130];
	v0 =	vadd.f32 v47, v0;
	v1 =	vadd.f32 v53, v1  }
0x1dd: {  	v27 =	vld [tilespmem:$0x3140]  }
0x1de: {  	v0 =	vadd.f32 v52, v0;
	v1 =	vadd.f32 v58, v1;
	v58 =	vld [tilespmem:$0x1F750]  }
0x1df: {  	[tilespmem:$0x1F9C0] =	vst v60;
	v60 =	vld [tilespmem:$0x2F00]  }
0x1e0: {  	v0 =	vadd.f32 v59, v0;
	v59 =	vld [tilespmem:$0x1F760]  }
0x1e1: {  	v31 =	vld [tilespmem:$0x1F7B0]  }
0x1e2: {  	v32 =	vld [tilespmem:$0x1F7C0]  }
0x1e3: {  	v36 =	vld [tilespmem:$0x1F7F0]  }
0x1e4: {  	[tilespmem:$0x1F9D0] =	vst v60;
	v60 =	vld [tilespmem:$0x2F10]  }
0x1e5: {  	v37 =	vld [tilespmem:$0x1F800]  }
0x1e6: {  	v42 =	vld [tilespmem:$0x1F830]  }
0x1e7: {  	v43 =	vld [tilespmem:$0x1F840]  }
0x1e8: {  	v47 =	vld [tilespmem:$0x1F870]  }
0x1e9: {  	[tilespmem:$0x1F9E0] =	vst v60;
	v60 =	vld [tilespmem:$0x2F20]  }
0x1ea: {  	v48 =	vld [tilespmem:$0x1F880]  }
0x1eb: {  	v52 =	vld [tilespmem:$0x1F8B0]  }
0x1ec: {  	v53 =	vld [tilespmem:$0x1F8C0]  }
0x1ed: {  	v0 =	vadd.f32 v58, v0;
	v58 =	vld [tilespmem:$0x1F8F0]  }
0x1ee: {  	v1 =	vadd.f32 v59, v1;
	v59 =	vld [tilespmem:$0x1F900];
	[tilespmem:$0x1F9F0] =	vst v60;
	v60 =	vadd.f32 v33, v22  }
0x1ef: {  	v22 =	vld [tilespmem:$0x2F50]  }
0x1f0: {  	v33 =	vld [tilespmem:$0x2F80];
	v49 =	vadd.f32 v49, v60  }
0x1f1: {  	v60 =	vadd.f32 v62, v46;
	v46 =	vld [tilespmem:$0x2FB0]  }
0x1f2: {  	v62 =	vadd.f32 v63, v49;
	v49 =	vld [tilespmem:$0x2FC0]  }
0x1f3: {  	v63 =	vadd.f32 v3, v60;
	v60 =	vld [tilespmem:$0x1F770]  }
0x1f4: {  	v6 =	vadd.f32 v4, v62;
	v62 =	vld [tilespmem:$0x2FF0]  }
0x1f5: {  	v2 =	vadd.f32 v8, v63;
	v63 =	vld [tilespmem:$0x3000]  }
0x1f6: {  	v8 =	vld [tilespmem:$0x3050]  }
0x1f7: {  	v3 =	vadd.f32 v9, v6;
	v6 =	vld [tilespmem:$0x3010]  }
0x1f8: {  	v2 =	vadd.f32 v12, v2;
	v9 =	vld [tilespmem:$0x3060]  }
0x1f9: {  	v12 =	vld [tilespmem:$0x3090]  }
0x1fa: {  	v3 =	vadd.f32 v13, v3;
	v2 =	vadd.f32 v18, v2;
	v13 =	vld [tilespmem:$0x30A0]  }
0x1fb: {  	v18 =	vld [tilespmem:$0x30D0]  }
0x1fc: {  	v23 =	vadd.f32 v23, v2;
	v2 =	vld [tilespmem:$0x3020]  }
0x1fd: {  	v3 =	vadd.f32 v19, v3;
	v19 =	vld [tilespmem:$0x30E0]  }
0x1fe: {  	v4 =	vadd.f32 v28, v23;
	v23 =	vld [tilespmem:$0x3110]  }
0x1ff: {  	v3 =	vadd.f32 v24, v3;
	v24 =	vld [tilespmem:$0x3120]  }
0x200: {  	v28 =	vld [tilespmem:$0x1F790]  }
0x201: {  	v3 =	vadd.f32 v29, v3;
	v29 =	vld [tilespmem:$0x1F7A0]  }
0x202: {  	v4 =	vadd.f32 v34, v4;
	v34 =	vld [tilespmem:$0x1F7D0]  }
0x203: {  	v3 =	vadd.f32 v35, v3;
	v35 =	vld [tilespmem:$0x1F7E0]  }
0x204: {  	v4 =	vadd.f32 v39, v4;
	v39 =	vld [tilespmem:$0x1F810]  }
0x205: {  	v0 =	vadd.f32 v28, v0;
	v28 =	vld [tilespmem:$0x3150]  }
0x206: {  	v3 =	vadd.f32 v40, v3;
	v40 =	vld [tilespmem:$0x1F820]  }
0x207: {  	v4 =	vadd.f32 v44, v4;
	v44 =	vld [tilespmem:$0x1F850]  }
0x208: {  	v1 =	vadd.f32 v29, v1;
	v29 =	vld [tilespmem:$0x3160]  }
0x209: {  	v0 =	vadd.f32 v34, v0;
	v34 =	vld [tilespmem:$0x3190]  }
0x20a: {  	v3 =	vadd.f32 v45, v3;
	v45 =	vld [tilespmem:$0x1F860]  }
0x20b: {  	v4 =	vadd.f32 v50, v4;
	v50 =	vld [tilespmem:$0x1F890]  }
0x20c: {  	v1 =	vadd.f32 v35, v1;
	v35 =	vld [tilespmem:$0x31A0]  }
0x20d: {  	v0 =	vadd.f32 v39, v0;
	v39 =	vld [tilespmem:$0x31D0]  }
0x20e: {  	v4 =	vadd.f32 v56, v4;
	v56 =	vld [tilespmem:$0x1F740]  }
0x20f: {  	v3 =	vadd.f32 v51, v3;
	v51 =	vld [tilespmem:$0x1F8A0]  }
0x210: {  	v1 =	vadd.f32 v40, v1;
	v40 =	vld [tilespmem:$0x31E0]  }
0x211: {  	v0 =	vadd.f32 v44, v0;
	v44 =	vld [tilespmem:$0x3210]  }
0x212: {  	v4 =	vadd.f32 v61, v4;
	v61 =	vld [tilespmem:$0x1F780]  }
0x213: {  	v3 =	vadd.f32 v55, v3;
	v55 =	vld [tilespmem:$0x1F8D0]  }
0x214: {  	v1 =	vadd.f32 v45, v1;
	v45 =	vld [tilespmem:$0x1F930]  }
0x215: {  	v0 =	vadd.f32 v50, v0;
	v50 =	vld [tilespmem:$0x1F960]  }
0x216: {  	v4 =	vadd.f32 v60, v4;
	v60 =	vld [tilespmem:$0x1F910]  }
0x217: {  	v3 =	vadd.f32 v56, v3;
	v56 =	vld [tilespmem:$0x1F8E0]  }
0x218: {  	v1 =	vadd.f32 v51, v1;
	v51 =	vld [tilespmem:$0x1F970]  }
0x219: {  	v4 =	vadd.f32 v31, v4;
	v31 =	vld [tilespmem:$0x3170]  }
0x21a: {  	v3 =	vadd.f32 v61, v3;
	v61 =	vld [tilespmem:$0x1F920]  }
0x21b: {  	v0 =	vadd.f32 v55, v0;
	v55 =	vld [tilespmem:$0x1F9A0]  }
0x21c: {  	v4 =	vadd.f32 v36, v4;
	v36 =	vld [tilespmem:$0x31B0];
	v3 =	vadd.f32 v32, v3  }
0x21d: {  	v32 =	vld [tilespmem:$0x3180]  }
0x21e: {  	v0 =	vadd.f32 v60, v0;
	v60 =	vld [tilespmem:$0x1F9E0];
	v3 =	vadd.f32 v37, v3  }
0x21f: {  	v4 =	vadd.f32 v42, v4;
	v42 =	vld [tilespmem:$0x31F0]  }
0x220: {  	v1 =	vadd.f32 v56, v1;
	v56 =	vld [tilespmem:$0x1F9B0];
	v3 =	vadd.f32 v43, v3  }
0x221: {  	v37 =	vld [tilespmem:$0x31C0]  }
0x222: {  	v4 =	vadd.f32 v47, v4;
	v47 =	vld [tilespmem:$0x1F940];
	v3 =	vadd.f32 v48, v3  }
0x223: {  	v1 =	vadd.f32 v61, v1;
	v61 =	vld [tilespmem:$0x1F9F0]  }
0x224: {  	v4 =	vadd.f32 v52, v4;
	v48 =	vld [tilespmem:$0x1F950];
	v3 =	vadd.f32 v53, v3  }
0x225: {  	v52 =	vld [tilespmem:$0x1F980]  }
0x226: {  	v4 =	vadd.f32 v58, v4;
	v53 =	vld [tilespmem:$0x1F990];
	v3 =	vadd.f32 v59, v3  }
0x227: {  	v58 =	vld [tilespmem:$0x1F9C0]  }
0x228: {  	v4 =	vadd.f32 v45, v4;
	v59 =	vld [tilespmem:$0x1F9D0];
	v3 =	vadd.f32 v47, v3  }
0x229: {  	v43 =	vld [tilespmem:$0x3200];
	v1 =	vadd.f32 v50, v1;
	v0 =	vadd.f32 v48, v0  }
0x22a: {  	v50 =	vld [tilespmem:$0x3250];
	v4 =	vadd.f32 v51, v4;
	v3 =	vadd.f32 v52, v3  }
0x22b: {  	v1 =	vadd.f32 v55, v1;
	v55 =	vld [tilespmem:$0x3380];
	v0 =	vadd.f32 v53, v0  }
0x22c: {  	v45 =	vld [tilespmem:$0x3220];
	v4 =	vadd.f32 v56, v4;
	v3 =	vadd.f32 v58, v3  }
0x22d: {  	v1 =	vadd.f32 v60, v1;
	v60 =	vld [tilespmem:$0x33D0];
	v0 =	vadd.f32 v59, v0  }
0x22e: {  	v48 =	vld [tilespmem:$0x3240];
	v4 =	vadd.f32 v61, v4;
	v3 =	vadd.f32 v14, v3  }
0x22f: {  	v1 =	vadd.f32 v22, v1;
	v22 =	vld [tilespmem:$0x3280];
	v0 =	vadd.f32 v17, v0  }
0x230: {  	v51 =	vld [tilespmem:$0x3340];
	v4 =	vadd.f32 v25, v4;
	v3 =	vadd.f32 v30, v3  }
0x231: {  	v47 =	vld [tilespmem:$0x3230];
	v1 =	vadd.f32 v38, v1;
	v0 =	vadd.f32 v33, v0  }
0x232: {  	v38 =	vld [tilespmem:$0x32C0];
	v4 =	vadd.f32 v41, v4;
	v3 =	vadd.f32 v46, v3  }
0x233: {  	v53 =	vld [tilespmem:$0x3360];
	v1 =	vadd.f32 v54, v1;
	v0 =	vadd.f32 v49, v0  }
0x234: {  	v56 =	vld [tilespmem:$0x3390];
	v4 =	vadd.f32 v57, v4;
	v3 =	vadd.f32 v62, v3  }
0x235: {  	v52 =	vld [tilespmem:$0x3350];
	v1 =	vadd.f32 v6, v1;
	v0 =	vadd.f32 v63, v0  }
0x236: {  	v54 =	vld [tilespmem:$0x3370];
	v2 =	vadd.f32 v2, v4;
	v3 =	vadd.f32 v5, v3  }
0x237: {  	v59 =	vld [tilespmem:$0x33C0];
	v1 =	vadd.f32 v8, v1;
	v0 =	vadd.f32 v7, v0  }
0x238: {  	v61 =	vld [tilespmem:$0x33E0];
	v2 =	vadd.f32 v9, v2;
	v3 =	vadd.f32 v10, v3  }
0x239: {  	v58 =	vld [tilespmem:$0x33B0];
	v1 =	vadd.f32 v12, v1;
	v0 =	vadd.f32 v11, v0  }
0x23a: {  	v17 =	vld [tilespmem:$0x3270];
	v2 =	vadd.f32 v13, v2;
	v3 =	vadd.f32 v15, v3  }
0x23b: {  	v25 =	vld [tilespmem:$0x3290];
	v1 =	vadd.f32 v18, v1;
	v0 =	vadd.f32 v16, v0  }
0x23c: {  	v6 =	vld [tilespmem:$0x32D0];
	v2 =	vadd.f32 v19, v2;
	v3 =	vadd.f32 v20, v3  }
0x23d: {  	v14 =	vld [tilespmem:$0x3260];
	v1 =	vadd.f32 v23, v1;
	v0 =	vadd.f32 v21, v0  }
0x23e: {  	v33 =	vld [tilespmem:$0x32B0];
	v2 =	vadd.f32 v24, v2;
	v3 =	vadd.f32 v26, v3  }
0x23f: {  	v41 =	vld [tilespmem:$0x3310];
	v1 =	vadd.f32 v28, v1;
	v0 =	vadd.f32 v27, v0  }
0x240: {  	v30 =	vld [tilespmem:$0x32A0];
	v2 =	vadd.f32 v29, v2;
	v3 =	vadd.f32 v31, v3  }
0x241: {  	v49 =	vld [tilespmem:$0x3330];
	v1 =	vadd.f32 v34, v1;
	v0 =	vadd.f32 v32, v0  }
0x242: {  	v57 =	vld [tilespmem:$0x33A0];
	v2 =	vadd.f32 v35, v2;
	v3 =	vadd.f32 v36, v3  }
0x243: {  	v46 =	vld [tilespmem:$0x3320];
	v1 =	vadd.f32 v39, v1;
	v0 =	vadd.f32 v37, v0  }
0x244: {  	v4 =	vld [tilespmem:$0x32E0];
	v2 =	vadd.f32 v40, v2;
	v3 =	vadd.f32 v42, v3  }
0x245: {  	v63 =	vld [tilespmem:$0x3400];
	v1 =	vadd.f32 v44, v1;
	v0 =	vadd.f32 v43, v0  }
0x246: {  	v62 =	vld [tilespmem:$0x33F0];
	v2 =	vadd.f32 v45, v2;
	v3 =	vadd.f32 v47, v3  }
0x247: {  	v5 =	vld [tilespmem:$0x32F0];
	v1 =	vadd.f32 v50, v1;
	v0 =	vadd.f32 v48, v0  }
0x248: {  	v7 =	vld [tilespmem:$0x3300];
	v2 =	vadd.f32 v14, v2;
	v3 =	vadd.f32 v17, v3  }
0x249: {  	v28 =	vld [tilespmem:$0x3420];
	v1 =	vadd.f32 v25, v1;
	v0 =	vadd.f32 v22, v0  }
0x24a: {  	v34 =	vld [tilespmem:$0x3480];
	v2 =	vadd.f32 v30, v2;
	v3 =	vadd.f32 v33, v3  }
0x24b: {  	v39 =	vld [tilespmem:$0x34D0];
	v1 =	vadd.f32 v6, v1;
	v0 =	vadd.f32 v38, v0  }
0x24c: {  	v27 =	vld [tilespmem:$0x3410];
	v2 =	vadd.f32 v4, v2;
	v3 =	vadd.f32 v5, v3  }
0x24d: {  	v29 =	vld [tilespmem:$0x3430];
	v1 =	vadd.f32 v41, v1;
	v0 =	vadd.f32 v7, v0  }
0x24e: {  	v32 =	vld [tilespmem:$0x3460];
	v2 =	vadd.f32 v46, v2;
	v3 =	vadd.f32 v49, v3  }
0x24f: {  	v35 =	vld [tilespmem:$0x3490];
	v1 =	vadd.f32 v52, v1;
	v0 =	vadd.f32 v51, v0  }
0x250: {  	v31 =	vld [tilespmem:$0x3450];
	v2 =	vadd.f32 v53, v2;
	v3 =	vadd.f32 v54, v3  }
0x251: {  	v37 =	vld [tilespmem:$0x34B0];
	v1 =	vadd.f32 v56, v1;
	v0 =	vadd.f32 v55, v0  }
0x252: {  	v30 =	vld [tilespmem:$0x3440];
	v2 =	vadd.f32 v57, v2;
	v3 =	vadd.f32 v58, v3  }
0x253: {  	v33 =	vld [tilespmem:$0x3470];
	v1 =	vadd.f32 v60, v1;
	v0 =	vadd.f32 v59, v0  }
0x254: {  	v40 =	vld [tilespmem:$0x34E0];
	v2 =	vadd.f32 v61, v2;
	v3 =	vadd.f32 v62, v3  }
0x255: {  	v36 =	vld [tilespmem:$0x34A0];
	v1 =	vadd.f32 v27, v1;
	v0 =	vadd.f32 v63, v0  }
0x256: {  	v38 =	vld [tilespmem:$0x34C0];
	v2 =	vadd.f32 v28, v2;
	v3 =	vadd.f32 v29, v3  }
0x257: {  	v41 =	vld [tilespmem:$0x34F0];
	v1 =	vadd.f32 v31, v1;
	v0 =	vadd.f32 v30, v0  }
0x258: {  	v2 =	vadd.f32 v32, v2;
	v3 =	vadd.f32 v33, v3  }
0x259: {  	v1 =	vadd.f32 v35, v1;
	v0 =	vadd.f32 v34, v0  }
0x25a: {  	v2 =	vadd.f32 v36, v2;
	v3 =	vadd.f32 v37, v3  }
0x25b: {  	v1 =	vadd.f32 v39, v1;
	v0 =	vadd.f32 v38, v0  }
0x25c: {  	v2 =	vadd.f32 v40, v2;
	v3 =	vadd.f32 v41, v3;
	_ =	sdelay $0x1  }
0x25d: {  	v42 =	vadd.f32 v1, v0;
	v43 =	vadd.f32 v3, v2;
	_ =	sdelay $0x1  }
0x25e: {  	v4 =	vadd.f32 v43, v42;
	_ =	sdelay $0x1  }
0x25f: {  	(xrf2) =	vadd.scan.msk.f32 $0xffff, v4;
	_ =	sdelay $0x9  }
0x260: {  	v44 =	vimm.s32 $0xF;
	v4, _, _ =	vpop (xrf2)  }
0x261: {  	v4 =	vperm.xlane v4, v44;
	_ =	sdelay $0x1  }
0x262: {  	v4 =	vmul.f32 $1.562500000e-02, v4;
	_ =	sdelay $0x1  }
0x263: {  	v0 =	vsub.f32 v0, v4;
	v1 =	vsub.f32 v1, v4  }
0x264: {  	v2 =	vsub.f32 v2, v4;
	v3 =	vsub.f32 v3, v4  }
0x265: {  	v45 =	vmul.f32 v0, v0;
	v46 =	vmul.f32 v1, v1  }
0x266: {  	v47 =	vmul.f32 v2, v2;
	v48 =	vmul.f32 v3, v3;
	_ =	sdelay $0x1  }
0x267: {  	v4 =	vadd.f32 v46, v45;
	v49 =	vadd.f32 v48, v47;
	_ =	sdelay $0x1  }
0x268: {  	v4 =	vadd.f32 v49, v4;
	_ =	sdelay $0x1  }
0x269: {  	(xrf2) =	vadd.scan.msk.f32 $0xffff, v4;
	_ =	sdelay $0x9  }
0x26a: {  	v4, _, _ =	vpop (xrf2)  }
0x26b: {  	v4 =	vperm.xlane v4, v44;
	_ =	sdelay $0x1  }
0x26c: {  	v4 =	vmul.f32 $1.562500000e-02, v4;
	_ =	sdelay $0x1  }
0x26d: {  	v4 =	vadd.f32 $9.999999960e-13, v4;
	_ =	sdelay $0x1  }
0x26e: {  	v50 =	vshra.s32 v4, $0x1;
	v4 =	vmul.f32 $5.000000000e-01, v4  }
0x26f: {  	v5 =	vsub.s32 $0x5F3759DF, v50  }
0x270: {  	v51 =	vmul.f32 v5, v4;
	_ =	sdelay $0x1  }
0x271: {  	v6 =	vmul.f32 v5, v51;
	_ =	sdelay $0x1  }
0x272: {  	v6 =	vsub.f32 $1.500000000e+00, v6;
	_ =	sdelay $0x1  }
0x273: {  	v5 =	vmul.f32 v5, v6;
	_ =	sdelay $0x1  }
0x274: {  	v6 =	vmul.f32 v5, v4;
	_ =	sdelay $0x1  }
0x275: {  	v6 =	vmul.f32 v6, v5;
	_ =	sdelay $0x1  }
0x276: {  	v6 =	vsub.f32 $1.500000000e+00, v6;
	_ =	sdelay $0x1  }
0x277: {  	v5 =	vmul.f32 v6, v5;
	_ =	sdelay $0x1  }
0x278: {  	v4 =	vmul.f32 v5, v4;
	_ =	sdelay $0x1  }
0x279: {  	v4 =	vmul.f32 v4, v5  }
0x27a: {  	v52 =	vld [tilespmem:$0x1FF80]  }
0x27b: {  	v56 =	vld [tilespmem:$0x1FFD0];
	v4 =	vsub.f32 $1.500000000e+00, v4  }
0x27c: {  	v53 =	vld [tilespmem:$0x1FF90]  }
0x27d: {  	v55 =	vld [tilespmem:$0x1FFA0];
	v4 =	vmul.f32 v4, v5  }
0x27e: {  	v54 =	vld [tilespmem:$0x1FFC0]  }
0x27f: {  	v57 =	vld [tilespmem:$0x1FFB0];
	v0 =	vmul.f32 v4, v0  }
0x280: {  	v58 =	vld [tilespmem:$0x1FFE0];
	v1 =	vmul.f32 v4, v1  }
0x281: {  	v59 =	vld [tilespmem:$0x1FFF0];
	v2 =	vmul.f32 v4, v2;
	v0 =	vmul.f32 v0, v52  }
0x282: {  	v3 =	vmul.f32 v4, v3;
	v1 =	vmul.f32 v1, v53  }
0x283: {  	v2 =	vmul.f32 v2, v55;
	v0 =	vadd.f32 v0, v54  }
0x284: {  	v3 =	vmul.f32 v3, v57;
	v1 =	vadd.f32 v1, v56  }
0x285: {  	[tilespmem:s28+$0xFFFFFFC0] =	vst v0;
	v0 =	vadd.f32 v2, v58  }
0x286: {  	[tilespmem:s28+$0xFFFFFFD0] =	vst v1;
	v1 =	vadd.f32 v3, v59  }
0x287: {  	[tilespmem:s28+$0xFFFFFFE0] =	vst v0  }
0x288: {  	s2 =	sadd.s32 @!p0 $0x1C38, s29;
	s31 =	simm.s32 @!p0 $0x2880;
	[tilespmem:s28+$0xFFFFFFF0] =	vst v1  }
0x289: {  	[tilespmem:s31], [sflag:$0x2] =	stream.indirect.gather @!p0 [hbm4b:s5+s30], $0x40, s2, s30, $0xb8;
	[tilespmem:$0x6E80] =	vst v63  }
0x28a: {  	_ =	swait.ge [sflag:s22], $0xC80  }
0x28b: {  	[sflag:s22] =	ssyncset.done $0x0  }
0x28c: {  	[sflag:s22] =	ssyncadd.s32 $0xFFFFF380  }
0x28d: {  	v60 =	vld [tilespmem:$0x38F0];
	_ =	sdelay $0x4  }
0x28e: {  	[tilespmem:$0x1FA00] =	vst v60;
	v60 =	vld [tilespmem:$0x3900];
	_ =	sdelay $0x4  }
0x28f: {  	[tilespmem:$0x1FA10] =	vst v60;
	v60 =	vld [tilespmem:$0x3910];
	_ =	sdelay $0x4  }
0x290: {  	[tilespmem:$0x1FA20] =	vst v60;
	v60 =	vld [tilespmem:$0x3920];
	_ =	sdelay $0x4  }
0x291: {  	[tilespmem:$0x1FA30] =	vst v60;
	v60 =	vld [tilespmem:$0x3930];
	_ =	sdelay $0x4  }
0x292: {  	[tilespmem:$0x1FA40] =	vst v60;
	v60 =	vld [tilespmem:$0x3940];
	_ =	sdelay $0x4  }
0x293: {  	[tilespmem:$0x1FA50] =	vst v60;
	v60 =	vld [tilespmem:$0x3950];
	_ =	sdelay $0x4  }
0x294: {  	[tilespmem:$0x1FA60] =	vst v60;
	v60 =	vld [tilespmem:$0x3960];
	_ =	sdelay $0x4  }
0x295: {  	[tilespmem:$0x1FA70] =	vst v60;
	v60 =	vld [tilespmem:$0x3970];
	_ =	sdelay $0x2  }
0x296: {  	v2 =	vld [tilespmem:$0x3500]  }
0x297: {  	v6 =	vld [tilespmem:$0x3510]  }
0x298: {  	[tilespmem:$0x1FA80] =	vst v60;
	v60 =	vld [tilespmem:$0x3980]  }
0x299: {  	v17 =	vld [tilespmem:$0x3520]  }
0x29a: {  	v22 =	vld [tilespmem:$0x3530]  }
0x29b: {  	v14 =	vld [tilespmem:$0x3540]  }
0x29c: {  	v25 =	vld [tilespmem:$0x3550]  }
0x29d: {  	[tilespmem:$0x1FA90] =	vst v60;
	v60 =	vld [tilespmem:$0x3990]  }
0x29e: {  	v30 =	vld [tilespmem:$0x3560]  }
0x29f: {  	v33 =	vld [tilespmem:$0x3570]  }
0x2a0: {  	v38 =	vld [tilespmem:$0x3580]  }
0x2a1: {  	v41 =	vld [tilespmem:$0x3590]  }
0x2a2: {  	[tilespmem:$0x1FAA0] =	vst v60;
	v60 =	vld [tilespmem:$0x39A0]  }
0x2a3: {  	v46 =	vld [tilespmem:$0x35A0]  }
0x2a4: {  	v49 =	vld [tilespmem:$0x35B0]  }
0x2a5: {  	v54 =	vld [tilespmem:$0x35C0]  }
0x2a6: {  	v57 =	vld [tilespmem:$0x35D0]  }
0x2a7: {  	[tilespmem:$0x1FAB0] =	vst v60;
	v60 =	vld [tilespmem:$0x39B0]  }
0x2a8: {  	v62 =	vld [tilespmem:$0x35E0]  }
0x2a9: {  	v63 =	vld [tilespmem:$0x35F0]  }
0x2aa: {  	v0 =	vld [tilespmem:$0x3600]  }
0x2ab: {  	v1 =	vld [tilespmem:$0x3610]  }
0x2ac: {  	[tilespmem:$0x1FAC0] =	vst v60;
	v60 =	vld [tilespmem:$0x39C0]  }
0x2ad: {  	v3 =	vld [tilespmem:$0x3620]  }
0x2ae: {  	v4 =	vld [tilespmem:$0x3630]  }
0x2af: {  	v5 =	vld [tilespmem:$0x3640]  }
0x2b0: {  	v7 =	vld [tilespmem:$0x3650]  }
0x2b1: {  	[tilespmem:$0x1FAD0] =	vst v60;
	v60 =	vld [tilespmem:$0x39D0]  }
0x2b2: {  	v8 =	vld [tilespmem:$0x3660]  }
0x2b3: {  	v9 =	vld [tilespmem:$0x3670]  }
0x2b4: {  	v10 =	vld [tilespmem:$0x3680]  }
0x2b5: {  	v11 =	vld [tilespmem:$0x3690]  }
0x2b6: {  	[tilespmem:$0x1FAE0] =	vst v60;
	v60 =	vld [tilespmem:$0x39E0]  }
0x2b7: {  	v12 =	vld [tilespmem:$0x36A0]  }
0x2b8: {  	v13 =	vld [tilespmem:$0x36B0]  }
0x2b9: {  	v15 =	vld [tilespmem:$0x36C0]  }
0x2ba: {  	v16 =	vld [tilespmem:$0x36D0]  }
0x2bb: {  	[tilespmem:$0x1FAF0] =	vst v60;
	v60 =	vld [tilespmem:$0x39F0]  }
0x2bc: {  	v18 =	vld [tilespmem:$0x36E0]  }
0x2bd: {  	v19 =	vld [tilespmem:$0x36F0]  }
0x2be: {  	v20 =	vld [tilespmem:$0x3700]  }
0x2bf: {  	v21 =	vld [tilespmem:$0x3710]  }
0x2c0: {  	[tilespmem:$0x1FB00] =	vst v60;
	v60 =	vld [tilespmem:$0x3A00]  }
0x2c1: {  	v23 =	vld [tilespmem:$0x3720]  }
0x2c2: {  	v24 =	vld [tilespmem:$0x3730]  }
0x2c3: {  	v26 =	vld [tilespmem:$0x3740]  }
0x2c4: {  	v27 =	vld [tilespmem:$0x3750]  }
0x2c5: {  	[tilespmem:$0x1FB10] =	vst v60;
	v60 =	vld [tilespmem:$0x3A10]  }
0x2c6: {  	v28 =	vld [tilespmem:$0x3760]  }
0x2c7: {  	v29 =	vld [tilespmem:$0x3770]  }
0x2c8: {  	v31 =	vld [tilespmem:$0x3780]  }
0x2c9: {  	v32 =	vld [tilespmem:$0x3790]  }
0x2ca: {  	[tilespmem:$0x1FB20] =	vst v60;
	v60 =	vld [tilespmem:$0x3A20]  }
0x2cb: {  	v34 =	vld [tilespmem:$0x37A0]  }
0x2cc: {  	v35 =	vld [tilespmem:$0x37B0]  }
0x2cd: {  	v36 =	vld [tilespmem:$0x37C0]  }
0x2ce: {  	v37 =	vld [tilespmem:$0x37D0]  }
0x2cf: {  	[tilespmem:$0x1FB30] =	vst v60;
	v60 =	vld [tilespmem:$0x3A30]  }
0x2d0: {  	v39 =	vld [tilespmem:$0x37E0]  }
0x2d1: {  	v40 =	vld [tilespmem:$0x37F0]  }
0x2d2: {  	v42 =	vld [tilespmem:$0x3800]  }
0x2d3: {  	v43 =	vld [tilespmem:$0x3810]  }
0x2d4: {  	[tilespmem:$0x1FB40] =	vst v60;
	v60 =	vld [tilespmem:$0x3A40]  }
0x2d5: {  	v44 =	vld [tilespmem:$0x3820]  }
0x2d6: {  	v45 =	vld [tilespmem:$0x3830]  }
0x2d7: {  	v47 =	vld [tilespmem:$0x3840]  }
0x2d8: {  	v48 =	vld [tilespmem:$0x3850]  }
0x2d9: {  	[tilespmem:$0x1FB50] =	vst v60;
	v60 =	vld [tilespmem:$0x3A50]  }
0x2da: {  	v50 =	vld [tilespmem:$0x3860]  }
0x2db: {  	v51 =	vld [tilespmem:$0x3870]  }
0x2dc: {  	v52 =	vld [tilespmem:$0x3880]  }
0x2dd: {  	v53 =	vld [tilespmem:$0x3890]  }
0x2de: {  	[tilespmem:$0x1FB60] =	vst v60;
	v60 =	vld [tilespmem:$0x3A60]  }
0x2df: {  	v56 =	vld [tilespmem:$0x38A0]  }
0x2e0: {  	v55 =	vld [tilespmem:$0x38B0]  }
0x2e1: {  	v59 =	vld [tilespmem:$0x38C0]  }
0x2e2: {  	v58 =	vld [tilespmem:$0x38D0]  }
0x2e3: {  	v61 =	vld [tilespmem:$0x38E0];
	[tilespmem:$0x1FB70] =	vst v60  }
0x2e4: {  	v60 =	vld [tilespmem:$0x3A70];
	_ =	sdelay $0x4  }
0x2e5: {  	[tilespmem:$0x1FB80] =	vst v60;
	v60 =	vld [tilespmem:$0x3A80];
	_ =	sdelay $0x4  }
0x2e6: {  	[tilespmem:$0x1FB90] =	vst v60;
	v60 =	vld [tilespmem:$0x3A90];
	_ =	sdelay $0x4  }
0x2e7: {  	[tilespmem:$0x1FBA0] =	vst v60;
	v60 =	vld [tilespmem:$0x3AA0];
	_ =	sdelay $0x4  }
0x2e8: {  	[tilespmem:$0x1FBB0] =	vst v60;
	v60 =	vld [tilespmem:$0x3AB0];
	_ =	sdelay $0x4  }
0x2e9: {  	[tilespmem:$0x1FBC0] =	vst v60;
	v60 =	vld [tilespmem:$0x3AC0];
	_ =	sdelay $0x4  }
0x2ea: {  	[tilespmem:$0x1FBD0] =	vst v60;
	v60 =	vld [tilespmem:$0x3AD0];
	_ =	sdelay $0x4  }
0x2eb: {  	[tilespmem:$0x1FBE0] =	vst v60;
	v60 =	vld [tilespmem:$0x3AE0];
	_ =	sdelay $0x4  }
0x2ec: {  	[tilespmem:$0x1FBF0] =	vst v60;
	v60 =	vld [tilespmem:$0x3AF0];
	_ =	sdelay $0x4  }
0x2ed: {  	[tilespmem:$0x1FC00] =	vst v60;
	v60 =	vld [tilespmem:$0x3B00];
	_ =	sdelay $0x4  }
0x2ee: {  	[tilespmem:$0x1FC10] =	vst v60;
	v60 =	vld [tilespmem:$0x3B10];
	_ =	sdelay $0x3  }
0x2ef: {  	v6 =	vadd.f32 v25, v6  }
0x2f0: {  	v2 =	vadd.f32 v14, v2;
	[tilespmem:$0x1FC20] =	vst v60;
	v60 =	vld [tilespmem:$0x3B20]  }
0x2f1: {  	v6 =	vadd.f32 v41, v6  }
0x2f2: {  	v2 =	vadd.f32 v38, v2  }
0x2f3: {  	v6 =	vadd.f32 v57, v6  }
0x2f4: {  	v2 =	vadd.f32 v54, v2  }
0x2f5: {  	v1 =	vadd.f32 v1, v6;
	[tilespmem:$0x1FC30] =	vst v60;
	v60 =	vld [tilespmem:$0x3B30]  }
0x2f6: {  	v0 =	vadd.f32 v0, v2  }
0x2f7: {  	v25 =	vadd.f32 v30, v17;
	v1 =	vadd.f32 v7, v1;
	v14 =	vld [tilespmem:$0x3BB0]  }
0x2f8: {  	v0 =	vadd.f32 v5, v0;
	v17 =	vld [tilespmem:$0x3BC0]  }
0x2f9: {  	v46 =	vadd.f32 v46, v25;
	v1 =	vadd.f32 v11, v1;
	v25 =	vld [tilespmem:$0x3BE0]  }
0x2fa: {  	v0 =	vadd.f32 v10, v0;
	[tilespmem:$0x1FC40] =	vst v60;
	v60 =	vld [tilespmem:$0x3B40]  }
0x2fb: {  	v1 =	vadd.f32 v16, v1;
	v30 =	vld [tilespmem:$0x3BF0]  }
0x2fc: {  	v0 =	vadd.f32 v15, v0;
	v38 =	vld [tilespmem:$0x3C10]  }
0x2fd: {  	v1 =	vadd.f32 v21, v1;
	v41 =	vld [tilespmem:$0x3C20]  }
0x2fe: {  	v0 =	vadd.f32 v20, v0;
	v54 =	vld [tilespmem:$0x3C50]  }
0x2ff: {  	v1 =	vadd.f32 v27, v1;
	[tilespmem:$0x1FC50] =	vst v60;
	v60 =	vld [tilespmem:$0x3B50]  }
0x300: {  	v0 =	vadd.f32 v26, v0;
	v57 =	vld [tilespmem:$0x3C60]  }
0x301: {  	v1 =	vadd.f32 v32, v1;
	v5 =	vld [tilespmem:$0x3CB0]  }
0x302: {  	v0 =	vadd.f32 v31, v0;
	v7 =	vld [tilespmem:$0x3CC0]  }
0x303: {  	v1 =	vadd.f32 v37, v1;
	v10 =	vld [tilespmem:$0x3CF0]  }
0x304: {  	v0 =	vadd.f32 v36, v0;
	[tilespmem:$0x1FC60] =	vst v60;
	v60 =	vld [tilespmem:$0x3B60]  }
0x305: {  	v1 =	vadd.f32 v43, v1;
	v11 =	vld [tilespmem:$0x3D00]  }
0x306: {  	v0 =	vadd.f32 v42, v0;
	v15 =	vld [tilespmem:$0x3D30]  }
0x307: {  	v1 =	vadd.f32 v48, v1;
	v16 =	vld [tilespmem:$0x3D40]  }
0x308: {  	v0 =	vadd.f32 v47, v0;
	v20 =	vld [tilespmem:$0x3D70]  }
0x309: {  	v1 =	vadd.f32 v53, v1;
	[tilespmem:$0x1FC70] =	vst v60;
	v60 =	vld [tilespmem:$0x3B70]  }
0x30a: {  	v0 =	vadd.f32 v52, v0;
	v21 =	vld [tilespmem:$0x3D80]  }
0x30b: {  	v1 =	vadd.f32 v58, v1;
	v58 =	vld [tilespmem:$0x1FA10]  }
0x30c: {  	v0 =	vadd.f32 v59, v0;
	v59 =	vld [tilespmem:$0x1FA20]  }
0x30d: {  	v26 =	vld [tilespmem:$0x3DB0]  }
0x30e: {  	[tilespmem:$0x1FC80] =	vst v60;
	v60 =	vld [tilespmem:$0x3B80]  }
0x30f: {  	v31 =	vld [tilespmem:$0x1FA70]  }
0x310: {  	v32 =	vld [tilespmem:$0x1FA80]  }
0x311: {  	v27 =	vld [tilespmem:$0x3DC0]  }
0x312: {  	v36 =	vld [tilespmem:$0x1FAB0]  }
0x313: {  	[tilespmem:$0x1FC90] =	vst v60;
	v60 =	vld [tilespmem:$0x3B90]  }
0x314: {  	v37 =	vld [tilespmem:$0x1FAC0]  }
0x315: {  	v42 =	vld [tilespmem:$0x1FAF0]  }
0x316: {  	v43 =	vld [tilespmem:$0x1FB00]  }
0x317: {  	v47 =	vld [tilespmem:$0x1FB30]  }
0x318: {  	[tilespmem:$0x1FCA0] =	vst v60;
	v60 =	vld [tilespmem:$0x3BA0]  }
0x319: {  	v48 =	vld [tilespmem:$0x1FB40]  }
0x31a: {  	v52 =	vld [tilespmem:$0x1FB70]  }
0x31b: {  	v53 =	vld [tilespmem:$0x1FB80]  }
0x31c: {  	v0 =	vadd.f32 v58, v0;
	v58 =	vld [tilespmem:$0x1FBB0]  }
0x31d: {  	v1 =	vadd.f32 v59, v1;
	v59 =	vld [tilespmem:$0x1FBC0];
	[tilespmem:$0x1FCB0] =	vst v60;
	v60 =	vadd.f32 v33, v22  }
0x31e: {  	v22 =	vld [tilespmem:$0x3BD0]  }
0x31f: {  	v33 =	vld [tilespmem:$0x3C00];
	v49 =	vadd.f32 v49, v60  }
0x320: {  	v60 =	vadd.f32 v62, v46;
	v46 =	vld [tilespmem:$0x3C30]  }
0x321: {  	v62 =	vadd.f32 v63, v49;
	v49 =	vld [tilespmem:$0x3C40]  }
0x322: {  	v63 =	vadd.f32 v3, v60;
	v60 =	vld [tilespmem:$0x1FA30]  }
0x323: {  	v6 =	vadd.f32 v4, v62;
	v62 =	vld [tilespmem:$0x3C70]  }
0x324: {  	v2 =	vadd.f32 v8, v63;
	v63 =	vld [tilespmem:$0x3C80]  }
0x325: {  	v8 =	vld [tilespmem:$0x3CD0]  }
0x326: {  	v3 =	vadd.f32 v9, v6;
	v6 =	vld [tilespmem:$0x3C90]  }
0x327: {  	v2 =	vadd.f32 v12, v2;
	v9 =	vld [tilespmem:$0x3CE0]  }
0x328: {  	v12 =	vld [tilespmem:$0x3D10]  }
0x329: {  	v3 =	vadd.f32 v13, v3;
	v2 =	vadd.f32 v18, v2;
	v13 =	vld [tilespmem:$0x3D20]  }
0x32a: {  	v18 =	vld [tilespmem:$0x3D50]  }
0x32b: {  	v23 =	vadd.f32 v23, v2;
	v2 =	vld [tilespmem:$0x3CA0]  }
0x32c: {  	v3 =	vadd.f32 v19, v3;
	v19 =	vld [tilespmem:$0x3D60]  }
0x32d: {  	v4 =	vadd.f32 v28, v23;
	v23 =	vld [tilespmem:$0x3D90]  }
0x32e: {  	v3 =	vadd.f32 v24, v3;
	v24 =	vld [tilespmem:$0x3DA0]  }
0x32f: {  	v28 =	vld [tilespmem:$0x1FA50]  }
0x330: {  	v3 =	vadd.f32 v29, v3;
	v29 =	vld [tilespmem:$0x1FA60]  }
0x331: {  	v4 =	vadd.f32 v34, v4;
	v34 =	vld [tilespmem:$0x1FA90]  }
0x332: {  	v3 =	vadd.f32 v35, v3;
	v35 =	vld [tilespmem:$0x1FAA0]  }
0x333: {  	v4 =	vadd.f32 v39, v4;
	v39 =	vld [tilespmem:$0x1FAD0]  }
0x334: {  	v0 =	vadd.f32 v28, v0;
	v28 =	vld [tilespmem:$0x3DD0]  }
0x335: {  	v3 =	vadd.f32 v40, v3;
	v40 =	vld [tilespmem:$0x1FAE0]  }
0x336: {  	v4 =	vadd.f32 v44, v4;
	v44 =	vld [tilespmem:$0x1FB10]  }
0x337: {  	v1 =	vadd.f32 v29, v1;
	v29 =	vld [tilespmem:$0x3DE0]  }
0x338: {  	v0 =	vadd.f32 v34, v0;
	v34 =	vld [tilespmem:$0x3E10]  }
0x339: {  	v3 =	vadd.f32 v45, v3;
	v45 =	vld [tilespmem:$0x1FB20]  }
0x33a: {  	v4 =	vadd.f32 v50, v4;
	v50 =	vld [tilespmem:$0x1FB50]  }
0x33b: {  	v1 =	vadd.f32 v35, v1;
	v35 =	vld [tilespmem:$0x3E20]  }
0x33c: {  	v0 =	vadd.f32 v39, v0;
	v39 =	vld [tilespmem:$0x3E50]  }
0x33d: {  	v4 =	vadd.f32 v56, v4;
	v56 =	vld [tilespmem:$0x1FA00]  }
0x33e: {  	v3 =	vadd.f32 v51, v3;
	v51 =	vld [tilespmem:$0x1FB60]  }
0x33f: {  	v1 =	vadd.f32 v40, v1;
	v40 =	vld [tilespmem:$0x3E60]  }
0x340: {  	v0 =	vadd.f32 v44, v0;
	v44 =	vld [tilespmem:$0x3E90]  }
0x341: {  	v4 =	vadd.f32 v61, v4;
	v61 =	vld [tilespmem:$0x1FA40]  }
0x342: {  	v3 =	vadd.f32 v55, v3;
	v55 =	vld [tilespmem:$0x1FB90]  }
0x343: {  	v1 =	vadd.f32 v45, v1;
	v45 =	vld [tilespmem:$0x1FBF0]  }
0x344: {  	v0 =	vadd.f32 v50, v0;
	v50 =	vld [tilespmem:$0x1FC20]  }
0x345: {  	v4 =	vadd.f32 v60, v4;
	v60 =	vld [tilespmem:$0x1FBD0]  }
0x346: {  	v3 =	vadd.f32 v56, v3;
	v56 =	vld [tilespmem:$0x1FBA0]  }
0x347: {  	v1 =	vadd.f32 v51, v1;
	v51 =	vld [tilespmem:$0x1FC30]  }
0x348: {  	v4 =	vadd.f32 v31, v4;
	v31 =	vld [tilespmem:$0x3DF0]  }
0x349: {  	v3 =	vadd.f32 v61, v3;
	v61 =	vld [tilespmem:$0x1FBE0]  }
0x34a: {  	v0 =	vadd.f32 v55, v0;
	v55 =	vld [tilespmem:$0x1FC60]  }
0x34b: {  	v4 =	vadd.f32 v36, v4;
	v36 =	vld [tilespmem:$0x3E30];
	v3 =	vadd.f32 v32, v3  }
0x34c: {  	v32 =	vld [tilespmem:$0x3E00]  }
0x34d: {  	v0 =	vadd.f32 v60, v0;
	v60 =	vld [tilespmem:$0x1FCA0];
	v3 =	vadd.f32 v37, v3  }
0x34e: {  	v4 =	vadd.f32 v42, v4;
	v42 =	vld [tilespmem:$0x3E70]  }
0x34f: {  	v1 =	vadd.f32 v56, v1;
	v56 =	vld [tilespmem:$0x1FC70];
	v3 =	vadd.f32 v43, v3  }
0x350: {  	v37 =	vld [tilespmem:$0x3E40]  }
0x351: {  	v4 =	vadd.f32 v47, v4;
	v47 =	vld [tilespmem:$0x1FC00];
	v3 =	vadd.f32 v48, v3  }
0x352: {  	v1 =	vadd.f32 v61, v1;
	v61 =	vld [tilespmem:$0x1FCB0]  }
0x353: {  	v4 =	vadd.f32 v52, v4;
	v48 =	vld [tilespmem:$0x1FC10];
	v3 =	vadd.f32 v53, v3  }
0x354: {  	v52 =	vld [tilespmem:$0x1FC40]  }
0x355: {  	v4 =	vadd.f32 v58, v4;
	v53 =	vld [tilespmem:$0x1FC50];
	v3 =	vadd.f32 v59, v3  }
0x356: {  	v58 =	vld [tilespmem:$0x1FC80]  }
0x357: {  	v4 =	vadd.f32 v45, v4;
	v59 =	vld [tilespmem:$0x1FC90];
	v3 =	vadd.f32 v47, v3  }
0x358: {  	v43 =	vld [tilespmem:$0x3E80];
	v1 =	vadd.f32 v50, v1;
	v0 =	vadd.f32 v48, v0  }
0x359: {  	v50 =	vld [tilespmem:$0x3ED0];
	v4 =	vadd.f32 v51, v4;
	v3 =	vadd.f32 v52, v3  }
0x35a: {  	v1 =	vadd.f32 v55, v1;
	v55 =	vld [tilespmem:$0x4000];
	v0 =	vadd.f32 v53, v0  }
0x35b: {  	v45 =	vld [tilespmem:$0x3EA0];
	v4 =	vadd.f32 v56, v4;
	v3 =	vadd.f32 v58, v3  }
0x35c: {  	v1 =	vadd.f32 v60, v1;
	v60 =	vld [tilespmem:$0x4050];
	v0 =	vadd.f32 v59, v0  }
0x35d: {  	v48 =	vld [tilespmem:$0x3EC0];
	v4 =	vadd.f32 v61, v4;
	v3 =	vadd.f32 v14, v3  }
0x35e: {  	v1 =	vadd.f32 v22, v1;
	v22 =	vld [tilespmem:$0x3F00];
	v0 =	vadd.f32 v17, v0  }
0x35f: {  	v51 =	vld [tilespmem:$0x3FC0];
	v4 =	vadd.f32 v25, v4;
	v3 =	vadd.f32 v30, v3  }
0x360: {  	v47 =	vld [tilespmem:$0x3EB0];
	v1 =	vadd.f32 v38, v1;
	v0 =	vadd.f32 v33, v0  }
0x361: {  	v38 =	vld [tilespmem:$0x3F40];
	v4 =	vadd.f32 v41, v4;
	v3 =	vadd.f32 v46, v3  }
0x362: {  	v53 =	vld [tilespmem:$0x3FE0];
	v1 =	vadd.f32 v54, v1;
	v0 =	vadd.f32 v49, v0  }
0x363: {  	v56 =	vld [tilespmem:$0x4010];
	v4 =	vadd.f32 v57, v4;
	v3 =	vadd.f32 v62, v3  }
0x364: {  	v52 =	vld [tilespmem:$0x3FD0];
	v1 =	vadd.f32 v6, v1;
	v0 =	vadd.f32 v63, v0  }
0x365: {  	v54 =	vld [tilespmem:$0x3FF0];
	v2 =	vadd.f32 v2, v4;
	v3 =	vadd.f32 v5, v3  }
0x366: {  	v59 =	vld [tilespmem:$0x4040];
	v1 =	vadd.f32 v8, v1;
	v0 =	vadd.f32 v7, v0  }
0x367: {  	v61 =	vld [tilespmem:$0x4060];
	v2 =	vadd.f32 v9, v2;
	v3 =	vadd.f32 v10, v3  }
0x368: {  	v58 =	vld [tilespmem:$0x4030];
	v1 =	vadd.f32 v12, v1;
	v0 =	vadd.f32 v11, v0  }
0x369: {  	v17 =	vld [tilespmem:$0x3EF0];
	v2 =	vadd.f32 v13, v2;
	v3 =	vadd.f32 v15, v3  }
0x36a: {  	v25 =	vld [tilespmem:$0x3F10];
	v1 =	vadd.f32 v18, v1;
	v0 =	vadd.f32 v16, v0  }
0x36b: {  	v6 =	vld [tilespmem:$0x3F50];
	v2 =	vadd.f32 v19, v2;
	v3 =	vadd.f32 v20, v3  }
0x36c: {  	v14 =	vld [tilespmem:$0x3EE0];
	v1 =	vadd.f32 v23, v1;
	v0 =	vadd.f32 v21, v0  }
0x36d: {  	v33 =	vld [tilespmem:$0x3F30];
	v2 =	vadd.f32 v24, v2;
	v3 =	vadd.f32 v26, v3  }
0x36e: {  	v41 =	vld [tilespmem:$0x3F90];
	v1 =	vadd.f32 v28, v1;
	v0 =	vadd.f32 v27, v0  }
0x36f: {  	v30 =	vld [tilespmem:$0x3F20];
	v2 =	vadd.f32 v29, v2;
	v3 =	vadd.f32 v31, v3  }
0x370: {  	v49 =	vld [tilespmem:$0x3FB0];
	v1 =	vadd.f32 v34, v1;
	v0 =	vadd.f32 v32, v0  }
0x371: {  	v57 =	vld [tilespmem:$0x4020];
	v2 =	vadd.f32 v35, v2;
	v3 =	vadd.f32 v36, v3  }
0x372: {  	v46 =	vld [tilespmem:$0x3FA0];
	v1 =	vadd.f32 v39, v1;
	v0 =	vadd.f32 v37, v0  }
0x373: {  	v4 =	vld [tilespmem:$0x3F60];
	v2 =	vadd.f32 v40, v2;
	v3 =	vadd.f32 v42, v3  }
0x374: {  	v63 =	vld [tilespmem:$0x4080];
	v1 =	vadd.f32 v44, v1;
	v0 =	vadd.f32 v43, v0  }
0x375: {  	v62 =	vld [tilespmem:$0x4070];
	v2 =	vadd.f32 v45, v2;
	v3 =	vadd.f32 v47, v3  }
0x376: {  	v5 =	vld [tilespmem:$0x3F70];
	v1 =	vadd.f32 v50, v1;
	v0 =	vadd.f32 v48, v0  }
0x377: {  	v7 =	vld [tilespmem:$0x3F80];
	v2 =	vadd.f32 v14, v2;
	v3 =	vadd.f32 v17, v3  }
0x378: {  	v28 =	vld [tilespmem:$0x40A0];
	v1 =	vadd.f32 v25, v1;
	v0 =	vadd.f32 v22, v0  }
0x379: {  	v34 =	vld [tilespmem:$0x4100];
	v2 =	vadd.f32 v30, v2;
	v3 =	vadd.f32 v33, v3  }
0x37a: {  	v39 =	vld [tilespmem:$0x4150];
	v1 =	vadd.f32 v6, v1;
	v0 =	vadd.f32 v38, v0  }
0x37b: {  	v27 =	vld [tilespmem:$0x4090];
	v2 =	vadd.f32 v4, v2;
	v3 =	vadd.f32 v5, v3  }
0x37c: {  	v29 =	vld [tilespmem:$0x40B0];
	v1 =	vadd.f32 v41, v1;
	v0 =	vadd.f32 v7, v0  }
0x37d: {  	v32 =	vld [tilespmem:$0x40E0];
	v2 =	vadd.f32 v46, v2;
	v3 =	vadd.f32 v49, v3  }
0x37e: {  	v35 =	vld [tilespmem:$0x4110];
	v1 =	vadd.f32 v52, v1;
	v0 =	vadd.f32 v51, v0  }
0x37f: {  	v31 =	vld [tilespmem:$0x40D0];
	v2 =	vadd.f32 v53, v2;
	v3 =	vadd.f32 v54, v3  }
0x380: {  	v37 =	vld [tilespmem:$0x4130];
	v1 =	vadd.f32 v56, v1;
	v0 =	vadd.f32 v55, v0  }
0x381: {  	v30 =	vld [tilespmem:$0x40C0];
	v2 =	vadd.f32 v57, v2;
	v3 =	vadd.f32 v58, v3  }
0x382: {  	v33 =	vld [tilespmem:$0x40F0];
	v1 =	vadd.f32 v60, v1;
	v0 =	vadd.f32 v59, v0  }
0x383: {  	v40 =	vld [tilespmem:$0x4160];
	v2 =	vadd.f32 v61, v2;
	v3 =	vadd.f32 v62, v3  }
0x384: {  	v36 =	vld [tilespmem:$0x4120];
	v1 =	vadd.f32 v27, v1;
	v0 =	vadd.f32 v63, v0  }
0x385: {  	v38 =	vld [tilespmem:$0x4140];
	v2 =	vadd.f32 v28, v2;
	v3 =	vadd.f32 v29, v3  }
0x386: {  	v41 =	vld [tilespmem:$0x4170];
	v1 =	vadd.f32 v31, v1;
	v0 =	vadd.f32 v30, v0  }
0x387: {  	v2 =	vadd.f32 v32, v2;
	v3 =	vadd.f32 v33, v3  }
0x388: {  	v1 =	vadd.f32 v35, v1;
	v0 =	vadd.f32 v34, v0  }
0x389: {  	v2 =	vadd.f32 v36, v2;
	v3 =	vadd.f32 v37, v3  }
0x38a: {  	v1 =	vadd.f32 v39, v1;
	v0 =	vadd.f32 v38, v0  }
0x38b: {  	v2 =	vadd.f32 v40, v2;
	v3 =	vadd.f32 v41, v3;
	_ =	sdelay $0x1  }
0x38c: {  	v42 =	vadd.f32 v1, v0;
	v43 =	vadd.f32 v3, v2;
	_ =	sdelay $0x1  }
0x38d: {  	v4 =	vadd.f32 v43, v42;
	_ =	sdelay $0x1  }
0x38e: {  	(xrf2) =	vadd.scan.msk.f32 $0xffff, v4;
	_ =	sdelay $0x9  }
0x38f: {  	v44 =	vimm.s32 $0xF;
	v4, _, _ =	vpop (xrf2)  }
0x390: {  	v4 =	vperm.xlane v4, v44;
	_ =	sdelay $0x1  }
0x391: {  	v4 =	vmul.f32 $1.562500000e-02, v4;
	_ =	sdelay $0x1  }
0x392: {  	v0 =	vsub.f32 v0, v4;
	v1 =	vsub.f32 v1, v4  }
0x393: {  	v2 =	vsub.f32 v2, v4;
	v3 =	vsub.f32 v3, v4  }
0x394: {  	v45 =	vmul.f32 v0, v0;
	v46 =	vmul.f32 v1, v1  }
0x395: {  	v47 =	vmul.f32 v2, v2;
	v48 =	vmul.f32 v3, v3;
	_ =	sdelay $0x1  }
0x396: {  	v4 =	vadd.f32 v46, v45;
	v49 =	vadd.f32 v48, v47;
	_ =	sdelay $0x1  }
0x397: {  	v4 =	vadd.f32 v49, v4;
	_ =	sdelay $0x1  }
0x398: {  	(xrf2) =	vadd.scan.msk.f32 $0xffff, v4;
	_ =	sdelay $0x9  }
0x399: {  	v4, _, _ =	vpop (xrf2)  }
0x39a: {  	v4 =	vperm.xlane v4, v44;
	_ =	sdelay $0x1  }
0x39b: {  	v4 =	vmul.f32 $1.562500000e-02, v4;
	_ =	sdelay $0x1  }
0x39c: {  	v4 =	vadd.f32 $9.999999960e-13, v4;
	_ =	sdelay $0x1  }
0x39d: {  	v50 =	vshra.s32 v4, $0x1;
	v4 =	vmul.f32 $5.000000000e-01, v4  }
0x39e: {  	v5 =	vsub.s32 $0x5F3759DF, v50  }
0x39f: {  	v51 =	vmul.f32 v5, v4;
	_ =	sdelay $0x1  }
0x3a0: {  	v6 =	vmul.f32 v5, v51;
	_ =	sdelay $0x1  }
0x3a1: {  	v6 =	vsub.f32 $1.500000000e+00, v6;
	_ =	sdelay $0x1  }
0x3a2: {  	v5 =	vmul.f32 v5, v6;
	_ =	sdelay $0x1  }
0x3a3: {  	v6 =	vmul.f32 v5, v4;
	_ =	sdelay $0x1  }
0x3a4: {  	v6 =	vmul.f32 v6, v5;
	_ =	sdelay $0x1  }
0x3a5: {  	v6 =	vsub.f32 $1.500000000e+00, v6;
	_ =	sdelay $0x1  }
0x3a6: {  	v5 =	vmul.f32 v6, v5;
	_ =	sdelay $0x1  }
0x3a7: {  	v4 =	vmul.f32 v5, v4;
	_ =	sdelay $0x1  }
0x3a8: {  	v4 =	vmul.f32 v4, v5  }
0x3a9: {  	v52 =	vld [tilespmem:$0x1FF80]  }
0x3aa: {  	v56 =	vld [tilespmem:$0x1FFD0];
	v4 =	vsub.f32 $1.500000000e+00, v4  }
0x3ab: {  	v53 =	vld [tilespmem:$0x1FF90]  }
0x3ac: {  	v55 =	vld [tilespmem:$0x1FFA0];
	v4 =	vmul.f32 v4, v5  }
0x3ad: {  	v54 =	vld [tilespmem:$0x1FFC0]  }
0x3ae: {  	v57 =	vld [tilespmem:$0x1FFB0];
	v0 =	vmul.f32 v4, v0  }
0x3af: {  	v58 =	vld [tilespmem:$0x1FFE0];
	v1 =	vmul.f32 v4, v1  }
0x3b0: {  	v59 =	vld [tilespmem:$0x1FFF0];
	v2 =	vmul.f32 v4, v2;
	v0 =	vmul.f32 v0, v52  }
0x3b1: {  	v3 =	vmul.f32 v4, v3;
	v1 =	vmul.f32 v1, v53  }
0x3b2: {  	v2 =	vmul.f32 v2, v55;
	v0 =	vadd.f32 v0, v54  }
0x3b3: {  	v3 =	vmul.f32 v3, v57;
	v1 =	vadd.f32 v1, v56  }
0x3b4: {  	[tilespmem:s28+$0x0] =	vst v0;
	v0 =	vadd.f32 v2, v58  }
0x3b5: {  	[tilespmem:s28+$0x10] =	vst v1;
	v1 =	vadd.f32 v3, v59  }
0x3b6: {  	[tilespmem:s28+$0x20] =	vst v0  }
0x3b7: {  	s2 =	sadd.s32 @!p0 $0x1C70, s29;
	s29 =	simm.s32 @!p0 $0x3500;
	[tilespmem:s28+$0x30] =	vst v1  }
0x3b8: {  	[tilespmem:s29], [sflag:$0x3] =	stream.indirect.gather @!p0 [hbm4b:s5+s30], $0x40, s2, s30, $0xb8;
	[tilespmem:$0x6E80] =	vst v63  }
0x3b9: {  	_ =	swait.ge [sflag:s23], $0xC80  }
0x3ba: {  	[sflag:s23] =	ssyncset.done $0x0  }
0x3bb: {  	[sflag:s23] =	ssyncadd.s32 $0xFFFFF380  }
0x3bc: {  	v60 =	vld [tilespmem:$0x4570];
	_ =	sdelay $0x4  }
0x3bd: {  	[tilespmem:$0x1FCC0] =	vst v60;
	v60 =	vld [tilespmem:$0x4580];
	_ =	sdelay $0x4  }
0x3be: {  	[tilespmem:$0x1FCD0] =	vst v60;
	v60 =	vld [tilespmem:$0x4590];
	_ =	sdelay $0x4  }
0x3bf: {  	[tilespmem:$0x1FCE0] =	vst v60;
	v60 =	vld [tilespmem:$0x45A0];
	_ =	sdelay $0x4  }
0x3c0: {  	[tilespmem:$0x1FCF0] =	vst v60;
	v60 =	vld [tilespmem:$0x45B0];
	_ =	sdelay $0x4  }
0x3c1: {  	[tilespmem:$0x1FD00] =	vst v60;
	v60 =	vld [tilespmem:$0x45C0];
	_ =	sdelay $0x4  }
0x3c2: {  	[tilespmem:$0x1FD10] =	vst v60;
	v60 =	vld [tilespmem:$0x45D0];
	_ =	sdelay $0x4  }
0x3c3: {  	[tilespmem:$0x1FD20] =	vst v60;
	v60 =	vld [tilespmem:$0x45E0];
	_ =	sdelay $0x4  }
0x3c4: {  	[tilespmem:$0x1FD30] =	vst v60;
	v60 =	vld [tilespmem:$0x45F0];
	_ =	sdelay $0x4  }
0x3c5: {  	[tilespmem:$0x1FD40] =	vst v60;
	v60 =	vld [tilespmem:$0x4600];
	_ =	sdelay $0x4  }
0x3c6: {  	[tilespmem:$0x1FD50] =	vst v60;
	v60 =	vld [tilespmem:$0x4610];
	_ =	sdelay $0x4  }
0x3c7: {  	[tilespmem:$0x1FD60] =	vst v60;
	v60 =	vld [tilespmem:$0x4620];
	_ =	sdelay $0x4  }
0x3c8: {  	[tilespmem:$0x1FD70] =	vst v60;
	v60 =	vld [tilespmem:$0x4630];
	_ =	sdelay $0x4  }
0x3c9: {  	[tilespmem:$0x1FD80] =	vst v60;
	v60 =	vld [tilespmem:$0x4640];
	_ =	sdelay $0x4  }
0x3ca: {  	[tilespmem:$0x1FD90] =	vst v60;
	v60 =	vld [tilespmem:$0x4650];
	_ =	sdelay $0x4  }
0x3cb: {  	[tilespmem:$0x1FDA0] =	vst v60;
	v60 =	vld [tilespmem:$0x4660];
	_ =	sdelay $0x4  }
0x3cc: {  	[tilespmem:$0x1FDB0] =	vst v60;
	v60 =	vld [tilespmem:$0x4670];
	_ =	sdelay $0x4  }
0x3cd: {  	[tilespmem:$0x1FDC0] =	vst v60;
	v60 =	vld [tilespmem:$0x4680];
	_ =	sdelay $0x4  }
0x3ce: {  	[tilespmem:$0x1FDD0] =	vst v60;
	v60 =	vld [tilespmem:$0x4690];
	_ =	sdelay $0x4  }
0x3cf: {  	[tilespmem:$0x1FDE0] =	vst v60;
	v60 =	vld [tilespmem:$0x46A0];
	_ =	sdelay $0x4  }
0x3d0: {  	[tilespmem:$0x1FDF0] =	vst v60;
	v60 =	vld [tilespmem:$0x46B0];
	_ =	sdelay $0x2  }
0x3d1: {  	v2 =	vld [tilespmem:$0x4180]  }
0x3d2: {  	v6 =	vld [tilespmem:$0x4190]  }
0x3d3: {  	[tilespmem:$0x1FE00] =	vst v60;
	v60 =	vld [tilespmem:$0x46C0]  }
0x3d4: {  	v17 =	vld [tilespmem:$0x41A0]  }
0x3d5: {  	v22 =	vld [tilespmem:$0x41B0]  }
0x3d6: {  	v14 =	vld [tilespmem:$0x41C0]  }
0x3d7: {  	v25 =	vld [tilespmem:$0x41D0]  }
0x3d8: {  	[tilespmem:$0x1FE10] =	vst v60;
	v60 =	vld [tilespmem:$0x46D0]  }
0x3d9: {  	v30 =	vld [tilespmem:$0x41E0]  }
0x3da: {  	v33 =	vld [tilespmem:$0x41F0]  }
0x3db: {  	v38 =	vld [tilespmem:$0x4200]  }
0x3dc: {  	v41 =	vld [tilespmem:$0x4210]  }
0x3dd: {  	[tilespmem:$0x1FE20] =	vst v60;
	v60 =	vld [tilespmem:$0x46E0]  }
0x3de: {  	v46 =	vld [tilespmem:$0x4220]  }
0x3df: {  	v49 =	vld [tilespmem:$0x4230]  }
0x3e0: {  	v54 =	vld [tilespmem:$0x4240]  }
0x3e1: {  	v57 =	vld [tilespmem:$0x4250]  }
0x3e2: {  	[tilespmem:$0x1FE30] =	vst v60;
	v60 =	vld [tilespmem:$0x46F0]  }
0x3e3: {  	v62 =	vld [tilespmem:$0x4260]  }
0x3e4: {  	v63 =	vld [tilespmem:$0x4270]  }
0x3e5: {  	v0 =	vld [tilespmem:$0x4280]  }
0x3e6: {  	v1 =	vld [tilespmem:$0x4290]  }
0x3e7: {  	[tilespmem:$0x1FE40] =	vst v60;
	v60 =	vld [tilespmem:$0x4700]  }
0x3e8: {  	v3 =	vld [tilespmem:$0x42A0]  }
0x3e9: {  	v4 =	vld [tilespmem:$0x42B0]  }
0x3ea: {  	v5 =	vld [tilespmem:$0x42C0]  }
0x3eb: {  	v7 =	vld [tilespmem:$0x42D0]  }
0x3ec: {  	[tilespmem:$0x1FE50] =	vst v60;
	v60 =	vld [tilespmem:$0x4710]  }
0x3ed: {  	v8 =	vld [tilespmem:$0x42E0]  }
0x3ee: {  	v9 =	vld [tilespmem:$0x42F0]  }
0x3ef: {  	v10 =	vld [tilespmem:$0x4300]  }
0x3f0: {  	v11 =	vld [tilespmem:$0x4310]  }
0x3f1: {  	[tilespmem:$0x1FE60] =	vst v60;
	v60 =	vld [tilespmem:$0x4720]  }
0x3f2: {  	v12 =	vld [tilespmem:$0x4320]  }
0x3f3: {  	v13 =	vld [tilespmem:$0x4330]  }
0x3f4: {  	v15 =	vld [tilespmem:$0x4340]  }
0x3f5: {  	v16 =	vld [tilespmem:$0x4350]  }
0x3f6: {  	[tilespmem:$0x1FE70] =	vst v60;
	v60 =	vld [tilespmem:$0x4730]  }
0x3f7: {  	v18 =	vld [tilespmem:$0x4360]  }
0x3f8: {  	v19 =	vld [tilespmem:$0x4370]  }
0x3f9: {  	v20 =	vld [tilespmem:$0x4380]  }
0x3fa: {  	v21 =	vld [tilespmem:$0x4390]  }
0x3fb: {  	[tilespmem:$0x1FE80] =	vst v60;
	v60 =	vld [tilespmem:$0x4740]  }
0x3fc: {  	v23 =	vld [tilespmem:$0x43A0]  }
0x3fd: {  	v24 =	vld [tilespmem:$0x43B0]  }
0x3fe: {  	v26 =	vld [tilespmem:$0x43C0]  }
0x3ff: {  	v27 =	vld [tilespmem:$0x43D0]  }
0x400: {  	[tilespmem:$0x1FE90] =	vst v60;
	v60 =	vld [tilespmem:$0x4750]  }
0x401: {  	v28 =	vld [tilespmem:$0x43E0]  }
0x402: {  	v29 =	vld [tilespmem:$0x43F0]  }
0x403: {  	v31 =	vld [tilespmem:$0x4400]  }
0x404: {  	v32 =	vld [tilespmem:$0x4410]  }
0x405: {  	[tilespmem:$0x1FEA0] =	vst v60;
	v60 =	vld [tilespmem:$0x4760]  }
0x406: {  	v34 =	vld [tilespmem:$0x4420]  }
0x407: {  	v35 =	vld [tilespmem:$0x4430]  }
0x408: {  	v36 =	vld [tilespmem:$0x4440]  }
0x409: {  	v37 =	vld [tilespmem:$0x4450]  }
0x40a: {  	[tilespmem:$0x1FEB0] =	vst v60;
	v60 =	vld [tilespmem:$0x4770]  }
0x40b: {  	v39 =	vld [tilespmem:$0x4460]  }
0x40c: {  	v40 =	vld [tilespmem:$0x4470]  }
0x40d: {  	v42 =	vld [tilespmem:$0x4480]  }
0x40e: {  	v43 =	vld [tilespmem:$0x4490]  }
0x40f: {  	[tilespmem:$0x1FEC0] =	vst v60;
	v60 =	vld [tilespmem:$0x4780]  }
0x410: {  	v44 =	vld [tilespmem:$0x44A0]  }
0x411: {  	v45 =	vld [tilespmem:$0x44B0]  }
0x412: {  	v47 =	vld [tilespmem:$0x44C0]  }
0x413: {  	v48 =	vld [tilespmem:$0x44D0]  }
0x414: {  	[tilespmem:$0x1FED0] =	vst v60;
	v60 =	vld [tilespmem:$0x4790]  }
0x415: {  	v50 =	vld [tilespmem:$0x44E0]  }
0x416: {  	v51 =	vld [tilespmem:$0x44F0]  }
0x417: {  	v52 =	vld [tilespmem:$0x4500]  }
0x418: {  	v53 =	vld [tilespmem:$0x4510]  }
0x419: {  	[tilespmem:$0x1FEE0] =	vst v60;
	v60 =	vld [tilespmem:$0x47A0]  }
0x41a: {  	v56 =	vld [tilespmem:$0x4520];
	v6 =	vadd.f32 v25, v6  }
0x41b: {  	v55 =	vld [tilespmem:$0x4530]  }
0x41c: {  	v59 =	vld [tilespmem:$0x4540];
	v2 =	vadd.f32 v14, v2;
	v6 =	vadd.f32 v41, v6  }
0x41d: {  	v58 =	vld [tilespmem:$0x4550]  }
0x41e: {  	v2 =	vadd.f32 v38, v2;
	v6 =	vadd.f32 v57, v6;
	[tilespmem:$0x1FEF0] =	vst v60;
	v60 =	vld [tilespmem:$0x47B0]  }
0x41f: {  	v61 =	vld [tilespmem:$0x4560]  }
0x420: {  	v14 =	vld [tilespmem:$0x4830];
	v2 =	vadd.f32 v54, v2;
	v1 =	vadd.f32 v1, v6  }
0x421: {  	v25 =	vadd.f32 v30, v17;
	v17 =	vld [tilespmem:$0x4840]  }
0x422: {  	v30 =	vld [tilespmem:$0x4870];
	v0 =	vadd.f32 v0, v2;
	v1 =	vadd.f32 v7, v1  }
0x423: {  	v46 =	vadd.f32 v46, v25;
	[tilespmem:$0x1FF00] =	vst v60;
	v60 =	vld [tilespmem:$0x47C0]  }
0x424: {  	v25 =	vld [tilespmem:$0x4860];
	v0 =	vadd.f32 v5, v0;
	v1 =	vadd.f32 v11, v1  }
0x425: {  	v38 =	vld [tilespmem:$0x4890]  }
0x426: {  	v41 =	vld [tilespmem:$0x48A0];
	v0 =	vadd.f32 v10, v0;
	v1 =	vadd.f32 v16, v1  }
0x427: {  	v54 =	vld [tilespmem:$0x48D0]  }
0x428: {  	v0 =	vadd.f32 v15, v0;
	v1 =	vadd.f32 v21, v1;
	[tilespmem:$0x1FF10] =	vst v60;
	v60 =	vld [tilespmem:$0x47D0]  }
0x429: {  	v57 =	vld [tilespmem:$0x48E0]  }
0x42a: {  	v5 =	vld [tilespmem:$0x4930];
	v0 =	vadd.f32 v20, v0;
	v1 =	vadd.f32 v27, v1  }
0x42b: {  	v7 =	vld [tilespmem:$0x4940]  }
0x42c: {  	v10 =	vld [tilespmem:$0x4970];
	v0 =	vadd.f32 v26, v0;
	v1 =	vadd.f32 v32, v1  }
0x42d: {  	[tilespmem:$0x1FF20] =	vst v60;
	v60 =	vld [tilespmem:$0x47E0]  }
0x42e: {  	v11 =	vld [tilespmem:$0x4980];
	v0 =	vadd.f32 v31, v0;
	v1 =	vadd.f32 v37, v1  }
0x42f: {  	v15 =	vld [tilespmem:$0x49B0]  }
0x430: {  	v16 =	vld [tilespmem:$0x49C0];
	v0 =	vadd.f32 v36, v0;
	v1 =	vadd.f32 v43, v1  }
0x431: {  	v20 =	vld [tilespmem:$0x49F0]  }
0x432: {  	v0 =	vadd.f32 v42, v0;
	v1 =	vadd.f32 v48, v1;
	[tilespmem:$0x1FF30] =	vst v60;
	v60 =	vld [tilespmem:$0x47F0]  }
0x433: {  	v21 =	vld [tilespmem:$0x4A00]  }
0x434: {  	v26 =	vld [tilespmem:$0x4A30];
	v0 =	vadd.f32 v47, v0;
	v1 =	vadd.f32 v53, v1  }
0x435: {  	v27 =	vld [tilespmem:$0x4A40]  }
0x436: {  	v0 =	vadd.f32 v52, v0;
	v1 =	vadd.f32 v58, v1;
	v58 =	vld [tilespmem:$0x1FCD0]  }
0x437: {  	[tilespmem:$0x1FF40] =	vst v60;
	v60 =	vld [tilespmem:$0x4800]  }
0x438: {  	v0 =	vadd.f32 v59, v0;
	v59 =	vld [tilespmem:$0x1FCE0]  }
0x439: {  	v31 =	vld [tilespmem:$0x1FD30]  }
0x43a: {  	v32 =	vld [tilespmem:$0x1FD40]  }
0x43b: {  	v36 =	vld [tilespmem:$0x1FD70]  }
0x43c: {  	[tilespmem:$0x1FF50] =	vst v60;
	v60 =	vld [tilespmem:$0x4810]  }
0x43d: {  	v37 =	vld [tilespmem:$0x1FD80]  }
0x43e: {  	v42 =	vld [tilespmem:$0x1FDB0]  }
0x43f: {  	v43 =	vld [tilespmem:$0x1FDC0]  }
0x440: {  	v47 =	vld [tilespmem:$0x1FDF0]  }
0x441: {  	[tilespmem:$0x1FF60] =	vst v60;
	v60 =	vld [tilespmem:$0x4820]  }
0x442: {  	v48 =	vld [tilespmem:$0x1FE00]  }
0x443: {  	v52 =	vld [tilespmem:$0x1FE30]  }
0x444: {  	v53 =	vld [tilespmem:$0x1FE40]  }
0x445: {  	v0 =	vadd.f32 v58, v0;
	v58 =	vld [tilespmem:$0x1FE70]  }
0x446: {  	v1 =	vadd.f32 v59, v1;
	v59 =	vld [tilespmem:$0x1FE80];
	[tilespmem:$0x1FF70] =	vst v60;
	v60 =	vadd.f32 v33, v22  }
0x447: {  	v22 =	vld [tilespmem:$0x4850]  }
0x448: {  	v33 =	vld [tilespmem:$0x4880];
	v49 =	vadd.f32 v49, v60  }
0x449: {  	v60 =	vadd.f32 v62, v46;
	v46 =	vld [tilespmem:$0x48B0]  }
0x44a: {  	v62 =	vadd.f32 v63, v49;
	v49 =	vld [tilespmem:$0x48C0]  }
0x44b: {  	v63 =	vadd.f32 v3, v60;
	v60 =	vld [tilespmem:$0x1FCF0]  }
0x44c: {  	v6 =	vadd.f32 v4, v62;
	v62 =	vld [tilespmem:$0x48F0]  }
0x44d: {  	v2 =	vadd.f32 v8, v63;
	v63 =	vld [tilespmem:$0x4900]  }
0x44e: {  	v8 =	vld [tilespmem:$0x4950]  }
0x44f: {  	v3 =	vadd.f32 v9, v6;
	v6 =	vld [tilespmem:$0x4910]  }
0x450: {  	v2 =	vadd.f32 v12, v2;
	v9 =	vld [tilespmem:$0x4960]  }
0x451: {  	v12 =	vld [tilespmem:$0x4990]  }
0x452: {  	v3 =	vadd.f32 v13, v3;
	v2 =	vadd.f32 v18, v2;
	v13 =	vld [tilespmem:$0x49A0]  }
0x453: {  	v18 =	vld [tilespmem:$0x49D0]  }
0x454: {  	v23 =	vadd.f32 v23, v2;
	v2 =	vld [tilespmem:$0x4920]  }
0x455: {  	v3 =	vadd.f32 v19, v3;
	v19 =	vld [tilespmem:$0x49E0]  }
0x456: {  	v4 =	vadd.f32 v28, v23;
	v23 =	vld [tilespmem:$0x4A10]  }
0x457: {  	v3 =	vadd.f32 v24, v3;
	v24 =	vld [tilespmem:$0x4A20]  }
0x458: {  	v28 =	vld [tilespmem:$0x1FD10]  }
0x459: {  	v3 =	vadd.f32 v29, v3;
	v29 =	vld [tilespmem:$0x1FD20]  }
0x45a: {  	v4 =	vadd.f32 v34, v4;
	v34 =	vld [tilespmem:$0x1FD50]  }
0x45b: {  	v3 =	vadd.f32 v35, v3;
	v35 =	vld [tilespmem:$0x1FD60]  }
0x45c: {  	v4 =	vadd.f32 v39, v4;
	v39 =	vld [tilespmem:$0x1FD90]  }
0x45d: {  	v0 =	vadd.f32 v28, v0;
	v28 =	vld [tilespmem:$0x4A50]  }
0x45e: {  	v3 =	vadd.f32 v40, v3;
	v40 =	vld [tilespmem:$0x1FDA0]  }
0x45f: {  	v4 =	vadd.f32 v44, v4;
	v44 =	vld [tilespmem:$0x1FDD0]  }
0x460: {  	v1 =	vadd.f32 v29, v1;
	v29 =	vld [tilespmem:$0x4A60]  }
0x461: {  	v0 =	vadd.f32 v34, v0;
	v34 =	vld [tilespmem:$0x4A90]  }
0x462: {  	v3 =	vadd.f32 v45, v3;
	v45 =	vld [tilespmem:$0x1FDE0]  }
0x463: {  	v4 =	vadd.f32 v50, v4;
	v50 =	vld [tilespmem:$0x1FE10]  }
0x464: {  	v1 =	vadd.f32 v35, v1;
	v35 =	vld [tilespmem:$0x4AA0]  }
0x465: {  	v0 =	vadd.f32 v39, v0;
	v39 =	vld [tilespmem:$0x4AD0]  }
0x466: {  	v4 =	vadd.f32 v56, v4;
	v56 =	vld [tilespmem:$0x1FCC0]  }
0x467: {  	v3 =	vadd.f32 v51, v3;
	v51 =	vld [tilespmem:$0x1FE20]  }
0x468: {  	v1 =	vadd.f32 v40, v1;
	v40 =	vld [tilespmem:$0x4AE0]  }
0x469: {  	v0 =	vadd.f32 v44, v0;
	v44 =	vld [tilespmem:$0x4B10]  }
0x46a: {  	v4 =	vadd.f32 v61, v4;
	v61 =	vld [tilespmem:$0x1FD00]  }
0x46b: {  	v3 =	vadd.f32 v55, v3;
	v55 =	vld [tilespmem:$0x1FE50]  }
0x46c: {  	v1 =	vadd.f32 v45, v1;
	v45 =	vld [tilespmem:$0x1FEB0]  }
0x46d: {  	v0 =	vadd.f32 v50, v0;
	v50 =	vld [tilespmem:$0x1FEE0]  }
0x46e: {  	v4 =	vadd.f32 v60, v4;
	v60 =	vld [tilespmem:$0x1FE90]  }
0x46f: {  	v3 =	vadd.f32 v56, v3;
	v56 =	vld [tilespmem:$0x1FE60]  }
0x470: {  	v1 =	vadd.f32 v51, v1;
	v51 =	vld [tilespmem:$0x1FEF0]  }
0x471: {  	v4 =	vadd.f32 v31, v4;
	v31 =	vld [tilespmem:$0x4A70]  }
0x472: {  	v3 =	vadd.f32 v61, v3;
	v61 =	vld [tilespmem:$0x1FEA0]  }
0x473: {  	v0 =	vadd.f32 v55, v0;
	v55 =	vld [tilespmem:$0x1FF20]  }
0x474: {  	v4 =	vadd.f32 v36, v4;
	v36 =	vld [tilespmem:$0x4AB0];
	v3 =	vadd.f32 v32, v3  }
0x475: {  	v32 =	vld [tilespmem:$0x4A80]  }
0x476: {  	v0 =	vadd.f32 v60, v0;
	v60 =	vld [tilespmem:$0x1FF60];
	v3 =	vadd.f32 v37, v3  }
0x477: {  	v4 =	vadd.f32 v42, v4;
	v42 =	vld [tilespmem:$0x4AF0]  }
0x478: {  	v1 =	vadd.f32 v56, v1;
	v56 =	vld [tilespmem:$0x1FF30];
	v3 =	vadd.f32 v43, v3  }
0x479: {  	v37 =	vld [tilespmem:$0x4AC0]  }
0x47a: {  	v4 =	vadd.f32 v47, v4;
	v47 =	vld [tilespmem:$0x1FEC0];
	v3 =	vadd.f32 v48, v3  }
0x47b: {  	v1 =	vadd.f32 v61, v1;
	v61 =	vld [tilespmem:$0x1FF70]  }
0x47c: {  	v4 =	vadd.f32 v52, v4;
	v48 =	vld [tilespmem:$0x1FED0];
	v3 =	vadd.f32 v53, v3  }
0x47d: {  	v52 =	vld [tilespmem:$0x1FF00]  }
0x47e: {  	v4 =	vadd.f32 v58, v4;
	v53 =	vld [tilespmem:$0x1FF10];
	v3 =	vadd.f32 v59, v3  }
0x47f: {  	v58 =	vld [tilespmem:$0x1FF40]  }
0x480: {  	v4 =	vadd.f32 v45, v4;
	v59 =	vld [tilespmem:$0x1FF50];
	v3 =	vadd.f32 v47, v3  }
0x481: {  	v43 =	vld [tilespmem:$0x4B00];
	v1 =	vadd.f32 v50, v1;
	v0 =	vadd.f32 v48, v0  }
0x482: {  	v50 =	vld [tilespmem:$0x4B50];
	v4 =	vadd.f32 v51, v4;
	v3 =	vadd.f32 v52, v3  }
0x483: {  	v1 =	vadd.f32 v55, v1;
	v55 =	vld [tilespmem:$0x4C60];
	v0 =	vadd.f32 v53, v0  }
0x484: {  	v45 =	vld [tilespmem:$0x4B20];
	v4 =	vadd.f32 v56, v4;
	v3 =	vadd.f32 v58, v3  }
0x485: {  	v1 =	vadd.f32 v60, v1;
	v60 =	vld [tilespmem:$0x4CB0];
	v0 =	vadd.f32 v59, v0  }
0x486: {  	v48 =	vld [tilespmem:$0x4B40];
	v4 =	vadd.f32 v61, v4;
	v3 =	vadd.f32 v14, v3  }
0x487: {  	v1 =	vadd.f32 v22, v1;
	v22 =	vld [tilespmem:$0x4B80];
	v0 =	vadd.f32 v17, v0  }
0x488: {  	v51 =	vld [tilespmem:$0x4C20];
	v4 =	vadd.f32 v25, v4;
	v3 =	vadd.f32 v30, v3  }
0x489: {  	v47 =	vld [tilespmem:$0x4B30];
	v1 =	vadd.f32 v38, v1;
	v0 =	vadd.f32 v33, v0  }
0x48a: {  	v38 =	vld [tilespmem:$0x4BC0];
	v4 =	vadd.f32 v41, v4;
	v3 =	vadd.f32 v46, v3  }
0x48b: {  	v53 =	vld [tilespmem:$0x4C40];
	v1 =	vadd.f32 v54, v1;
	v0 =	vadd.f32 v49, v0  }
0x48c: {  	v56 =	vld [tilespmem:$0x4C70];
	v4 =	vadd.f32 v57, v4;
	v3 =	vadd.f32 v62, v3  }
0x48d: {  	v52 =	vld [tilespmem:$0x4C30];
	v1 =	vadd.f32 v6, v1;
	v0 =	vadd.f32 v63, v0  }
0x48e: {  	v54 =	vld [tilespmem:$0x4C50];
	v2 =	vadd.f32 v2, v4;
	v3 =	vadd.f32 v5, v3  }
0x48f: {  	v59 =	vld [tilespmem:$0x4CA0];
	v1 =	vadd.f32 v8, v1;
	v0 =	vadd.f32 v7, v0  }
0x490: {  	v61 =	vld [tilespmem:$0x4CC0];
	v2 =	vadd.f32 v9, v2;
	v3 =	vadd.f32 v10, v3  }
0x491: {  	v58 =	vld [tilespmem:$0x4C90];
	v1 =	vadd.f32 v12, v1;
	v0 =	vadd.f32 v11, v0  }
0x492: {  	v17 =	vld [tilespmem:$0x4B70];
	v2 =	vadd.f32 v13, v2;
	v3 =	vadd.f32 v15, v3  }
0x493: {  	v25 =	vld [tilespmem:$0x4B90];
	v1 =	vadd.f32 v18, v1;
	v0 =	vadd.f32 v16, v0  }
0x494: {  	v6 =	vld [tilespmem:$0x4BD0];
	v2 =	vadd.f32 v19, v2;
	v3 =	vadd.f32 v20, v3  }
0x495: {  	v14 =	vld [tilespmem:$0x4B60];
	v1 =	vadd.f32 v23, v1;
	v0 =	vadd.f32 v21, v0  }
0x496: {  	v33 =	vld [tilespmem:$0x4BB0];
	v2 =	vadd.f32 v24, v2;
	v3 =	vadd.f32 v26, v3  }
0x497: {  	v41 =	vld [tilespmem:$0x4BF0];
	v1 =	vadd.f32 v28, v1;
	v0 =	vadd.f32 v27, v0  }
0x498: {  	v30 =	vld [tilespmem:$0x4BA0];
	v2 =	vadd.f32 v29, v2;
	v3 =	vadd.f32 v31, v3  }
0x499: {  	v49 =	vld [tilespmem:$0x4C10];
	v1 =	vadd.f32 v34, v1;
	v0 =	vadd.f32 v32, v0  }
0x49a: {  	v57 =	vld [tilespmem:$0x4C80];
	v2 =	vadd.f32 v35, v2;
	v3 =	vadd.f32 v36, v3  }
0x49b: {  	v46 =	vld [tilespmem:$0x4C00];
	v1 =	vadd.f32 v39, v1;
	v0 =	vadd.f32 v37, v0  }
0x49c: {  	v4 =	vld [tilespmem:$0x4BE0];
	v2 =	vadd.f32 v40, v2;
	v3 =	vadd.f32 v42, v3  }
0x49d: {  	v63 =	vld [tilespmem:$0x4CE0];
	v1 =	vadd.f32 v44, v1;
	v0 =	vadd.f32 v43, v0  }
0x49e: {  	v62 =	vld [tilespmem:$0x4CD0];
	v2 =	vadd.f32 v45, v2;
	v3 =	vadd.f32 v47, v3  }
0x49f: {  	v28 =	vld [tilespmem:$0x4CF0];
	v1 =	vadd.f32 v50, v1;
	v0 =	vadd.f32 v48, v0  }
0x4a0: {  	v34 =	vld [tilespmem:$0x4D40];
	v2 =	vadd.f32 v14, v2;
	v3 =	vadd.f32 v17, v3  }
0x4a1: {  	v39 =	vld [tilespmem:$0x4D90];
	v1 =	vadd.f32 v25, v1;
	v0 =	vadd.f32 v22, v0  }
0x4a2: {  	v29 =	vld [tilespmem:$0x4D00];
	v2 =	vadd.f32 v30, v2;
	v3 =	vadd.f32 v33, v3  }
0x4a3: {  	v44 =	vld [tilespmem:$0x4DE0];
	v1 =	vadd.f32 v6, v1;
	v0 =	vadd.f32 v38, v0  }
0x4a4: {  	v32 =	vld [tilespmem:$0x4D20];
	v2 =	vadd.f32 v4, v2;
	v3 =	vadd.f32 v41, v3  }
0x4a5: {  	v35 =	vld [tilespmem:$0x4D50];
	v1 =	vadd.f32 v49, v1;
	v0 =	vadd.f32 v46, v0  }
0x4a6: {  	v31 =	vld [tilespmem:$0x4D10];
	v2 =	vadd.f32 v51, v2;
	v3 =	vadd.f32 v52, v3  }
0x4a7: {  	v37 =	vld [tilespmem:$0x4D70];
	v1 =	vadd.f32 v54, v1;
	v0 =	vadd.f32 v53, v0  }
0x4a8: {  	v40 =	vld [tilespmem:$0x4DA0];
	v2 =	vadd.f32 v55, v2;
	v3 =	vadd.f32 v56, v3  }
0x4a9: {  	v1 =	vadd.f32 v58, v1;
	v33 =	vld [tilespmem:$0x4D30];
	v0 =	vadd.f32 v57, v0  }
0x4aa: {  	v36 =	vld [tilespmem:$0x4D60];
	v2 =	vadd.f32 v59, v2;
	v3 =	vadd.f32 v60, v3  }
0x4ab: {  	v43 =	vld [tilespmem:$0x4DD0];
	v1 =	vadd.f32 v62, v1;
	v0 =	vadd.f32 v61, v0  }
0x4ac: {  	v38 =	vld [tilespmem:$0x4D80];
	v2 =	vadd.f32 v63, v2;
	v3 =	vadd.f32 v28, v3  }
0x4ad: {  	v41 =	vld [tilespmem:$0x4DB0];
	v1 =	vadd.f32 v31, v1;
	v0 =	vadd.f32 v29, v0  }
0x4ae: {  	v42 =	vld [tilespmem:$0x4DC0];
	v2 =	vadd.f32 v32, v2;
	v3 =	vadd.f32 v33, v3  }
0x4af: {  	v45 =	vld [tilespmem:$0x4DF0];
	v1 =	vadd.f32 v35, v1;
	v0 =	vadd.f32 v34, v0  }
0x4b0: {  	v2 =	vadd.f32 v36, v2;
	v3 =	vadd.f32 v37, v3  }
0x4b1: {  	v1 =	vadd.f32 v39, v1;
	v0 =	vadd.f32 v38, v0  }
0x4b2: {  	v2 =	vadd.f32 v40, v2;
	v3 =	vadd.f32 v41, v3  }
0x4b3: {  	v1 =	vadd.f32 v43, v1;
	v0 =	vadd.f32 v42, v0  }
0x4b4: {  	v2 =	vadd.f32 v44, v2;
	v3 =	vadd.f32 v45, v3;
	_ =	sdelay $0x1  }
0x4b5: {  	v46 =	vadd.f32 v1, v0;
	v47 =	vadd.f32 v3, v2;
	_ =	sdelay $0x1  }
0x4b6: {  	v4 =	vadd.f32 v47, v46;
	_ =	sdelay $0x1  }
0x4b7: {  	(xrf2) =	vadd.scan.msk.f32 $0xffff, v4;
	_ =	sdelay $0x9  }
0x4b8: {  	v48 =	vimm.s32 $0xF;
	v4, _, _ =	vpop (xrf2)  }
0x4b9: {  	v4 =	vperm.xlane v4, v48;
	_ =	sdelay $0x1  }
0x4ba: {  	v4 =	vmul.f32 $1.562500000e-02, v4;
	_ =	sdelay $0x1  }
0x4bb: {  	v0 =	vsub.f32 v0, v4;
	v1 =	vsub.f32 v1, v4  }
0x4bc: {  	v2 =	vsub.f32 v2, v4;
	v3 =	vsub.f32 v3, v4  }
0x4bd: {  	v49 =	vmul.f32 v0, v0;
	v50 =	vmul.f32 v1, v1  }
0x4be: {  	v51 =	vmul.f32 v2, v2;
	v52 =	vmul.f32 v3, v3;
	_ =	sdelay $0x1  }
0x4bf: {  	v4 =	vadd.f32 v50, v49;
	v53 =	vadd.f32 v52, v51;
	_ =	sdelay $0x1  }
0x4c0: {  	v4 =	vadd.f32 v53, v4;
	_ =	sdelay $0x1  }
0x4c1: {  	(xrf2) =	vadd.scan.msk.f32 $0xffff, v4;
	_ =	sdelay $0x9  }
0x4c2: {  	v4, _, _ =	vpop (xrf2)  }
0x4c3: {  	v4 =	vperm.xlane v4, v48;
	_ =	sdelay $0x1  }
0x4c4: {  	v4 =	vmul.f32 $1.562500000e-02, v4;
	_ =	sdelay $0x1  }
0x4c5: {  	v4 =	vadd.f32 $9.999999960e-13, v4;
	_ =	sdelay $0x1  }
0x4c6: {  	v54 =	vshra.s32 v4, $0x1;
	v4 =	vmul.f32 $5.000000000e-01, v4  }
0x4c7: {  	v5 =	vsub.s32 $0x5F3759DF, v54  }
0x4c8: {  	v55 =	vmul.f32 v5, v4;
	_ =	sdelay $0x1  }
0x4c9: {  	v6 =	vmul.f32 v5, v55;
	_ =	sdelay $0x1  }
0x4ca: {  	v6 =	vsub.f32 $1.500000000e+00, v6;
	_ =	sdelay $0x1  }
0x4cb: {  	v5 =	vmul.f32 v5, v6;
	_ =	sdelay $0x1  }
0x4cc: {  	v6 =	vmul.f32 v5, v4;
	_ =	sdelay $0x1  }
0x4cd: {  	v6 =	vmul.f32 v6, v5;
	_ =	sdelay $0x1  }
0x4ce: {  	v6 =	vsub.f32 $1.500000000e+00, v6;
	_ =	sdelay $0x1  }
0x4cf: {  	v5 =	vmul.f32 v6, v5;
	_ =	sdelay $0x1  }
0x4d0: {  	v4 =	vmul.f32 v5, v4;
	_ =	sdelay $0x1  }
0x4d1: {  	v4 =	vmul.f32 v4, v5  }
0x4d2: {  	v58 =	vld [tilespmem:$0x1FFC0]  }
0x4d3: {  	v57 =	vld [tilespmem:$0x1FF90];
	v4 =	vsub.f32 $1.500000000e+00, v4  }
0x4d4: {  	v56 =	vld [tilespmem:$0x1FF80]  }
0x4d5: {  	v59 =	vld [tilespmem:$0x1FFA0];
	v4 =	vmul.f32 v4, v5  }
0x4d6: {  	v61 =	vld [tilespmem:$0x1FFB0]  }
0x4d7: {  	v60 =	vld [tilespmem:$0x1FFD0];
	v0 =	vmul.f32 v4, v0  }
0x4d8: {  	v62 =	vld [tilespmem:$0x1FFE0];
	v1 =	vmul.f32 v4, v1  }
0x4d9: {  	v63 =	vld [tilespmem:$0x1FFF0];
	v2 =	vmul.f32 v4, v2;
	v0 =	vmul.f32 v0, v56  }
0x4da: {  	v3 =	vmul.f32 v4, v3;
	v1 =	vmul.f32 v1, v57  }
0x4db: {  	v2 =	vmul.f32 v2, v59;
	v0 =	vadd.f32 v0, v58  }
.Ltmp2:
0x4dc: {  	v3 =	vmul.f32 v3, v61;
	v1 =	vadd.f32 v1, v60;
	(pc) =	sbr.rel @p0 .LBB2_4-.Ltmp2, $4  }
0x4dd: {  	[tilespmem:s28+$0x40] =	vst v0;
	v0 =	vadd.f32 v2, v62  }
0x4de: {  	[tilespmem:s28+$0x50] =	vst v1;
	v1 =	vadd.f32 v3, v63  }
0x4df: {  	[tilespmem:s28+$0x60] =	vst v0  }
0x4e0: {  	[tilespmem:s28+$0x70] =	vst v1  }
.Ltmp3:
0x4e1: {  	(pc) =	sbr.rel .LBB2_2-.Ltmp3, $4  }
0x4e2: {  	_ = 	snop  }
0x4e3: {  	s2 =	sshra.s32 s26, $0x2  }
0x4e4: {  	s26 =	sadd.s32 $0x380, s26;
	s28 =	sadd.s32 $0x100, s28;
	s2 =	sadd.s32 $0x1CA8, s2  }
0x4e5: {  	[tilespmem:s19], [sflag:$0x4] =	stream.indirect.gather [hbm4b:s5+s12], $0x40, s2, s12, $0xb8;
	[tilespmem:$0x6E80] =	vst v63  }
.LBB2_5:
0x4e6: {  	_ =	sfence.sel $0x180000  }
0x4e7: {  	[bflag:$0x0] =	sbarrier.arrive $0xFFFF  }
0x4e8: {  	_ =	strace $0x90000047  }
0x4e9: {  	[bflag:$0x2] =	sbarrier.arrive $0xFFFF  }
0x4ea: {  	p0 =	sne.s32 s0, $0x0;
	s0 =	rddreg [dreg:$0x4]  }
0x4eb: {  	s0 =	sadd.s32 @!p0 $0x100000, s0  }
0x4ec: {  	[sflag:s0] =	ssyncadd.tile.s32 @!p0 $0x1;
	_ =	shalt  }
.Lfunc_end2:
_tile_overlayer_lowered:
.L_overlay_start_2:
0x4ed: {  	(tag) =	ssettag $0x2  }
0x4ee: {  	s0 =	rddreg [dreg:$0x0];
	s2 =	stileid.u32  }
0x4ef: {  	s1 =	rddreg [dreg:$0x1];
	p0 =	sne.s32 s2, $0x0  }
0x4f0: {  	s3 =	rddreg [dreg:$0x2];
	[bflag:$0x3] =	sbarrier.arrive $0xFFFF;
	s2 =	simm.s32 @!p0 $0x1C05  }
0x4f1: {  	[timem:s3], [sflag:s2] =	dma.local @!p0 [hbm:s0], s1  }
0x4f2: {  	s0 =	simm.s32 @!p0 $0x5  }
0x4f3: {  	_ =	swait.ge @!p0 [sflag:s0], s1  }
0x4f4: {  	s1 =	ssub.s32 @!p0 $0x0, s1;
	[sflag:s0] =	ssyncset.done @!p0 $0x0  }
0x4f5: {  	[sflag:s0] =	ssyncadd.s32 @!p0 s1  }
0x4f6: {  	[bflag:$0x3] =	sbarrier.arrive $0xFFFF  }
0x4f7: {  	_ =	shalt  }

</sc_bundles>
